<compile_context>
chip_gen: v7x
topology: tpu7x:2x2x1
jax: 0.10.2.dev20260603
libtpu: 0.0.44.dev20260713+nightly
codegen_flags: <defaults>
</compile_context>

<pallas_src>
import jax
import jax.numpy as jnp
from jax import lax
from jax.experimental import pallas as pl
from jax.experimental.pallas import tpu as pltpu
from jax.experimental.pallas import tpu_sc as plsc

_QMIN = 0.01
_SB = 0.1
_N = 20000
_D = 8
_T = 1536
_B = 2000
_NB = _N // _B
_BIG = 1 << 30

_NW = 32
_HPW = 640
_NPAD = _NW * _HPW
_PADID = 1536
_TT = 2048
_TSL = 128



def _sc_stats(oid_hbm, beta_hbm, xflat_hbm,
              counts_o, bmax_o, barg_o, xkt_o, noise_o,
              oid_v, beta_v, counts_v, bmax_v, barg_v,
              mc_v, mb_v, ma_v, rc_v, rb_v, ra_v, idx_v, idx8_v, row8_v,
              vec_v, nbuf_v,
              sh_counts, sh_bmax, sh_barg, sh_noise, sem):
    i32, f32 = jnp.int32, jnp.float32
    cid = lax.axis_index("c")
    sid = lax.axis_index("s")
    wid = cid * 16 + sid
    base = wid * _HPW

    pltpu.sync_copy(oid_hbm.at[pl.ds(base, _HPW)], oid_v)
    pltpu.sync_copy(beta_hbm.at[pl.ds(base, _HPW)], beta_v)

    def initb(k, c):
        s = pl.ds(k * 16, 16)
        counts_v[s] = jnp.zeros((16,), i32)
        bmax_v[s] = jnp.full((16,), -1.0, f32)
        barg_v[s] = jnp.full((16,), _BIG, i32)
        return c
    lax.fori_loop(0, _TT // 16, initb, 0)

    l16 = lax.iota(i32, 16)
    perm = ((l16 + 1) & 15).reshape(16, 1)
    _dn = lax.GatherDimensionNumbers(offset_dims=(), collapsed_slice_dims=(0,),
                                     start_index_map=(0,))

    def _rot(v):
        return lax.gather(v, perm, _dn, (1,),
                          mode=lax.GatherScatterMode.PROMISE_IN_BOUNDS)

    def seg(k, carry):
        nsv, ncv = carry
        s = pl.ds(k * 16, 16)
        t = oid_v[s]
        b = beta_v[s]
        g = base + k * 16 + l16
        tc, bc, gc = t, b, g
        cnt = jnp.ones((16,), i32)
        bb, gb = b, g
        for _step in range(15):
            tc = _rot(tc)
            bc = _rot(bc)
            gc = _rot(gc)
            same = tc == t
            cnt = cnt + jnp.where(same, 1, 0)
            better = same & ((bc > bb) | ((bc == bb) & (gc < gb)))
            bb = jnp.where(better, bc, bb)
            gb = jnp.where(better, gc, gb)
        active = gb == g
        cur_c = plsc.load_gather(counts_v, [t])
        plsc.store_scatter(counts_v, [t], cur_c + cnt, mask=active)
        cur_b = plsc.load_gather(bmax_v, [t])
        cur_g = plsc.load_gather(barg_v, [t])
        win = active & ((bb > cur_b) | ((bb == cur_b) & (gb < cur_g)))
        plsc.store_scatter(bmax_v, [t], bb, mask=win)
        plsc.store_scatter(barg_v, [t], gb, mask=win)
        nsv = nsv + jnp.where(t == 0, b, 0.0)
        ncv = ncv + jnp.where(t == 0, 1.0, 0.0)
        return nsv, ncv

    nsv, ncv = lax.fori_loop(0, _HPW // 16, seg,
                             (jnp.zeros((16,), f32), jnp.zeros((16,), f32)))
    ns = jnp.sum(nsv)
    nc = jnp.sum(ncv)

    pltpu.sync_copy(counts_v, sh_counts.at[sid])
    pltpu.sync_copy(bmax_v, sh_bmax.at[sid])
    pltpu.sync_copy(barg_v, sh_barg.at[sid])
    l16 = lax.iota(i32, 16)
    vec_v[...] = (jnp.where(l16 == 0, ns, 0.0)
                  + jnp.where(l16 == 1, nc, 0.0)).astype(f32)
    pltpu.sync_copy(vec_v, sh_noise.at[sid])
    plsc.subcore_barrier()

    colsl = pl.ds(sid * _TSL, _TSL)
    pltpu.sync_copy(sh_counts.at[:, colsl], mc_v)
    pltpu.sync_copy(sh_bmax.at[:, colsl], mb_v)
    pltpu.sync_copy(sh_barg.at[:, colsl], ma_v)
    for j in range(_TSL // 16):
        s = pl.ds(j * 16, 16)
        acc_c = jnp.zeros((16,), i32)
        acc_b = jnp.full((16,), -1.0, f32)
        acc_a = jnp.full((16,), _BIG, i32)
        for w in range(16):
            c = mc_v[w, s]
            b = mb_v[w, s]
            a = ma_v[w, s]
            acc_c = acc_c + c
            win = (b > acc_b) | ((b == acc_b) & (a < acc_a))
            acc_b = jnp.where(win, b, acc_b)
            acc_a = jnp.where(win, a, acc_a)
        rc_v[s] = acc_c
        rb_v[s] = acc_b
        ra_v[s] = acc_a
        idx_v[s] = jnp.minimum(acc_a, _N - 1) * _D

    @pl.when(sid < _T // _TSL)
    def _write_out():
        pltpu.sync_copy(rc_v, counts_o.at[cid, colsl])
        pltpu.sync_copy(rb_v, bmax_o.at[cid, colsl])
        pltpu.sync_copy(ra_v, barg_o.at[cid, colsl])

        for f in range(_D):
            for j in range(_TSL // 16):
                s = pl.ds(j * 16, 16)
                idx8_v[f, s] = idx_v[s] + f
        handles = [
            pltpu.async_copy(xflat_hbm.at[idx8_v.at[f]], row8_v.at[f], sem)
            for f in range(_D)
        ]
        for h in handles:
            h.wait()
        pltpu.sync_copy(row8_v, xkt_o.at[cid, :, colsl])

    @pl.when(sid == 0)
    def _noise():
        pltpu.sync_copy(sh_noise, nbuf_v)
        acc = jnp.zeros((16,), f32)
        for w in range(16):
            acc = acc + nbuf_v[w, :]
        vec_v[...] = acc
        pltpu.sync_copy(vec_v, noise_o.at[cid])


def _sc_call(oid_pad, beta_pad, xflat):
    i32, f32 = jnp.int32, jnp.float32
    fn = pl.kernel(
        _sc_stats,
        out_type=[
            jax.ShapeDtypeStruct((2, _T), i32),
            jax.ShapeDtypeStruct((2, _T), f32),
            jax.ShapeDtypeStruct((2, _T), i32),
            jax.ShapeDtypeStruct((2, _D, _T), f32),
            jax.ShapeDtypeStruct((2, 16), f32),
        ],
        mesh=plsc.VectorSubcoreMesh(core_axis_name="c", subcore_axis_name="s"),
        compiler_params=pltpu.CompilerParams(use_tc_tiling_on_sc=False,
                                             needs_layout_passes=False),
        scratch_types=[
            pltpu.VMEM((_HPW,), i32),
            pltpu.VMEM((_HPW,), f32),
            pltpu.VMEM((_TT,), i32),
            pltpu.VMEM((_TT,), f32),
            pltpu.VMEM((_TT,), i32),
            pltpu.VMEM((16, _TSL), i32),
            pltpu.VMEM((16, _TSL), f32),
            pltpu.VMEM((16, _TSL), i32),
            pltpu.VMEM((_TSL,), i32),
            pltpu.VMEM((_TSL,), f32),
            pltpu.VMEM((_TSL,), i32),
            pltpu.VMEM((_TSL,), i32),
            pltpu.VMEM((_D, _TSL), i32),
            pltpu.VMEM((_D, _TSL), f32),
            pltpu.VMEM((16,), f32),
            pltpu.VMEM((16, 16), f32),
            pltpu.VMEM_SHARED((16, _TT), i32),
            pltpu.VMEM_SHARED((16, _TT), f32),
            pltpu.VMEM_SHARED((16, _TT), i32),
            pltpu.VMEM_SHARED((16, 16), f32),
            pltpu.SemaphoreType.DMA,
        ],
    )
    return fn(oid_pad, beta_pad, xflat)



def _tc_body(x_ref, beta_ref, oid_ref, counts2_ref, bmax2_ref, barg2_ref,
             xkt2_ref, noise_ref,
             o_loss, o_va, o_vr, o_lc, o_ln, o_nr,
             feat_s, attc_s, repc_s, thresh_s, cols_s, va_s, vr_s, nr_s,
             smem_s):
    i = pl.program_id(0)
    f32 = jnp.float32

    @pl.when(i == 0)
    def _prologue():
        counts = jnp.sum(counts2_ref[...], axis=0, keepdims=True).astype(f32)
        b0 = bmax2_ref[0:1, :]
        b1 = bmax2_ref[1:2, :]
        a0 = barg2_ref[0:1, :]
        a1 = barg2_ref[1:2, :]
        win0 = (b0 > b1) | ((b0 == b1) & (a0 < a1))
        beta_k = jnp.maximum(jnp.where(win0, b0, b1), 0.0)
        athk = 0.5 * (jnp.log1p(beta_k) - jnp.log1p(-beta_k))
        q_k = athk * athk + _QMIN
        xkT = jnp.where(win0, xkt2_ref[0:8, :], xkt2_ref[8:16, :])
        feat_s[0:8, :] = xkT
        feat_s[8:9, :] = jnp.sum(xkT * xkT, axis=0, keepdims=True)
        tcols = lax.broadcasted_iota(jnp.int32, (1, _T), 1)
        cols_s[...] = tcols
        pres = (counts > 0.0) & (tcols > 0)
        n_obj = jnp.sum(pres.astype(f32))
        attc_s[...] = jnp.where(pres, q_k / (counts * n_obj), 0.0)
        rep_norm = jnp.maximum((f32(_N) - counts) * n_obj, 1.0)
        repc_s[...] = jnp.where(pres, q_k / rep_norm, 0.0)
        thresh_s[...] = jnp.where(pres, 1.0, -1.0)
        smem_s[0] = jnp.sum(jnp.where(pres, 1.0 - beta_k, 0.0)) / n_obj
        ns = noise_ref[0, 0] + noise_ref[1, 0]
        nc = noise_ref[0, 1] + noise_ref[1, 1]
        smem_s[1] = ns / nc
        va_s[...] = jnp.zeros((1, _T), f32)
        vr_s[...] = jnp.zeros((1, _T), f32)
        nr_s[...] = jnp.zeros((1, _T), jnp.int32)

    oid = oid_ref[...]
    beta = beta_ref[...]
    ath = 0.5 * (jnp.log1p(beta) - jnp.log1p(-beta))
    q = ath * ath + _QMIN
    x = x_ref[...]
    xsq = jnp.sum(x * x, axis=1, keepdims=True)
    g2 = lax.dot_general(-2.0 * x, feat_s[0:8, :], (((1,), (0,)), ((), ())),
                         preferred_element_type=f32)
    d2 = jnp.maximum((xsq + feat_s[8:9, :]) + g2, 0.0)
    att = (oid == cols_s[...])
    va_s[...] += jnp.sum(
        jnp.where(att, (q * attc_s[...]) * d2, 0.0), axis=0, keepdims=True)
    mrep = (d2 < thresh_s[...]) & (~att)
    d2c = jnp.maximum(d2, 1e-12)
    dist = d2c * lax.rsqrt(d2c)
    vr_s[...] += jnp.sum(
        jnp.where(mrep, (q * repc_s[...]) * (1.0 - dist), 0.0),
        axis=0, keepdims=True)
    nr_s[...] += jnp.sum(mrep.astype(jnp.int32), axis=0, keepdims=True)

    @pl.when(i == _NB - 1)
    def _final():
        va = jnp.sum(va_s[...])
        vr = jnp.sum(vr_s[...])
        nr = jnp.sum(nr_s[...]).astype(f32)
        lc = smem_s[0]
        ln = smem_s[1]
        loss = va + vr + lc + jnp.where(jnp.isnan(ln), 0.0, ln) * _SB
        o_loss[...] = loss.reshape(1, 1)
        o_va[...] = va.reshape(1, 1)
        o_vr[...] = vr.reshape(1, 1)
        o_lc[...] = jnp.full((1, 1), lc, f32)
        o_ln[...] = jnp.full((1, 1), ln, f32)
        o_nr[...] = nr.reshape(1, 1)


def kernel(hit_score, hit_embedding, hit_particle_id):
    i32, f32 = jnp.int32, jnp.float32
    beta = hit_score
    oid = hit_particle_id.astype(i32)
    x = hit_embedding

    npad = _NPAD - _N
    oid_pad = jnp.concatenate([oid, jnp.full((npad,), _PADID, i32)])
    beta_pad = jnp.concatenate([beta, jnp.zeros((npad,), f32)])
    xflat = x.reshape(-1)

    counts2, bmax2, barg2, xkt_o, noise_o = _sc_call(oid_pad, beta_pad,
                                                     xflat)
    xkt2 = xkt_o.reshape(2 * _D, _T)

    scalar = jax.ShapeDtypeStruct((1, 1), f32)
    full = lambda i: (0, 0)
    outs = pl.pallas_call(
        _tc_body,
        grid=(_NB,),
        in_specs=[
            pl.BlockSpec((_B, _D), lambda i: (i, 0)),
            pl.BlockSpec((_B, 1), lambda i: (i, 0)),
            pl.BlockSpec((_B, 1), lambda i: (i, 0)),
            pl.BlockSpec((2, _T), full),
            pl.BlockSpec((2, _T), full),
            pl.BlockSpec((2, _T), full),
            pl.BlockSpec((2 * _D, _T), full),
            pl.BlockSpec(memory_space=pltpu.SMEM),
        ],
        out_specs=[pl.BlockSpec((1, 1), full)] * 6,
        out_shape=[scalar] * 6,
        scratch_shapes=[
            pltpu.VMEM((9, _T), f32),
            pltpu.VMEM((1, _T), f32),
            pltpu.VMEM((1, _T), f32),
            pltpu.VMEM((1, _T), f32),
            pltpu.VMEM((1, _T), jnp.int32),
            pltpu.VMEM((1, _T), f32),
            pltpu.VMEM((1, _T), f32),
            pltpu.VMEM((1, _T), jnp.int32),
            pltpu.SMEM((2,), f32),
        ],
        compiler_params=pltpu.CompilerParams(
            dimension_semantics=("arbitrary",)),
    )(x, beta.reshape(_N, 1), oid.reshape(_N, 1),
      counts2, bmax2, barg2, xkt2, noise_o)

    loss, va, vr, lc, ln, nr = [o[0, 0] for o in outs]
    return (loss, va, vr, lc, ln, nr)

# --- scband reference (transcript-rebuilt; emitter-appended) ---
"""Pipeline reference for scband-object-condensation-18708877541911 (READ-ONLY COPY).

The authoritative reference and input builder live on the scoring server;
editing this copy changes nothing except your own understanding.
"""

import jax, jax.numpy as jnp
import numpy as np

QMIN = 0.01
SB = 0.1
NOISE_THRESHOLD = 0
MAX_N_REP = 100000
N_HITS = 20000
D_EMB = 8
N_PART = 1500


def setup_inputs(seed: int = 0) -> dict:
    key = jax.random.key(seed)
    k1, k2, k3 = jax.random.split(key, 3)
    hit_score = jax.random.uniform(k1, (N_HITS,), dtype=jnp.float32, minval=0.0, maxval=1.0)
    hit_embedding = jax.random.normal(k2, (N_HITS, D_EMB), dtype=jnp.float32)
    hit_particle_id = jax.random.randint(k3, (N_HITS,), 0, N_PART, dtype=jnp.int32)
    return {
        "hit_score": hit_score,
        "hit_embedding": hit_embedding,
        "hit_particle_id": hit_particle_id,
    }


def reference(hit_score, hit_embedding, hit_particle_id):
    beta = hit_score
    x = hit_embedding
    object_id = hit_particle_id

    # noise mask (object_id <= noise_threshold is noise)
    object_mask = object_id > NOISE_THRESHOLD
    oids = jnp.unique(jnp.where(object_mask, object_id, -1), size=N_PART, fill_value=-1)
    present = oids > NOISE_THRESHOLD
    n_obj = present.sum()

    # n_hits x n_objects: hits in each column belong to that object
    attractive_mask = (object_id[:, None] == oids[None, :]) & present[None, :]

    q = jnp.arctanh(beta) ** 2 + QMIN
    # condensation point per object = hit with max charge q among its hits
    alphas = jnp.argmax(q[:, None] * attractive_mask, axis=0)

    x_k = x[alphas]                 # n_obj x d
    q_k = q[alphas][None, :]        # 1 x n_obj

    # pairwise distances hits <-> condensation points (cdist)
    d2 = (
        jnp.sum(x * x, axis=1)[:, None]
        + jnp.sum(x_k * x_k, axis=1)[None, :]
        - 2.0 * (x @ x_k.T)
    )
    d2 = jnp.maximum(d2, 0.0)
    dist = jnp.sqrt(jnp.maximum(d2, 1e-12))

    qw_j_k = q[:, None] * q_k

    att_norm_k = (attractive_mask.sum(axis=0) * n_obj).astype(jnp.float32)
    v_att = jnp.sum(jnp.where(attractive_mask, (qw_j_k / att_norm_k[None, :]) * d2, 0.0))

    repulsive_mask = present[None, :] & (~attractive_mask) & (dist < 1.0)
    n_rep_k = (~attractive_mask).sum(axis=0)
    n_rep = repulsive_mask.sum()
    rep_norm = jnp.clip((n_rep_k * n_obj).astype(jnp.float32), 1.0, None)
    # NOTE: by construction n_rep << MAX_N_REP (random 8-d embeddings rarely fall
    # inside radius-1 balls), so the stochastic subsampling branch of
    # condensation_loss_tiger never triggers and is omitted for determinism.
    v_rep = jnp.sum(jnp.where(repulsive_mask, (qw_j_k / rep_norm[None, :]) * (1.0 - dist), 0.0))

    l_coward = jnp.sum(jnp.where(present, 1.0 - beta[alphas], 0.0)) / n_obj.astype(jnp.float32)
    noise_cnt = jnp.sum(~object_mask).astype(jnp.float32)
    l_noise = jnp.sum(jnp.where(object_mask, 0.0, beta)) / noise_cnt

    loss = v_att + v_rep + l_coward + jnp.where(jnp.isnan(l_noise), 0.0, l_noise) * SB
    return (loss, v_att, v_rep, l_coward, l_noise, n_rep.astype(jnp.float32))

if __name__ == "__main__":
    import jax
    _d = setup_inputs()
    print(jax.jit(kernel)(*tuple(_d.values())))

</pallas_src>

<mosaic_0001>
#map = affine_map<(d0, d1) -> (0)>
#map1 = affine_map<(d0, d1) -> (0, 0)>
#map2 = affine_map<(d0, d1) -> (0, 0, 0)>
module attributes {stable_mosaic.version = 14 : i64} {
  func.func @_sc_stats(%arg0: i32, %arg1: i32, %arg2: memref<20480xi32, #tpu.memory_space<hbm>>, %arg3: memref<20480xf32, #tpu.memory_space<hbm>>, %arg4: memref<160000xf32, #tpu.memory_space<hbm>>, %arg5: memref<2x1536xi32, #tpu.memory_space<hbm>>, %arg6: memref<2x1536xf32, #tpu.memory_space<hbm>>, %arg7: memref<2x1536xi32, #tpu.memory_space<hbm>>, %arg8: memref<2x8x1536xf32, #tpu.memory_space<hbm>>, %arg9: memref<2x16xf32, #tpu.memory_space<hbm>>, %arg10: memref<640xi32, #tpu.memory_space<vmem>>, %arg11: memref<640xf32, #tpu.memory_space<vmem>>, %arg12: memref<2048xi32, #tpu.memory_space<vmem>>, %arg13: memref<2048xf32, #tpu.memory_space<vmem>>, %arg14: memref<2048xi32, #tpu.memory_space<vmem>>, %arg15: memref<16x128xi32, #tpu.memory_space<vmem>>, %arg16: memref<16x128xf32, #tpu.memory_space<vmem>>, %arg17: memref<16x128xi32, #tpu.memory_space<vmem>>, %arg18: memref<128xi32, #tpu.memory_space<vmem>>, %arg19: memref<128xf32, #tpu.memory_space<vmem>>, %arg20: memref<128xi32, #tpu.memory_space<vmem>>, %arg21: memref<128xi32, #tpu.memory_space<vmem>>, %arg22: memref<8x128xi32, #tpu.memory_space<vmem>>, %arg23: memref<8x128xf32, #tpu.memory_space<vmem>>, %arg24: memref<16xf32, #tpu.memory_space<vmem>>, %arg25: memref<16x16xf32, #tpu.memory_space<vmem>>, %arg26: memref<16x2048xi32, #tpu.memory_space<vmem_shared>>, %arg27: memref<16x2048xf32, #tpu.memory_space<vmem_shared>>, %arg28: memref<16x2048xi32, #tpu.memory_space<vmem_shared>>, %arg29: memref<16x16xf32, #tpu.memory_space<vmem_shared>>, %arg30: memref<!tpu.dma_semaphore, #tpu.memory_space<semaphore_mem>>) attributes {dimension_semantics = [#tpu.dimension_semantics<core_parallel>, #tpu.dimension_semantics<subcore_parallel>], iteration_bounds = array<i64: 2, 16>, scalar_prefetch = 0 : i64, scratch_operands = 21 : i64, tpu.core_type = #tpu.core_type<sc_vector_subcore>, window_params = [{transform_indices = #map}, {transform_indices = #map}, {transform_indices = #map}, {transform_indices = #map1}, {transform_indices = #map1}, {transform_indices = #map1}, {transform_indices = #map2}, {transform_indices = #map1}]} {
    %mul3A = arith.constant 16 : i32
    %mul3A_0 = arith.muli %arg0, %mul3A : i32
    %add3A = arith.addi %mul3A_0, %arg1 : i32
    %mul3A_1 = arith.constant 640 : i32
    %mul3A_2 = arith.muli %add3A, %mul3A_1 : i32
    "tpu.region"() ({
      %run_scoped3A = tpu.sem_alloc : memref<!tpu.dma_semaphore, #tpu.memory_space<semaphore_mem>>
      %dma_start3A = tpu.memref_slice %arg2[%mul3A_2] : memref<20480xi32, #tpu.memory_space<hbm>> -> memref<640xi32, #tpu.memory_space<hbm>>
      %dma_start3A_2768 = tpu.memref_slice %arg2[%mul3A_2] : memref<20480xi32, #tpu.memory_space<hbm>> -> memref<640xi32, #tpu.memory_space<hbm>>
      tpu.enqueue_dma source(%dma_start3A_2768 : memref<640xi32, #tpu.memory_space<hbm>>) target(%arg10 : memref<640xi32, #tpu.memory_space<vmem>>) target_semaphore(%run_scoped3A : memref<!tpu.dma_semaphore, #tpu.memory_space<semaphore_mem>>)
      %dma_wait3A = tpu.memref_slice %arg2[%mul3A_2] : memref<20480xi32, #tpu.memory_space<hbm>> -> memref<640xi32, #tpu.memory_space<hbm>>
      %dma_wait3A_2769 = tpu.memref_slice %arg2[%mul3A_2] : memref<20480xi32, #tpu.memory_space<hbm>> -> memref<640xi32, #tpu.memory_space<hbm>>
      tpu.wait_dma2 semaphore(%run_scoped3A : memref<!tpu.dma_semaphore, #tpu.memory_space<semaphore_mem>>) src(%dma_wait3A_2769 : memref<640xi32, #tpu.memory_space<hbm>>) dst(%arg10 : memref<640xi32, #tpu.memory_space<vmem>>)
      tpu.yield
    }) : () -> ()
    "tpu.region"() ({
      %run_scoped3A = tpu.sem_alloc : memref<!tpu.dma_semaphore, #tpu.memory_space<semaphore_mem>>
      %dma_start3A = tpu.memref_slice %arg3[%mul3A_2] : memref<20480xf32, #tpu.memory_space<hbm>> -> memref<640xf32, #tpu.memory_space<hbm>>
      %dma_start3A_2768 = tpu.memref_slice %arg3[%mul3A_2] : memref<20480xf32, #tpu.memory_space<hbm>> -> memref<640xf32, #tpu.memory_space<hbm>>
      tpu.enqueue_dma source(%dma_start3A_2768 : memref<640xf32, #tpu.memory_space<hbm>>) target(%arg11 : memref<640xf32, #tpu.memory_space<vmem>>) target_semaphore(%run_scoped3A : memref<!tpu.dma_semaphore, #tpu.memory_space<semaphore_mem>>)
      %dma_wait3A = tpu.memref_slice %arg3[%mul3A_2] : memref<20480xf32, #tpu.memory_space<hbm>> -> memref<640xf32, #tpu.memory_space<hbm>>
      %dma_wait3A_2769 = tpu.memref_slice %arg3[%mul3A_2] : memref<20480xf32, #tpu.memory_space<hbm>> -> memref<640xf32, #tpu.memory_space<hbm>>
      tpu.wait_dma2 semaphore(%run_scoped3A : memref<!tpu.dma_semaphore, #tpu.memory_space<semaphore_mem>>) src(%dma_wait3A_2769 : memref<640xf32, #tpu.memory_space<hbm>>) dst(%arg11 : memref<640xf32, #tpu.memory_space<vmem>>)
      tpu.yield
    }) : () -> ()
    %scan3A = arith.constant 0 : i32
    %scan3A_3 = arith.constant 0 : i32
    %scan3A_4 = arith.constant 128 : i32
    %scan3A_5 = arith.addi %scan3A_3, %scan3A_4 : i32
    %scan3A_6 = arith.constant 1 : i32
    scf.for %scan3A_2768 = %scan3A_3 to %scan3A_5 step %scan3A_6  : i32 {
      %mul3A_2769 = arith.constant 16 : i32
      %mul3A_2770 = arith.muli %scan3A_2768, %mul3A_2769 : i32
      %broadcast_in_dim3A_2771 = arith.constant 0 : i32
      %broadcast_in_dim3A_2772 = vector.broadcast %broadcast_in_dim3A_2771 : i32 to vector<16xi32>
      %swap3A_2773 = arith.index_cast %mul3A_2770 : i32 to index
      %swap3A_2774 = tpu.vector_load %arg12[%swap3A_2773] {strides = array<i32>} : memref<2048xi32, #tpu.memory_space<vmem>>, vector<16xi32>,
      tpu.vector_store %arg12[%swap3A_2773], %broadcast_in_dim3A_2772 {strides = array<i32>} : memref<2048xi32, #tpu.memory_space<vmem>>, vector<16xi32>,
      %broadcast_in_dim3A_2775 = arith.constant -1.000000e+00 : f32
      %broadcast_in_dim3A_2776 = vector.broadcast %broadcast_in_dim3A_2775 : f32 to vector<16xf32>
      %swap3A_2777 = arith.index_cast %mul3A_2770 : i32 to index
      %swap3A_2778 = tpu.vector_load %arg13[%swap3A_2777] {strides = array<i32>} : memref<2048xf32, #tpu.memory_space<vmem>>, vector<16xf32>,
      tpu.vector_store %arg13[%swap3A_2777], %broadcast_in_dim3A_2776 {strides = array<i32>} : memref<2048xf32, #tpu.memory_space<vmem>>, vector<16xf32>,
      %broadcast_in_dim3A_2779 = arith.constant 1073741824 : i32
      %broadcast_in_dim3A_2780 = vector.broadcast %broadcast_in_dim3A_2779 : i32 to vector<16xi32>
      %swap3A_2781 = arith.index_cast %mul3A_2770 : i32 to index
      %swap3A_2782 = tpu.vector_load %arg14[%swap3A_2781] {strides = array<i32>} : memref<2048xi32, #tpu.memory_space<vmem>>, vector<16xi32>,
      tpu.vector_store %arg14[%swap3A_2781], %broadcast_in_dim3A_2780 {strides = array<i32>} : memref<2048xi32, #tpu.memory_space<vmem>>, vector<16xi32>,
    }
    %scan3A_7 = arith.constant 128 : i32
    %iota3A = tpu.iota {dimensions = array<i32: 0>} : vector<16xi32>
    %add3A_8 = arith.constant 1 : i32
    %add3A_9 = vector.broadcast %add3A_8 : i32 to vector<16xi32>
    %add3A_10 = arith.addi %iota3A, %add3A_9 : vector<16xi32>
    %and3A = arith.constant 15 : i32
    %and3A_11 = vector.broadcast %and3A : i32 to vector<16xi32>
    %and3A_12 = arith.andi %add3A_10, %and3A_11 : vector<16xi32>
    %reshape3A = vector.shape_cast %and3A_12 : vector<16xi32> to vector<16x1xi32>
    %broadcast_in_dim3A = arith.constant 0.000000e+00 : f32
    %broadcast_in_dim3A_13 = vector.broadcast %broadcast_in_dim3A : f32 to vector<16xf32>
    %broadcast_in_dim3A_14 = arith.constant 0.000000e+00 : f32
    %broadcast_in_dim3A_15 = vector.broadcast %broadcast_in_dim3A_14 : f32 to vector<16xf32>
    %scan3A_16 = arith.constant 0 : i32
    %scan3A_17 = arith.constant 40 : i32
    %scan3A_18 = arith.addi %scan3A_16, %scan3A_17 : i32
    %scan3A_19 = arith.constant 1 : i32
    %scan3A_20:2 = scf.for %scan3A_2768 = %scan3A_16 to %scan3A_18 step %scan3A_19 iter_args(%scan3A_2769 = %broadcast_in_dim3A_13, %scan3A_2770 = %broadcast_in_dim3A_15) -> (vector<16xf32>, vector<16xf32>)  : i32 {
      %mul3A_2771 = arith.constant 16 : i32
      %mul3A_2772 = arith.muli %scan3A_2768, %mul3A_2771 : i32
      %get3A_2773 = arith.index_cast %mul3A_2772 : i32 to index
      %get3A_2774 = tpu.vector_load %arg10[%get3A_2773] {strides = array<i32>} : memref<640xi32, #tpu.memory_space<vmem>>, vector<16xi32>,
      %get3A_2775 = arith.index_cast %mul3A_2772 : i32 to index
      %get3A_2776 = tpu.vector_load %arg11[%get3A_2775] {strides = array<i32>} : memref<640xf32, #tpu.memory_space<vmem>>, vector<16xf32>,
      %mul3A_2777 = arith.constant 16 : i32
      %mul3A_2778 = arith.muli %scan3A_2768, %mul3A_2777 : i32
      %add3A_2779 = arith.addi %mul3A_2, %mul3A_2778 : i32
      %add3A_2780 = vector.broadcast %add3A_2779 : i32 to vector<16xi32>
      %add3A_2781 = arith.addi %add3A_2780, %iota3A : vector<16xi32>
      %broadcast_in_dim3A_2782 = arith.constant 1 : i32
      %broadcast_in_dim3A_2783 = vector.broadcast %broadcast_in_dim3A_2782 : i32 to vector<16xi32>
      %gather3A = vector.shape_cast %reshape3A : vector<16x1xi32> to vector<16xi32>
      %gather3A_2784 = tpu.dynamic_gather %get3A_2774[%gather3A] in [0] : vector<16xi32>, vector<16xi32> -> vector<16xi32>
      %gather3A_2785 = vector.shape_cast %reshape3A : vector<16x1xi32> to vector<16xi32>
      %gather3A_2786 = tpu.dynamic_gather %get3A_2776[%gather3A_2785] in [0] : vector<16xf32>, vector<16xi32> -> vector<16xf32>
      %gather3A_2787 = vector.shape_cast %reshape3A : vector<16x1xi32> to vector<16xi32>
      %gather3A_2788 = tpu.dynamic_gather %add3A_2781[%gather3A_2787] in [0] : vector<16xi32>, vector<16xi32> -> vector<16xi32>
      %eq3A_2789 = arith.cmpi eq, %gather3A_2784, %get3A_2774 : vector<16xi32>
      %jit3A_2790 = arith.constant 1 : i32
      %jit3A_2791 = arith.constant 0 : i32
      %broadcast_in_dim3A_2792 = vector.broadcast %jit3A_2790 : i32 to vector<16xi32>
      %broadcast_in_dim3A_2793 = vector.broadcast %jit3A_2791 : i32 to vector<16xi32>
      %select_n3A_2794 = arith.select %eq3A_2789, %broadcast_in_dim3A_2792, %broadcast_in_dim3A_2793 : vector<16xi1>, vector<16xi32>
      %add3A_2795 = arith.addi %broadcast_in_dim3A_2783, %select_n3A_2794 : vector<16xi32>
      %gt3A_2796 = arith.cmpf ogt, %gather3A_2786, %get3A_2776 : vector<16xf32>
      %eq3A_2797 = arith.cmpf oeq, %gather3A_2786, %get3A_2776 : vector<16xf32>
      %lt3A_2798 = arith.cmpi slt, %gather3A_2788, %add3A_2781 : vector<16xi32>
      %and3A_2799 = arith.andi %eq3A_2797, %lt3A_2798 : vector<16xi1>
      %or3A_2800 = arith.ori %gt3A_2796, %and3A_2799 : vector<16xi1>
      %and3A_2801 = arith.andi %eq3A_2789, %or3A_2800 : vector<16xi1>
      %select_n3A_2802 = arith.select %and3A_2801, %gather3A_2786, %get3A_2776 : vector<16xi1>, vector<16xf32>
      %select_n3A_2803 = arith.select %and3A_2801, %gather3A_2788, %add3A_2781 : vector<16xi1>, vector<16xi32>
      %gather3A_2804 = vector.shape_cast %reshape3A : vector<16x1xi32> to vector<16xi32>
      %gather3A_2805 = tpu.dynamic_gather %gather3A_2784[%gather3A_2804] in [0] : vector<16xi32>, vector<16xi32> -> vector<16xi32>
      %gather3A_2806 = vector.shape_cast %reshape3A : vector<16x1xi32> to vector<16xi32>
      %gather3A_2807 = tpu.dynamic_gather %gather3A_2786[%gather3A_2806] in [0] : vector<16xf32>, vector<16xi32> -> vector<16xf32>
      %gather3A_2808 = vector.shape_cast %reshape3A : vector<16x1xi32> to vector<16xi32>
      %gather3A_2809 = tpu.dynamic_gather %gather3A_2788[%gather3A_2808] in [0] : vector<16xi32>, vector<16xi32> -> vector<16xi32>
      %eq3A_2810 = arith.cmpi eq, %gather3A_2805, %get3A_2774 : vector<16xi32>
      %jit3A_2811 = arith.constant 1 : i32
      %jit3A_2812 = arith.constant 0 : i32
      %broadcast_in_dim3A_2813 = vector.broadcast %jit3A_2811 : i32 to vector<16xi32>
      %broadcast_in_dim3A_2814 = vector.broadcast %jit3A_2812 : i32 to vector<16xi32>
      %select_n3A_2815 = arith.select %eq3A_2810, %broadcast_in_dim3A_2813, %broadcast_in_dim3A_2814 : vector<16xi1>, vector<16xi32>
      %add3A_2816 = arith.addi %add3A_2795, %select_n3A_2815 : vector<16xi32>
      %gt3A_2817 = arith.cmpf ogt, %gather3A_2807, %select_n3A_2802 : vector<16xf32>
      %eq3A_2818 = arith.cmpf oeq, %gather3A_2807, %select_n3A_2802 : vector<16xf32>
      %lt3A_2819 = arith.cmpi slt, %gather3A_2809, %select_n3A_2803 : vector<16xi32>
      %and3A_2820 = arith.andi %eq3A_2818, %lt3A_2819 : vector<16xi1>
      %or3A_2821 = arith.ori %gt3A_2817, %and3A_2820 : vector<16xi1>
      %and3A_2822 = arith.andi %eq3A_2810, %or3A_2821 : vector<16xi1>
      %select_n3A_2823 = arith.select %and3A_2822, %gather3A_2807, %select_n3A_2802 : vector<16xi1>, vector<16xf32>
      %select_n3A_2824 = arith.select %and3A_2822, %gather3A_2809, %select_n3A_2803 : vector<16xi1>, vector<16xi32>
      %gather3A_2825 = vector.shape_cast %reshape3A : vector<16x1xi32> to vector<16xi32>
      %gather3A_2826 = tpu.dynamic_gather %gather3A_2805[%gather3A_2825] in [0] : vector<16xi32>, vector<16xi32> -> vector<16xi32>
      %gather3A_2827 = vector.shape_cast %reshape3A : vector<16x1xi32> to vector<16xi32>
      %gather3A_2828 = tpu.dynamic_gather %gather3A_2807[%gather3A_2827] in [0] : vector<16xf32>, vector<16xi32> -> vector<16xf32>
      %gather3A_2829 = vector.shape_cast %reshape3A : vector<16x1xi32> to vector<16xi32>
      %gather3A_2830 = tpu.dynamic_gather %gather3A_2809[%gather3A_2829] in [0] : vector<16xi32>, vector<16xi32> -> vector<16xi32>
      %eq3A_2831 = arith.cmpi eq, %gather3A_2826, %get3A_2774 : vector<16xi32>
      %jit3A_2832 = arith.constant 1 : i32
      %jit3A_2833 = arith.constant 0 : i32
      %broadcast_in_dim3A_2834 = vector.broadcast %jit3A_2832 : i32 to vector<16xi32>
      %broadcast_in_dim3A_2835 = vector.broadcast %jit3A_2833 : i32 to vector<16xi32>
      %select_n3A_2836 = arith.select %eq3A_2831, %broadcast_in_dim3A_2834, %broadcast_in_dim3A_2835 : vector<16xi1>, vector<16xi32>
      %add3A_2837 = arith.addi %add3A_2816, %select_n3A_2836 : vector<16xi32>
      %gt3A_2838 = arith.cmpf ogt, %gather3A_2828, %select_n3A_2823 : vector<16xf32>
      %eq3A_2839 = arith.cmpf oeq, %gather3A_2828, %select_n3A_2823 : vector<16xf32>
      %lt3A_2840 = arith.cmpi slt, %gather3A_2830, %select_n3A_2824 : vector<16xi32>
      %and3A_2841 = arith.andi %eq3A_2839, %lt3A_2840 : vector<16xi1>
      %or3A_2842 = arith.ori %gt3A_2838, %and3A_2841 : vector<16xi1>
      %and3A_2843 = arith.andi %eq3A_2831, %or3A_2842 : vector<16xi1>
      %select_n3A_2844 = arith.select %and3A_2843, %gather3A_2828, %select_n3A_2823 : vector<16xi1>, vector<16xf32>
      %select_n3A_2845 = arith.select %and3A_2843, %gather3A_2830, %select_n3A_2824 : vector<16xi1>, vector<16xi32>
      %gather3A_2846 = vector.shape_cast %reshape3A : vector<16x1xi32> to vector<16xi32>
      %gather3A_2847 = tpu.dynamic_gather %gather3A_2826[%gather3A_2846] in [0] : vector<16xi32>, vector<16xi32> -> vector<16xi32>
      %gather3A_2848 = vector.shape_cast %reshape3A : vector<16x1xi32> to vector<16xi32>
      %gather3A_2849 = tpu.dynamic_gather %gather3A_2828[%gather3A_2848] in [0] : vector<16xf32>, vector<16xi32> -> vector<16xf32>
      %gather3A_2850 = vector.shape_cast %reshape3A : vector<16x1xi32> to vector<16xi32>
      %gather3A_2851 = tpu.dynamic_gather %gather3A_2830[%gather3A_2850] in [0] : vector<16xi32>, vector<16xi32> -> vector<16xi32>
      %eq3A_2852 = arith.cmpi eq, %gather3A_2847, %get3A_2774 : vector<16xi32>
      %jit3A_2853 = arith.constant 1 : i32
      %jit3A_2854 = arith.constant 0 : i32
      %broadcast_in_dim3A_2855 = vector.broadcast %jit3A_2853 : i32 to vector<16xi32>
      %broadcast_in_dim3A_2856 = vector.broadcast %jit3A_2854 : i32 to vector<16xi32>
      %select_n3A_2857 = arith.select %eq3A_2852, %broadcast_in_dim3A_2855, %broadcast_in_dim3A_2856 : vector<16xi1>, vector<16xi32>
      %add3A_2858 = arith.addi %add3A_2837, %select_n3A_2857 : vector<16xi32>
      %gt3A_2859 = arith.cmpf ogt, %gather3A_2849, %select_n3A_2844 : vector<16xf32>
      %eq3A_2860 = arith.cmpf oeq, %gather3A_2849, %select_n3A_2844 : vector<16xf32>
      %lt3A_2861 = arith.cmpi slt, %gather3A_2851, %select_n3A_2845 : vector<16xi32>
      %and3A_2862 = arith.andi %eq3A_2860, %lt3A_2861 : vector<16xi1>
      %or3A_2863 = arith.ori %gt3A_2859, %and3A_2862 : vector<16xi1>
      %and3A_2864 = arith.andi %eq3A_2852, %or3A_2863 : vector<16xi1>
      %select_n3A_2865 = arith.select %and3A_2864, %gather3A_2849, %select_n3A_2844 : vector<16xi1>, vector<16xf32>
      %select_n3A_2866 = arith.select %and3A_2864, %gather3A_2851, %select_n3A_2845 : vector<16xi1>, vector<16xi32>
      %gather3A_2867 = vector.shape_cast %reshape3A : vector<16x1xi32> to vector<16xi32>
      %gather3A_2868 = tpu.dynamic_gather %gather3A_2847[%gather3A_2867] in [0] : vector<16xi32>, vector<16xi32> -> vector<16xi32>
      %gather3A_2869 = vector.shape_cast %reshape3A : vector<16x1xi32> to vector<16xi32>
      %gather3A_2870 = tpu.dynamic_gather %gather3A_2849[%gather3A_2869] in [0] : vector<16xf32>, vector<16xi32> -> vector<16xf32>
      %gather3A_2871 = vector.shape_cast %reshape3A : vector<16x1xi32> to vector<16xi32>
      %gather3A_2872 = tpu.dynamic_gather %gather3A_2851[%gather3A_2871] in [0] : vector<16xi32>, vector<16xi32> -> vector<16xi32>
      %eq3A_2873 = arith.cmpi eq, %gather3A_2868, %get3A_2774 : vector<16xi32>
      %jit3A_2874 = arith.constant 1 : i32
      %jit3A_2875 = arith.constant 0 : i32
      %broadcast_in_dim3A_2876 = vector.broadcast %jit3A_2874 : i32 to vector<16xi32>
      %broadcast_in_dim3A_2877 = vector.broadcast %jit3A_2875 : i32 to vector<16xi32>
      %select_n3A_2878 = arith.select %eq3A_2873, %broadcast_in_dim3A_2876, %broadcast_in_dim3A_2877 : vector<16xi1>, vector<16xi32>
      %add3A_2879 = arith.addi %add3A_2858, %select_n3A_2878 : vector<16xi32>
      %gt3A_2880 = arith.cmpf ogt, %gather3A_2870, %select_n3A_2865 : vector<16xf32>
      %eq3A_2881 = arith.cmpf oeq, %gather3A_2870, %select_n3A_2865 : vector<16xf32>
      %lt3A_2882 = arith.cmpi slt, %gather3A_2872, %select_n3A_2866 : vector<16xi32>
      %and3A_2883 = arith.andi %eq3A_2881, %lt3A_2882 : vector<16xi1>
      %or3A_2884 = arith.ori %gt3A_2880, %and3A_2883 : vector<16xi1>
      %and3A_2885 = arith.andi %eq3A_2873, %or3A_2884 : vector<16xi1>
      %select_n3A_2886 = arith.select %and3A_2885, %gather3A_2870, %select_n3A_2865 : vector<16xi1>, vector<16xf32>
      %select_n3A_2887 = arith.select %and3A_2885, %gather3A_2872, %select_n3A_2866 : vector<16xi1>, vector<16xi32>
      %gather3A_2888 = vector.shape_cast %reshape3A : vector<16x1xi32> to vector<16xi32>
      %gather3A_2889 = tpu.dynamic_gather %gather3A_2868[%gather3A_2888] in [0] : vector<16xi32>, vector<16xi32> -> vector<16xi32>
      %gather3A_2890 = vector.shape_cast %reshape3A : vector<16x1xi32> to vector<16xi32>
      %gather3A_2891 = tpu.dynamic_gather %gather3A_2870[%gather3A_2890] in [0] : vector<16xf32>, vector<16xi32> -> vector<16xf32>
      %gather3A_2892 = vector.shape_cast %reshape3A : vector<16x1xi32> to vector<16xi32>
      %gather3A_2893 = tpu.dynamic_gather %gather3A_2872[%gather3A_2892] in [0] : vector<16xi32>, vector<16xi32> -> vector<16xi32>
      %eq3A_2894 = arith.cmpi eq, %gather3A_2889, %get3A_2774 : vector<16xi32>
      %jit3A_2895 = arith.constant 1 : i32
      %jit3A_2896 = arith.constant 0 : i32
      %broadcast_in_dim3A_2897 = vector.broadcast %jit3A_2895 : i32 to vector<16xi32>
      %broadcast_in_dim3A_2898 = vector.broadcast %jit3A_2896 : i32 to vector<16xi32>
      %select_n3A_2899 = arith.select %eq3A_2894, %broadcast_in_dim3A_2897, %broadcast_in_dim3A_2898 : vector<16xi1>, vector<16xi32>
      %add3A_2900 = arith.addi %add3A_2879, %select_n3A_2899 : vector<16xi32>
      %gt3A_2901 = arith.cmpf ogt, %gather3A_2891, %select_n3A_2886 : vector<16xf32>
      %eq3A_2902 = arith.cmpf oeq, %gather3A_2891, %select_n3A_2886 : vector<16xf32>
      %lt3A_2903 = arith.cmpi slt, %gather3A_2893, %select_n3A_2887 : vector<16xi32>
      %and3A_2904 = arith.andi %eq3A_2902, %lt3A_2903 : vector<16xi1>
      %or3A_2905 = arith.ori %gt3A_2901, %and3A_2904 : vector<16xi1>
      %and3A_2906 = arith.andi %eq3A_2894, %or3A_2905 : vector<16xi1>
      %select_n3A_2907 = arith.select %and3A_2906, %gather3A_2891, %select_n3A_2886 : vector<16xi1>, vector<16xf32>
      %select_n3A_2908 = arith.select %and3A_2906, %gather3A_2893, %select_n3A_2887 : vector<16xi1>, vector<16xi32>
      %gather3A_2909 = vector.shape_cast %reshape3A : vector<16x1xi32> to vector<16xi32>
      %gather3A_2910 = tpu.dynamic_gather %gather3A_2889[%gather3A_2909] in [0] : vector<16xi32>, vector<16xi32> -> vector<16xi32>
      %gather3A_2911 = vector.shape_cast %reshape3A : vector<16x1xi32> to vector<16xi32>
      %gather3A_2912 = tpu.dynamic_gather %gather3A_2891[%gather3A_2911] in [0] : vector<16xf32>, vector<16xi32> -> vector<16xf32>
      %gather3A_2913 = vector.shape_cast %reshape3A : vector<16x1xi32> to vector<16xi32>
      %gather3A_2914 = tpu.dynamic_gather %gather3A_2893[%gather3A_2913] in [0] : vector<16xi32>, vector<16xi32> -> vector<16xi32>
      %eq3A_2915 = arith.cmpi eq, %gather3A_2910, %get3A_2774 : vector<16xi32>
      %jit3A_2916 = arith.constant 1 : i32
      %jit3A_2917 = arith.constant 0 : i32
      %broadcast_in_dim3A_2918 = vector.broadcast %jit3A_2916 : i32 to vector<16xi32>
      %broadcast_in_dim3A_2919 = vector.broadcast %jit3A_2917 : i32 to vector<16xi32>
      %select_n3A_2920 = arith.select %eq3A_2915, %broadcast_in_dim3A_2918, %broadcast_in_dim3A_2919 : vector<16xi1>, vector<16xi32>
      %add3A_2921 = arith.addi %add3A_2900, %select_n3A_2920 : vector<16xi32>
      %gt3A_2922 = arith.cmpf ogt, %gather3A_2912, %select_n3A_2907 : vector<16xf32>
      %eq3A_2923 = arith.cmpf oeq, %gather3A_2912, %select_n3A_2907 : vector<16xf32>
      %lt3A_2924 = arith.cmpi slt, %gather3A_2914, %select_n3A_2908 : vector<16xi32>
      %and3A_2925 = arith.andi %eq3A_2923, %lt3A_2924 : vector<16xi1>
      %or3A_2926 = arith.ori %gt3A_2922, %and3A_2925 : vector<16xi1>
      %and3A_2927 = arith.andi %eq3A_2915, %or3A_2926 : vector<16xi1>
      %select_n3A_2928 = arith.select %and3A_2927, %gather3A_2912, %select_n3A_2907 : vector<16xi1>, vector<16xf32>
      %select_n3A_2929 = arith.select %and3A_2927, %gather3A_2914, %select_n3A_2908 : vector<16xi1>, vector<16xi32>
      %gather3A_2930 = vector.shape_cast %reshape3A : vector<16x1xi32> to vector<16xi32>
      %gather3A_2931 = tpu.dynamic_gather %gather3A_2910[%gather3A_2930] in [0] : vector<16xi32>, vector<16xi32> -> vector<16xi32>
      %gather3A_2932 = vector.shape_cast %reshape3A : vector<16x1xi32> to vector<16xi32>
      %gather3A_2933 = tpu.dynamic_gather %gather3A_2912[%gather3A_2932] in [0] : vector<16xf32>, vector<16xi32> -> vector<16xf32>
      %gather3A_2934 = vector.shape_cast %reshape3A : vector<16x1xi32> to vector<16xi32>
      %gather3A_2935 = tpu.dynamic_gather %gather3A_2914[%gather3A_2934] in [0] : vector<16xi32>, vector<16xi32> -> vector<16xi32>
      %eq3A_2936 = arith.cmpi eq, %gather3A_2931, %get3A_2774 : vector<16xi32>
      %jit3A_2937 = arith.constant 1 : i32
      %jit3A_2938 = arith.constant 0 : i32
      %broadcast_in_dim3A_2939 = vector.broadcast %jit3A_2937 : i32 to vector<16xi32>
      %broadcast_in_dim3A_2940 = vector.broadcast %jit3A_2938 : i32 to vector<16xi32>
      %select_n3A_2941 = arith.select %eq3A_2936, %broadcast_in_dim3A_2939, %broadcast_in_dim3A_2940 : vector<16xi1>, vector<16xi32>
      %add3A_2942 = arith.addi %add3A_2921, %select_n3A_2941 : vector<16xi32>
      %gt3A_2943 = arith.cmpf ogt, %gather3A_2933, %select_n3A_2928 : vector<16xf32>
      %eq3A_2944 = arith.cmpf oeq, %gather3A_2933, %select_n3A_2928 : vector<16xf32>
      %lt3A_2945 = arith.cmpi slt, %gather3A_2935, %select_n3A_2929 : vector<16xi32>
      %and3A_2946 = arith.andi %eq3A_2944, %lt3A_2945 : vector<16xi1>
      %or3A_2947 = arith.ori %gt3A_2943, %and3A_2946 : vector<16xi1>
      %and3A_2948 = arith.andi %eq3A_2936, %or3A_2947 : vector<16xi1>
      %select_n3A_2949 = arith.select %and3A_2948, %gather3A_2933, %select_n3A_2928 : vector<16xi1>, vector<16xf32>
      %select_n3A_2950 = arith.select %and3A_2948, %gather3A_2935, %select_n3A_2929 : vector<16xi1>, vector<16xi32>
      %gather3A_2951 = vector.shape_cast %reshape3A : vector<16x1xi32> to vector<16xi32>
      %gather3A_2952 = tpu.dynamic_gather %gather3A_2931[%gather3A_2951] in [0] : vector<16xi32>, vector<16xi32> -> vector<16xi32>
      %gather3A_2953 = vector.shape_cast %reshape3A : vector<16x1xi32> to vector<16xi32>
      %gather3A_2954 = tpu.dynamic_gather %gather3A_2933[%gather3A_2953] in [0] : vector<16xf32>, vector<16xi32> -> vector<16xf32>
      %gather3A_2955 = vector.shape_cast %reshape3A : vector<16x1xi32> to vector<16xi32>
      %gather3A_2956 = tpu.dynamic_gather %gather3A_2935[%gather3A_2955] in [0] : vector<16xi32>, vector<16xi32> -> vector<16xi32>
      %eq3A_2957 = arith.cmpi eq, %gather3A_2952, %get3A_2774 : vector<16xi32>
      %jit3A_2958 = arith.constant 1 : i32
      %jit3A_2959 = arith.constant 0 : i32
      %broadcast_in_dim3A_2960 = vector.broadcast %jit3A_2958 : i32 to vector<16xi32>
      %broadcast_in_dim3A_2961 = vector.broadcast %jit3A_2959 : i32 to vector<16xi32>
      %select_n3A_2962 = arith.select %eq3A_2957, %broadcast_in_dim3A_2960, %broadcast_in_dim3A_2961 : vector<16xi1>, vector<16xi32>
      %add3A_2963 = arith.addi %add3A_2942, %select_n3A_2962 : vector<16xi32>
      %gt3A_2964 = arith.cmpf ogt, %gather3A_2954, %select_n3A_2949 : vector<16xf32>
      %eq3A_2965 = arith.cmpf oeq, %gather3A_2954, %select_n3A_2949 : vector<16xf32>
      %lt3A_2966 = arith.cmpi slt, %gather3A_2956, %select_n3A_2950 : vector<16xi32>
      %and3A_2967 = arith.andi %eq3A_2965, %lt3A_2966 : vector<16xi1>
      %or3A_2968 = arith.ori %gt3A_2964, %and3A_2967 : vector<16xi1>
      %and3A_2969 = arith.andi %eq3A_2957, %or3A_2968 : vector<16xi1>
      %select_n3A_2970 = arith.select %and3A_2969, %gather3A_2954, %select_n3A_2949 : vector<16xi1>, vector<16xf32>
      %select_n3A_2971 = arith.select %and3A_2969, %gather3A_2956, %select_n3A_2950 : vector<16xi1>, vector<16xi32>
      %gather3A_2972 = vector.shape_cast %reshape3A : vector<16x1xi32> to vector<16xi32>
      %gather3A_2973 = tpu.dynamic_gather %gather3A_2952[%gather3A_2972] in [0] : vector<16xi32>, vector<16xi32> -> vector<16xi32>
      %gather3A_2974 = vector.shape_cast %reshape3A : vector<16x1xi32> to vector<16xi32>
      %gather3A_2975 = tpu.dynamic_gather %gather3A_2954[%gather3A_2974] in [0] : vector<16xf32>, vector<16xi32> -> vector<16xf32>
      %gather3A_2976 = vector.shape_cast %reshape3A : vector<16x1xi32> to vector<16xi32>
      %gather3A_2977 = tpu.dynamic_gather %gather3A_2956[%gather3A_2976] in [0] : vector<16xi32>, vector<16xi32> -> vector<16xi32>
      %eq3A_2978 = arith.cmpi eq, %gather3A_2973, %get3A_2774 : vector<16xi32>
      %jit3A_2979 = arith.constant 1 : i32
      %jit3A_2980 = arith.constant 0 : i32
      %broadcast_in_dim3A_2981 = vector.broadcast %jit3A_2979 : i32 to vector<16xi32>
      %broadcast_in_dim3A_2982 = vector.broadcast %jit3A_2980 : i32 to vector<16xi32>
      %select_n3A_2983 = arith.select %eq3A_2978, %broadcast_in_dim3A_2981, %broadcast_in_dim3A_2982 : vector<16xi1>, vector<16xi32>
      %add3A_2984 = arith.addi %add3A_2963, %select_n3A_2983 : vector<16xi32>
      %gt3A_2985 = arith.cmpf ogt, %gather3A_2975, %select_n3A_2970 : vector<16xf32>
      %eq3A_2986 = arith.cmpf oeq, %gather3A_2975, %select_n3A_2970 : vector<16xf32>
      %lt3A_2987 = arith.cmpi slt, %gather3A_2977, %select_n3A_2971 : vector<16xi32>
      %and3A_2988 = arith.andi %eq3A_2986, %lt3A_2987 : vector<16xi1>
      %or3A_2989 = arith.ori %gt3A_2985, %and3A_2988 : vector<16xi1>
      %and3A_2990 = arith.andi %eq3A_2978, %or3A_2989 : vector<16xi1>
      %select_n3A_2991 = arith.select %and3A_2990, %gather3A_2975, %select_n3A_2970 : vector<16xi1>, vector<16xf32>
      %select_n3A_2992 = arith.select %and3A_2990, %gather3A_2977, %select_n3A_2971 : vector<16xi1>, vector<16xi32>
      %gather3A_2993 = vector.shape_cast %reshape3A : vector<16x1xi32> to vector<16xi32>
      %gather3A_2994 = tpu.dynamic_gather %gather3A_2973[%gather3A_2993] in [0] : vector<16xi32>, vector<16xi32> -> vector<16xi32>
      %gather3A_2995 = vector.shape_cast %reshape3A : vector<16x1xi32> to vector<16xi32>
      %gather3A_2996 = tpu.dynamic_gather %gather3A_2975[%gather3A_2995] in [0] : vector<16xf32>, vector<16xi32> -> vector<16xf32>
      %gather3A_2997 = vector.shape_cast %reshape3A : vector<16x1xi32> to vector<16xi32>
      %gather3A_2998 = tpu.dynamic_gather %gather3A_2977[%gather3A_2997] in [0] : vector<16xi32>, vector<16xi32> -> vector<16xi32>
      %eq3A_2999 = arith.cmpi eq, %gather3A_2994, %get3A_2774 : vector<16xi32>
      %jit3A_3000 = arith.constant 1 : i32
      %jit3A_3001 = arith.constant 0 : i32
      %broadcast_in_dim3A_3002 = vector.broadcast %jit3A_3000 : i32 to vector<16xi32>
      %broadcast_in_dim3A_3003 = vector.broadcast %jit3A_3001 : i32 to vector<16xi32>
      %select_n3A_3004 = arith.select %eq3A_2999, %broadcast_in_dim3A_3002, %broadcast_in_dim3A_3003 : vector<16xi1>, vector<16xi32>
      %add3A_3005 = arith.addi %add3A_2984, %select_n3A_3004 : vector<16xi32>
      %gt3A_3006 = arith.cmpf ogt, %gather3A_2996, %select_n3A_2991 : vector<16xf32>
      %eq3A_3007 = arith.cmpf oeq, %gather3A_2996, %select_n3A_2991 : vector<16xf32>
      %lt3A_3008 = arith.cmpi slt, %gather3A_2998, %select_n3A_2992 : vector<16xi32>
      %and3A_3009 = arith.andi %eq3A_3007, %lt3A_3008 : vector<16xi1>
      %or3A_3010 = arith.ori %gt3A_3006, %and3A_3009 : vector<16xi1>
      %and3A_3011 = arith.andi %eq3A_2999, %or3A_3010 : vector<16xi1>
      %select_n3A_3012 = arith.select %and3A_3011, %gather3A_2996, %select_n3A_2991 : vector<16xi1>, vector<16xf32>
      %select_n3A_3013 = arith.select %and3A_3011, %gather3A_2998, %select_n3A_2992 : vector<16xi1>, vector<16xi32>
      %gather3A_3014 = vector.shape_cast %reshape3A : vector<16x1xi32> to vector<16xi32>
      %gather3A_3015 = tpu.dynamic_gather %gather3A_2994[%gather3A_3014] in [0] : vector<16xi32>, vector<16xi32> -> vector<16xi32>
      %gather3A_3016 = vector.shape_cast %reshape3A : vector<16x1xi32> to vector<16xi32>
      %gather3A_3017 = tpu.dynamic_gather %gather3A_2996[%gather3A_3016] in [0] : vector<16xf32>, vector<16xi32> -> vector<16xf32>
      %gather3A_3018 = vector.shape_cast %reshape3A : vector<16x1xi32> to vector<16xi32>
      %gather3A_3019 = tpu.dynamic_gather %gather3A_2998[%gather3A_3018] in [0] : vector<16xi32>, vector<16xi32> -> vector<16xi32>
      %eq3A_3020 = arith.cmpi eq, %gather3A_3015, %get3A_2774 : vector<16xi32>
      %jit3A_3021 = arith.constant 1 : i32
      %jit3A_3022 = arith.constant 0 : i32
      %broadcast_in_dim3A_3023 = vector.broadcast %jit3A_3021 : i32 to vector<16xi32>
      %broadcast_in_dim3A_3024 = vector.broadcast %jit3A_3022 : i32 to vector<16xi32>
      %select_n3A_3025 = arith.select %eq3A_3020, %broadcast_in_dim3A_3023, %broadcast_in_dim3A_3024 : vector<16xi1>, vector<16xi32>
      %add3A_3026 = arith.addi %add3A_3005, %select_n3A_3025 : vector<16xi32>
      %gt3A_3027 = arith.cmpf ogt, %gather3A_3017, %select_n3A_3012 : vector<16xf32>
      %eq3A_3028 = arith.cmpf oeq, %gather3A_3017, %select_n3A_3012 : vector<16xf32>
      %lt3A_3029 = arith.cmpi slt, %gather3A_3019, %select_n3A_3013 : vector<16xi32>
      %and3A_3030 = arith.andi %eq3A_3028, %lt3A_3029 : vector<16xi1>
      %or3A_3031 = arith.ori %gt3A_3027, %and3A_3030 : vector<16xi1>
      %and3A_3032 = arith.andi %eq3A_3020, %or3A_3031 : vector<16xi1>
      %select_n3A_3033 = arith.select %and3A_3032, %gather3A_3017, %select_n3A_3012 : vector<16xi1>, vector<16xf32>
      %select_n3A_3034 = arith.select %and3A_3032, %gather3A_3019, %select_n3A_3013 : vector<16xi1>, vector<16xi32>
      %gather3A_3035 = vector.shape_cast %reshape3A : vector<16x1xi32> to vector<16xi32>
      %gather3A_3036 = tpu.dynamic_gather %gather3A_3015[%gather3A_3035] in [0] : vector<16xi32>, vector<16xi32> -> vector<16xi32>
      %gather3A_3037 = vector.shape_cast %reshape3A : vector<16x1xi32> to vector<16xi32>
      %gather3A_3038 = tpu.dynamic_gather %gather3A_3017[%gather3A_3037] in [0] : vector<16xf32>, vector<16xi32> -> vector<16xf32>
      %gather3A_3039 = vector.shape_cast %reshape3A : vector<16x1xi32> to vector<16xi32>
      %gather3A_3040 = tpu.dynamic_gather %gather3A_3019[%gather3A_3039] in [0] : vector<16xi32>, vector<16xi32> -> vector<16xi32>
      %eq3A_3041 = arith.cmpi eq, %gather3A_3036, %get3A_2774 : vector<16xi32>
      %jit3A_3042 = arith.constant 1 : i32
      %jit3A_3043 = arith.constant 0 : i32
      %broadcast_in_dim3A_3044 = vector.broadcast %jit3A_3042 : i32 to vector<16xi32>
      %broadcast_in_dim3A_3045 = vector.broadcast %jit3A_3043 : i32 to vector<16xi32>
      %select_n3A_3046 = arith.select %eq3A_3041, %broadcast_in_dim3A_3044, %broadcast_in_dim3A_3045 : vector<16xi1>, vector<16xi32>
      %add3A_3047 = arith.addi %add3A_3026, %select_n3A_3046 : vector<16xi32>
      %gt3A_3048 = arith.cmpf ogt, %gather3A_3038, %select_n3A_3033 : vector<16xf32>
      %eq3A_3049 = arith.cmpf oeq, %gather3A_3038, %select_n3A_3033 : vector<16xf32>
      %lt3A_3050 = arith.cmpi slt, %gather3A_3040, %select_n3A_3034 : vector<16xi32>
      %and3A_3051 = arith.andi %eq3A_3049, %lt3A_3050 : vector<16xi1>
      %or3A_3052 = arith.ori %gt3A_3048, %and3A_3051 : vector<16xi1>
      %and3A_3053 = arith.andi %eq3A_3041, %or3A_3052 : vector<16xi1>
      %select_n3A_3054 = arith.select %and3A_3053, %gather3A_3038, %select_n3A_3033 : vector<16xi1>, vector<16xf32>
      %select_n3A_3055 = arith.select %and3A_3053, %gather3A_3040, %select_n3A_3034 : vector<16xi1>, vector<16xi32>
      %gather3A_3056 = vector.shape_cast %reshape3A : vector<16x1xi32> to vector<16xi32>
      %gather3A_3057 = tpu.dynamic_gather %gather3A_3036[%gather3A_3056] in [0] : vector<16xi32>, vector<16xi32> -> vector<16xi32>
      %gather3A_3058 = vector.shape_cast %reshape3A : vector<16x1xi32> to vector<16xi32>
      %gather3A_3059 = tpu.dynamic_gather %gather3A_3038[%gather3A_3058] in [0] : vector<16xf32>, vector<16xi32> -> vector<16xf32>
      %gather3A_3060 = vector.shape_cast %reshape3A : vector<16x1xi32> to vector<16xi32>
      %gather3A_3061 = tpu.dynamic_gather %gather3A_3040[%gather3A_3060] in [0] : vector<16xi32>, vector<16xi32> -> vector<16xi32>
      %eq3A_3062 = arith.cmpi eq, %gather3A_3057, %get3A_2774 : vector<16xi32>
      %jit3A_3063 = arith.constant 1 : i32
      %jit3A_3064 = arith.constant 0 : i32
      %broadcast_in_dim3A_3065 = vector.broadcast %jit3A_3063 : i32 to vector<16xi32>
      %broadcast_in_dim3A_3066 = vector.broadcast %jit3A_3064 : i32 to vector<16xi32>
      %select_n3A_3067 = arith.select %eq3A_3062, %broadcast_in_dim3A_3065, %broadcast_in_dim3A_3066 : vector<16xi1>, vector<16xi32>
      %add3A_3068 = arith.addi %add3A_3047, %select_n3A_3067 : vector<16xi32>
      %gt3A_3069 = arith.cmpf ogt, %gather3A_3059, %select_n3A_3054 : vector<16xf32>
      %eq3A_3070 = arith.cmpf oeq, %gather3A_3059, %select_n3A_3054 : vector<16xf32>
      %lt3A_3071 = arith.cmpi slt, %gather3A_3061, %select_n3A_3055 : vector<16xi32>
      %and3A_3072 = arith.andi %eq3A_3070, %lt3A_3071 : vector<16xi1>
      %or3A_3073 = arith.ori %gt3A_3069, %and3A_3072 : vector<16xi1>
      %and3A_3074 = arith.andi %eq3A_3062, %or3A_3073 : vector<16xi1>
      %select_n3A_3075 = arith.select %and3A_3074, %gather3A_3059, %select_n3A_3054 : vector<16xi1>, vector<16xf32>
      %select_n3A_3076 = arith.select %and3A_3074, %gather3A_3061, %select_n3A_3055 : vector<16xi1>, vector<16xi32>
      %gather3A_3077 = vector.shape_cast %reshape3A : vector<16x1xi32> to vector<16xi32>
      %gather3A_3078 = tpu.dynamic_gather %gather3A_3057[%gather3A_3077] in [0] : vector<16xi32>, vector<16xi32> -> vector<16xi32>
      %gather3A_3079 = vector.shape_cast %reshape3A : vector<16x1xi32> to vector<16xi32>
      %gather3A_3080 = tpu.dynamic_gather %gather3A_3059[%gather3A_3079] in [0] : vector<16xf32>, vector<16xi32> -> vector<16xf32>
      %gather3A_3081 = vector.shape_cast %reshape3A : vector<16x1xi32> to vector<16xi32>
      %gather3A_3082 = tpu.dynamic_gather %gather3A_3061[%gather3A_3081] in [0] : vector<16xi32>, vector<16xi32> -> vector<16xi32>
      %eq3A_3083 = arith.cmpi eq, %gather3A_3078, %get3A_2774 : vector<16xi32>
      %jit3A_3084 = arith.constant 1 : i32
      %jit3A_3085 = arith.constant 0 : i32
      %broadcast_in_dim3A_3086 = vector.broadcast %jit3A_3084 : i32 to vector<16xi32>
      %broadcast_in_dim3A_3087 = vector.broadcast %jit3A_3085 : i32 to vector<16xi32>
      %select_n3A_3088 = arith.select %eq3A_3083, %broadcast_in_dim3A_3086, %broadcast_in_dim3A_3087 : vector<16xi1>, vector<16xi32>
      %add3A_3089 = arith.addi %add3A_3068, %select_n3A_3088 : vector<16xi32>
      %gt3A_3090 = arith.cmpf ogt, %gather3A_3080, %select_n3A_3075 : vector<16xf32>
      %eq3A_3091 = arith.cmpf oeq, %gather3A_3080, %select_n3A_3075 : vector<16xf32>
      %lt3A_3092 = arith.cmpi slt, %gather3A_3082, %select_n3A_3076 : vector<16xi32>
      %and3A_3093 = arith.andi %eq3A_3091, %lt3A_3092 : vector<16xi1>
      %or3A_3094 = arith.ori %gt3A_3090, %and3A_3093 : vector<16xi1>
      %and3A_3095 = arith.andi %eq3A_3083, %or3A_3094 : vector<16xi1>
      %select_n3A_3096 = arith.select %and3A_3095, %gather3A_3080, %select_n3A_3075 : vector<16xi1>, vector<16xf32>
      %select_n3A_3097 = arith.select %and3A_3095, %gather3A_3082, %select_n3A_3076 : vector<16xi1>, vector<16xi32>
      %eq3A_3098 = arith.cmpi eq, %select_n3A_3097, %add3A_2781 : vector<16xi32>
      %gather3A_3099 = tpu.vector_load_idx %arg12[%get3A_2774] : memref<2048xi32, #tpu.memory_space<vmem>>[vector<16xi32>], vector<16xi32>,
      %add3A_3100 = arith.addi %gather3A_3099, %add3A_3089 : vector<16xi32>
      tpu.vector_store_idx %arg12[%get3A_2774], %add3A_3100 masked %eq3A_3098 : memref<2048xi32, #tpu.memory_space<vmem>>[vector<16xi32>], vector<16xi32>, vector<16xi1>
      %gather3A_3101 = tpu.vector_load_idx %arg13[%get3A_2774] : memref<2048xf32, #tpu.memory_space<vmem>>[vector<16xi32>], vector<16xf32>,
      %gather3A_3102 = tpu.vector_load_idx %arg14[%get3A_2774] : memref<2048xi32, #tpu.memory_space<vmem>>[vector<16xi32>], vector<16xi32>,
      %gt3A_3103 = arith.cmpf ogt, %select_n3A_3096, %gather3A_3101 : vector<16xf32>
      %eq3A_3104 = arith.cmpf oeq, %select_n3A_3096, %gather3A_3101 : vector<16xf32>
      %lt3A_3105 = arith.cmpi slt, %select_n3A_3097, %gather3A_3102 : vector<16xi32>
      %and3A_3106 = arith.andi %eq3A_3104, %lt3A_3105 : vector<16xi1>
      %or3A_3107 = arith.ori %gt3A_3103, %and3A_3106 : vector<16xi1>
      %and3A_3108 = arith.andi %eq3A_3098, %or3A_3107 : vector<16xi1>
      tpu.vector_store_idx %arg13[%get3A_2774], %select_n3A_3096 masked %and3A_3108 : memref<2048xf32, #tpu.memory_space<vmem>>[vector<16xi32>], vector<16xf32>, vector<16xi1>
      tpu.vector_store_idx %arg14[%get3A_2774], %select_n3A_3097 masked %and3A_3108 : memref<2048xi32, #tpu.memory_space<vmem>>[vector<16xi32>], vector<16xi32>, vector<16xi1>
      %eq3A_3109 = arith.constant 0 : i32
      %eq3A_3110 = vector.broadcast %eq3A_3109 : i32 to vector<16xi32>
      %eq3A_3111 = arith.cmpi eq, %get3A_2774, %eq3A_3110 : vector<16xi32>
      %jit3A_3112 = arith.constant 0.000000e+00 : f32
      %broadcast_in_dim3A_3113 = vector.broadcast %jit3A_3112 : f32 to vector<16xf32>
      %select_n3A_3114 = arith.select %eq3A_3111, %get3A_2776, %broadcast_in_dim3A_3113 : vector<16xi1>, vector<16xf32>
      %add3A_3115 = arith.addf %scan3A_2769, %select_n3A_3114 : vector<16xf32>
      %eq3A_3116 = arith.constant 0 : i32
      %eq3A_3117 = vector.broadcast %eq3A_3116 : i32 to vector<16xi32>
      %eq3A_3118 = arith.cmpi eq, %get3A_2774, %eq3A_3117 : vector<16xi32>
      %jit3A_3119 = arith.constant 1.000000e+00 : f32
      %jit3A_3120 = arith.constant 0.000000e+00 : f32
      %broadcast_in_dim3A_3121 = vector.broadcast %jit3A_3119 : f32 to vector<16xf32>
      %broadcast_in_dim3A_3122 = vector.broadcast %jit3A_3120 : f32 to vector<16xf32>
      %select_n3A_3123 = arith.select %eq3A_3118, %broadcast_in_dim3A_3121, %broadcast_in_dim3A_3122 : vector<16xi1>, vector<16xf32>
      %add3A_3124 = arith.addf %scan3A_2770, %select_n3A_3123 : vector<16xf32>
      scf.yield %add3A_3115, %add3A_3124 : vector<16xf32>, vector<16xf32>
    }
    %scan3A_21 = arith.constant 40 : i32
    %reduce_sum3A = arith.constant true
    %reduce_sum3A_22 = vector.broadcast %reduce_sum3A : i1 to vector<16xi1>
    %reduce_sum3A_23 = tpu.scan <sum>, %scan3A_20#0 masked %reduce_sum3A_22 : vector<16xf32>, vector<16xi1> -> vector<16xf32>
    %reduce_sum3A_24 = vector.extract %reduce_sum3A_23[15] : f32 from vector<16xf32>
    %reduce_sum3A_25 = arith.constant true
    %reduce_sum3A_26 = vector.broadcast %reduce_sum3A_25 : i1 to vector<16xi1>
    %reduce_sum3A_27 = tpu.scan <sum>, %scan3A_20#1 masked %reduce_sum3A_26 : vector<16xf32>, vector<16xi1> -> vector<16xf32>
    %reduce_sum3A_28 = vector.extract %reduce_sum3A_27[15] : f32 from vector<16xf32>
    "tpu.region"() ({
      %run_scoped3A = tpu.sem_alloc : memref<!tpu.dma_semaphore, #tpu.memory_space<semaphore_mem>>
      %dma_start3A = arith.constant 0 : i32
      %dma_start3A_2768 = tpu.memref_slice %arg26[%arg1, %dma_start3A] : memref<16x2048xi32, #tpu.memory_space<vmem_shared>> -> memref<1x2048xi32, #tpu.memory_space<vmem_shared>>
      %dma_start3A_2769 = tpu.memref_squeeze %dma_start3A_2768 : memref<1x2048xi32, #tpu.memory_space<vmem_shared>> -> memref<2048xi32, #tpu.memory_space<vmem_shared>>
      %dma_start3A_2770 = arith.constant 0 : i32
      %dma_start3A_2771 = tpu.memref_slice %arg26[%arg1, %dma_start3A_2770] : memref<16x2048xi32, #tpu.memory_space<vmem_shared>> -> memref<1x2048xi32, #tpu.memory_space<vmem_shared>>
      %dma_start3A_2772 = tpu.memref_squeeze %dma_start3A_2771 : memref<1x2048xi32, #tpu.memory_space<vmem_shared>> -> memref<2048xi32, #tpu.memory_space<vmem_shared>>
      tpu.enqueue_dma source(%arg12 : memref<2048xi32, #tpu.memory_space<vmem>>) target(%dma_start3A_2772 : memref<2048xi32, #tpu.memory_space<vmem_shared>>) target_semaphore(%run_scoped3A : memref<!tpu.dma_semaphore, #tpu.memory_space<semaphore_mem>>)
      %dma_wait3A = arith.constant 0 : i32
      %dma_wait3A_2773 = tpu.memref_slice %arg26[%arg1, %dma_wait3A] : memref<16x2048xi32, #tpu.memory_space<vmem_shared>> -> memref<1x2048xi32, #tpu.memory_space<vmem_shared>>
      %dma_wait3A_2774 = tpu.memref_squeeze %dma_wait3A_2773 : memref<1x2048xi32, #tpu.memory_space<vmem_shared>> -> memref<2048xi32, #tpu.memory_space<vmem_shared>>
      %dma_wait3A_2775 = arith.constant 0 : i32
      %dma_wait3A_2776 = tpu.memref_slice %arg26[%arg1, %dma_wait3A_2775] : memref<16x2048xi32, #tpu.memory_space<vmem_shared>> -> memref<1x2048xi32, #tpu.memory_space<vmem_shared>>
      %dma_wait3A_2777 = tpu.memref_squeeze %dma_wait3A_2776 : memref<1x2048xi32, #tpu.memory_space<vmem_shared>> -> memref<2048xi32, #tpu.memory_space<vmem_shared>>
      tpu.wait_dma2 semaphore(%run_scoped3A : memref<!tpu.dma_semaphore, #tpu.memory_space<semaphore_mem>>) src(%arg12 : memref<2048xi32, #tpu.memory_space<vmem>>) dst(%dma_wait3A_2777 : memref<2048xi32, #tpu.memory_space<vmem_shared>>)
      tpu.yield
    }) : () -> ()
    "tpu.region"() ({
      %run_scoped3A = tpu.sem_alloc : memref<!tpu.dma_semaphore, #tpu.memory_space<semaphore_mem>>
      %dma_start3A = arith.constant 0 : i32
      %dma_start3A_2768 = tpu.memref_slice %arg27[%arg1, %dma_start3A] : memref<16x2048xf32, #tpu.memory_space<vmem_shared>> -> memref<1x2048xf32, #tpu.memory_space<vmem_shared>>
      %dma_start3A_2769 = tpu.memref_squeeze %dma_start3A_2768 : memref<1x2048xf32, #tpu.memory_space<vmem_shared>> -> memref<2048xf32, #tpu.memory_space<vmem_shared>>
      %dma_start3A_2770 = arith.constant 0 : i32
      %dma_start3A_2771 = tpu.memref_slice %arg27[%arg1, %dma_start3A_2770] : memref<16x2048xf32, #tpu.memory_space<vmem_shared>> -> memref<1x2048xf32, #tpu.memory_space<vmem_shared>>
      %dma_start3A_2772 = tpu.memref_squeeze %dma_start3A_2771 : memref<1x2048xf32, #tpu.memory_space<vmem_shared>> -> memref<2048xf32, #tpu.memory_space<vmem_shared>>
      tpu.enqueue_dma source(%arg13 : memref<2048xf32, #tpu.memory_space<vmem>>) target(%dma_start3A_2772 : memref<2048xf32, #tpu.memory_space<vmem_shared>>) target_semaphore(%run_scoped3A : memref<!tpu.dma_semaphore, #tpu.memory_space<semaphore_mem>>)
      %dma_wait3A = arith.constant 0 : i32
      %dma_wait3A_2773 = tpu.memref_slice %arg27[%arg1, %dma_wait3A] : memref<16x2048xf32, #tpu.memory_space<vmem_shared>> -> memref<1x2048xf32, #tpu.memory_space<vmem_shared>>
      %dma_wait3A_2774 = tpu.memref_squeeze %dma_wait3A_2773 : memref<1x2048xf32, #tpu.memory_space<vmem_shared>> -> memref<2048xf32, #tpu.memory_space<vmem_shared>>
      %dma_wait3A_2775 = arith.constant 0 : i32
      %dma_wait3A_2776 = tpu.memref_slice %arg27[%arg1, %dma_wait3A_2775] : memref<16x2048xf32, #tpu.memory_space<vmem_shared>> -> memref<1x2048xf32, #tpu.memory_space<vmem_shared>>
      %dma_wait3A_2777 = tpu.memref_squeeze %dma_wait3A_2776 : memref<1x2048xf32, #tpu.memory_space<vmem_shared>> -> memref<2048xf32, #tpu.memory_space<vmem_shared>>
      tpu.wait_dma2 semaphore(%run_scoped3A : memref<!tpu.dma_semaphore, #tpu.memory_space<semaphore_mem>>) src(%arg13 : memref<2048xf32, #tpu.memory_space<vmem>>) dst(%dma_wait3A_2777 : memref<2048xf32, #tpu.memory_space<vmem_shared>>)
      tpu.yield
    }) : () -> ()
    "tpu.region"() ({
      %run_scoped3A = tpu.sem_alloc : memref<!tpu.dma_semaphore, #tpu.memory_space<semaphore_mem>>
      %dma_start3A = arith.constant 0 : i32
      %dma_start3A_2768 = tpu.memref_slice %arg28[%arg1, %dma_start3A] : memref<16x2048xi32, #tpu.memory_space<vmem_shared>> -> memref<1x2048xi32, #tpu.memory_space<vmem_shared>>
      %dma_start3A_2769 = tpu.memref_squeeze %dma_start3A_2768 : memref<1x2048xi32, #tpu.memory_space<vmem_shared>> -> memref<2048xi32, #tpu.memory_space<vmem_shared>>
      %dma_start3A_2770 = arith.constant 0 : i32
      %dma_start3A_2771 = tpu.memref_slice %arg28[%arg1, %dma_start3A_2770] : memref<16x2048xi32, #tpu.memory_space<vmem_shared>> -> memref<1x2048xi32, #tpu.memory_space<vmem_shared>>
      %dma_start3A_2772 = tpu.memref_squeeze %dma_start3A_2771 : memref<1x2048xi32, #tpu.memory_space<vmem_shared>> -> memref<2048xi32, #tpu.memory_space<vmem_shared>>
      tpu.enqueue_dma source(%arg14 : memref<2048xi32, #tpu.memory_space<vmem>>) target(%dma_start3A_2772 : memref<2048xi32, #tpu.memory_space<vmem_shared>>) target_semaphore(%run_scoped3A : memref<!tpu.dma_semaphore, #tpu.memory_space<semaphore_mem>>)
      %dma_wait3A = arith.constant 0 : i32
      %dma_wait3A_2773 = tpu.memref_slice %arg28[%arg1, %dma_wait3A] : memref<16x2048xi32, #tpu.memory_space<vmem_shared>> -> memref<1x2048xi32, #tpu.memory_space<vmem_shared>>
      %dma_wait3A_2774 = tpu.memref_squeeze %dma_wait3A_2773 : memref<1x2048xi32, #tpu.memory_space<vmem_shared>> -> memref<2048xi32, #tpu.memory_space<vmem_shared>>
      %dma_wait3A_2775 = arith.constant 0 : i32
      %dma_wait3A_2776 = tpu.memref_slice %arg28[%arg1, %dma_wait3A_2775] : memref<16x2048xi32, #tpu.memory_space<vmem_shared>> -> memref<1x2048xi32, #tpu.memory_space<vmem_shared>>
      %dma_wait3A_2777 = tpu.memref_squeeze %dma_wait3A_2776 : memref<1x2048xi32, #tpu.memory_space<vmem_shared>> -> memref<2048xi32, #tpu.memory_space<vmem_shared>>
      tpu.wait_dma2 semaphore(%run_scoped3A : memref<!tpu.dma_semaphore, #tpu.memory_space<semaphore_mem>>) src(%arg14 : memref<2048xi32, #tpu.memory_space<vmem>>) dst(%dma_wait3A_2777 : memref<2048xi32, #tpu.memory_space<vmem_shared>>)
      tpu.yield
    }) : () -> ()
    %iota3A_29 = tpu.iota {dimensions = array<i32: 0>} : vector<16xi32>
    %eq3A = arith.constant 0 : i32
    %eq3A_30 = vector.broadcast %eq3A : i32 to vector<16xi32>
    %eq3A_31 = arith.cmpi eq, %iota3A_29, %eq3A_30 : vector<16xi32>
    %jit3A = arith.constant 0.000000e+00 : f32
    %broadcast_in_dim3A_32 = vector.broadcast %reduce_sum3A_24 : f32 to vector<16xf32>
    %broadcast_in_dim3A_33 = vector.broadcast %jit3A : f32 to vector<16xf32>
    %select_n3A = arith.select %eq3A_31, %broadcast_in_dim3A_32, %broadcast_in_dim3A_33 : vector<16xi1>, vector<16xf32>
    %eq3A_34 = arith.constant 1 : i32
    %eq3A_35 = vector.broadcast %eq3A_34 : i32 to vector<16xi32>
    %eq3A_36 = arith.cmpi eq, %iota3A_29, %eq3A_35 : vector<16xi32>
    %jit3A_37 = arith.constant 0.000000e+00 : f32
    %broadcast_in_dim3A_38 = vector.broadcast %reduce_sum3A_28 : f32 to vector<16xf32>
    %broadcast_in_dim3A_39 = vector.broadcast %jit3A_37 : f32 to vector<16xf32>
    %select_n3A_40 = arith.select %eq3A_36, %broadcast_in_dim3A_38, %broadcast_in_dim3A_39 : vector<16xi1>, vector<16xf32>
    %add3A_41 = arith.addf %select_n3A, %select_n3A_40 : vector<16xf32>
    %swap3A = arith.constant 0 : index
    %swap3A_42 = tpu.vector_load %arg24[%swap3A] {strides = array<i32>} : memref<16xf32, #tpu.memory_space<vmem>>, vector<16xf32>,
    tpu.vector_store %arg24[%swap3A], %add3A_41 {strides = array<i32>} : memref<16xf32, #tpu.memory_space<vmem>>, vector<16xf32>,
    "tpu.region"() ({
      %run_scoped3A = tpu.sem_alloc : memref<!tpu.dma_semaphore, #tpu.memory_space<semaphore_mem>>
      %dma_start3A = arith.constant 0 : i32
      %dma_start3A_2768 = tpu.memref_slice %arg29[%arg1, %dma_start3A] : memref<16x16xf32, #tpu.memory_space<vmem_shared>> -> memref<1x16xf32, #tpu.memory_space<vmem_shared>>
      %dma_start3A_2769 = tpu.memref_squeeze %dma_start3A_2768 : memref<1x16xf32, #tpu.memory_space<vmem_shared>> -> memref<16xf32, #tpu.memory_space<vmem_shared>>
      %dma_start3A_2770 = arith.constant 0 : i32
      %dma_start3A_2771 = tpu.memref_slice %arg29[%arg1, %dma_start3A_2770] : memref<16x16xf32, #tpu.memory_space<vmem_shared>> -> memref<1x16xf32, #tpu.memory_space<vmem_shared>>
      %dma_start3A_2772 = tpu.memref_squeeze %dma_start3A_2771 : memref<1x16xf32, #tpu.memory_space<vmem_shared>> -> memref<16xf32, #tpu.memory_space<vmem_shared>>
      tpu.enqueue_dma source(%arg24 : memref<16xf32, #tpu.memory_space<vmem>>) target(%dma_start3A_2772 : memref<16xf32, #tpu.memory_space<vmem_shared>>) target_semaphore(%run_scoped3A : memref<!tpu.dma_semaphore, #tpu.memory_space<semaphore_mem>>)
      %dma_wait3A = arith.constant 0 : i32
      %dma_wait3A_2773 = tpu.memref_slice %arg29[%arg1, %dma_wait3A] : memref<16x16xf32, #tpu.memory_space<vmem_shared>> -> memref<1x16xf32, #tpu.memory_space<vmem_shared>>
      %dma_wait3A_2774 = tpu.memref_squeeze %dma_wait3A_2773 : memref<1x16xf32, #tpu.memory_space<vmem_shared>> -> memref<16xf32, #tpu.memory_space<vmem_shared>>
      %dma_wait3A_2775 = arith.constant 0 : i32
      %dma_wait3A_2776 = tpu.memref_slice %arg29[%arg1, %dma_wait3A_2775] : memref<16x16xf32, #tpu.memory_space<vmem_shared>> -> memref<1x16xf32, #tpu.memory_space<vmem_shared>>
      %dma_wait3A_2777 = tpu.memref_squeeze %dma_wait3A_2776 : memref<1x16xf32, #tpu.memory_space<vmem_shared>> -> memref<16xf32, #tpu.memory_space<vmem_shared>>
      tpu.wait_dma2 semaphore(%run_scoped3A : memref<!tpu.dma_semaphore, #tpu.memory_space<semaphore_mem>>) src(%arg24 : memref<16xf32, #tpu.memory_space<vmem>>) dst(%dma_wait3A_2777 : memref<16xf32, #tpu.memory_space<vmem_shared>>)
      tpu.yield
    }) : () -> ()
    %barrier3A = arith.constant 0 : index
    tpu.barrier barrier_id(%barrier3A)
    %mul3A_43 = arith.constant 128 : i32
    %mul3A_44 = arith.muli %arg1, %mul3A_43 : i32
    "tpu.region"() ({
      %run_scoped3A = tpu.sem_alloc : memref<!tpu.dma_semaphore, #tpu.memory_space<semaphore_mem>>
      %dma_start3A = arith.constant 0 : i32
      %dma_start3A_2768 = tpu.memref_slice %arg26[%dma_start3A, %mul3A_44] : memref<16x2048xi32, #tpu.memory_space<vmem_shared>> -> memref<16x128xi32, #tpu.memory_space<vmem_shared>>
      %dma_start3A_2769 = arith.constant 0 : i32
      %dma_start3A_2770 = tpu.memref_slice %arg26[%dma_start3A_2769, %mul3A_44] : memref<16x2048xi32, #tpu.memory_space<vmem_shared>> -> memref<16x128xi32, #tpu.memory_space<vmem_shared>>
      tpu.enqueue_dma source(%dma_start3A_2770 : memref<16x128xi32, #tpu.memory_space<vmem_shared>>) target(%arg15 : memref<16x128xi32, #tpu.memory_space<vmem>>) target_semaphore(%run_scoped3A : memref<!tpu.dma_semaphore, #tpu.memory_space<semaphore_mem>>)
      %dma_wait3A = arith.constant 0 : i32
      %dma_wait3A_2771 = tpu.memref_slice %arg26[%dma_wait3A, %mul3A_44] : memref<16x2048xi32, #tpu.memory_space<vmem_shared>> -> memref<16x128xi32, #tpu.memory_space<vmem_shared>>
      %dma_wait3A_2772 = arith.constant 0 : i32
      %dma_wait3A_2773 = tpu.memref_slice %arg26[%dma_wait3A_2772, %mul3A_44] : memref<16x2048xi32, #tpu.memory_space<vmem_shared>> -> memref<16x128xi32, #tpu.memory_space<vmem_shared>>
      tpu.wait_dma2 semaphore(%run_scoped3A : memref<!tpu.dma_semaphore, #tpu.memory_space<semaphore_mem>>) src(%dma_wait3A_2773 : memref<16x128xi32, #tpu.memory_space<vmem_shared>>) dst(%arg15 : memref<16x128xi32, #tpu.memory_space<vmem>>)
      tpu.yield
    }) : () -> ()
    "tpu.region"() ({
      %run_scoped3A = tpu.sem_alloc : memref<!tpu.dma_semaphore, #tpu.memory_space<semaphore_mem>>
      %dma_start3A = arith.constant 0 : i32
      %dma_start3A_2768 = tpu.memref_slice %arg27[%dma_start3A, %mul3A_44] : memref<16x2048xf32, #tpu.memory_space<vmem_shared>> -> memref<16x128xf32, #tpu.memory_space<vmem_shared>>
      %dma_start3A_2769 = arith.constant 0 : i32
      %dma_start3A_2770 = tpu.memref_slice %arg27[%dma_start3A_2769, %mul3A_44] : memref<16x2048xf32, #tpu.memory_space<vmem_shared>> -> memref<16x128xf32, #tpu.memory_space<vmem_shared>>
      tpu.enqueue_dma source(%dma_start3A_2770 : memref<16x128xf32, #tpu.memory_space<vmem_shared>>) target(%arg16 : memref<16x128xf32, #tpu.memory_space<vmem>>) target_semaphore(%run_scoped3A : memref<!tpu.dma_semaphore, #tpu.memory_space<semaphore_mem>>)
      %dma_wait3A = arith.constant 0 : i32
      %dma_wait3A_2771 = tpu.memref_slice %arg27[%dma_wait3A, %mul3A_44] : memref<16x2048xf32, #tpu.memory_space<vmem_shared>> -> memref<16x128xf32, #tpu.memory_space<vmem_shared>>
      %dma_wait3A_2772 = arith.constant 0 : i32
      %dma_wait3A_2773 = tpu.memref_slice %arg27[%dma_wait3A_2772, %mul3A_44] : memref<16x2048xf32, #tpu.memory_space<vmem_shared>> -> memref<16x128xf32, #tpu.memory_space<vmem_shared>>
      tpu.wait_dma2 semaphore(%run_scoped3A : memref<!tpu.dma_semaphore, #tpu.memory_space<semaphore_mem>>) src(%dma_wait3A_2773 : memref<16x128xf32, #tpu.memory_space<vmem_shared>>) dst(%arg16 : memref<16x128xf32, #tpu.memory_space<vmem>>)
      tpu.yield
    }) : () -> ()
    "tpu.region"() ({
      %run_scoped3A = tpu.sem_alloc : memref<!tpu.dma_semaphore, #tpu.memory_space<semaphore_mem>>
      %dma_start3A = arith.constant 0 : i32
      %dma_start3A_2768 = tpu.memref_slice %arg28[%dma_start3A, %mul3A_44] : memref<16x2048xi32, #tpu.memory_space<vmem_shared>> -> memref<16x128xi32, #tpu.memory_space<vmem_shared>>
      %dma_start3A_2769 = arith.constant 0 : i32
      %dma_start3A_2770 = tpu.memref_slice %arg28[%dma_start3A_2769, %mul3A_44] : memref<16x2048xi32, #tpu.memory_space<vmem_shared>> -> memref<16x128xi32, #tpu.memory_space<vmem_shared>>
      tpu.enqueue_dma source(%dma_start3A_2770 : memref<16x128xi32, #tpu.memory_space<vmem_shared>>) target(%arg17 : memref<16x128xi32, #tpu.memory_space<vmem>>) target_semaphore(%run_scoped3A : memref<!tpu.dma_semaphore, #tpu.memory_space<semaphore_mem>>)
      %dma_wait3A = arith.constant 0 : i32
      %dma_wait3A_2771 = tpu.memref_slice %arg28[%dma_wait3A, %mul3A_44] : memref<16x2048xi32, #tpu.memory_space<vmem_shared>> -> memref<16x128xi32, #tpu.memory_space<vmem_shared>>
      %dma_wait3A_2772 = arith.constant 0 : i32
      %dma_wait3A_2773 = tpu.memref_slice %arg28[%dma_wait3A_2772, %mul3A_44] : memref<16x2048xi32, #tpu.memory_space<vmem_shared>> -> memref<16x128xi32, #tpu.memory_space<vmem_shared>>
      tpu.wait_dma2 semaphore(%run_scoped3A : memref<!tpu.dma_semaphore, #tpu.memory_space<semaphore_mem>>) src(%dma_wait3A_2773 : memref<16x128xi32, #tpu.memory_space<vmem_shared>>) dst(%arg17 : memref<16x128xi32, #tpu.memory_space<vmem>>)
      tpu.yield
    }) : () -> ()
    %broadcast_in_dim3A_45 = arith.constant 0 : i32
    %broadcast_in_dim3A_46 = vector.broadcast %broadcast_in_dim3A_45 : i32 to vector<16xi32>
    %broadcast_in_dim3A_47 = arith.constant -1.000000e+00 : f32
    %broadcast_in_dim3A_48 = vector.broadcast %broadcast_in_dim3A_47 : f32 to vector<16xf32>
    %broadcast_in_dim3A_49 = arith.constant 1073741824 : i32
    %broadcast_in_dim3A_50 = vector.broadcast %broadcast_in_dim3A_49 : i32 to vector<16xi32>
    %get3A = arith.constant 0 : i32
    %get3A_51 = arith.index_cast %get3A : i32 to index
    %get3A_52 = arith.constant 0 : index
    %get3A_53 = tpu.vector_load %arg15[%get3A_51, %get3A_52] {strides = array<i32>} : memref<16x128xi32, #tpu.memory_space<vmem>>, vector<16xi32>,
    %get3A_54 = arith.constant 0 : i32
    %get3A_55 = arith.index_cast %get3A_54 : i32 to index
    %get3A_56 = arith.constant 0 : index
    %get3A_57 = tpu.vector_load %arg16[%get3A_55, %get3A_56] {strides = array<i32>} : memref<16x128xf32, #tpu.memory_space<vmem>>, vector<16xf32>,
    %get3A_58 = arith.constant 0 : i32
    %get3A_59 = arith.index_cast %get3A_58 : i32 to index
    %get3A_60 = arith.constant 0 : index
    %get3A_61 = tpu.vector_load %arg17[%get3A_59, %get3A_60] {strides = array<i32>} : memref<16x128xi32, #tpu.memory_space<vmem>>, vector<16xi32>,
    %add3A_62 = arith.addi %broadcast_in_dim3A_46, %get3A_53 : vector<16xi32>
    %gt3A = arith.cmpf ogt, %get3A_57, %broadcast_in_dim3A_48 : vector<16xf32>
    %eq3A_63 = arith.cmpf oeq, %get3A_57, %broadcast_in_dim3A_48 : vector<16xf32>
    %lt3A = arith.cmpi slt, %get3A_61, %broadcast_in_dim3A_50 : vector<16xi32>
    %and3A_64 = arith.andi %eq3A_63, %lt3A : vector<16xi1>
    %or3A = arith.ori %gt3A, %and3A_64 : vector<16xi1>
    %select_n3A_65 = arith.select %or3A, %get3A_57, %broadcast_in_dim3A_48 : vector<16xi1>, vector<16xf32>
    %select_n3A_66 = arith.select %or3A, %get3A_61, %broadcast_in_dim3A_50 : vector<16xi1>, vector<16xi32>
    %get3A_67 = arith.constant 1 : i32
    %get3A_68 = arith.index_cast %get3A_67 : i32 to index
    %get3A_69 = arith.constant 0 : index
    %get3A_70 = tpu.vector_load %arg15[%get3A_68, %get3A_69] {strides = array<i32>} : memref<16x128xi32, #tpu.memory_space<vmem>>, vector<16xi32>,
    %get3A_71 = arith.constant 1 : i32
    %get3A_72 = arith.index_cast %get3A_71 : i32 to index
    %get3A_73 = arith.constant 0 : index
    %get3A_74 = tpu.vector_load %arg16[%get3A_72, %get3A_73] {strides = array<i32>} : memref<16x128xf32, #tpu.memory_space<vmem>>, vector<16xf32>,
    %get3A_75 = arith.constant 1 : i32
    %get3A_76 = arith.index_cast %get3A_75 : i32 to index
    %get3A_77 = arith.constant 0 : index
    %get3A_78 = tpu.vector_load %arg17[%get3A_76, %get3A_77] {strides = array<i32>} : memref<16x128xi32, #tpu.memory_space<vmem>>, vector<16xi32>,
    %add3A_79 = arith.addi %add3A_62, %get3A_70 : vector<16xi32>
    %gt3A_80 = arith.cmpf ogt, %get3A_74, %select_n3A_65 : vector<16xf32>
    %eq3A_81 = arith.cmpf oeq, %get3A_74, %select_n3A_65 : vector<16xf32>
    %lt3A_82 = arith.cmpi slt, %get3A_78, %select_n3A_66 : vector<16xi32>
    %and3A_83 = arith.andi %eq3A_81, %lt3A_82 : vector<16xi1>
    %or3A_84 = arith.ori %gt3A_80, %and3A_83 : vector<16xi1>
    %select_n3A_85 = arith.select %or3A_84, %get3A_74, %select_n3A_65 : vector<16xi1>, vector<16xf32>
    %select_n3A_86 = arith.select %or3A_84, %get3A_78, %select_n3A_66 : vector<16xi1>, vector<16xi32>
    %get3A_87 = arith.constant 2 : i32
    %get3A_88 = arith.index_cast %get3A_87 : i32 to index
    %get3A_89 = arith.constant 0 : index
    %get3A_90 = tpu.vector_load %arg15[%get3A_88, %get3A_89] {strides = array<i32>} : memref<16x128xi32, #tpu.memory_space<vmem>>, vector<16xi32>,
    %get3A_91 = arith.constant 2 : i32
    %get3A_92 = arith.index_cast %get3A_91 : i32 to index
    %get3A_93 = arith.constant 0 : index
    %get3A_94 = tpu.vector_load %arg16[%get3A_92, %get3A_93] {strides = array<i32>} : memref<16x128xf32, #tpu.memory_space<vmem>>, vector<16xf32>,
    %get3A_95 = arith.constant 2 : i32
    %get3A_96 = arith.index_cast %get3A_95 : i32 to index
    %get3A_97 = arith.constant 0 : index
    %get3A_98 = tpu.vector_load %arg17[%get3A_96, %get3A_97] {strides = array<i32>} : memref<16x128xi32, #tpu.memory_space<vmem>>, vector<16xi32>,
    %add3A_99 = arith.addi %add3A_79, %get3A_90 : vector<16xi32>
    %gt3A_100 = arith.cmpf ogt, %get3A_94, %select_n3A_85 : vector<16xf32>
    %eq3A_101 = arith.cmpf oeq, %get3A_94, %select_n3A_85 : vector<16xf32>
    %lt3A_102 = arith.cmpi slt, %get3A_98, %select_n3A_86 : vector<16xi32>
    %and3A_103 = arith.andi %eq3A_101, %lt3A_102 : vector<16xi1>
    %or3A_104 = arith.ori %gt3A_100, %and3A_103 : vector<16xi1>
    %select_n3A_105 = arith.select %or3A_104, %get3A_94, %select_n3A_85 : vector<16xi1>, vector<16xf32>
    %select_n3A_106 = arith.select %or3A_104, %get3A_98, %select_n3A_86 : vector<16xi1>, vector<16xi32>
    %get3A_107 = arith.constant 3 : i32
    %get3A_108 = arith.index_cast %get3A_107 : i32 to index
    %get3A_109 = arith.constant 0 : index
    %get3A_110 = tpu.vector_load %arg15[%get3A_108, %get3A_109] {strides = array<i32>} : memref<16x128xi32, #tpu.memory_space<vmem>>, vector<16xi32>,
    %get3A_111 = arith.constant 3 : i32
    %get3A_112 = arith.index_cast %get3A_111 : i32 to index
    %get3A_113 = arith.constant 0 : index
    %get3A_114 = tpu.vector_load %arg16[%get3A_112, %get3A_113] {strides = array<i32>} : memref<16x128xf32, #tpu.memory_space<vmem>>, vector<16xf32>,
    %get3A_115 = arith.constant 3 : i32
    %get3A_116 = arith.index_cast %get3A_115 : i32 to index
    %get3A_117 = arith.constant 0 : index
    %get3A_118 = tpu.vector_load %arg17[%get3A_116, %get3A_117] {strides = array<i32>} : memref<16x128xi32, #tpu.memory_space<vmem>>, vector<16xi32>,
    %add3A_119 = arith.addi %add3A_99, %get3A_110 : vector<16xi32>
    %gt3A_120 = arith.cmpf ogt, %get3A_114, %select_n3A_105 : vector<16xf32>
    %eq3A_121 = arith.cmpf oeq, %get3A_114, %select_n3A_105 : vector<16xf32>
    %lt3A_122 = arith.cmpi slt, %get3A_118, %select_n3A_106 : vector<16xi32>
    %and3A_123 = arith.andi %eq3A_121, %lt3A_122 : vector<16xi1>
    %or3A_124 = arith.ori %gt3A_120, %and3A_123 : vector<16xi1>
    %select_n3A_125 = arith.select %or3A_124, %get3A_114, %select_n3A_105 : vector<16xi1>, vector<16xf32>
    %select_n3A_126 = arith.select %or3A_124, %get3A_118, %select_n3A_106 : vector<16xi1>, vector<16xi32>
    %get3A_127 = arith.constant 4 : i32
    %get3A_128 = arith.index_cast %get3A_127 : i32 to index
    %get3A_129 = arith.constant 0 : index
    %get3A_130 = tpu.vector_load %arg15[%get3A_128, %get3A_129] {strides = array<i32>} : memref<16x128xi32, #tpu.memory_space<vmem>>, vector<16xi32>,
    %get3A_131 = arith.constant 4 : i32
    %get3A_132 = arith.index_cast %get3A_131 : i32 to index
    %get3A_133 = arith.constant 0 : index
    %get3A_134 = tpu.vector_load %arg16[%get3A_132, %get3A_133] {strides = array<i32>} : memref<16x128xf32, #tpu.memory_space<vmem>>, vector<16xf32>,
    %get3A_135 = arith.constant 4 : i32
    %get3A_136 = arith.index_cast %get3A_135 : i32 to index
    %get3A_137 = arith.constant 0 : index
    %get3A_138 = tpu.vector_load %arg17[%get3A_136, %get3A_137] {strides = array<i32>} : memref<16x128xi32, #tpu.memory_space<vmem>>, vector<16xi32>,
    %add3A_139 = arith.addi %add3A_119, %get3A_130 : vector<16xi32>
    %gt3A_140 = arith.cmpf ogt, %get3A_134, %select_n3A_125 : vector<16xf32>
    %eq3A_141 = arith.cmpf oeq, %get3A_134, %select_n3A_125 : vector<16xf32>
    %lt3A_142 = arith.cmpi slt, %get3A_138, %select_n3A_126 : vector<16xi32>
    %and3A_143 = arith.andi %eq3A_141, %lt3A_142 : vector<16xi1>
    %or3A_144 = arith.ori %gt3A_140, %and3A_143 : vector<16xi1>
    %select_n3A_145 = arith.select %or3A_144, %get3A_134, %select_n3A_125 : vector<16xi1>, vector<16xf32>
    %select_n3A_146 = arith.select %or3A_144, %get3A_138, %select_n3A_126 : vector<16xi1>, vector<16xi32>
    %get3A_147 = arith.constant 5 : i32
    %get3A_148 = arith.index_cast %get3A_147 : i32 to index
    %get3A_149 = arith.constant 0 : index
    %get3A_150 = tpu.vector_load %arg15[%get3A_148, %get3A_149] {strides = array<i32>} : memref<16x128xi32, #tpu.memory_space<vmem>>, vector<16xi32>,
    %get3A_151 = arith.constant 5 : i32
    %get3A_152 = arith.index_cast %get3A_151 : i32 to index
    %get3A_153 = arith.constant 0 : index
    %get3A_154 = tpu.vector_load %arg16[%get3A_152, %get3A_153] {strides = array<i32>} : memref<16x128xf32, #tpu.memory_space<vmem>>, vector<16xf32>,
    %get3A_155 = arith.constant 5 : i32
    %get3A_156 = arith.index_cast %get3A_155 : i32 to index
    %get3A_157 = arith.constant 0 : index
    %get3A_158 = tpu.vector_load %arg17[%get3A_156, %get3A_157] {strides = array<i32>} : memref<16x128xi32, #tpu.memory_space<vmem>>, vector<16xi32>,
    %add3A_159 = arith.addi %add3A_139, %get3A_150 : vector<16xi32>
    %gt3A_160 = arith.cmpf ogt, %get3A_154, %select_n3A_145 : vector<16xf32>
    %eq3A_161 = arith.cmpf oeq, %get3A_154, %select_n3A_145 : vector<16xf32>
    %lt3A_162 = arith.cmpi slt, %get3A_158, %select_n3A_146 : vector<16xi32>
    %and3A_163 = arith.andi %eq3A_161, %lt3A_162 : vector<16xi1>
    %or3A_164 = arith.ori %gt3A_160, %and3A_163 : vector<16xi1>
    %select_n3A_165 = arith.select %or3A_164, %get3A_154, %select_n3A_145 : vector<16xi1>, vector<16xf32>
    %select_n3A_166 = arith.select %or3A_164, %get3A_158, %select_n3A_146 : vector<16xi1>, vector<16xi32>
    %get3A_167 = arith.constant 6 : i32
    %get3A_168 = arith.index_cast %get3A_167 : i32 to index
    %get3A_169 = arith.constant 0 : index
    %get3A_170 = tpu.vector_load %arg15[%get3A_168, %get3A_169] {strides = array<i32>} : memref<16x128xi32, #tpu.memory_space<vmem>>, vector<16xi32>,
    %get3A_171 = arith.constant 6 : i32
    %get3A_172 = arith.index_cast %get3A_171 : i32 to index
    %get3A_173 = arith.constant 0 : index
    %get3A_174 = tpu.vector_load %arg16[%get3A_172, %get3A_173] {strides = array<i32>} : memref<16x128xf32, #tpu.memory_space<vmem>>, vector<16xf32>,
    %get3A_175 = arith.constant 6 : i32
    %get3A_176 = arith.index_cast %get3A_175 : i32 to index
    %get3A_177 = arith.constant 0 : index
    %get3A_178 = tpu.vector_load %arg17[%get3A_176, %get3A_177] {strides = array<i32>} : memref<16x128xi32, #tpu.memory_space<vmem>>, vector<16xi32>,
    %add3A_179 = arith.addi %add3A_159, %get3A_170 : vector<16xi32>
    %gt3A_180 = arith.cmpf ogt, %get3A_174, %select_n3A_165 : vector<16xf32>
    %eq3A_181 = arith.cmpf oeq, %get3A_174, %select_n3A_165 : vector<16xf32>
    %lt3A_182 = arith.cmpi slt, %get3A_178, %select_n3A_166 : vector<16xi32>
    %and3A_183 = arith.andi %eq3A_181, %lt3A_182 : vector<16xi1>
    %or3A_184 = arith.ori %gt3A_180, %and3A_183 : vector<16xi1>
    %select_n3A_185 = arith.select %or3A_184, %get3A_174, %select_n3A_165 : vector<16xi1>, vector<16xf32>
    %select_n3A_186 = arith.select %or3A_184, %get3A_178, %select_n3A_166 : vector<16xi1>, vector<16xi32>
    %get3A_187 = arith.constant 7 : i32
    %get3A_188 = arith.index_cast %get3A_187 : i32 to index
    %get3A_189 = arith.constant 0 : index
    %get3A_190 = tpu.vector_load %arg15[%get3A_188, %get3A_189] {strides = array<i32>} : memref<16x128xi32, #tpu.memory_space<vmem>>, vector<16xi32>,
    %get3A_191 = arith.constant 7 : i32
    %get3A_192 = arith.index_cast %get3A_191 : i32 to index
    %get3A_193 = arith.constant 0 : index
    %get3A_194 = tpu.vector_load %arg16[%get3A_192, %get3A_193] {strides = array<i32>} : memref<16x128xf32, #tpu.memory_space<vmem>>, vector<16xf32>,
    %get3A_195 = arith.constant 7 : i32
    %get3A_196 = arith.index_cast %get3A_195 : i32 to index
    %get3A_197 = arith.constant 0 : index
    %get3A_198 = tpu.vector_load %arg17[%get3A_196, %get3A_197] {strides = array<i32>} : memref<16x128xi32, #tpu.memory_space<vmem>>, vector<16xi32>,
    %add3A_199 = arith.addi %add3A_179, %get3A_190 : vector<16xi32>
    %gt3A_200 = arith.cmpf ogt, %get3A_194, %select_n3A_185 : vector<16xf32>
    %eq3A_201 = arith.cmpf oeq, %get3A_194, %select_n3A_185 : vector<16xf32>
    %lt3A_202 = arith.cmpi slt, %get3A_198, %select_n3A_186 : vector<16xi32>
    %and3A_203 = arith.andi %eq3A_201, %lt3A_202 : vector<16xi1>
    %or3A_204 = arith.ori %gt3A_200, %and3A_203 : vector<16xi1>
    %select_n3A_205 = arith.select %or3A_204, %get3A_194, %select_n3A_185 : vector<16xi1>, vector<16xf32>
    %select_n3A_206 = arith.select %or3A_204, %get3A_198, %select_n3A_186 : vector<16xi1>, vector<16xi32>
    %get3A_207 = arith.constant 8 : i32
    %get3A_208 = arith.index_cast %get3A_207 : i32 to index
    %get3A_209 = arith.constant 0 : index
    %get3A_210 = tpu.vector_load %arg15[%get3A_208, %get3A_209] {strides = array<i32>} : memref<16x128xi32, #tpu.memory_space<vmem>>, vector<16xi32>,
    %get3A_211 = arith.constant 8 : i32
    %get3A_212 = arith.index_cast %get3A_211 : i32 to index
    %get3A_213 = arith.constant 0 : index
    %get3A_214 = tpu.vector_load %arg16[%get3A_212, %get3A_213] {strides = array<i32>} : memref<16x128xf32, #tpu.memory_space<vmem>>, vector<16xf32>,
    %get3A_215 = arith.constant 8 : i32
    %get3A_216 = arith.index_cast %get3A_215 : i32 to index
    %get3A_217 = arith.constant 0 : index
    %get3A_218 = tpu.vector_load %arg17[%get3A_216, %get3A_217] {strides = array<i32>} : memref<16x128xi32, #tpu.memory_space<vmem>>, vector<16xi32>,
    %add3A_219 = arith.addi %add3A_199, %get3A_210 : vector<16xi32>
    %gt3A_220 = arith.cmpf ogt, %get3A_214, %select_n3A_205 : vector<16xf32>
    %eq3A_221 = arith.cmpf oeq, %get3A_214, %select_n3A_205 : vector<16xf32>
    %lt3A_222 = arith.cmpi slt, %get3A_218, %select_n3A_206 : vector<16xi32>
    %and3A_223 = arith.andi %eq3A_221, %lt3A_222 : vector<16xi1>
    %or3A_224 = arith.ori %gt3A_220, %and3A_223 : vector<16xi1>
    %select_n3A_225 = arith.select %or3A_224, %get3A_214, %select_n3A_205 : vector<16xi1>, vector<16xf32>
    %select_n3A_226 = arith.select %or3A_224, %get3A_218, %select_n3A_206 : vector<16xi1>, vector<16xi32>
    %get3A_227 = arith.constant 9 : i32
    %get3A_228 = arith.index_cast %get3A_227 : i32 to index
    %get3A_229 = arith.constant 0 : index
    %get3A_230 = tpu.vector_load %arg15[%get3A_228, %get3A_229] {strides = array<i32>} : memref<16x128xi32, #tpu.memory_space<vmem>>, vector<16xi32>,
    %get3A_231 = arith.constant 9 : i32
    %get3A_232 = arith.index_cast %get3A_231 : i32 to index
    %get3A_233 = arith.constant 0 : index
    %get3A_234 = tpu.vector_load %arg16[%get3A_232, %get3A_233] {strides = array<i32>} : memref<16x128xf32, #tpu.memory_space<vmem>>, vector<16xf32>,
    %get3A_235 = arith.constant 9 : i32
    %get3A_236 = arith.index_cast %get3A_235 : i32 to index
    %get3A_237 = arith.constant 0 : index
    %get3A_238 = tpu.vector_load %arg17[%get3A_236, %get3A_237] {strides = array<i32>} : memref<16x128xi32, #tpu.memory_space<vmem>>, vector<16xi32>,
    %add3A_239 = arith.addi %add3A_219, %get3A_230 : vector<16xi32>
    %gt3A_240 = arith.cmpf ogt, %get3A_234, %select_n3A_225 : vector<16xf32>
    %eq3A_241 = arith.cmpf oeq, %get3A_234, %select_n3A_225 : vector<16xf32>
    %lt3A_242 = arith.cmpi slt, %get3A_238, %select_n3A_226 : vector<16xi32>
    %and3A_243 = arith.andi %eq3A_241, %lt3A_242 : vector<16xi1>
    %or3A_244 = arith.ori %gt3A_240, %and3A_243 : vector<16xi1>
    %select_n3A_245 = arith.select %or3A_244, %get3A_234, %select_n3A_225 : vector<16xi1>, vector<16xf32>
    %select_n3A_246 = arith.select %or3A_244, %get3A_238, %select_n3A_226 : vector<16xi1>, vector<16xi32>
    %get3A_247 = arith.constant 10 : i32
    %get3A_248 = arith.index_cast %get3A_247 : i32 to index
    %get3A_249 = arith.constant 0 : index
    %get3A_250 = tpu.vector_load %arg15[%get3A_248, %get3A_249] {strides = array<i32>} : memref<16x128xi32, #tpu.memory_space<vmem>>, vector<16xi32>,
    %get3A_251 = arith.constant 10 : i32
    %get3A_252 = arith.index_cast %get3A_251 : i32 to index
    %get3A_253 = arith.constant 0 : index
    %get3A_254 = tpu.vector_load %arg16[%get3A_252, %get3A_253] {strides = array<i32>} : memref<16x128xf32, #tpu.memory_space<vmem>>, vector<16xf32>,
    %get3A_255 = arith.constant 10 : i32
    %get3A_256 = arith.index_cast %get3A_255 : i32 to index
    %get3A_257 = arith.constant 0 : index
    %get3A_258 = tpu.vector_load %arg17[%get3A_256, %get3A_257] {strides = array<i32>} : memref<16x128xi32, #tpu.memory_space<vmem>>, vector<16xi32>,
    %add3A_259 = arith.addi %add3A_239, %get3A_250 : vector<16xi32>
    %gt3A_260 = arith.cmpf ogt, %get3A_254, %select_n3A_245 : vector<16xf32>
    %eq3A_261 = arith.cmpf oeq, %get3A_254, %select_n3A_245 : vector<16xf32>
    %lt3A_262 = arith.cmpi slt, %get3A_258, %select_n3A_246 : vector<16xi32>
    %and3A_263 = arith.andi %eq3A_261, %lt3A_262 : vector<16xi1>
    %or3A_264 = arith.ori %gt3A_260, %and3A_263 : vector<16xi1>
    %select_n3A_265 = arith.select %or3A_264, %get3A_254, %select_n3A_245 : vector<16xi1>, vector<16xf32>
    %select_n3A_266 = arith.select %or3A_264, %get3A_258, %select_n3A_246 : vector<16xi1>, vector<16xi32>
    %get3A_267 = arith.constant 11 : i32
    %get3A_268 = arith.index_cast %get3A_267 : i32 to index
    %get3A_269 = arith.constant 0 : index
    %get3A_270 = tpu.vector_load %arg15[%get3A_268, %get3A_269] {strides = array<i32>} : memref<16x128xi32, #tpu.memory_space<vmem>>, vector<16xi32>,
    %get3A_271 = arith.constant 11 : i32
    %get3A_272 = arith.index_cast %get3A_271 : i32 to index
    %get3A_273 = arith.constant 0 : index
    %get3A_274 = tpu.vector_load %arg16[%get3A_272, %get3A_273] {strides = array<i32>} : memref<16x128xf32, #tpu.memory_space<vmem>>, vector<16xf32>,
    %get3A_275 = arith.constant 11 : i32
    %get3A_276 = arith.index_cast %get3A_275 : i32 to index
    %get3A_277 = arith.constant 0 : index
    %get3A_278 = tpu.vector_load %arg17[%get3A_276, %get3A_277] {strides = array<i32>} : memref<16x128xi32, #tpu.memory_space<vmem>>, vector<16xi32>,
    %add3A_279 = arith.addi %add3A_259, %get3A_270 : vector<16xi32>
    %gt3A_280 = arith.cmpf ogt, %get3A_274, %select_n3A_265 : vector<16xf32>
    %eq3A_281 = arith.cmpf oeq, %get3A_274, %select_n3A_265 : vector<16xf32>
    %lt3A_282 = arith.cmpi slt, %get3A_278, %select_n3A_266 : vector<16xi32>
    %and3A_283 = arith.andi %eq3A_281, %lt3A_282 : vector<16xi1>
    %or3A_284 = arith.ori %gt3A_280, %and3A_283 : vector<16xi1>
    %select_n3A_285 = arith.select %or3A_284, %get3A_274, %select_n3A_265 : vector<16xi1>, vector<16xf32>
    %select_n3A_286 = arith.select %or3A_284, %get3A_278, %select_n3A_266 : vector<16xi1>, vector<16xi32>
    %get3A_287 = arith.constant 12 : i32
    %get3A_288 = arith.index_cast %get3A_287 : i32 to index
    %get3A_289 = arith.constant 0 : index
    %get3A_290 = tpu.vector_load %arg15[%get3A_288, %get3A_289] {strides = array<i32>} : memref<16x128xi32, #tpu.memory_space<vmem>>, vector<16xi32>,
    %get3A_291 = arith.constant 12 : i32
    %get3A_292 = arith.index_cast %get3A_291 : i32 to index
    %get3A_293 = arith.constant 0 : index
    %get3A_294 = tpu.vector_load %arg16[%get3A_292, %get3A_293] {strides = array<i32>} : memref<16x128xf32, #tpu.memory_space<vmem>>, vector<16xf32>,
    %get3A_295 = arith.constant 12 : i32
    %get3A_296 = arith.index_cast %get3A_295 : i32 to index
    %get3A_297 = arith.constant 0 : index
    %get3A_298 = tpu.vector_load %arg17[%get3A_296, %get3A_297] {strides = array<i32>} : memref<16x128xi32, #tpu.memory_space<vmem>>, vector<16xi32>,
    %add3A_299 = arith.addi %add3A_279, %get3A_290 : vector<16xi32>
    %gt3A_300 = arith.cmpf ogt, %get3A_294, %select_n3A_285 : vector<16xf32>
    %eq3A_301 = arith.cmpf oeq, %get3A_294, %select_n3A_285 : vector<16xf32>
    %lt3A_302 = arith.cmpi slt, %get3A_298, %select_n3A_286 : vector<16xi32>
    %and3A_303 = arith.andi %eq3A_301, %lt3A_302 : vector<16xi1>
    %or3A_304 = arith.ori %gt3A_300, %and3A_303 : vector<16xi1>
    %select_n3A_305 = arith.select %or3A_304, %get3A_294, %select_n3A_285 : vector<16xi1>, vector<16xf32>
    %select_n3A_306 = arith.select %or3A_304, %get3A_298, %select_n3A_286 : vector<16xi1>, vector<16xi32>
    %get3A_307 = arith.constant 13 : i32
    %get3A_308 = arith.index_cast %get3A_307 : i32 to index
    %get3A_309 = arith.constant 0 : index
    %get3A_310 = tpu.vector_load %arg15[%get3A_308, %get3A_309] {strides = array<i32>} : memref<16x128xi32, #tpu.memory_space<vmem>>, vector<16xi32>,
    %get3A_311 = arith.constant 13 : i32
    %get3A_312 = arith.index_cast %get3A_311 : i32 to index
    %get3A_313 = arith.constant 0 : index
    %get3A_314 = tpu.vector_load %arg16[%get3A_312, %get3A_313] {strides = array<i32>} : memref<16x128xf32, #tpu.memory_space<vmem>>, vector<16xf32>,
    %get3A_315 = arith.constant 13 : i32
    %get3A_316 = arith.index_cast %get3A_315 : i32 to index
    %get3A_317 = arith.constant 0 : index
    %get3A_318 = tpu.vector_load %arg17[%get3A_316, %get3A_317] {strides = array<i32>} : memref<16x128xi32, #tpu.memory_space<vmem>>, vector<16xi32>,
    %add3A_319 = arith.addi %add3A_299, %get3A_310 : vector<16xi32>
    %gt3A_320 = arith.cmpf ogt, %get3A_314, %select_n3A_305 : vector<16xf32>
    %eq3A_321 = arith.cmpf oeq, %get3A_314, %select_n3A_305 : vector<16xf32>
    %lt3A_322 = arith.cmpi slt, %get3A_318, %select_n3A_306 : vector<16xi32>
    %and3A_323 = arith.andi %eq3A_321, %lt3A_322 : vector<16xi1>
    %or3A_324 = arith.ori %gt3A_320, %and3A_323 : vector<16xi1>
    %select_n3A_325 = arith.select %or3A_324, %get3A_314, %select_n3A_305 : vector<16xi1>, vector<16xf32>
    %select_n3A_326 = arith.select %or3A_324, %get3A_318, %select_n3A_306 : vector<16xi1>, vector<16xi32>
    %get3A_327 = arith.constant 14 : i32
    %get3A_328 = arith.index_cast %get3A_327 : i32 to index
    %get3A_329 = arith.constant 0 : index
    %get3A_330 = tpu.vector_load %arg15[%get3A_328, %get3A_329] {strides = array<i32>} : memref<16x128xi32, #tpu.memory_space<vmem>>, vector<16xi32>,
    %get3A_331 = arith.constant 14 : i32
    %get3A_332 = arith.index_cast %get3A_331 : i32 to index
    %get3A_333 = arith.constant 0 : index
    %get3A_334 = tpu.vector_load %arg16[%get3A_332, %get3A_333] {strides = array<i32>} : memref<16x128xf32, #tpu.memory_space<vmem>>, vector<16xf32>,
    %get3A_335 = arith.constant 14 : i32
    %get3A_336 = arith.index_cast %get3A_335 : i32 to index
    %get3A_337 = arith.constant 0 : index
    %get3A_338 = tpu.vector_load %arg17[%get3A_336, %get3A_337] {strides = array<i32>} : memref<16x128xi32, #tpu.memory_space<vmem>>, vector<16xi32>,
    %add3A_339 = arith.addi %add3A_319, %get3A_330 : vector<16xi32>
    %gt3A_340 = arith.cmpf ogt, %get3A_334, %select_n3A_325 : vector<16xf32>
    %eq3A_341 = arith.cmpf oeq, %get3A_334, %select_n3A_325 : vector<16xf32>
    %lt3A_342 = arith.cmpi slt, %get3A_338, %select_n3A_326 : vector<16xi32>
    %and3A_343 = arith.andi %eq3A_341, %lt3A_342 : vector<16xi1>
    %or3A_344 = arith.ori %gt3A_340, %and3A_343 : vector<16xi1>
    %select_n3A_345 = arith.select %or3A_344, %get3A_334, %select_n3A_325 : vector<16xi1>, vector<16xf32>
    %select_n3A_346 = arith.select %or3A_344, %get3A_338, %select_n3A_326 : vector<16xi1>, vector<16xi32>
    %get3A_347 = arith.constant 15 : i32
    %get3A_348 = arith.index_cast %get3A_347 : i32 to index
    %get3A_349 = arith.constant 0 : index
    %get3A_350 = tpu.vector_load %arg15[%get3A_348, %get3A_349] {strides = array<i32>} : memref<16x128xi32, #tpu.memory_space<vmem>>, vector<16xi32>,
    %get3A_351 = arith.constant 15 : i32
    %get3A_352 = arith.index_cast %get3A_351 : i32 to index
    %get3A_353 = arith.constant 0 : index
    %get3A_354 = tpu.vector_load %arg16[%get3A_352, %get3A_353] {strides = array<i32>} : memref<16x128xf32, #tpu.memory_space<vmem>>, vector<16xf32>,
    %get3A_355 = arith.constant 15 : i32
    %get3A_356 = arith.index_cast %get3A_355 : i32 to index
    %get3A_357 = arith.constant 0 : index
    %get3A_358 = tpu.vector_load %arg17[%get3A_356, %get3A_357] {strides = array<i32>} : memref<16x128xi32, #tpu.memory_space<vmem>>, vector<16xi32>,
    %add3A_359 = arith.addi %add3A_339, %get3A_350 : vector<16xi32>
    %gt3A_360 = arith.cmpf ogt, %get3A_354, %select_n3A_345 : vector<16xf32>
    %eq3A_361 = arith.cmpf oeq, %get3A_354, %select_n3A_345 : vector<16xf32>
    %lt3A_362 = arith.cmpi slt, %get3A_358, %select_n3A_346 : vector<16xi32>
    %and3A_363 = arith.andi %eq3A_361, %lt3A_362 : vector<16xi1>
    %or3A_364 = arith.ori %gt3A_360, %and3A_363 : vector<16xi1>
    %select_n3A_365 = arith.select %or3A_364, %get3A_354, %select_n3A_345 : vector<16xi1>, vector<16xf32>
    %select_n3A_366 = arith.select %or3A_364, %get3A_358, %select_n3A_346 : vector<16xi1>, vector<16xi32>
    %swap3A_367 = arith.constant 0 : index
    %swap3A_368 = tpu.vector_load %arg18[%swap3A_367] {strides = array<i32>} : memref<128xi32, #tpu.memory_space<vmem>>, vector<16xi32>,
    tpu.vector_store %arg18[%swap3A_367], %add3A_359 {strides = array<i32>} : memref<128xi32, #tpu.memory_space<vmem>>, vector<16xi32>,
    %swap3A_369 = arith.constant 0 : index
    %swap3A_370 = tpu.vector_load %arg19[%swap3A_369] {strides = array<i32>} : memref<128xf32, #tpu.memory_space<vmem>>, vector<16xf32>,
    tpu.vector_store %arg19[%swap3A_369], %select_n3A_365 {strides = array<i32>} : memref<128xf32, #tpu.memory_space<vmem>>, vector<16xf32>,
    %swap3A_371 = arith.constant 0 : index
    %swap3A_372 = tpu.vector_load %arg20[%swap3A_371] {strides = array<i32>} : memref<128xi32, #tpu.memory_space<vmem>>, vector<16xi32>,
    tpu.vector_store %arg20[%swap3A_371], %select_n3A_366 {strides = array<i32>} : memref<128xi32, #tpu.memory_space<vmem>>, vector<16xi32>,
    %min3A = arith.constant 19999 : i32
    %min3A_373 = vector.broadcast %min3A : i32 to vector<16xi32>
    %min3A_374 = arith.minsi %select_n3A_366, %min3A_373 : vector<16xi32>
    %mul3A_375 = arith.constant 8 : i32
    %mul3A_376 = vector.broadcast %mul3A_375 : i32 to vector<16xi32>
    %mul3A_377 = arith.muli %min3A_374, %mul3A_376 : vector<16xi32>
    %swap3A_378 = arith.constant 0 : index
    %swap3A_379 = tpu.vector_load %arg21[%swap3A_378] {strides = array<i32>} : memref<128xi32, #tpu.memory_space<vmem>>, vector<16xi32>,
    tpu.vector_store %arg21[%swap3A_378], %mul3A_377 {strides = array<i32>} : memref<128xi32, #tpu.memory_space<vmem>>, vector<16xi32>,
    %broadcast_in_dim3A_380 = arith.constant 0 : i32
    %broadcast_in_dim3A_381 = vector.broadcast %broadcast_in_dim3A_380 : i32 to vector<16xi32>
    %broadcast_in_dim3A_382 = arith.constant -1.000000e+00 : f32
    %broadcast_in_dim3A_383 = vector.broadcast %broadcast_in_dim3A_382 : f32 to vector<16xf32>
    %broadcast_in_dim3A_384 = arith.constant 1073741824 : i32
    %broadcast_in_dim3A_385 = vector.broadcast %broadcast_in_dim3A_384 : i32 to vector<16xi32>
    %get3A_386 = arith.constant 0 : i32
    %get3A_387 = arith.index_cast %get3A_386 : i32 to index
    %get3A_388 = arith.constant 16 : index
    %get3A_389 = tpu.vector_load %arg15[%get3A_387, %get3A_388] {strides = array<i32>} : memref<16x128xi32, #tpu.memory_space<vmem>>, vector<16xi32>,
    %get3A_390 = arith.constant 0 : i32
    %get3A_391 = arith.index_cast %get3A_390 : i32 to index
    %get3A_392 = arith.constant 16 : index
    %get3A_393 = tpu.vector_load %arg16[%get3A_391, %get3A_392] {strides = array<i32>} : memref<16x128xf32, #tpu.memory_space<vmem>>, vector<16xf32>,
    %get3A_394 = arith.constant 0 : i32
    %get3A_395 = arith.index_cast %get3A_394 : i32 to index
    %get3A_396 = arith.constant 16 : index
    %get3A_397 = tpu.vector_load %arg17[%get3A_395, %get3A_396] {strides = array<i32>} : memref<16x128xi32, #tpu.memory_space<vmem>>, vector<16xi32>,
    %add3A_398 = arith.addi %broadcast_in_dim3A_381, %get3A_389 : vector<16xi32>
    %gt3A_399 = arith.cmpf ogt, %get3A_393, %broadcast_in_dim3A_383 : vector<16xf32>
    %eq3A_400 = arith.cmpf oeq, %get3A_393, %broadcast_in_dim3A_383 : vector<16xf32>
    %lt3A_401 = arith.cmpi slt, %get3A_397, %broadcast_in_dim3A_385 : vector<16xi32>
    %and3A_402 = arith.andi %eq3A_400, %lt3A_401 : vector<16xi1>
    %or3A_403 = arith.ori %gt3A_399, %and3A_402 : vector<16xi1>
    %select_n3A_404 = arith.select %or3A_403, %get3A_393, %broadcast_in_dim3A_383 : vector<16xi1>, vector<16xf32>
    %select_n3A_405 = arith.select %or3A_403, %get3A_397, %broadcast_in_dim3A_385 : vector<16xi1>, vector<16xi32>
    %get3A_406 = arith.constant 1 : i32
    %get3A_407 = arith.index_cast %get3A_406 : i32 to index
    %get3A_408 = arith.constant 16 : index
    %get3A_409 = tpu.vector_load %arg15[%get3A_407, %get3A_408] {strides = array<i32>} : memref<16x128xi32, #tpu.memory_space<vmem>>, vector<16xi32>,
    %get3A_410 = arith.constant 1 : i32
    %get3A_411 = arith.index_cast %get3A_410 : i32 to index
    %get3A_412 = arith.constant 16 : index
    %get3A_413 = tpu.vector_load %arg16[%get3A_411, %get3A_412] {strides = array<i32>} : memref<16x128xf32, #tpu.memory_space<vmem>>, vector<16xf32>,
    %get3A_414 = arith.constant 1 : i32
    %get3A_415 = arith.index_cast %get3A_414 : i32 to index
    %get3A_416 = arith.constant 16 : index
    %get3A_417 = tpu.vector_load %arg17[%get3A_415, %get3A_416] {strides = array<i32>} : memref<16x128xi32, #tpu.memory_space<vmem>>, vector<16xi32>,
    %add3A_418 = arith.addi %add3A_398, %get3A_409 : vector<16xi32>
    %gt3A_419 = arith.cmpf ogt, %get3A_413, %select_n3A_404 : vector<16xf32>
    %eq3A_420 = arith.cmpf oeq, %get3A_413, %select_n3A_404 : vector<16xf32>
    %lt3A_421 = arith.cmpi slt, %get3A_417, %select_n3A_405 : vector<16xi32>
    %and3A_422 = arith.andi %eq3A_420, %lt3A_421 : vector<16xi1>
    %or3A_423 = arith.ori %gt3A_419, %and3A_422 : vector<16xi1>
    %select_n3A_424 = arith.select %or3A_423, %get3A_413, %select_n3A_404 : vector<16xi1>, vector<16xf32>
    %select_n3A_425 = arith.select %or3A_423, %get3A_417, %select_n3A_405 : vector<16xi1>, vector<16xi32>
    %get3A_426 = arith.constant 2 : i32
    %get3A_427 = arith.index_cast %get3A_426 : i32 to index
    %get3A_428 = arith.constant 16 : index
    %get3A_429 = tpu.vector_load %arg15[%get3A_427, %get3A_428] {strides = array<i32>} : memref<16x128xi32, #tpu.memory_space<vmem>>, vector<16xi32>,
    %get3A_430 = arith.constant 2 : i32
    %get3A_431 = arith.index_cast %get3A_430 : i32 to index
    %get3A_432 = arith.constant 16 : index
    %get3A_433 = tpu.vector_load %arg16[%get3A_431, %get3A_432] {strides = array<i32>} : memref<16x128xf32, #tpu.memory_space<vmem>>, vector<16xf32>,
    %get3A_434 = arith.constant 2 : i32
    %get3A_435 = arith.index_cast %get3A_434 : i32 to index
    %get3A_436 = arith.constant 16 : index
    %get3A_437 = tpu.vector_load %arg17[%get3A_435, %get3A_436] {strides = array<i32>} : memref<16x128xi32, #tpu.memory_space<vmem>>, vector<16xi32>,
    %add3A_438 = arith.addi %add3A_418, %get3A_429 : vector<16xi32>
    %gt3A_439 = arith.cmpf ogt, %get3A_433, %select_n3A_424 : vector<16xf32>
    %eq3A_440 = arith.cmpf oeq, %get3A_433, %select_n3A_424 : vector<16xf32>
    %lt3A_441 = arith.cmpi slt, %get3A_437, %select_n3A_425 : vector<16xi32>
    %and3A_442 = arith.andi %eq3A_440, %lt3A_441 : vector<16xi1>
    %or3A_443 = arith.ori %gt3A_439, %and3A_442 : vector<16xi1>
    %select_n3A_444 = arith.select %or3A_443, %get3A_433, %select_n3A_424 : vector<16xi1>, vector<16xf32>
    %select_n3A_445 = arith.select %or3A_443, %get3A_437, %select_n3A_425 : vector<16xi1>, vector<16xi32>
    %get3A_446 = arith.constant 3 : i32
    %get3A_447 = arith.index_cast %get3A_446 : i32 to index
    %get3A_448 = arith.constant 16 : index
    %get3A_449 = tpu.vector_load %arg15[%get3A_447, %get3A_448] {strides = array<i32>} : memref<16x128xi32, #tpu.memory_space<vmem>>, vector<16xi32>,
    %get3A_450 = arith.constant 3 : i32
    %get3A_451 = arith.index_cast %get3A_450 : i32 to index
    %get3A_452 = arith.constant 16 : index
    %get3A_453 = tpu.vector_load %arg16[%get3A_451, %get3A_452] {strides = array<i32>} : memref<16x128xf32, #tpu.memory_space<vmem>>, vector<16xf32>,
    %get3A_454 = arith.constant 3 : i32
    %get3A_455 = arith.index_cast %get3A_454 : i32 to index
    %get3A_456 = arith.constant 16 : index
    %get3A_457 = tpu.vector_load %arg17[%get3A_455, %get3A_456] {strides = array<i32>} : memref<16x128xi32, #tpu.memory_space<vmem>>, vector<16xi32>,
    %add3A_458 = arith.addi %add3A_438, %get3A_449 : vector<16xi32>
    %gt3A_459 = arith.cmpf ogt, %get3A_453, %select_n3A_444 : vector<16xf32>
    %eq3A_460 = arith.cmpf oeq, %get3A_453, %select_n3A_444 : vector<16xf32>
    %lt3A_461 = arith.cmpi slt, %get3A_457, %select_n3A_445 : vector<16xi32>
    %and3A_462 = arith.andi %eq3A_460, %lt3A_461 : vector<16xi1>
    %or3A_463 = arith.ori %gt3A_459, %and3A_462 : vector<16xi1>
    %select_n3A_464 = arith.select %or3A_463, %get3A_453, %select_n3A_444 : vector<16xi1>, vector<16xf32>
    %select_n3A_465 = arith.select %or3A_463, %get3A_457, %select_n3A_445 : vector<16xi1>, vector<16xi32>
    %get3A_466 = arith.constant 4 : i32
    %get3A_467 = arith.index_cast %get3A_466 : i32 to index
    %get3A_468 = arith.constant 16 : index
    %get3A_469 = tpu.vector_load %arg15[%get3A_467, %get3A_468] {strides = array<i32>} : memref<16x128xi32, #tpu.memory_space<vmem>>, vector<16xi32>,
    %get3A_470 = arith.constant 4 : i32
    %get3A_471 = arith.index_cast %get3A_470 : i32 to index
    %get3A_472 = arith.constant 16 : index
    %get3A_473 = tpu.vector_load %arg16[%get3A_471, %get3A_472] {strides = array<i32>} : memref<16x128xf32, #tpu.memory_space<vmem>>, vector<16xf32>,
    %get3A_474 = arith.constant 4 : i32
    %get3A_475 = arith.index_cast %get3A_474 : i32 to index
    %get3A_476 = arith.constant 16 : index
    %get3A_477 = tpu.vector_load %arg17[%get3A_475, %get3A_476] {strides = array<i32>} : memref<16x128xi32, #tpu.memory_space<vmem>>, vector<16xi32>,
    %add3A_478 = arith.addi %add3A_458, %get3A_469 : vector<16xi32>
    %gt3A_479 = arith.cmpf ogt, %get3A_473, %select_n3A_464 : vector<16xf32>
    %eq3A_480 = arith.cmpf oeq, %get3A_473, %select_n3A_464 : vector<16xf32>
    %lt3A_481 = arith.cmpi slt, %get3A_477, %select_n3A_465 : vector<16xi32>
    %and3A_482 = arith.andi %eq3A_480, %lt3A_481 : vector<16xi1>
    %or3A_483 = arith.ori %gt3A_479, %and3A_482 : vector<16xi1>
    %select_n3A_484 = arith.select %or3A_483, %get3A_473, %select_n3A_464 : vector<16xi1>, vector<16xf32>
    %select_n3A_485 = arith.select %or3A_483, %get3A_477, %select_n3A_465 : vector<16xi1>, vector<16xi32>
    %get3A_486 = arith.constant 5 : i32
    %get3A_487 = arith.index_cast %get3A_486 : i32 to index
    %get3A_488 = arith.constant 16 : index
    %get3A_489 = tpu.vector_load %arg15[%get3A_487, %get3A_488] {strides = array<i32>} : memref<16x128xi32, #tpu.memory_space<vmem>>, vector<16xi32>,
    %get3A_490 = arith.constant 5 : i32
    %get3A_491 = arith.index_cast %get3A_490 : i32 to index
    %get3A_492 = arith.constant 16 : index
    %get3A_493 = tpu.vector_load %arg16[%get3A_491, %get3A_492] {strides = array<i32>} : memref<16x128xf32, #tpu.memory_space<vmem>>, vector<16xf32>,
    %get3A_494 = arith.constant 5 : i32
    %get3A_495 = arith.index_cast %get3A_494 : i32 to index
    %get3A_496 = arith.constant 16 : index
    %get3A_497 = tpu.vector_load %arg17[%get3A_495, %get3A_496] {strides = array<i32>} : memref<16x128xi32, #tpu.memory_space<vmem>>, vector<16xi32>,
    %add3A_498 = arith.addi %add3A_478, %get3A_489 : vector<16xi32>
    %gt3A_499 = arith.cmpf ogt, %get3A_493, %select_n3A_484 : vector<16xf32>
    %eq3A_500 = arith.cmpf oeq, %get3A_493, %select_n3A_484 : vector<16xf32>
    %lt3A_501 = arith.cmpi slt, %get3A_497, %select_n3A_485 : vector<16xi32>
    %and3A_502 = arith.andi %eq3A_500, %lt3A_501 : vector<16xi1>
    %or3A_503 = arith.ori %gt3A_499, %and3A_502 : vector<16xi1>
    %select_n3A_504 = arith.select %or3A_503, %get3A_493, %select_n3A_484 : vector<16xi1>, vector<16xf32>
    %select_n3A_505 = arith.select %or3A_503, %get3A_497, %select_n3A_485 : vector<16xi1>, vector<16xi32>
    %get3A_506 = arith.constant 6 : i32
    %get3A_507 = arith.index_cast %get3A_506 : i32 to index
    %get3A_508 = arith.constant 16 : index
    %get3A_509 = tpu.vector_load %arg15[%get3A_507, %get3A_508] {strides = array<i32>} : memref<16x128xi32, #tpu.memory_space<vmem>>, vector<16xi32>,
    %get3A_510 = arith.constant 6 : i32
    %get3A_511 = arith.index_cast %get3A_510 : i32 to index
    %get3A_512 = arith.constant 16 : index
    %get3A_513 = tpu.vector_load %arg16[%get3A_511, %get3A_512] {strides = array<i32>} : memref<16x128xf32, #tpu.memory_space<vmem>>, vector<16xf32>,
    %get3A_514 = arith.constant 6 : i32
    %get3A_515 = arith.index_cast %get3A_514 : i32 to index
    %get3A_516 = arith.constant 16 : index
    %get3A_517 = tpu.vector_load %arg17[%get3A_515, %get3A_516] {strides = array<i32>} : memref<16x128xi32, #tpu.memory_space<vmem>>, vector<16xi32>,
    %add3A_518 = arith.addi %add3A_498, %get3A_509 : vector<16xi32>
    %gt3A_519 = arith.cmpf ogt, %get3A_513, %select_n3A_504 : vector<16xf32>
    %eq3A_520 = arith.cmpf oeq, %get3A_513, %select_n3A_504 : vector<16xf32>
    %lt3A_521 = arith.cmpi slt, %get3A_517, %select_n3A_505 : vector<16xi32>
    %and3A_522 = arith.andi %eq3A_520, %lt3A_521 : vector<16xi1>
    %or3A_523 = arith.ori %gt3A_519, %and3A_522 : vector<16xi1>
    %select_n3A_524 = arith.select %or3A_523, %get3A_513, %select_n3A_504 : vector<16xi1>, vector<16xf32>
    %select_n3A_525 = arith.select %or3A_523, %get3A_517, %select_n3A_505 : vector<16xi1>, vector<16xi32>
    %get3A_526 = arith.constant 7 : i32
    %get3A_527 = arith.index_cast %get3A_526 : i32 to index
    %get3A_528 = arith.constant 16 : index
    %get3A_529 = tpu.vector_load %arg15[%get3A_527, %get3A_528] {strides = array<i32>} : memref<16x128xi32, #tpu.memory_space<vmem>>, vector<16xi32>,
    %get3A_530 = arith.constant 7 : i32
    %get3A_531 = arith.index_cast %get3A_530 : i32 to index
    %get3A_532 = arith.constant 16 : index
    %get3A_533 = tpu.vector_load %arg16[%get3A_531, %get3A_532] {strides = array<i32>} : memref<16x128xf32, #tpu.memory_space<vmem>>, vector<16xf32>,
    %get3A_534 = arith.constant 7 : i32
    %get3A_535 = arith.index_cast %get3A_534 : i32 to index
    %get3A_536 = arith.constant 16 : index
    %get3A_537 = tpu.vector_load %arg17[%get3A_535, %get3A_536] {strides = array<i32>} : memref<16x128xi32, #tpu.memory_space<vmem>>, vector<16xi32>,
    %add3A_538 = arith.addi %add3A_518, %get3A_529 : vector<16xi32>
    %gt3A_539 = arith.cmpf ogt, %get3A_533, %select_n3A_524 : vector<16xf32>
    %eq3A_540 = arith.cmpf oeq, %get3A_533, %select_n3A_524 : vector<16xf32>
    %lt3A_541 = arith.cmpi slt, %get3A_537, %select_n3A_525 : vector<16xi32>
    %and3A_542 = arith.andi %eq3A_540, %lt3A_541 : vector<16xi1>
    %or3A_543 = arith.ori %gt3A_539, %and3A_542 : vector<16xi1>
    %select_n3A_544 = arith.select %or3A_543, %get3A_533, %select_n3A_524 : vector<16xi1>, vector<16xf32>
    %select_n3A_545 = arith.select %or3A_543, %get3A_537, %select_n3A_525 : vector<16xi1>, vector<16xi32>
    %get3A_546 = arith.constant 8 : i32
    %get3A_547 = arith.index_cast %get3A_546 : i32 to index
    %get3A_548 = arith.constant 16 : index
    %get3A_549 = tpu.vector_load %arg15[%get3A_547, %get3A_548] {strides = array<i32>} : memref<16x128xi32, #tpu.memory_space<vmem>>, vector<16xi32>,
    %get3A_550 = arith.constant 8 : i32
    %get3A_551 = arith.index_cast %get3A_550 : i32 to index
    %get3A_552 = arith.constant 16 : index
    %get3A_553 = tpu.vector_load %arg16[%get3A_551, %get3A_552] {strides = array<i32>} : memref<16x128xf32, #tpu.memory_space<vmem>>, vector<16xf32>,
    %get3A_554 = arith.constant 8 : i32
    %get3A_555 = arith.index_cast %get3A_554 : i32 to index
    %get3A_556 = arith.constant 16 : index
    %get3A_557 = tpu.vector_load %arg17[%get3A_555, %get3A_556] {strides = array<i32>} : memref<16x128xi32, #tpu.memory_space<vmem>>, vector<16xi32>,
    %add3A_558 = arith.addi %add3A_538, %get3A_549 : vector<16xi32>
    %gt3A_559 = arith.cmpf ogt, %get3A_553, %select_n3A_544 : vector<16xf32>
    %eq3A_560 = arith.cmpf oeq, %get3A_553, %select_n3A_544 : vector<16xf32>
    %lt3A_561 = arith.cmpi slt, %get3A_557, %select_n3A_545 : vector<16xi32>
    %and3A_562 = arith.andi %eq3A_560, %lt3A_561 : vector<16xi1>
    %or3A_563 = arith.ori %gt3A_559, %and3A_562 : vector<16xi1>
    %select_n3A_564 = arith.select %or3A_563, %get3A_553, %select_n3A_544 : vector<16xi1>, vector<16xf32>
    %select_n3A_565 = arith.select %or3A_563, %get3A_557, %select_n3A_545 : vector<16xi1>, vector<16xi32>
    %get3A_566 = arith.constant 9 : i32
    %get3A_567 = arith.index_cast %get3A_566 : i32 to index
    %get3A_568 = arith.constant 16 : index
    %get3A_569 = tpu.vector_load %arg15[%get3A_567, %get3A_568] {strides = array<i32>} : memref<16x128xi32, #tpu.memory_space<vmem>>, vector<16xi32>,
    %get3A_570 = arith.constant 9 : i32
    %get3A_571 = arith.index_cast %get3A_570 : i32 to index
    %get3A_572 = arith.constant 16 : index
    %get3A_573 = tpu.vector_load %arg16[%get3A_571, %get3A_572] {strides = array<i32>} : memref<16x128xf32, #tpu.memory_space<vmem>>, vector<16xf32>,
    %get3A_574 = arith.constant 9 : i32
    %get3A_575 = arith.index_cast %get3A_574 : i32 to index
    %get3A_576 = arith.constant 16 : index
    %get3A_577 = tpu.vector_load %arg17[%get3A_575, %get3A_576] {strides = array<i32>} : memref<16x128xi32, #tpu.memory_space<vmem>>, vector<16xi32>,
    %add3A_578 = arith.addi %add3A_558, %get3A_569 : vector<16xi32>
    %gt3A_579 = arith.cmpf ogt, %get3A_573, %select_n3A_564 : vector<16xf32>
    %eq3A_580 = arith.cmpf oeq, %get3A_573, %select_n3A_564 : vector<16xf32>
    %lt3A_581 = arith.cmpi slt, %get3A_577, %select_n3A_565 : vector<16xi32>
    %and3A_582 = arith.andi %eq3A_580, %lt3A_581 : vector<16xi1>
    %or3A_583 = arith.ori %gt3A_579, %and3A_582 : vector<16xi1>
    %select_n3A_584 = arith.select %or3A_583, %get3A_573, %select_n3A_564 : vector<16xi1>, vector<16xf32>
    %select_n3A_585 = arith.select %or3A_583, %get3A_577, %select_n3A_565 : vector<16xi1>, vector<16xi32>
    %get3A_586 = arith.constant 10 : i32
    %get3A_587 = arith.index_cast %get3A_586 : i32 to index
    %get3A_588 = arith.constant 16 : index
    %get3A_589 = tpu.vector_load %arg15[%get3A_587, %get3A_588] {strides = array<i32>} : memref<16x128xi32, #tpu.memory_space<vmem>>, vector<16xi32>,
    %get3A_590 = arith.constant 10 : i32
    %get3A_591 = arith.index_cast %get3A_590 : i32 to index
    %get3A_592 = arith.constant 16 : index
    %get3A_593 = tpu.vector_load %arg16[%get3A_591, %get3A_592] {strides = array<i32>} : memref<16x128xf32, #tpu.memory_space<vmem>>, vector<16xf32>,
    %get3A_594 = arith.constant 10 : i32
    %get3A_595 = arith.index_cast %get3A_594 : i32 to index
    %get3A_596 = arith.constant 16 : index
    %get3A_597 = tpu.vector_load %arg17[%get3A_595, %get3A_596] {strides = array<i32>} : memref<16x128xi32, #tpu.memory_space<vmem>>, vector<16xi32>,
    %add3A_598 = arith.addi %add3A_578, %get3A_589 : vector<16xi32>
    %gt3A_599 = arith.cmpf ogt, %get3A_593, %select_n3A_584 : vector<16xf32>
    %eq3A_600 = arith.cmpf oeq, %get3A_593, %select_n3A_584 : vector<16xf32>
    %lt3A_601 = arith.cmpi slt, %get3A_597, %select_n3A_585 : vector<16xi32>
    %and3A_602 = arith.andi %eq3A_600, %lt3A_601 : vector<16xi1>
    %or3A_603 = arith.ori %gt3A_599, %and3A_602 : vector<16xi1>
    %select_n3A_604 = arith.select %or3A_603, %get3A_593, %select_n3A_584 : vector<16xi1>, vector<16xf32>
    %select_n3A_605 = arith.select %or3A_603, %get3A_597, %select_n3A_585 : vector<16xi1>, vector<16xi32>
    %get3A_606 = arith.constant 11 : i32
    %get3A_607 = arith.index_cast %get3A_606 : i32 to index
    %get3A_608 = arith.constant 16 : index
    %get3A_609 = tpu.vector_load %arg15[%get3A_607, %get3A_608] {strides = array<i32>} : memref<16x128xi32, #tpu.memory_space<vmem>>, vector<16xi32>,
    %get3A_610 = arith.constant 11 : i32
    %get3A_611 = arith.index_cast %get3A_610 : i32 to index
    %get3A_612 = arith.constant 16 : index
    %get3A_613 = tpu.vector_load %arg16[%get3A_611, %get3A_612] {strides = array<i32>} : memref<16x128xf32, #tpu.memory_space<vmem>>, vector<16xf32>,
    %get3A_614 = arith.constant 11 : i32
    %get3A_615 = arith.index_cast %get3A_614 : i32 to index
    %get3A_616 = arith.constant 16 : index
    %get3A_617 = tpu.vector_load %arg17[%get3A_615, %get3A_616] {strides = array<i32>} : memref<16x128xi32, #tpu.memory_space<vmem>>, vector<16xi32>,
    %add3A_618 = arith.addi %add3A_598, %get3A_609 : vector<16xi32>
    %gt3A_619 = arith.cmpf ogt, %get3A_613, %select_n3A_604 : vector<16xf32>
    %eq3A_620 = arith.cmpf oeq, %get3A_613, %select_n3A_604 : vector<16xf32>
    %lt3A_621 = arith.cmpi slt, %get3A_617, %select_n3A_605 : vector<16xi32>
    %and3A_622 = arith.andi %eq3A_620, %lt3A_621 : vector<16xi1>
    %or3A_623 = arith.ori %gt3A_619, %and3A_622 : vector<16xi1>
    %select_n3A_624 = arith.select %or3A_623, %get3A_613, %select_n3A_604 : vector<16xi1>, vector<16xf32>
    %select_n3A_625 = arith.select %or3A_623, %get3A_617, %select_n3A_605 : vector<16xi1>, vector<16xi32>
    %get3A_626 = arith.constant 12 : i32
    %get3A_627 = arith.index_cast %get3A_626 : i32 to index
    %get3A_628 = arith.constant 16 : index
    %get3A_629 = tpu.vector_load %arg15[%get3A_627, %get3A_628] {strides = array<i32>} : memref<16x128xi32, #tpu.memory_space<vmem>>, vector<16xi32>,
    %get3A_630 = arith.constant 12 : i32
    %get3A_631 = arith.index_cast %get3A_630 : i32 to index
    %get3A_632 = arith.constant 16 : index
    %get3A_633 = tpu.vector_load %arg16[%get3A_631, %get3A_632] {strides = array<i32>} : memref<16x128xf32, #tpu.memory_space<vmem>>, vector<16xf32>,
    %get3A_634 = arith.constant 12 : i32
    %get3A_635 = arith.index_cast %get3A_634 : i32 to index
    %get3A_636 = arith.constant 16 : index
    %get3A_637 = tpu.vector_load %arg17[%get3A_635, %get3A_636] {strides = array<i32>} : memref<16x128xi32, #tpu.memory_space<vmem>>, vector<16xi32>,
    %add3A_638 = arith.addi %add3A_618, %get3A_629 : vector<16xi32>
    %gt3A_639 = arith.cmpf ogt, %get3A_633, %select_n3A_624 : vector<16xf32>
    %eq3A_640 = arith.cmpf oeq, %get3A_633, %select_n3A_624 : vector<16xf32>
    %lt3A_641 = arith.cmpi slt, %get3A_637, %select_n3A_625 : vector<16xi32>
    %and3A_642 = arith.andi %eq3A_640, %lt3A_641 : vector<16xi1>
    %or3A_643 = arith.ori %gt3A_639, %and3A_642 : vector<16xi1>
    %select_n3A_644 = arith.select %or3A_643, %get3A_633, %select_n3A_624 : vector<16xi1>, vector<16xf32>
    %select_n3A_645 = arith.select %or3A_643, %get3A_637, %select_n3A_625 : vector<16xi1>, vector<16xi32>
    %get3A_646 = arith.constant 13 : i32
    %get3A_647 = arith.index_cast %get3A_646 : i32 to index
    %get3A_648 = arith.constant 16 : index
    %get3A_649 = tpu.vector_load %arg15[%get3A_647, %get3A_648] {strides = array<i32>} : memref<16x128xi32, #tpu.memory_space<vmem>>, vector<16xi32>,
    %get3A_650 = arith.constant 13 : i32
    %get3A_651 = arith.index_cast %get3A_650 : i32 to index
    %get3A_652 = arith.constant 16 : index
    %get3A_653 = tpu.vector_load %arg16[%get3A_651, %get3A_652] {strides = array<i32>} : memref<16x128xf32, #tpu.memory_space<vmem>>, vector<16xf32>,
    %get3A_654 = arith.constant 13 : i32
    %get3A_655 = arith.index_cast %get3A_654 : i32 to index
    %get3A_656 = arith.constant 16 : index
    %get3A_657 = tpu.vector_load %arg17[%get3A_655, %get3A_656] {strides = array<i32>} : memref<16x128xi32, #tpu.memory_space<vmem>>, vector<16xi32>,
    %add3A_658 = arith.addi %add3A_638, %get3A_649 : vector<16xi32>
    %gt3A_659 = arith.cmpf ogt, %get3A_653, %select_n3A_644 : vector<16xf32>
    %eq3A_660 = arith.cmpf oeq, %get3A_653, %select_n3A_644 : vector<16xf32>
    %lt3A_661 = arith.cmpi slt, %get3A_657, %select_n3A_645 : vector<16xi32>
    %and3A_662 = arith.andi %eq3A_660, %lt3A_661 : vector<16xi1>
    %or3A_663 = arith.ori %gt3A_659, %and3A_662 : vector<16xi1>
    %select_n3A_664 = arith.select %or3A_663, %get3A_653, %select_n3A_644 : vector<16xi1>, vector<16xf32>
    %select_n3A_665 = arith.select %or3A_663, %get3A_657, %select_n3A_645 : vector<16xi1>, vector<16xi32>
    %get3A_666 = arith.constant 14 : i32
    %get3A_667 = arith.index_cast %get3A_666 : i32 to index
    %get3A_668 = arith.constant 16 : index
    %get3A_669 = tpu.vector_load %arg15[%get3A_667, %get3A_668] {strides = array<i32>} : memref<16x128xi32, #tpu.memory_space<vmem>>, vector<16xi32>,
    %get3A_670 = arith.constant 14 : i32
    %get3A_671 = arith.index_cast %get3A_670 : i32 to index
    %get3A_672 = arith.constant 16 : index
    %get3A_673 = tpu.vector_load %arg16[%get3A_671, %get3A_672] {strides = array<i32>} : memref<16x128xf32, #tpu.memory_space<vmem>>, vector<16xf32>,
    %get3A_674 = arith.constant 14 : i32
    %get3A_675 = arith.index_cast %get3A_674 : i32 to index
    %get3A_676 = arith.constant 16 : index
    %get3A_677 = tpu.vector_load %arg17[%get3A_675, %get3A_676] {strides = array<i32>} : memref<16x128xi32, #tpu.memory_space<vmem>>, vector<16xi32>,
    %add3A_678 = arith.addi %add3A_658, %get3A_669 : vector<16xi32>
    %gt3A_679 = arith.cmpf ogt, %get3A_673, %select_n3A_664 : vector<16xf32>
    %eq3A_680 = arith.cmpf oeq, %get3A_673, %select_n3A_664 : vector<16xf32>
    %lt3A_681 = arith.cmpi slt, %get3A_677, %select_n3A_665 : vector<16xi32>
    %and3A_682 = arith.andi %eq3A_680, %lt3A_681 : vector<16xi1>
    %or3A_683 = arith.ori %gt3A_679, %and3A_682 : vector<16xi1>
    %select_n3A_684 = arith.select %or3A_683, %get3A_673, %select_n3A_664 : vector<16xi1>, vector<16xf32>
    %select_n3A_685 = arith.select %or3A_683, %get3A_677, %select_n3A_665 : vector<16xi1>, vector<16xi32>
    %get3A_686 = arith.constant 15 : i32
    %get3A_687 = arith.index_cast %get3A_686 : i32 to index
    %get3A_688 = arith.constant 16 : index
    %get3A_689 = tpu.vector_load %arg15[%get3A_687, %get3A_688] {strides = array<i32>} : memref<16x128xi32, #tpu.memory_space<vmem>>, vector<16xi32>,
    %get3A_690 = arith.constant 15 : i32
    %get3A_691 = arith.index_cast %get3A_690 : i32 to index
    %get3A_692 = arith.constant 16 : index
    %get3A_693 = tpu.vector_load %arg16[%get3A_691, %get3A_692] {strides = array<i32>} : memref<16x128xf32, #tpu.memory_space<vmem>>, vector<16xf32>,
    %get3A_694 = arith.constant 15 : i32
    %get3A_695 = arith.index_cast %get3A_694 : i32 to index
    %get3A_696 = arith.constant 16 : index
    %get3A_697 = tpu.vector_load %arg17[%get3A_695, %get3A_696] {strides = array<i32>} : memref<16x128xi32, #tpu.memory_space<vmem>>, vector<16xi32>,
    %add3A_698 = arith.addi %add3A_678, %get3A_689 : vector<16xi32>
    %gt3A_699 = arith.cmpf ogt, %get3A_693, %select_n3A_684 : vector<16xf32>
    %eq3A_700 = arith.cmpf oeq, %get3A_693, %select_n3A_684 : vector<16xf32>
    %lt3A_701 = arith.cmpi slt, %get3A_697, %select_n3A_685 : vector<16xi32>
    %and3A_702 = arith.andi %eq3A_700, %lt3A_701 : vector<16xi1>
    %or3A_703 = arith.ori %gt3A_699, %and3A_702 : vector<16xi1>
    %select_n3A_704 = arith.select %or3A_703, %get3A_693, %select_n3A_684 : vector<16xi1>, vector<16xf32>
    %select_n3A_705 = arith.select %or3A_703, %get3A_697, %select_n3A_685 : vector<16xi1>, vector<16xi32>
    %swap3A_706 = arith.constant 16 : index
    %swap3A_707 = tpu.vector_load %arg18[%swap3A_706] {strides = array<i32>} : memref<128xi32, #tpu.memory_space<vmem>>, vector<16xi32>,
    tpu.vector_store %arg18[%swap3A_706], %add3A_698 {strides = array<i32>} : memref<128xi32, #tpu.memory_space<vmem>>, vector<16xi32>,
    %swap3A_708 = arith.constant 16 : index
    %swap3A_709 = tpu.vector_load %arg19[%swap3A_708] {strides = array<i32>} : memref<128xf32, #tpu.memory_space<vmem>>, vector<16xf32>,
    tpu.vector_store %arg19[%swap3A_708], %select_n3A_704 {strides = array<i32>} : memref<128xf32, #tpu.memory_space<vmem>>, vector<16xf32>,
    %swap3A_710 = arith.constant 16 : index
    %swap3A_711 = tpu.vector_load %arg20[%swap3A_710] {strides = array<i32>} : memref<128xi32, #tpu.memory_space<vmem>>, vector<16xi32>,
    tpu.vector_store %arg20[%swap3A_710], %select_n3A_705 {strides = array<i32>} : memref<128xi32, #tpu.memory_space<vmem>>, vector<16xi32>,
    %min3A_712 = arith.constant 19999 : i32
    %min3A_713 = vector.broadcast %min3A_712 : i32 to vector<16xi32>
    %min3A_714 = arith.minsi %select_n3A_705, %min3A_713 : vector<16xi32>
    %mul3A_715 = arith.constant 8 : i32
    %mul3A_716 = vector.broadcast %mul3A_715 : i32 to vector<16xi32>
    %mul3A_717 = arith.muli %min3A_714, %mul3A_716 : vector<16xi32>
    %swap3A_718 = arith.constant 16 : index
    %swap3A_719 = tpu.vector_load %arg21[%swap3A_718] {strides = array<i32>} : memref<128xi32, #tpu.memory_space<vmem>>, vector<16xi32>,
    tpu.vector_store %arg21[%swap3A_718], %mul3A_717 {strides = array<i32>} : memref<128xi32, #tpu.memory_space<vmem>>, vector<16xi32>,
    %broadcast_in_dim3A_720 = arith.constant 0 : i32
    %broadcast_in_dim3A_721 = vector.broadcast %broadcast_in_dim3A_720 : i32 to vector<16xi32>
    %broadcast_in_dim3A_722 = arith.constant -1.000000e+00 : f32
    %broadcast_in_dim3A_723 = vector.broadcast %broadcast_in_dim3A_722 : f32 to vector<16xf32>
    %broadcast_in_dim3A_724 = arith.constant 1073741824 : i32
    %broadcast_in_dim3A_725 = vector.broadcast %broadcast_in_dim3A_724 : i32 to vector<16xi32>
    %get3A_726 = arith.constant 0 : i32
    %get3A_727 = arith.index_cast %get3A_726 : i32 to index
    %get3A_728 = arith.constant 32 : index
    %get3A_729 = tpu.vector_load %arg15[%get3A_727, %get3A_728] {strides = array<i32>} : memref<16x128xi32, #tpu.memory_space<vmem>>, vector<16xi32>,
    %get3A_730 = arith.constant 0 : i32
    %get3A_731 = arith.index_cast %get3A_730 : i32 to index
    %get3A_732 = arith.constant 32 : index
    %get3A_733 = tpu.vector_load %arg16[%get3A_731, %get3A_732] {strides = array<i32>} : memref<16x128xf32, #tpu.memory_space<vmem>>, vector<16xf32>,
    %get3A_734 = arith.constant 0 : i32
    %get3A_735 = arith.index_cast %get3A_734 : i32 to index
    %get3A_736 = arith.constant 32 : index
    %get3A_737 = tpu.vector_load %arg17[%get3A_735, %get3A_736] {strides = array<i32>} : memref<16x128xi32, #tpu.memory_space<vmem>>, vector<16xi32>,
    %add3A_738 = arith.addi %broadcast_in_dim3A_721, %get3A_729 : vector<16xi32>
    %gt3A_739 = arith.cmpf ogt, %get3A_733, %broadcast_in_dim3A_723 : vector<16xf32>
    %eq3A_740 = arith.cmpf oeq, %get3A_733, %broadcast_in_dim3A_723 : vector<16xf32>
    %lt3A_741 = arith.cmpi slt, %get3A_737, %broadcast_in_dim3A_725 : vector<16xi32>
    %and3A_742 = arith.andi %eq3A_740, %lt3A_741 : vector<16xi1>
    %or3A_743 = arith.ori %gt3A_739, %and3A_742 : vector<16xi1>
    %select_n3A_744 = arith.select %or3A_743, %get3A_733, %broadcast_in_dim3A_723 : vector<16xi1>, vector<16xf32>
    %select_n3A_745 = arith.select %or3A_743, %get3A_737, %broadcast_in_dim3A_725 : vector<16xi1>, vector<16xi32>
    %get3A_746 = arith.constant 1 : i32
    %get3A_747 = arith.index_cast %get3A_746 : i32 to index
    %get3A_748 = arith.constant 32 : index
    %get3A_749 = tpu.vector_load %arg15[%get3A_747, %get3A_748] {strides = array<i32>} : memref<16x128xi32, #tpu.memory_space<vmem>>, vector<16xi32>,
    %get3A_750 = arith.constant 1 : i32
    %get3A_751 = arith.index_cast %get3A_750 : i32 to index
    %get3A_752 = arith.constant 32 : index
    %get3A_753 = tpu.vector_load %arg16[%get3A_751, %get3A_752] {strides = array<i32>} : memref<16x128xf32, #tpu.memory_space<vmem>>, vector<16xf32>,
    %get3A_754 = arith.constant 1 : i32
    %get3A_755 = arith.index_cast %get3A_754 : i32 to index
    %get3A_756 = arith.constant 32 : index
    %get3A_757 = tpu.vector_load %arg17[%get3A_755, %get3A_756] {strides = array<i32>} : memref<16x128xi32, #tpu.memory_space<vmem>>, vector<16xi32>,
    %add3A_758 = arith.addi %add3A_738, %get3A_749 : vector<16xi32>
    %gt3A_759 = arith.cmpf ogt, %get3A_753, %select_n3A_744 : vector<16xf32>
    %eq3A_760 = arith.cmpf oeq, %get3A_753, %select_n3A_744 : vector<16xf32>
    %lt3A_761 = arith.cmpi slt, %get3A_757, %select_n3A_745 : vector<16xi32>
    %and3A_762 = arith.andi %eq3A_760, %lt3A_761 : vector<16xi1>
    %or3A_763 = arith.ori %gt3A_759, %and3A_762 : vector<16xi1>
    %select_n3A_764 = arith.select %or3A_763, %get3A_753, %select_n3A_744 : vector<16xi1>, vector<16xf32>
    %select_n3A_765 = arith.select %or3A_763, %get3A_757, %select_n3A_745 : vector<16xi1>, vector<16xi32>
    %get3A_766 = arith.constant 2 : i32
    %get3A_767 = arith.index_cast %get3A_766 : i32 to index
    %get3A_768 = arith.constant 32 : index
    %get3A_769 = tpu.vector_load %arg15[%get3A_767, %get3A_768] {strides = array<i32>} : memref<16x128xi32, #tpu.memory_space<vmem>>, vector<16xi32>,
    %get3A_770 = arith.constant 2 : i32
    %get3A_771 = arith.index_cast %get3A_770 : i32 to index
    %get3A_772 = arith.constant 32 : index
    %get3A_773 = tpu.vector_load %arg16[%get3A_771, %get3A_772] {strides = array<i32>} : memref<16x128xf32, #tpu.memory_space<vmem>>, vector<16xf32>,
    %get3A_774 = arith.constant 2 : i32
    %get3A_775 = arith.index_cast %get3A_774 : i32 to index
    %get3A_776 = arith.constant 32 : index
    %get3A_777 = tpu.vector_load %arg17[%get3A_775, %get3A_776] {strides = array<i32>} : memref<16x128xi32, #tpu.memory_space<vmem>>, vector<16xi32>,
    %add3A_778 = arith.addi %add3A_758, %get3A_769 : vector<16xi32>
    %gt3A_779 = arith.cmpf ogt, %get3A_773, %select_n3A_764 : vector<16xf32>
    %eq3A_780 = arith.cmpf oeq, %get3A_773, %select_n3A_764 : vector<16xf32>
    %lt3A_781 = arith.cmpi slt, %get3A_777, %select_n3A_765 : vector<16xi32>
    %and3A_782 = arith.andi %eq3A_780, %lt3A_781 : vector<16xi1>
    %or3A_783 = arith.ori %gt3A_779, %and3A_782 : vector<16xi1>
    %select_n3A_784 = arith.select %or3A_783, %get3A_773, %select_n3A_764 : vector<16xi1>, vector<16xf32>
    %select_n3A_785 = arith.select %or3A_783, %get3A_777, %select_n3A_765 : vector<16xi1>, vector<16xi32>
    %get3A_786 = arith.constant 3 : i32
    %get3A_787 = arith.index_cast %get3A_786 : i32 to index
    %get3A_788 = arith.constant 32 : index
    %get3A_789 = tpu.vector_load %arg15[%get3A_787, %get3A_788] {strides = array<i32>} : memref<16x128xi32, #tpu.memory_space<vmem>>, vector<16xi32>,
    %get3A_790 = arith.constant 3 : i32
    %get3A_791 = arith.index_cast %get3A_790 : i32 to index
    %get3A_792 = arith.constant 32 : index
    %get3A_793 = tpu.vector_load %arg16[%get3A_791, %get3A_792] {strides = array<i32>} : memref<16x128xf32, #tpu.memory_space<vmem>>, vector<16xf32>,
    %get3A_794 = arith.constant 3 : i32
    %get3A_795 = arith.index_cast %get3A_794 : i32 to index
    %get3A_796 = arith.constant 32 : index
    %get3A_797 = tpu.vector_load %arg17[%get3A_795, %get3A_796] {strides = array<i32>} : memref<16x128xi32, #tpu.memory_space<vmem>>, vector<16xi32>,
    %add3A_798 = arith.addi %add3A_778, %get3A_789 : vector<16xi32>
    %gt3A_799 = arith.cmpf ogt, %get3A_793, %select_n3A_784 : vector<16xf32>
    %eq3A_800 = arith.cmpf oeq, %get3A_793, %select_n3A_784 : vector<16xf32>
    %lt3A_801 = arith.cmpi slt, %get3A_797, %select_n3A_785 : vector<16xi32>
    %and3A_802 = arith.andi %eq3A_800, %lt3A_801 : vector<16xi1>
    %or3A_803 = arith.ori %gt3A_799, %and3A_802 : vector<16xi1>
    %select_n3A_804 = arith.select %or3A_803, %get3A_793, %select_n3A_784 : vector<16xi1>, vector<16xf32>
    %select_n3A_805 = arith.select %or3A_803, %get3A_797, %select_n3A_785 : vector<16xi1>, vector<16xi32>
    %get3A_806 = arith.constant 4 : i32
    %get3A_807 = arith.index_cast %get3A_806 : i32 to index
    %get3A_808 = arith.constant 32 : index
    %get3A_809 = tpu.vector_load %arg15[%get3A_807, %get3A_808] {strides = array<i32>} : memref<16x128xi32, #tpu.memory_space<vmem>>, vector<16xi32>,
    %get3A_810 = arith.constant 4 : i32
    %get3A_811 = arith.index_cast %get3A_810 : i32 to index
    %get3A_812 = arith.constant 32 : index
    %get3A_813 = tpu.vector_load %arg16[%get3A_811, %get3A_812] {strides = array<i32>} : memref<16x128xf32, #tpu.memory_space<vmem>>, vector<16xf32>,
    %get3A_814 = arith.constant 4 : i32
    %get3A_815 = arith.index_cast %get3A_814 : i32 to index
    %get3A_816 = arith.constant 32 : index
    %get3A_817 = tpu.vector_load %arg17[%get3A_815, %get3A_816] {strides = array<i32>} : memref<16x128xi32, #tpu.memory_space<vmem>>, vector<16xi32>,
    %add3A_818 = arith.addi %add3A_798, %get3A_809 : vector<16xi32>
    %gt3A_819 = arith.cmpf ogt, %get3A_813, %select_n3A_804 : vector<16xf32>
    %eq3A_820 = arith.cmpf oeq, %get3A_813, %select_n3A_804 : vector<16xf32>
    %lt3A_821 = arith.cmpi slt, %get3A_817, %select_n3A_805 : vector<16xi32>
    %and3A_822 = arith.andi %eq3A_820, %lt3A_821 : vector<16xi1>
    %or3A_823 = arith.ori %gt3A_819, %and3A_822 : vector<16xi1>
    %select_n3A_824 = arith.select %or3A_823, %get3A_813, %select_n3A_804 : vector<16xi1>, vector<16xf32>
    %select_n3A_825 = arith.select %or3A_823, %get3A_817, %select_n3A_805 : vector<16xi1>, vector<16xi32>
    %get3A_826 = arith.constant 5 : i32
    %get3A_827 = arith.index_cast %get3A_826 : i32 to index
    %get3A_828 = arith.constant 32 : index
    %get3A_829 = tpu.vector_load %arg15[%get3A_827, %get3A_828] {strides = array<i32>} : memref<16x128xi32, #tpu.memory_space<vmem>>, vector<16xi32>,
    %get3A_830 = arith.constant 5 : i32
    %get3A_831 = arith.index_cast %get3A_830 : i32 to index
    %get3A_832 = arith.constant 32 : index
    %get3A_833 = tpu.vector_load %arg16[%get3A_831, %get3A_832] {strides = array<i32>} : memref<16x128xf32, #tpu.memory_space<vmem>>, vector<16xf32>,
    %get3A_834 = arith.constant 5 : i32
    %get3A_835 = arith.index_cast %get3A_834 : i32 to index
    %get3A_836 = arith.constant 32 : index
    %get3A_837 = tpu.vector_load %arg17[%get3A_835, %get3A_836] {strides = array<i32>} : memref<16x128xi32, #tpu.memory_space<vmem>>, vector<16xi32>,
    %add3A_838 = arith.addi %add3A_818, %get3A_829 : vector<16xi32>
    %gt3A_839 = arith.cmpf ogt, %get3A_833, %select_n3A_824 : vector<16xf32>
    %eq3A_840 = arith.cmpf oeq, %get3A_833, %select_n3A_824 : vector<16xf32>
    %lt3A_841 = arith.cmpi slt, %get3A_837, %select_n3A_825 : vector<16xi32>
    %and3A_842 = arith.andi %eq3A_840, %lt3A_841 : vector<16xi1>
    %or3A_843 = arith.ori %gt3A_839, %and3A_842 : vector<16xi1>
    %select_n3A_844 = arith.select %or3A_843, %get3A_833, %select_n3A_824 : vector<16xi1>, vector<16xf32>
    %select_n3A_845 = arith.select %or3A_843, %get3A_837, %select_n3A_825 : vector<16xi1>, vector<16xi32>
    %get3A_846 = arith.constant 6 : i32
    %get3A_847 = arith.index_cast %get3A_846 : i32 to index
    %get3A_848 = arith.constant 32 : index
    %get3A_849 = tpu.vector_load %arg15[%get3A_847, %get3A_848] {strides = array<i32>} : memref<16x128xi32, #tpu.memory_space<vmem>>, vector<16xi32>,
    %get3A_850 = arith.constant 6 : i32
    %get3A_851 = arith.index_cast %get3A_850 : i32 to index
    %get3A_852 = arith.constant 32 : index
    %get3A_853 = tpu.vector_load %arg16[%get3A_851, %get3A_852] {strides = array<i32>} : memref<16x128xf32, #tpu.memory_space<vmem>>, vector<16xf32>,
    %get3A_854 = arith.constant 6 : i32
    %get3A_855 = arith.index_cast %get3A_854 : i32 to index
    %get3A_856 = arith.constant 32 : index
    %get3A_857 = tpu.vector_load %arg17[%get3A_855, %get3A_856] {strides = array<i32>} : memref<16x128xi32, #tpu.memory_space<vmem>>, vector<16xi32>,
    %add3A_858 = arith.addi %add3A_838, %get3A_849 : vector<16xi32>
    %gt3A_859 = arith.cmpf ogt, %get3A_853, %select_n3A_844 : vector<16xf32>
    %eq3A_860 = arith.cmpf oeq, %get3A_853, %select_n3A_844 : vector<16xf32>
    %lt3A_861 = arith.cmpi slt, %get3A_857, %select_n3A_845 : vector<16xi32>
    %and3A_862 = arith.andi %eq3A_860, %lt3A_861 : vector<16xi1>
    %or3A_863 = arith.ori %gt3A_859, %and3A_862 : vector<16xi1>
    %select_n3A_864 = arith.select %or3A_863, %get3A_853, %select_n3A_844 : vector<16xi1>, vector<16xf32>
    %select_n3A_865 = arith.select %or3A_863, %get3A_857, %select_n3A_845 : vector<16xi1>, vector<16xi32>
    %get3A_866 = arith.constant 7 : i32
    %get3A_867 = arith.index_cast %get3A_866 : i32 to index
    %get3A_868 = arith.constant 32 : index
    %get3A_869 = tpu.vector_load %arg15[%get3A_867, %get3A_868] {strides = array<i32>} : memref<16x128xi32, #tpu.memory_space<vmem>>, vector<16xi32>,
    %get3A_870 = arith.constant 7 : i32
    %get3A_871 = arith.index_cast %get3A_870 : i32 to index
    %get3A_872 = arith.constant 32 : index
    %get3A_873 = tpu.vector_load %arg16[%get3A_871, %get3A_872] {strides = array<i32>} : memref<16x128xf32, #tpu.memory_space<vmem>>, vector<16xf32>,
    %get3A_874 = arith.constant 7 : i32
    %get3A_875 = arith.index_cast %get3A_874 : i32 to index
    %get3A_876 = arith.constant 32 : index
    %get3A_877 = tpu.vector_load %arg17[%get3A_875, %get3A_876] {strides = array<i32>} : memref<16x128xi32, #tpu.memory_space<vmem>>, vector<16xi32>,
    %add3A_878 = arith.addi %add3A_858, %get3A_869 : vector<16xi32>
    %gt3A_879 = arith.cmpf ogt, %get3A_873, %select_n3A_864 : vector<16xf32>
    %eq3A_880 = arith.cmpf oeq, %get3A_873, %select_n3A_864 : vector<16xf32>
    %lt3A_881 = arith.cmpi slt, %get3A_877, %select_n3A_865 : vector<16xi32>
    %and3A_882 = arith.andi %eq3A_880, %lt3A_881 : vector<16xi1>
    %or3A_883 = arith.ori %gt3A_879, %and3A_882 : vector<16xi1>
    %select_n3A_884 = arith.select %or3A_883, %get3A_873, %select_n3A_864 : vector<16xi1>, vector<16xf32>
    %select_n3A_885 = arith.select %or3A_883, %get3A_877, %select_n3A_865 : vector<16xi1>, vector<16xi32>
    %get3A_886 = arith.constant 8 : i32
    %get3A_887 = arith.index_cast %get3A_886 : i32 to index
    %get3A_888 = arith.constant 32 : index
    %get3A_889 = tpu.vector_load %arg15[%get3A_887, %get3A_888] {strides = array<i32>} : memref<16x128xi32, #tpu.memory_space<vmem>>, vector<16xi32>,
    %get3A_890 = arith.constant 8 : i32
    %get3A_891 = arith.index_cast %get3A_890 : i32 to index
    %get3A_892 = arith.constant 32 : index
    %get3A_893 = tpu.vector_load %arg16[%get3A_891, %get3A_892] {strides = array<i32>} : memref<16x128xf32, #tpu.memory_space<vmem>>, vector<16xf32>,
    %get3A_894 = arith.constant 8 : i32
    %get3A_895 = arith.index_cast %get3A_894 : i32 to index
    %get3A_896 = arith.constant 32 : index
    %get3A_897 = tpu.vector_load %arg17[%get3A_895, %get3A_896] {strides = array<i32>} : memref<16x128xi32, #tpu.memory_space<vmem>>, vector<16xi32>,
    %add3A_898 = arith.addi %add3A_878, %get3A_889 : vector<16xi32>
    %gt3A_899 = arith.cmpf ogt, %get3A_893, %select_n3A_884 : vector<16xf32>
    %eq3A_900 = arith.cmpf oeq, %get3A_893, %select_n3A_884 : vector<16xf32>
    %lt3A_901 = arith.cmpi slt, %get3A_897, %select_n3A_885 : vector<16xi32>
    %and3A_902 = arith.andi %eq3A_900, %lt3A_901 : vector<16xi1>
    %or3A_903 = arith.ori %gt3A_899, %and3A_902 : vector<16xi1>
    %select_n3A_904 = arith.select %or3A_903, %get3A_893, %select_n3A_884 : vector<16xi1>, vector<16xf32>
    %select_n3A_905 = arith.select %or3A_903, %get3A_897, %select_n3A_885 : vector<16xi1>, vector<16xi32>
    %get3A_906 = arith.constant 9 : i32
    %get3A_907 = arith.index_cast %get3A_906 : i32 to index
    %get3A_908 = arith.constant 32 : index
    %get3A_909 = tpu.vector_load %arg15[%get3A_907, %get3A_908] {strides = array<i32>} : memref<16x128xi32, #tpu.memory_space<vmem>>, vector<16xi32>,
    %get3A_910 = arith.constant 9 : i32
    %get3A_911 = arith.index_cast %get3A_910 : i32 to index
    %get3A_912 = arith.constant 32 : index
    %get3A_913 = tpu.vector_load %arg16[%get3A_911, %get3A_912] {strides = array<i32>} : memref<16x128xf32, #tpu.memory_space<vmem>>, vector<16xf32>,
    %get3A_914 = arith.constant 9 : i32
    %get3A_915 = arith.index_cast %get3A_914 : i32 to index
    %get3A_916 = arith.constant 32 : index
    %get3A_917 = tpu.vector_load %arg17[%get3A_915, %get3A_916] {strides = array<i32>} : memref<16x128xi32, #tpu.memory_space<vmem>>, vector<16xi32>,
    %add3A_918 = arith.addi %add3A_898, %get3A_909 : vector<16xi32>
    %gt3A_919 = arith.cmpf ogt, %get3A_913, %select_n3A_904 : vector<16xf32>
    %eq3A_920 = arith.cmpf oeq, %get3A_913, %select_n3A_904 : vector<16xf32>
    %lt3A_921 = arith.cmpi slt, %get3A_917, %select_n3A_905 : vector<16xi32>
    %and3A_922 = arith.andi %eq3A_920, %lt3A_921 : vector<16xi1>
    %or3A_923 = arith.ori %gt3A_919, %and3A_922 : vector<16xi1>
    %select_n3A_924 = arith.select %or3A_923, %get3A_913, %select_n3A_904 : vector<16xi1>, vector<16xf32>
    %select_n3A_925 = arith.select %or3A_923, %get3A_917, %select_n3A_905 : vector<16xi1>, vector<16xi32>
    %get3A_926 = arith.constant 10 : i32
    %get3A_927 = arith.index_cast %get3A_926 : i32 to index
    %get3A_928 = arith.constant 32 : index
    %get3A_929 = tpu.vector_load %arg15[%get3A_927, %get3A_928] {strides = array<i32>} : memref<16x128xi32, #tpu.memory_space<vmem>>, vector<16xi32>,
    %get3A_930 = arith.constant 10 : i32
    %get3A_931 = arith.index_cast %get3A_930 : i32 to index
    %get3A_932 = arith.constant 32 : index
    %get3A_933 = tpu.vector_load %arg16[%get3A_931, %get3A_932] {strides = array<i32>} : memref<16x128xf32, #tpu.memory_space<vmem>>, vector<16xf32>,
    %get3A_934 = arith.constant 10 : i32
    %get3A_935 = arith.index_cast %get3A_934 : i32 to index
    %get3A_936 = arith.constant 32 : index
    %get3A_937 = tpu.vector_load %arg17[%get3A_935, %get3A_936] {strides = array<i32>} : memref<16x128xi32, #tpu.memory_space<vmem>>, vector<16xi32>,
    %add3A_938 = arith.addi %add3A_918, %get3A_929 : vector<16xi32>
    %gt3A_939 = arith.cmpf ogt, %get3A_933, %select_n3A_924 : vector<16xf32>
    %eq3A_940 = arith.cmpf oeq, %get3A_933, %select_n3A_924 : vector<16xf32>
    %lt3A_941 = arith.cmpi slt, %get3A_937, %select_n3A_925 : vector<16xi32>
    %and3A_942 = arith.andi %eq3A_940, %lt3A_941 : vector<16xi1>
    %or3A_943 = arith.ori %gt3A_939, %and3A_942 : vector<16xi1>
    %select_n3A_944 = arith.select %or3A_943, %get3A_933, %select_n3A_924 : vector<16xi1>, vector<16xf32>
    %select_n3A_945 = arith.select %or3A_943, %get3A_937, %select_n3A_925 : vector<16xi1>, vector<16xi32>
    %get3A_946 = arith.constant 11 : i32
    %get3A_947 = arith.index_cast %get3A_946 : i32 to index
    %get3A_948 = arith.constant 32 : index
    %get3A_949 = tpu.vector_load %arg15[%get3A_947, %get3A_948] {strides = array<i32>} : memref<16x128xi32, #tpu.memory_space<vmem>>, vector<16xi32>,
    %get3A_950 = arith.constant 11 : i32
    %get3A_951 = arith.index_cast %get3A_950 : i32 to index
    %get3A_952 = arith.constant 32 : index
    %get3A_953 = tpu.vector_load %arg16[%get3A_951, %get3A_952] {strides = array<i32>} : memref<16x128xf32, #tpu.memory_space<vmem>>, vector<16xf32>,
    %get3A_954 = arith.constant 11 : i32
    %get3A_955 = arith.index_cast %get3A_954 : i32 to index
    %get3A_956 = arith.constant 32 : index
    %get3A_957 = tpu.vector_load %arg17[%get3A_955, %get3A_956] {strides = array<i32>} : memref<16x128xi32, #tpu.memory_space<vmem>>, vector<16xi32>,
    %add3A_958 = arith.addi %add3A_938, %get3A_949 : vector<16xi32>
    %gt3A_959 = arith.cmpf ogt, %get3A_953, %select_n3A_944 : vector<16xf32>
    %eq3A_960 = arith.cmpf oeq, %get3A_953, %select_n3A_944 : vector<16xf32>
    %lt3A_961 = arith.cmpi slt, %get3A_957, %select_n3A_945 : vector<16xi32>
    %and3A_962 = arith.andi %eq3A_960, %lt3A_961 : vector<16xi1>
    %or3A_963 = arith.ori %gt3A_959, %and3A_962 : vector<16xi1>
    %select_n3A_964 = arith.select %or3A_963, %get3A_953, %select_n3A_944 : vector<16xi1>, vector<16xf32>
    %select_n3A_965 = arith.select %or3A_963, %get3A_957, %select_n3A_945 : vector<16xi1>, vector<16xi32>
    %get3A_966 = arith.constant 12 : i32
    %get3A_967 = arith.index_cast %get3A_966 : i32 to index
    %get3A_968 = arith.constant 32 : index
    %get3A_969 = tpu.vector_load %arg15[%get3A_967, %get3A_968] {strides = array<i32>} : memref<16x128xi32, #tpu.memory_space<vmem>>, vector<16xi32>,
    %get3A_970 = arith.constant 12 : i32
    %get3A_971 = arith.index_cast %get3A_970 : i32 to index
    %get3A_972 = arith.constant 32 : index
    %get3A_973 = tpu.vector_load %arg16[%get3A_971, %get3A_972] {strides = array<i32>} : memref<16x128xf32, #tpu.memory_space<vmem>>, vector<16xf32>,
    %get3A_974 = arith.constant 12 : i32
    %get3A_975 = arith.index_cast %get3A_974 : i32 to index
    %get3A_976 = arith.constant 32 : index
    %get3A_977 = tpu.vector_load %arg17[%get3A_975, %get3A_976] {strides = array<i32>} : memref<16x128xi32, #tpu.memory_space<vmem>>, vector<16xi32>,
    %add3A_978 = arith.addi %add3A_958, %get3A_969 : vector<16xi32>
    %gt3A_979 = arith.cmpf ogt, %get3A_973, %select_n3A_964 : vector<16xf32>
    %eq3A_980 = arith.cmpf oeq, %get3A_973, %select_n3A_964 : vector<16xf32>
    %lt3A_981 = arith.cmpi slt, %get3A_977, %select_n3A_965 : vector<16xi32>
    %and3A_982 = arith.andi %eq3A_980, %lt3A_981 : vector<16xi1>
    %or3A_983 = arith.ori %gt3A_979, %and3A_982 : vector<16xi1>
    %select_n3A_984 = arith.select %or3A_983, %get3A_973, %select_n3A_964 : vector<16xi1>, vector<16xf32>
    %select_n3A_985 = arith.select %or3A_983, %get3A_977, %select_n3A_965 : vector<16xi1>, vector<16xi32>
    %get3A_986 = arith.constant 13 : i32
    %get3A_987 = arith.index_cast %get3A_986 : i32 to index
    %get3A_988 = arith.constant 32 : index
    %get3A_989 = tpu.vector_load %arg15[%get3A_987, %get3A_988] {strides = array<i32>} : memref<16x128xi32, #tpu.memory_space<vmem>>, vector<16xi32>,
    %get3A_990 = arith.constant 13 : i32
    %get3A_991 = arith.index_cast %get3A_990 : i32 to index
    %get3A_992 = arith.constant 32 : index
    %get3A_993 = tpu.vector_load %arg16[%get3A_991, %get3A_992] {strides = array<i32>} : memref<16x128xf32, #tpu.memory_space<vmem>>, vector<16xf32>,
    %get3A_994 = arith.constant 13 : i32
    %get3A_995 = arith.index_cast %get3A_994 : i32 to index
    %get3A_996 = arith.constant 32 : index
    %get3A_997 = tpu.vector_load %arg17[%get3A_995, %get3A_996] {strides = array<i32>} : memref<16x128xi32, #tpu.memory_space<vmem>>, vector<16xi32>,
    %add3A_998 = arith.addi %add3A_978, %get3A_989 : vector<16xi32>
    %gt3A_999 = arith.cmpf ogt, %get3A_993, %select_n3A_984 : vector<16xf32>
    %eq3A_1000 = arith.cmpf oeq, %get3A_993, %select_n3A_984 : vector<16xf32>
    %lt3A_1001 = arith.cmpi slt, %get3A_997, %select_n3A_985 : vector<16xi32>
    %and3A_1002 = arith.andi %eq3A_1000, %lt3A_1001 : vector<16xi1>
    %or3A_1003 = arith.ori %gt3A_999, %and3A_1002 : vector<16xi1>
    %select_n3A_1004 = arith.select %or3A_1003, %get3A_993, %select_n3A_984 : vector<16xi1>, vector<16xf32>
    %select_n3A_1005 = arith.select %or3A_1003, %get3A_997, %select_n3A_985 : vector<16xi1>, vector<16xi32>
    %get3A_1006 = arith.constant 14 : i32
    %get3A_1007 = arith.index_cast %get3A_1006 : i32 to index
    %get3A_1008 = arith.constant 32 : index
    %get3A_1009 = tpu.vector_load %arg15[%get3A_1007, %get3A_1008] {strides = array<i32>} : memref<16x128xi32, #tpu.memory_space<vmem>>, vector<16xi32>,
    %get3A_1010 = arith.constant 14 : i32
    %get3A_1011 = arith.index_cast %get3A_1010 : i32 to index
    %get3A_1012 = arith.constant 32 : index
    %get3A_1013 = tpu.vector_load %arg16[%get3A_1011, %get3A_1012] {strides = array<i32>} : memref<16x128xf32, #tpu.memory_space<vmem>>, vector<16xf32>,
    %get3A_1014 = arith.constant 14 : i32
    %get3A_1015 = arith.index_cast %get3A_1014 : i32 to index
    %get3A_1016 = arith.constant 32 : index
    %get3A_1017 = tpu.vector_load %arg17[%get3A_1015, %get3A_1016] {strides = array<i32>} : memref<16x128xi32, #tpu.memory_space<vmem>>, vector<16xi32>,
    %add3A_1018 = arith.addi %add3A_998, %get3A_1009 : vector<16xi32>
    %gt3A_1019 = arith.cmpf ogt, %get3A_1013, %select_n3A_1004 : vector<16xf32>
    %eq3A_1020 = arith.cmpf oeq, %get3A_1013, %select_n3A_1004 : vector<16xf32>
    %lt3A_1021 = arith.cmpi slt, %get3A_1017, %select_n3A_1005 : vector<16xi32>
    %and3A_1022 = arith.andi %eq3A_1020, %lt3A_1021 : vector<16xi1>
    %or3A_1023 = arith.ori %gt3A_1019, %and3A_1022 : vector<16xi1>
    %select_n3A_1024 = arith.select %or3A_1023, %get3A_1013, %select_n3A_1004 : vector<16xi1>, vector<16xf32>
    %select_n3A_1025 = arith.select %or3A_1023, %get3A_1017, %select_n3A_1005 : vector<16xi1>, vector<16xi32>
    %get3A_1026 = arith.constant 15 : i32
    %get3A_1027 = arith.index_cast %get3A_1026 : i32 to index
    %get3A_1028 = arith.constant 32 : index
    %get3A_1029 = tpu.vector_load %arg15[%get3A_1027, %get3A_1028] {strides = array<i32>} : memref<16x128xi32, #tpu.memory_space<vmem>>, vector<16xi32>,
    %get3A_1030 = arith.constant 15 : i32
    %get3A_1031 = arith.index_cast %get3A_1030 : i32 to index
    %get3A_1032 = arith.constant 32 : index
    %get3A_1033 = tpu.vector_load %arg16[%get3A_1031, %get3A_1032] {strides = array<i32>} : memref<16x128xf32, #tpu.memory_space<vmem>>, vector<16xf32>,
    %get3A_1034 = arith.constant 15 : i32
    %get3A_1035 = arith.index_cast %get3A_1034 : i32 to index
    %get3A_1036 = arith.constant 32 : index
    %get3A_1037 = tpu.vector_load %arg17[%get3A_1035, %get3A_1036] {strides = array<i32>} : memref<16x128xi32, #tpu.memory_space<vmem>>, vector<16xi32>,
    %add3A_1038 = arith.addi %add3A_1018, %get3A_1029 : vector<16xi32>
    %gt3A_1039 = arith.cmpf ogt, %get3A_1033, %select_n3A_1024 : vector<16xf32>
    %eq3A_1040 = arith.cmpf oeq, %get3A_1033, %select_n3A_1024 : vector<16xf32>
    %lt3A_1041 = arith.cmpi slt, %get3A_1037, %select_n3A_1025 : vector<16xi32>
    %and3A_1042 = arith.andi %eq3A_1040, %lt3A_1041 : vector<16xi1>
    %or3A_1043 = arith.ori %gt3A_1039, %and3A_1042 : vector<16xi1>
    %select_n3A_1044 = arith.select %or3A_1043, %get3A_1033, %select_n3A_1024 : vector<16xi1>, vector<16xf32>
    %select_n3A_1045 = arith.select %or3A_1043, %get3A_1037, %select_n3A_1025 : vector<16xi1>, vector<16xi32>
    %swap3A_1046 = arith.constant 32 : index
    %swap3A_1047 = tpu.vector_load %arg18[%swap3A_1046] {strides = array<i32>} : memref<128xi32, #tpu.memory_space<vmem>>, vector<16xi32>,
    tpu.vector_store %arg18[%swap3A_1046], %add3A_1038 {strides = array<i32>} : memref<128xi32, #tpu.memory_space<vmem>>, vector<16xi32>,
    %swap3A_1048 = arith.constant 32 : index
    %swap3A_1049 = tpu.vector_load %arg19[%swap3A_1048] {strides = array<i32>} : memref<128xf32, #tpu.memory_space<vmem>>, vector<16xf32>,
    tpu.vector_store %arg19[%swap3A_1048], %select_n3A_1044 {strides = array<i32>} : memref<128xf32, #tpu.memory_space<vmem>>, vector<16xf32>,
    %swap3A_1050 = arith.constant 32 : index
    %swap3A_1051 = tpu.vector_load %arg20[%swap3A_1050] {strides = array<i32>} : memref<128xi32, #tpu.memory_space<vmem>>, vector<16xi32>,
    tpu.vector_store %arg20[%swap3A_1050], %select_n3A_1045 {strides = array<i32>} : memref<128xi32, #tpu.memory_space<vmem>>, vector<16xi32>,
    %min3A_1052 = arith.constant 19999 : i32
    %min3A_1053 = vector.broadcast %min3A_1052 : i32 to vector<16xi32>
    %min3A_1054 = arith.minsi %select_n3A_1045, %min3A_1053 : vector<16xi32>
    %mul3A_1055 = arith.constant 8 : i32
    %mul3A_1056 = vector.broadcast %mul3A_1055 : i32 to vector<16xi32>
    %mul3A_1057 = arith.muli %min3A_1054, %mul3A_1056 : vector<16xi32>
    %swap3A_1058 = arith.constant 32 : index
    %swap3A_1059 = tpu.vector_load %arg21[%swap3A_1058] {strides = array<i32>} : memref<128xi32, #tpu.memory_space<vmem>>, vector<16xi32>,
    tpu.vector_store %arg21[%swap3A_1058], %mul3A_1057 {strides = array<i32>} : memref<128xi32, #tpu.memory_space<vmem>>, vector<16xi32>,
    %broadcast_in_dim3A_1060 = arith.constant 0 : i32
    %broadcast_in_dim3A_1061 = vector.broadcast %broadcast_in_dim3A_1060 : i32 to vector<16xi32>
    %broadcast_in_dim3A_1062 = arith.constant -1.000000e+00 : f32
    %broadcast_in_dim3A_1063 = vector.broadcast %broadcast_in_dim3A_1062 : f32 to vector<16xf32>
    %broadcast_in_dim3A_1064 = arith.constant 1073741824 : i32
    %broadcast_in_dim3A_1065 = vector.broadcast %broadcast_in_dim3A_1064 : i32 to vector<16xi32>
    %get3A_1066 = arith.constant 0 : i32
    %get3A_1067 = arith.index_cast %get3A_1066 : i32 to index
    %get3A_1068 = arith.constant 48 : index
    %get3A_1069 = tpu.vector_load %arg15[%get3A_1067, %get3A_1068] {strides = array<i32>} : memref<16x128xi32, #tpu.memory_space<vmem>>, vector<16xi32>,
    %get3A_1070 = arith.constant 0 : i32
    %get3A_1071 = arith.index_cast %get3A_1070 : i32 to index
    %get3A_1072 = arith.constant 48 : index
    %get3A_1073 = tpu.vector_load %arg16[%get3A_1071, %get3A_1072] {strides = array<i32>} : memref<16x128xf32, #tpu.memory_space<vmem>>, vector<16xf32>,
    %get3A_1074 = arith.constant 0 : i32
    %get3A_1075 = arith.index_cast %get3A_1074 : i32 to index
    %get3A_1076 = arith.constant 48 : index
    %get3A_1077 = tpu.vector_load %arg17[%get3A_1075, %get3A_1076] {strides = array<i32>} : memref<16x128xi32, #tpu.memory_space<vmem>>, vector<16xi32>,
    %add3A_1078 = arith.addi %broadcast_in_dim3A_1061, %get3A_1069 : vector<16xi32>
    %gt3A_1079 = arith.cmpf ogt, %get3A_1073, %broadcast_in_dim3A_1063 : vector<16xf32>
    %eq3A_1080 = arith.cmpf oeq, %get3A_1073, %broadcast_in_dim3A_1063 : vector<16xf32>
    %lt3A_1081 = arith.cmpi slt, %get3A_1077, %broadcast_in_dim3A_1065 : vector<16xi32>
    %and3A_1082 = arith.andi %eq3A_1080, %lt3A_1081 : vector<16xi1>
    %or3A_1083 = arith.ori %gt3A_1079, %and3A_1082 : vector<16xi1>
    %select_n3A_1084 = arith.select %or3A_1083, %get3A_1073, %broadcast_in_dim3A_1063 : vector<16xi1>, vector<16xf32>
    %select_n3A_1085 = arith.select %or3A_1083, %get3A_1077, %broadcast_in_dim3A_1065 : vector<16xi1>, vector<16xi32>
    %get3A_1086 = arith.constant 1 : i32
    %get3A_1087 = arith.index_cast %get3A_1086 : i32 to index
    %get3A_1088 = arith.constant 48 : index
    %get3A_1089 = tpu.vector_load %arg15[%get3A_1087, %get3A_1088] {strides = array<i32>} : memref<16x128xi32, #tpu.memory_space<vmem>>, vector<16xi32>,
    %get3A_1090 = arith.constant 1 : i32
    %get3A_1091 = arith.index_cast %get3A_1090 : i32 to index
    %get3A_1092 = arith.constant 48 : index
    %get3A_1093 = tpu.vector_load %arg16[%get3A_1091, %get3A_1092] {strides = array<i32>} : memref<16x128xf32, #tpu.memory_space<vmem>>, vector<16xf32>,
    %get3A_1094 = arith.constant 1 : i32
    %get3A_1095 = arith.index_cast %get3A_1094 : i32 to index
    %get3A_1096 = arith.constant 48 : index
    %get3A_1097 = tpu.vector_load %arg17[%get3A_1095, %get3A_1096] {strides = array<i32>} : memref<16x128xi32, #tpu.memory_space<vmem>>, vector<16xi32>,
    %add3A_1098 = arith.addi %add3A_1078, %get3A_1089 : vector<16xi32>
    %gt3A_1099 = arith.cmpf ogt, %get3A_1093, %select_n3A_1084 : vector<16xf32>
    %eq3A_1100 = arith.cmpf oeq, %get3A_1093, %select_n3A_1084 : vector<16xf32>
    %lt3A_1101 = arith.cmpi slt, %get3A_1097, %select_n3A_1085 : vector<16xi32>
    %and3A_1102 = arith.andi %eq3A_1100, %lt3A_1101 : vector<16xi1>
    %or3A_1103 = arith.ori %gt3A_1099, %and3A_1102 : vector<16xi1>
    %select_n3A_1104 = arith.select %or3A_1103, %get3A_1093, %select_n3A_1084 : vector<16xi1>, vector<16xf32>
    %select_n3A_1105 = arith.select %or3A_1103, %get3A_1097, %select_n3A_1085 : vector<16xi1>, vector<16xi32>
    %get3A_1106 = arith.constant 2 : i32
    %get3A_1107 = arith.index_cast %get3A_1106 : i32 to index
    %get3A_1108 = arith.constant 48 : index
    %get3A_1109 = tpu.vector_load %arg15[%get3A_1107, %get3A_1108] {strides = array<i32>} : memref<16x128xi32, #tpu.memory_space<vmem>>, vector<16xi32>,
    %get3A_1110 = arith.constant 2 : i32
    %get3A_1111 = arith.index_cast %get3A_1110 : i32 to index
    %get3A_1112 = arith.constant 48 : index
    %get3A_1113 = tpu.vector_load %arg16[%get3A_1111, %get3A_1112] {strides = array<i32>} : memref<16x128xf32, #tpu.memory_space<vmem>>, vector<16xf32>,
    %get3A_1114 = arith.constant 2 : i32
    %get3A_1115 = arith.index_cast %get3A_1114 : i32 to index
    %get3A_1116 = arith.constant 48 : index
    %get3A_1117 = tpu.vector_load %arg17[%get3A_1115, %get3A_1116] {strides = array<i32>} : memref<16x128xi32, #tpu.memory_space<vmem>>, vector<16xi32>,
    %add3A_1118 = arith.addi %add3A_1098, %get3A_1109 : vector<16xi32>
    %gt3A_1119 = arith.cmpf ogt, %get3A_1113, %select_n3A_1104 : vector<16xf32>
    %eq3A_1120 = arith.cmpf oeq, %get3A_1113, %select_n3A_1104 : vector<16xf32>
    %lt3A_1121 = arith.cmpi slt, %get3A_1117, %select_n3A_1105 : vector<16xi32>
    %and3A_1122 = arith.andi %eq3A_1120, %lt3A_1121 : vector<16xi1>
    %or3A_1123 = arith.ori %gt3A_1119, %and3A_1122 : vector<16xi1>
    %select_n3A_1124 = arith.select %or3A_1123, %get3A_1113, %select_n3A_1104 : vector<16xi1>, vector<16xf32>
    %select_n3A_1125 = arith.select %or3A_1123, %get3A_1117, %select_n3A_1105 : vector<16xi1>, vector<16xi32>
    %get3A_1126 = arith.constant 3 : i32
    %get3A_1127 = arith.index_cast %get3A_1126 : i32 to index
    %get3A_1128 = arith.constant 48 : index
    %get3A_1129 = tpu.vector_load %arg15[%get3A_1127, %get3A_1128] {strides = array<i32>} : memref<16x128xi32, #tpu.memory_space<vmem>>, vector<16xi32>,
    %get3A_1130 = arith.constant 3 : i32
    %get3A_1131 = arith.index_cast %get3A_1130 : i32 to index
    %get3A_1132 = arith.constant 48 : index
    %get3A_1133 = tpu.vector_load %arg16[%get3A_1131, %get3A_1132] {strides = array<i32>} : memref<16x128xf32, #tpu.memory_space<vmem>>, vector<16xf32>,
    %get3A_1134 = arith.constant 3 : i32
    %get3A_1135 = arith.index_cast %get3A_1134 : i32 to index
    %get3A_1136 = arith.constant 48 : index
    %get3A_1137 = tpu.vector_load %arg17[%get3A_1135, %get3A_1136] {strides = array<i32>} : memref<16x128xi32, #tpu.memory_space<vmem>>, vector<16xi32>,
    %add3A_1138 = arith.addi %add3A_1118, %get3A_1129 : vector<16xi32>
    %gt3A_1139 = arith.cmpf ogt, %get3A_1133, %select_n3A_1124 : vector<16xf32>
    %eq3A_1140 = arith.cmpf oeq, %get3A_1133, %select_n3A_1124 : vector<16xf32>
    %lt3A_1141 = arith.cmpi slt, %get3A_1137, %select_n3A_1125 : vector<16xi32>
    %and3A_1142 = arith.andi %eq3A_1140, %lt3A_1141 : vector<16xi1>
    %or3A_1143 = arith.ori %gt3A_1139, %and3A_1142 : vector<16xi1>
    %select_n3A_1144 = arith.select %or3A_1143, %get3A_1133, %select_n3A_1124 : vector<16xi1>, vector<16xf32>
    %select_n3A_1145 = arith.select %or3A_1143, %get3A_1137, %select_n3A_1125 : vector<16xi1>, vector<16xi32>
    %get3A_1146 = arith.constant 4 : i32
    %get3A_1147 = arith.index_cast %get3A_1146 : i32 to index
    %get3A_1148 = arith.constant 48 : index
    %get3A_1149 = tpu.vector_load %arg15[%get3A_1147, %get3A_1148] {strides = array<i32>} : memref<16x128xi32, #tpu.memory_space<vmem>>, vector<16xi32>,
    %get3A_1150 = arith.constant 4 : i32
    %get3A_1151 = arith.index_cast %get3A_1150 : i32 to index
    %get3A_1152 = arith.constant 48 : index
    %get3A_1153 = tpu.vector_load %arg16[%get3A_1151, %get3A_1152] {strides = array<i32>} : memref<16x128xf32, #tpu.memory_space<vmem>>, vector<16xf32>,
    %get3A_1154 = arith.constant 4 : i32
    %get3A_1155 = arith.index_cast %get3A_1154 : i32 to index
    %get3A_1156 = arith.constant 48 : index
    %get3A_1157 = tpu.vector_load %arg17[%get3A_1155, %get3A_1156] {strides = array<i32>} : memref<16x128xi32, #tpu.memory_space<vmem>>, vector<16xi32>,
    %add3A_1158 = arith.addi %add3A_1138, %get3A_1149 : vector<16xi32>
    %gt3A_1159 = arith.cmpf ogt, %get3A_1153, %select_n3A_1144 : vector<16xf32>
    %eq3A_1160 = arith.cmpf oeq, %get3A_1153, %select_n3A_1144 : vector<16xf32>
    %lt3A_1161 = arith.cmpi slt, %get3A_1157, %select_n3A_1145 : vector<16xi32>
    %and3A_1162 = arith.andi %eq3A_1160, %lt3A_1161 : vector<16xi1>
    %or3A_1163 = arith.ori %gt3A_1159, %and3A_1162 : vector<16xi1>
    %select_n3A_1164 = arith.select %or3A_1163, %get3A_1153, %select_n3A_1144 : vector<16xi1>, vector<16xf32>
    %select_n3A_1165 = arith.select %or3A_1163, %get3A_1157, %select_n3A_1145 : vector<16xi1>, vector<16xi32>
    %get3A_1166 = arith.constant 5 : i32
    %get3A_1167 = arith.index_cast %get3A_1166 : i32 to index
    %get3A_1168 = arith.constant 48 : index
    %get3A_1169 = tpu.vector_load %arg15[%get3A_1167, %get3A_1168] {strides = array<i32>} : memref<16x128xi32, #tpu.memory_space<vmem>>, vector<16xi32>,
    %get3A_1170 = arith.constant 5 : i32
    %get3A_1171 = arith.index_cast %get3A_1170 : i32 to index
    %get3A_1172 = arith.constant 48 : index
    %get3A_1173 = tpu.vector_load %arg16[%get3A_1171, %get3A_1172] {strides = array<i32>} : memref<16x128xf32, #tpu.memory_space<vmem>>, vector<16xf32>,
    %get3A_1174 = arith.constant 5 : i32
    %get3A_1175 = arith.index_cast %get3A_1174 : i32 to index
    %get3A_1176 = arith.constant 48 : index
    %get3A_1177 = tpu.vector_load %arg17[%get3A_1175, %get3A_1176] {strides = array<i32>} : memref<16x128xi32, #tpu.memory_space<vmem>>, vector<16xi32>,
    %add3A_1178 = arith.addi %add3A_1158, %get3A_1169 : vector<16xi32>
    %gt3A_1179 = arith.cmpf ogt, %get3A_1173, %select_n3A_1164 : vector<16xf32>
    %eq3A_1180 = arith.cmpf oeq, %get3A_1173, %select_n3A_1164 : vector<16xf32>
    %lt3A_1181 = arith.cmpi slt, %get3A_1177, %select_n3A_1165 : vector<16xi32>
    %and3A_1182 = arith.andi %eq3A_1180, %lt3A_1181 : vector<16xi1>
    %or3A_1183 = arith.ori %gt3A_1179, %and3A_1182 : vector<16xi1>
    %select_n3A_1184 = arith.select %or3A_1183, %get3A_1173, %select_n3A_1164 : vector<16xi1>, vector<16xf32>
    %select_n3A_1185 = arith.select %or3A_1183, %get3A_1177, %select_n3A_1165 : vector<16xi1>, vector<16xi32>
    %get3A_1186 = arith.constant 6 : i32
    %get3A_1187 = arith.index_cast %get3A_1186 : i32 to index
    %get3A_1188 = arith.constant 48 : index
    %get3A_1189 = tpu.vector_load %arg15[%get3A_1187, %get3A_1188] {strides = array<i32>} : memref<16x128xi32, #tpu.memory_space<vmem>>, vector<16xi32>,
    %get3A_1190 = arith.constant 6 : i32
    %get3A_1191 = arith.index_cast %get3A_1190 : i32 to index
    %get3A_1192 = arith.constant 48 : index
    %get3A_1193 = tpu.vector_load %arg16[%get3A_1191, %get3A_1192] {strides = array<i32>} : memref<16x128xf32, #tpu.memory_space<vmem>>, vector<16xf32>,
    %get3A_1194 = arith.constant 6 : i32
    %get3A_1195 = arith.index_cast %get3A_1194 : i32 to index
    %get3A_1196 = arith.constant 48 : index
    %get3A_1197 = tpu.vector_load %arg17[%get3A_1195, %get3A_1196] {strides = array<i32>} : memref<16x128xi32, #tpu.memory_space<vmem>>, vector<16xi32>,
    %add3A_1198 = arith.addi %add3A_1178, %get3A_1189 : vector<16xi32>
    %gt3A_1199 = arith.cmpf ogt, %get3A_1193, %select_n3A_1184 : vector<16xf32>
    %eq3A_1200 = arith.cmpf oeq, %get3A_1193, %select_n3A_1184 : vector<16xf32>
    %lt3A_1201 = arith.cmpi slt, %get3A_1197, %select_n3A_1185 : vector<16xi32>
    %and3A_1202 = arith.andi %eq3A_1200, %lt3A_1201 : vector<16xi1>
    %or3A_1203 = arith.ori %gt3A_1199, %and3A_1202 : vector<16xi1>
    %select_n3A_1204 = arith.select %or3A_1203, %get3A_1193, %select_n3A_1184 : vector<16xi1>, vector<16xf32>
    %select_n3A_1205 = arith.select %or3A_1203, %get3A_1197, %select_n3A_1185 : vector<16xi1>, vector<16xi32>
    %get3A_1206 = arith.constant 7 : i32
    %get3A_1207 = arith.index_cast %get3A_1206 : i32 to index
    %get3A_1208 = arith.constant 48 : index
    %get3A_1209 = tpu.vector_load %arg15[%get3A_1207, %get3A_1208] {strides = array<i32>} : memref<16x128xi32, #tpu.memory_space<vmem>>, vector<16xi32>,
    %get3A_1210 = arith.constant 7 : i32
    %get3A_1211 = arith.index_cast %get3A_1210 : i32 to index
    %get3A_1212 = arith.constant 48 : index
    %get3A_1213 = tpu.vector_load %arg16[%get3A_1211, %get3A_1212] {strides = array<i32>} : memref<16x128xf32, #tpu.memory_space<vmem>>, vector<16xf32>,
    %get3A_1214 = arith.constant 7 : i32
    %get3A_1215 = arith.index_cast %get3A_1214 : i32 to index
    %get3A_1216 = arith.constant 48 : index
    %get3A_1217 = tpu.vector_load %arg17[%get3A_1215, %get3A_1216] {strides = array<i32>} : memref<16x128xi32, #tpu.memory_space<vmem>>, vector<16xi32>,
    %add3A_1218 = arith.addi %add3A_1198, %get3A_1209 : vector<16xi32>
    %gt3A_1219 = arith.cmpf ogt, %get3A_1213, %select_n3A_1204 : vector<16xf32>
    %eq3A_1220 = arith.cmpf oeq, %get3A_1213, %select_n3A_1204 : vector<16xf32>
    %lt3A_1221 = arith.cmpi slt, %get3A_1217, %select_n3A_1205 : vector<16xi32>
    %and3A_1222 = arith.andi %eq3A_1220, %lt3A_1221 : vector<16xi1>
    %or3A_1223 = arith.ori %gt3A_1219, %and3A_1222 : vector<16xi1>
    %select_n3A_1224 = arith.select %or3A_1223, %get3A_1213, %select_n3A_1204 : vector<16xi1>, vector<16xf32>
    %select_n3A_1225 = arith.select %or3A_1223, %get3A_1217, %select_n3A_1205 : vector<16xi1>, vector<16xi32>
    %get3A_1226 = arith.constant 8 : i32
    %get3A_1227 = arith.index_cast %get3A_1226 : i32 to index
    %get3A_1228 = arith.constant 48 : index
    %get3A_1229 = tpu.vector_load %arg15[%get3A_1227, %get3A_1228] {strides = array<i32>} : memref<16x128xi32, #tpu.memory_space<vmem>>, vector<16xi32>,
    %get3A_1230 = arith.constant 8 : i32
    %get3A_1231 = arith.index_cast %get3A_1230 : i32 to index
    %get3A_1232 = arith.constant 48 : index
    %get3A_1233 = tpu.vector_load %arg16[%get3A_1231, %get3A_1232] {strides = array<i32>} : memref<16x128xf32, #tpu.memory_space<vmem>>, vector<16xf32>,
    %get3A_1234 = arith.constant 8 : i32
    %get3A_1235 = arith.index_cast %get3A_1234 : i32 to index
    %get3A_1236 = arith.constant 48 : index
    %get3A_1237 = tpu.vector_load %arg17[%get3A_1235, %get3A_1236] {strides = array<i32>} : memref<16x128xi32, #tpu.memory_space<vmem>>, vector<16xi32>,
    %add3A_1238 = arith.addi %add3A_1218, %get3A_1229 : vector<16xi32>
    %gt3A_1239 = arith.cmpf ogt, %get3A_1233, %select_n3A_1224 : vector<16xf32>
    %eq3A_1240 = arith.cmpf oeq, %get3A_1233, %select_n3A_1224 : vector<16xf32>
    %lt3A_1241 = arith.cmpi slt, %get3A_1237, %select_n3A_1225 : vector<16xi32>
    %and3A_1242 = arith.andi %eq3A_1240, %lt3A_1241 : vector<16xi1>
    %or3A_1243 = arith.ori %gt3A_1239, %and3A_1242 : vector<16xi1>
    %select_n3A_1244 = arith.select %or3A_1243, %get3A_1233, %select_n3A_1224 : vector<16xi1>, vector<16xf32>
    %select_n3A_1245 = arith.select %or3A_1243, %get3A_1237, %select_n3A_1225 : vector<16xi1>, vector<16xi32>
    %get3A_1246 = arith.constant 9 : i32
    %get3A_1247 = arith.index_cast %get3A_1246 : i32 to index
    %get3A_1248 = arith.constant 48 : index
    %get3A_1249 = tpu.vector_load %arg15[%get3A_1247, %get3A_1248] {strides = array<i32>} : memref<16x128xi32, #tpu.memory_space<vmem>>, vector<16xi32>,
    %get3A_1250 = arith.constant 9 : i32
    %get3A_1251 = arith.index_cast %get3A_1250 : i32 to index
    %get3A_1252 = arith.constant 48 : index
    %get3A_1253 = tpu.vector_load %arg16[%get3A_1251, %get3A_1252] {strides = array<i32>} : memref<16x128xf32, #tpu.memory_space<vmem>>, vector<16xf32>,
    %get3A_1254 = arith.constant 9 : i32
    %get3A_1255 = arith.index_cast %get3A_1254 : i32 to index
    %get3A_1256 = arith.constant 48 : index
    %get3A_1257 = tpu.vector_load %arg17[%get3A_1255, %get3A_1256] {strides = array<i32>} : memref<16x128xi32, #tpu.memory_space<vmem>>, vector<16xi32>,
    %add3A_1258 = arith.addi %add3A_1238, %get3A_1249 : vector<16xi32>
    %gt3A_1259 = arith.cmpf ogt, %get3A_1253, %select_n3A_1244 : vector<16xf32>
    %eq3A_1260 = arith.cmpf oeq, %get3A_1253, %select_n3A_1244 : vector<16xf32>
    %lt3A_1261 = arith.cmpi slt, %get3A_1257, %select_n3A_1245 : vector<16xi32>
    %and3A_1262 = arith.andi %eq3A_1260, %lt3A_1261 : vector<16xi1>
    %or3A_1263 = arith.ori %gt3A_1259, %and3A_1262 : vector<16xi1>
    %select_n3A_1264 = arith.select %or3A_1263, %get3A_1253, %select_n3A_1244 : vector<16xi1>, vector<16xf32>
    %select_n3A_1265 = arith.select %or3A_1263, %get3A_1257, %select_n3A_1245 : vector<16xi1>, vector<16xi32>
    %get3A_1266 = arith.constant 10 : i32
    %get3A_1267 = arith.index_cast %get3A_1266 : i32 to index
    %get3A_1268 = arith.constant 48 : index
    %get3A_1269 = tpu.vector_load %arg15[%get3A_1267, %get3A_1268] {strides = array<i32>} : memref<16x128xi32, #tpu.memory_space<vmem>>, vector<16xi32>,
    %get3A_1270 = arith.constant 10 : i32
    %get3A_1271 = arith.index_cast %get3A_1270 : i32 to index
    %get3A_1272 = arith.constant 48 : index
    %get3A_1273 = tpu.vector_load %arg16[%get3A_1271, %get3A_1272] {strides = array<i32>} : memref<16x128xf32, #tpu.memory_space<vmem>>, vector<16xf32>,
    %get3A_1274 = arith.constant 10 : i32
    %get3A_1275 = arith.index_cast %get3A_1274 : i32 to index
    %get3A_1276 = arith.constant 48 : index
    %get3A_1277 = tpu.vector_load %arg17[%get3A_1275, %get3A_1276] {strides = array<i32>} : memref<16x128xi32, #tpu.memory_space<vmem>>, vector<16xi32>,
    %add3A_1278 = arith.addi %add3A_1258, %get3A_1269 : vector<16xi32>
    %gt3A_1279 = arith.cmpf ogt, %get3A_1273, %select_n3A_1264 : vector<16xf32>
    %eq3A_1280 = arith.cmpf oeq, %get3A_1273, %select_n3A_1264 : vector<16xf32>
    %lt3A_1281 = arith.cmpi slt, %get3A_1277, %select_n3A_1265 : vector<16xi32>
    %and3A_1282 = arith.andi %eq3A_1280, %lt3A_1281 : vector<16xi1>
    %or3A_1283 = arith.ori %gt3A_1279, %and3A_1282 : vector<16xi1>
    %select_n3A_1284 = arith.select %or3A_1283, %get3A_1273, %select_n3A_1264 : vector<16xi1>, vector<16xf32>
    %select_n3A_1285 = arith.select %or3A_1283, %get3A_1277, %select_n3A_1265 : vector<16xi1>, vector<16xi32>
    %get3A_1286 = arith.constant 11 : i32
    %get3A_1287 = arith.index_cast %get3A_1286 : i32 to index
    %get3A_1288 = arith.constant 48 : index
    %get3A_1289 = tpu.vector_load %arg15[%get3A_1287, %get3A_1288] {strides = array<i32>} : memref<16x128xi32, #tpu.memory_space<vmem>>, vector<16xi32>,
    %get3A_1290 = arith.constant 11 : i32
    %get3A_1291 = arith.index_cast %get3A_1290 : i32 to index
    %get3A_1292 = arith.constant 48 : index
    %get3A_1293 = tpu.vector_load %arg16[%get3A_1291, %get3A_1292] {strides = array<i32>} : memref<16x128xf32, #tpu.memory_space<vmem>>, vector<16xf32>,
    %get3A_1294 = arith.constant 11 : i32
    %get3A_1295 = arith.index_cast %get3A_1294 : i32 to index
    %get3A_1296 = arith.constant 48 : index
    %get3A_1297 = tpu.vector_load %arg17[%get3A_1295, %get3A_1296] {strides = array<i32>} : memref<16x128xi32, #tpu.memory_space<vmem>>, vector<16xi32>,
    %add3A_1298 = arith.addi %add3A_1278, %get3A_1289 : vector<16xi32>
    %gt3A_1299 = arith.cmpf ogt, %get3A_1293, %select_n3A_1284 : vector<16xf32>
    %eq3A_1300 = arith.cmpf oeq, %get3A_1293, %select_n3A_1284 : vector<16xf32>
    %lt3A_1301 = arith.cmpi slt, %get3A_1297, %select_n3A_1285 : vector<16xi32>
    %and3A_1302 = arith.andi %eq3A_1300, %lt3A_1301 : vector<16xi1>
    %or3A_1303 = arith.ori %gt3A_1299, %and3A_1302 : vector<16xi1>
    %select_n3A_1304 = arith.select %or3A_1303, %get3A_1293, %select_n3A_1284 : vector<16xi1>, vector<16xf32>
    %select_n3A_1305 = arith.select %or3A_1303, %get3A_1297, %select_n3A_1285 : vector<16xi1>, vector<16xi32>
    %get3A_1306 = arith.constant 12 : i32
    %get3A_1307 = arith.index_cast %get3A_1306 : i32 to index
    %get3A_1308 = arith.constant 48 : index
    %get3A_1309 = tpu.vector_load %arg15[%get3A_1307, %get3A_1308] {strides = array<i32>} : memref<16x128xi32, #tpu.memory_space<vmem>>, vector<16xi32>,
    %get3A_1310 = arith.constant 12 : i32
    %get3A_1311 = arith.index_cast %get3A_1310 : i32 to index
    %get3A_1312 = arith.constant 48 : index
    %get3A_1313 = tpu.vector_load %arg16[%get3A_1311, %get3A_1312] {strides = array<i32>} : memref<16x128xf32, #tpu.memory_space<vmem>>, vector<16xf32>,
    %get3A_1314 = arith.constant 12 : i32
    %get3A_1315 = arith.index_cast %get3A_1314 : i32 to index
    %get3A_1316 = arith.constant 48 : index
    %get3A_1317 = tpu.vector_load %arg17[%get3A_1315, %get3A_1316] {strides = array<i32>} : memref<16x128xi32, #tpu.memory_space<vmem>>, vector<16xi32>,
    %add3A_1318 = arith.addi %add3A_1298, %get3A_1309 : vector<16xi32>
    %gt3A_1319 = arith.cmpf ogt, %get3A_1313, %select_n3A_1304 : vector<16xf32>
    %eq3A_1320 = arith.cmpf oeq, %get3A_1313, %select_n3A_1304 : vector<16xf32>
    %lt3A_1321 = arith.cmpi slt, %get3A_1317, %select_n3A_1305 : vector<16xi32>
    %and3A_1322 = arith.andi %eq3A_1320, %lt3A_1321 : vector<16xi1>
    %or3A_1323 = arith.ori %gt3A_1319, %and3A_1322 : vector<16xi1>
    %select_n3A_1324 = arith.select %or3A_1323, %get3A_1313, %select_n3A_1304 : vector<16xi1>, vector<16xf32>
    %select_n3A_1325 = arith.select %or3A_1323, %get3A_1317, %select_n3A_1305 : vector<16xi1>, vector<16xi32>
    %get3A_1326 = arith.constant 13 : i32
    %get3A_1327 = arith.index_cast %get3A_1326 : i32 to index
    %get3A_1328 = arith.constant 48 : index
    %get3A_1329 = tpu.vector_load %arg15[%get3A_1327, %get3A_1328] {strides = array<i32>} : memref<16x128xi32, #tpu.memory_space<vmem>>, vector<16xi32>,
    %get3A_1330 = arith.constant 13 : i32
    %get3A_1331 = arith.index_cast %get3A_1330 : i32 to index
    %get3A_1332 = arith.constant 48 : index
    %get3A_1333 = tpu.vector_load %arg16[%get3A_1331, %get3A_1332] {strides = array<i32>} : memref<16x128xf32, #tpu.memory_space<vmem>>, vector<16xf32>,
    %get3A_1334 = arith.constant 13 : i32
    %get3A_1335 = arith.index_cast %get3A_1334 : i32 to index
    %get3A_1336 = arith.constant 48 : index
    %get3A_1337 = tpu.vector_load %arg17[%get3A_1335, %get3A_1336] {strides = array<i32>} : memref<16x128xi32, #tpu.memory_space<vmem>>, vector<16xi32>,
    %add3A_1338 = arith.addi %add3A_1318, %get3A_1329 : vector<16xi32>
    %gt3A_1339 = arith.cmpf ogt, %get3A_1333, %select_n3A_1324 : vector<16xf32>
    %eq3A_1340 = arith.cmpf oeq, %get3A_1333, %select_n3A_1324 : vector<16xf32>
    %lt3A_1341 = arith.cmpi slt, %get3A_1337, %select_n3A_1325 : vector<16xi32>
    %and3A_1342 = arith.andi %eq3A_1340, %lt3A_1341 : vector<16xi1>
    %or3A_1343 = arith.ori %gt3A_1339, %and3A_1342 : vector<16xi1>
    %select_n3A_1344 = arith.select %or3A_1343, %get3A_1333, %select_n3A_1324 : vector<16xi1>, vector<16xf32>
    %select_n3A_1345 = arith.select %or3A_1343, %get3A_1337, %select_n3A_1325 : vector<16xi1>, vector<16xi32>
    %get3A_1346 = arith.constant 14 : i32
    %get3A_1347 = arith.index_cast %get3A_1346 : i32 to index
    %get3A_1348 = arith.constant 48 : index
    %get3A_1349 = tpu.vector_load %arg15[%get3A_1347, %get3A_1348] {strides = array<i32>} : memref<16x128xi32, #tpu.memory_space<vmem>>, vector<16xi32>,
    %get3A_1350 = arith.constant 14 : i32
    %get3A_1351 = arith.index_cast %get3A_1350 : i32 to index
    %get3A_1352 = arith.constant 48 : index
    %get3A_1353 = tpu.vector_load %arg16[%get3A_1351, %get3A_1352] {strides = array<i32>} : memref<16x128xf32, #tpu.memory_space<vmem>>, vector<16xf32>,
    %get3A_1354 = arith.constant 14 : i32
    %get3A_1355 = arith.index_cast %get3A_1354 : i32 to index
    %get3A_1356 = arith.constant 48 : index
    %get3A_1357 = tpu.vector_load %arg17[%get3A_1355, %get3A_1356] {strides = array<i32>} : memref<16x128xi32, #tpu.memory_space<vmem>>, vector<16xi32>,
    %add3A_1358 = arith.addi %add3A_1338, %get3A_1349 : vector<16xi32>
    %gt3A_1359 = arith.cmpf ogt, %get3A_1353, %select_n3A_1344 : vector<16xf32>
    %eq3A_1360 = arith.cmpf oeq, %get3A_1353, %select_n3A_1344 : vector<16xf32>
    %lt3A_1361 = arith.cmpi slt, %get3A_1357, %select_n3A_1345 : vector<16xi32>
    %and3A_1362 = arith.andi %eq3A_1360, %lt3A_1361 : vector<16xi1>
    %or3A_1363 = arith.ori %gt3A_1359, %and3A_1362 : vector<16xi1>
    %select_n3A_1364 = arith.select %or3A_1363, %get3A_1353, %select_n3A_1344 : vector<16xi1>, vector<16xf32>
    %select_n3A_1365 = arith.select %or3A_1363, %get3A_1357, %select_n3A_1345 : vector<16xi1>, vector<16xi32>
    %get3A_1366 = arith.constant 15 : i32
    %get3A_1367 = arith.index_cast %get3A_1366 : i32 to index
    %get3A_1368 = arith.constant 48 : index
    %get3A_1369 = tpu.vector_load %arg15[%get3A_1367, %get3A_1368] {strides = array<i32>} : memref<16x128xi32, #tpu.memory_space<vmem>>, vector<16xi32>,
    %get3A_1370 = arith.constant 15 : i32
    %get3A_1371 = arith.index_cast %get3A_1370 : i32 to index
    %get3A_1372 = arith.constant 48 : index
    %get3A_1373 = tpu.vector_load %arg16[%get3A_1371, %get3A_1372] {strides = array<i32>} : memref<16x128xf32, #tpu.memory_space<vmem>>, vector<16xf32>,
    %get3A_1374 = arith.constant 15 : i32
    %get3A_1375 = arith.index_cast %get3A_1374 : i32 to index
    %get3A_1376 = arith.constant 48 : index
    %get3A_1377 = tpu.vector_load %arg17[%get3A_1375, %get3A_1376] {strides = array<i32>} : memref<16x128xi32, #tpu.memory_space<vmem>>, vector<16xi32>,
    %add3A_1378 = arith.addi %add3A_1358, %get3A_1369 : vector<16xi32>
    %gt3A_1379 = arith.cmpf ogt, %get3A_1373, %select_n3A_1364 : vector<16xf32>
    %eq3A_1380 = arith.cmpf oeq, %get3A_1373, %select_n3A_1364 : vector<16xf32>
    %lt3A_1381 = arith.cmpi slt, %get3A_1377, %select_n3A_1365 : vector<16xi32>
    %and3A_1382 = arith.andi %eq3A_1380, %lt3A_1381 : vector<16xi1>
    %or3A_1383 = arith.ori %gt3A_1379, %and3A_1382 : vector<16xi1>
    %select_n3A_1384 = arith.select %or3A_1383, %get3A_1373, %select_n3A_1364 : vector<16xi1>, vector<16xf32>
    %select_n3A_1385 = arith.select %or3A_1383, %get3A_1377, %select_n3A_1365 : vector<16xi1>, vector<16xi32>
    %swap3A_1386 = arith.constant 48 : index
    %swap3A_1387 = tpu.vector_load %arg18[%swap3A_1386] {strides = array<i32>} : memref<128xi32, #tpu.memory_space<vmem>>, vector<16xi32>,
    tpu.vector_store %arg18[%swap3A_1386], %add3A_1378 {strides = array<i32>} : memref<128xi32, #tpu.memory_space<vmem>>, vector<16xi32>,
    %swap3A_1388 = arith.constant 48 : index
    %swap3A_1389 = tpu.vector_load %arg19[%swap3A_1388] {strides = array<i32>} : memref<128xf32, #tpu.memory_space<vmem>>, vector<16xf32>,
    tpu.vector_store %arg19[%swap3A_1388], %select_n3A_1384 {strides = array<i32>} : memref<128xf32, #tpu.memory_space<vmem>>, vector<16xf32>,
    %swap3A_1390 = arith.constant 48 : index
    %swap3A_1391 = tpu.vector_load %arg20[%swap3A_1390] {strides = array<i32>} : memref<128xi32, #tpu.memory_space<vmem>>, vector<16xi32>,
    tpu.vector_store %arg20[%swap3A_1390], %select_n3A_1385 {strides = array<i32>} : memref<128xi32, #tpu.memory_space<vmem>>, vector<16xi32>,
    %min3A_1392 = arith.constant 19999 : i32
    %min3A_1393 = vector.broadcast %min3A_1392 : i32 to vector<16xi32>
    %min3A_1394 = arith.minsi %select_n3A_1385, %min3A_1393 : vector<16xi32>
    %mul3A_1395 = arith.constant 8 : i32
    %mul3A_1396 = vector.broadcast %mul3A_1395 : i32 to vector<16xi32>
    %mul3A_1397 = arith.muli %min3A_1394, %mul3A_1396 : vector<16xi32>
    %swap3A_1398 = arith.constant 48 : index
    %swap3A_1399 = tpu.vector_load %arg21[%swap3A_1398] {strides = array<i32>} : memref<128xi32, #tpu.memory_space<vmem>>, vector<16xi32>,
    tpu.vector_store %arg21[%swap3A_1398], %mul3A_1397 {strides = array<i32>} : memref<128xi32, #tpu.memory_space<vmem>>, vector<16xi32>,
    %broadcast_in_dim3A_1400 = arith.constant 0 : i32
    %broadcast_in_dim3A_1401 = vector.broadcast %broadcast_in_dim3A_1400 : i32 to vector<16xi32>
    %broadcast_in_dim3A_1402 = arith.constant -1.000000e+00 : f32
    %broadcast_in_dim3A_1403 = vector.broadcast %broadcast_in_dim3A_1402 : f32 to vector<16xf32>
    %broadcast_in_dim3A_1404 = arith.constant 1073741824 : i32
    %broadcast_in_dim3A_1405 = vector.broadcast %broadcast_in_dim3A_1404 : i32 to vector<16xi32>
    %get3A_1406 = arith.constant 0 : i32
    %get3A_1407 = arith.index_cast %get3A_1406 : i32 to index
    %get3A_1408 = arith.constant 64 : index
    %get3A_1409 = tpu.vector_load %arg15[%get3A_1407, %get3A_1408] {strides = array<i32>} : memref<16x128xi32, #tpu.memory_space<vmem>>, vector<16xi32>,
    %get3A_1410 = arith.constant 0 : i32
    %get3A_1411 = arith.index_cast %get3A_1410 : i32 to index
    %get3A_1412 = arith.constant 64 : index
    %get3A_1413 = tpu.vector_load %arg16[%get3A_1411, %get3A_1412] {strides = array<i32>} : memref<16x128xf32, #tpu.memory_space<vmem>>, vector<16xf32>,
    %get3A_1414 = arith.constant 0 : i32
    %get3A_1415 = arith.index_cast %get3A_1414 : i32 to index
    %get3A_1416 = arith.constant 64 : index
    %get3A_1417 = tpu.vector_load %arg17[%get3A_1415, %get3A_1416] {strides = array<i32>} : memref<16x128xi32, #tpu.memory_space<vmem>>, vector<16xi32>,
    %add3A_1418 = arith.addi %broadcast_in_dim3A_1401, %get3A_1409 : vector<16xi32>
    %gt3A_1419 = arith.cmpf ogt, %get3A_1413, %broadcast_in_dim3A_1403 : vector<16xf32>
    %eq3A_1420 = arith.cmpf oeq, %get3A_1413, %broadcast_in_dim3A_1403 : vector<16xf32>
    %lt3A_1421 = arith.cmpi slt, %get3A_1417, %broadcast_in_dim3A_1405 : vector<16xi32>
    %and3A_1422 = arith.andi %eq3A_1420, %lt3A_1421 : vector<16xi1>
    %or3A_1423 = arith.ori %gt3A_1419, %and3A_1422 : vector<16xi1>
    %select_n3A_1424 = arith.select %or3A_1423, %get3A_1413, %broadcast_in_dim3A_1403 : vector<16xi1>, vector<16xf32>
    %select_n3A_1425 = arith.select %or3A_1423, %get3A_1417, %broadcast_in_dim3A_1405 : vector<16xi1>, vector<16xi32>
    %get3A_1426 = arith.constant 1 : i32
    %get3A_1427 = arith.index_cast %get3A_1426 : i32 to index
    %get3A_1428 = arith.constant 64 : index
    %get3A_1429 = tpu.vector_load %arg15[%get3A_1427, %get3A_1428] {strides = array<i32>} : memref<16x128xi32, #tpu.memory_space<vmem>>, vector<16xi32>,
    %get3A_1430 = arith.constant 1 : i32
    %get3A_1431 = arith.index_cast %get3A_1430 : i32 to index
    %get3A_1432 = arith.constant 64 : index
    %get3A_1433 = tpu.vector_load %arg16[%get3A_1431, %get3A_1432] {strides = array<i32>} : memref<16x128xf32, #tpu.memory_space<vmem>>, vector<16xf32>,
    %get3A_1434 = arith.constant 1 : i32
    %get3A_1435 = arith.index_cast %get3A_1434 : i32 to index
    %get3A_1436 = arith.constant 64 : index
    %get3A_1437 = tpu.vector_load %arg17[%get3A_1435, %get3A_1436] {strides = array<i32>} : memref<16x128xi32, #tpu.memory_space<vmem>>, vector<16xi32>,
    %add3A_1438 = arith.addi %add3A_1418, %get3A_1429 : vector<16xi32>
    %gt3A_1439 = arith.cmpf ogt, %get3A_1433, %select_n3A_1424 : vector<16xf32>
    %eq3A_1440 = arith.cmpf oeq, %get3A_1433, %select_n3A_1424 : vector<16xf32>
    %lt3A_1441 = arith.cmpi slt, %get3A_1437, %select_n3A_1425 : vector<16xi32>
    %and3A_1442 = arith.andi %eq3A_1440, %lt3A_1441 : vector<16xi1>
    %or3A_1443 = arith.ori %gt3A_1439, %and3A_1442 : vector<16xi1>
    %select_n3A_1444 = arith.select %or3A_1443, %get3A_1433, %select_n3A_1424 : vector<16xi1>, vector<16xf32>
    %select_n3A_1445 = arith.select %or3A_1443, %get3A_1437, %select_n3A_1425 : vector<16xi1>, vector<16xi32>
    %get3A_1446 = arith.constant 2 : i32
    %get3A_1447 = arith.index_cast %get3A_1446 : i32 to index
    %get3A_1448 = arith.constant 64 : index
    %get3A_1449 = tpu.vector_load %arg15[%get3A_1447, %get3A_1448] {strides = array<i32>} : memref<16x128xi32, #tpu.memory_space<vmem>>, vector<16xi32>,
    %get3A_1450 = arith.constant 2 : i32
    %get3A_1451 = arith.index_cast %get3A_1450 : i32 to index
    %get3A_1452 = arith.constant 64 : index
    %get3A_1453 = tpu.vector_load %arg16[%get3A_1451, %get3A_1452] {strides = array<i32>} : memref<16x128xf32, #tpu.memory_space<vmem>>, vector<16xf32>,
    %get3A_1454 = arith.constant 2 : i32
    %get3A_1455 = arith.index_cast %get3A_1454 : i32 to index
    %get3A_1456 = arith.constant 64 : index
    %get3A_1457 = tpu.vector_load %arg17[%get3A_1455, %get3A_1456] {strides = array<i32>} : memref<16x128xi32, #tpu.memory_space<vmem>>, vector<16xi32>,
    %add3A_1458 = arith.addi %add3A_1438, %get3A_1449 : vector<16xi32>
    %gt3A_1459 = arith.cmpf ogt, %get3A_1453, %select_n3A_1444 : vector<16xf32>
    %eq3A_1460 = arith.cmpf oeq, %get3A_1453, %select_n3A_1444 : vector<16xf32>
    %lt3A_1461 = arith.cmpi slt, %get3A_1457, %select_n3A_1445 : vector<16xi32>
    %and3A_1462 = arith.andi %eq3A_1460, %lt3A_1461 : vector<16xi1>
    %or3A_1463 = arith.ori %gt3A_1459, %and3A_1462 : vector<16xi1>
    %select_n3A_1464 = arith.select %or3A_1463, %get3A_1453, %select_n3A_1444 : vector<16xi1>, vector<16xf32>
    %select_n3A_1465 = arith.select %or3A_1463, %get3A_1457, %select_n3A_1445 : vector<16xi1>, vector<16xi32>
    %get3A_1466 = arith.constant 3 : i32
    %get3A_1467 = arith.index_cast %get3A_1466 : i32 to index
    %get3A_1468 = arith.constant 64 : index
    %get3A_1469 = tpu.vector_load %arg15[%get3A_1467, %get3A_1468] {strides = array<i32>} : memref<16x128xi32, #tpu.memory_space<vmem>>, vector<16xi32>,
    %get3A_1470 = arith.constant 3 : i32
    %get3A_1471 = arith.index_cast %get3A_1470 : i32 to index
    %get3A_1472 = arith.constant 64 : index
    %get3A_1473 = tpu.vector_load %arg16[%get3A_1471, %get3A_1472] {strides = array<i32>} : memref<16x128xf32, #tpu.memory_space<vmem>>, vector<16xf32>,
    %get3A_1474 = arith.constant 3 : i32
    %get3A_1475 = arith.index_cast %get3A_1474 : i32 to index
    %get3A_1476 = arith.constant 64 : index
    %get3A_1477 = tpu.vector_load %arg17[%get3A_1475, %get3A_1476] {strides = array<i32>} : memref<16x128xi32, #tpu.memory_space<vmem>>, vector<16xi32>,
    %add3A_1478 = arith.addi %add3A_1458, %get3A_1469 : vector<16xi32>
    %gt3A_1479 = arith.cmpf ogt, %get3A_1473, %select_n3A_1464 : vector<16xf32>
    %eq3A_1480 = arith.cmpf oeq, %get3A_1473, %select_n3A_1464 : vector<16xf32>
    %lt3A_1481 = arith.cmpi slt, %get3A_1477, %select_n3A_1465 : vector<16xi32>
    %and3A_1482 = arith.andi %eq3A_1480, %lt3A_1481 : vector<16xi1>
    %or3A_1483 = arith.ori %gt3A_1479, %and3A_1482 : vector<16xi1>
    %select_n3A_1484 = arith.select %or3A_1483, %get3A_1473, %select_n3A_1464 : vector<16xi1>, vector<16xf32>
    %select_n3A_1485 = arith.select %or3A_1483, %get3A_1477, %select_n3A_1465 : vector<16xi1>, vector<16xi32>
    %get3A_1486 = arith.constant 4 : i32
    %get3A_1487 = arith.index_cast %get3A_1486 : i32 to index
    %get3A_1488 = arith.constant 64 : index
    %get3A_1489 = tpu.vector_load %arg15[%get3A_1487, %get3A_1488] {strides = array<i32>} : memref<16x128xi32, #tpu.memory_space<vmem>>, vector<16xi32>,
    %get3A_1490 = arith.constant 4 : i32
    %get3A_1491 = arith.index_cast %get3A_1490 : i32 to index
    %get3A_1492 = arith.constant 64 : index
    %get3A_1493 = tpu.vector_load %arg16[%get3A_1491, %get3A_1492] {strides = array<i32>} : memref<16x128xf32, #tpu.memory_space<vmem>>, vector<16xf32>,
    %get3A_1494 = arith.constant 4 : i32
    %get3A_1495 = arith.index_cast %get3A_1494 : i32 to index
    %get3A_1496 = arith.constant 64 : index
    %get3A_1497 = tpu.vector_load %arg17[%get3A_1495, %get3A_1496] {strides = array<i32>} : memref<16x128xi32, #tpu.memory_space<vmem>>, vector<16xi32>,
    %add3A_1498 = arith.addi %add3A_1478, %get3A_1489 : vector<16xi32>
    %gt3A_1499 = arith.cmpf ogt, %get3A_1493, %select_n3A_1484 : vector<16xf32>
    %eq3A_1500 = arith.cmpf oeq, %get3A_1493, %select_n3A_1484 : vector<16xf32>
    %lt3A_1501 = arith.cmpi slt, %get3A_1497, %select_n3A_1485 : vector<16xi32>
    %and3A_1502 = arith.andi %eq3A_1500, %lt3A_1501 : vector<16xi1>
    %or3A_1503 = arith.ori %gt3A_1499, %and3A_1502 : vector<16xi1>
    %select_n3A_1504 = arith.select %or3A_1503, %get3A_1493, %select_n3A_1484 : vector<16xi1>, vector<16xf32>
    %select_n3A_1505 = arith.select %or3A_1503, %get3A_1497, %select_n3A_1485 : vector<16xi1>, vector<16xi32>
    %get3A_1506 = arith.constant 5 : i32
    %get3A_1507 = arith.index_cast %get3A_1506 : i32 to index
    %get3A_1508 = arith.constant 64 : index
    %get3A_1509 = tpu.vector_load %arg15[%get3A_1507, %get3A_1508] {strides = array<i32>} : memref<16x128xi32, #tpu.memory_space<vmem>>, vector<16xi32>,
    %get3A_1510 = arith.constant 5 : i32
    %get3A_1511 = arith.index_cast %get3A_1510 : i32 to index
    %get3A_1512 = arith.constant 64 : index
    %get3A_1513 = tpu.vector_load %arg16[%get3A_1511, %get3A_1512] {strides = array<i32>} : memref<16x128xf32, #tpu.memory_space<vmem>>, vector<16xf32>,
    %get3A_1514 = arith.constant 5 : i32
    %get3A_1515 = arith.index_cast %get3A_1514 : i32 to index
    %get3A_1516 = arith.constant 64 : index
    %get3A_1517 = tpu.vector_load %arg17[%get3A_1515, %get3A_1516] {strides = array<i32>} : memref<16x128xi32, #tpu.memory_space<vmem>>, vector<16xi32>,
    %add3A_1518 = arith.addi %add3A_1498, %get3A_1509 : vector<16xi32>
    %gt3A_1519 = arith.cmpf ogt, %get3A_1513, %select_n3A_1504 : vector<16xf32>
    %eq3A_1520 = arith.cmpf oeq, %get3A_1513, %select_n3A_1504 : vector<16xf32>
    %lt3A_1521 = arith.cmpi slt, %get3A_1517, %select_n3A_1505 : vector<16xi32>
    %and3A_1522 = arith.andi %eq3A_1520, %lt3A_1521 : vector<16xi1>
    %or3A_1523 = arith.ori %gt3A_1519, %and3A_1522 : vector<16xi1>
    %select_n3A_1524 = arith.select %or3A_1523, %get3A_1513, %select_n3A_1504 : vector<16xi1>, vector<16xf32>
    %select_n3A_1525 = arith.select %or3A_1523, %get3A_1517, %select_n3A_1505 : vector<16xi1>, vector<16xi32>
    %get3A_1526 = arith.constant 6 : i32
    %get3A_1527 = arith.index_cast %get3A_1526 : i32 to index
    %get3A_1528 = arith.constant 64 : index
    %get3A_1529 = tpu.vector_load %arg15[%get3A_1527, %get3A_1528] {strides = array<i32>} : memref<16x128xi32, #tpu.memory_space<vmem>>, vector<16xi32>,
    %get3A_1530 = arith.constant 6 : i32
    %get3A_1531 = arith.index_cast %get3A_1530 : i32 to index
    %get3A_1532 = arith.constant 64 : index
    %get3A_1533 = tpu.vector_load %arg16[%get3A_1531, %get3A_1532] {strides = array<i32>} : memref<16x128xf32, #tpu.memory_space<vmem>>, vector<16xf32>,
    %get3A_1534 = arith.constant 6 : i32
    %get3A_1535 = arith.index_cast %get3A_1534 : i32 to index
    %get3A_1536 = arith.constant 64 : index
    %get3A_1537 = tpu.vector_load %arg17[%get3A_1535, %get3A_1536] {strides = array<i32>} : memref<16x128xi32, #tpu.memory_space<vmem>>, vector<16xi32>,
    %add3A_1538 = arith.addi %add3A_1518, %get3A_1529 : vector<16xi32>
    %gt3A_1539 = arith.cmpf ogt, %get3A_1533, %select_n3A_1524 : vector<16xf32>
    %eq3A_1540 = arith.cmpf oeq, %get3A_1533, %select_n3A_1524 : vector<16xf32>
    %lt3A_1541 = arith.cmpi slt, %get3A_1537, %select_n3A_1525 : vector<16xi32>
    %and3A_1542 = arith.andi %eq3A_1540, %lt3A_1541 : vector<16xi1>
    %or3A_1543 = arith.ori %gt3A_1539, %and3A_1542 : vector<16xi1>
    %select_n3A_1544 = arith.select %or3A_1543, %get3A_1533, %select_n3A_1524 : vector<16xi1>, vector<16xf32>
    %select_n3A_1545 = arith.select %or3A_1543, %get3A_1537, %select_n3A_1525 : vector<16xi1>, vector<16xi32>
    %get3A_1546 = arith.constant 7 : i32
    %get3A_1547 = arith.index_cast %get3A_1546 : i32 to index
    %get3A_1548 = arith.constant 64 : index
    %get3A_1549 = tpu.vector_load %arg15[%get3A_1547, %get3A_1548] {strides = array<i32>} : memref<16x128xi32, #tpu.memory_space<vmem>>, vector<16xi32>,
    %get3A_1550 = arith.constant 7 : i32
    %get3A_1551 = arith.index_cast %get3A_1550 : i32 to index
    %get3A_1552 = arith.constant 64 : index
    %get3A_1553 = tpu.vector_load %arg16[%get3A_1551, %get3A_1552] {strides = array<i32>} : memref<16x128xf32, #tpu.memory_space<vmem>>, vector<16xf32>,
    %get3A_1554 = arith.constant 7 : i32
    %get3A_1555 = arith.index_cast %get3A_1554 : i32 to index
    %get3A_1556 = arith.constant 64 : index
    %get3A_1557 = tpu.vector_load %arg17[%get3A_1555, %get3A_1556] {strides = array<i32>} : memref<16x128xi32, #tpu.memory_space<vmem>>, vector<16xi32>,
    %add3A_1558 = arith.addi %add3A_1538, %get3A_1549 : vector<16xi32>
    %gt3A_1559 = arith.cmpf ogt, %get3A_1553, %select_n3A_1544 : vector<16xf32>
    %eq3A_1560 = arith.cmpf oeq, %get3A_1553, %select_n3A_1544 : vector<16xf32>
    %lt3A_1561 = arith.cmpi slt, %get3A_1557, %select_n3A_1545 : vector<16xi32>
    %and3A_1562 = arith.andi %eq3A_1560, %lt3A_1561 : vector<16xi1>
    %or3A_1563 = arith.ori %gt3A_1559, %and3A_1562 : vector<16xi1>
    %select_n3A_1564 = arith.select %or3A_1563, %get3A_1553, %select_n3A_1544 : vector<16xi1>, vector<16xf32>
    %select_n3A_1565 = arith.select %or3A_1563, %get3A_1557, %select_n3A_1545 : vector<16xi1>, vector<16xi32>
    %get3A_1566 = arith.constant 8 : i32
    %get3A_1567 = arith.index_cast %get3A_1566 : i32 to index
    %get3A_1568 = arith.constant 64 : index
    %get3A_1569 = tpu.vector_load %arg15[%get3A_1567, %get3A_1568] {strides = array<i32>} : memref<16x128xi32, #tpu.memory_space<vmem>>, vector<16xi32>,
    %get3A_1570 = arith.constant 8 : i32
    %get3A_1571 = arith.index_cast %get3A_1570 : i32 to index
    %get3A_1572 = arith.constant 64 : index
    %get3A_1573 = tpu.vector_load %arg16[%get3A_1571, %get3A_1572] {strides = array<i32>} : memref<16x128xf32, #tpu.memory_space<vmem>>, vector<16xf32>,
    %get3A_1574 = arith.constant 8 : i32
    %get3A_1575 = arith.index_cast %get3A_1574 : i32 to index
    %get3A_1576 = arith.constant 64 : index
    %get3A_1577 = tpu.vector_load %arg17[%get3A_1575, %get3A_1576] {strides = array<i32>} : memref<16x128xi32, #tpu.memory_space<vmem>>, vector<16xi32>,
    %add3A_1578 = arith.addi %add3A_1558, %get3A_1569 : vector<16xi32>
    %gt3A_1579 = arith.cmpf ogt, %get3A_1573, %select_n3A_1564 : vector<16xf32>
    %eq3A_1580 = arith.cmpf oeq, %get3A_1573, %select_n3A_1564 : vector<16xf32>
    %lt3A_1581 = arith.cmpi slt, %get3A_1577, %select_n3A_1565 : vector<16xi32>
    %and3A_1582 = arith.andi %eq3A_1580, %lt3A_1581 : vector<16xi1>
    %or3A_1583 = arith.ori %gt3A_1579, %and3A_1582 : vector<16xi1>
    %select_n3A_1584 = arith.select %or3A_1583, %get3A_1573, %select_n3A_1564 : vector<16xi1>, vector<16xf32>
    %select_n3A_1585 = arith.select %or3A_1583, %get3A_1577, %select_n3A_1565 : vector<16xi1>, vector<16xi32>
    %get3A_1586 = arith.constant 9 : i32
    %get3A_1587 = arith.index_cast %get3A_1586 : i32 to index
    %get3A_1588 = arith.constant 64 : index
    %get3A_1589 = tpu.vector_load %arg15[%get3A_1587, %get3A_1588] {strides = array<i32>} : memref<16x128xi32, #tpu.memory_space<vmem>>, vector<16xi32>,
    %get3A_1590 = arith.constant 9 : i32
    %get3A_1591 = arith.index_cast %get3A_1590 : i32 to index
    %get3A_1592 = arith.constant 64 : index
    %get3A_1593 = tpu.vector_load %arg16[%get3A_1591, %get3A_1592] {strides = array<i32>} : memref<16x128xf32, #tpu.memory_space<vmem>>, vector<16xf32>,
    %get3A_1594 = arith.constant 9 : i32
    %get3A_1595 = arith.index_cast %get3A_1594 : i32 to index
    %get3A_1596 = arith.constant 64 : index
    %get3A_1597 = tpu.vector_load %arg17[%get3A_1595, %get3A_1596] {strides = array<i32>} : memref<16x128xi32, #tpu.memory_space<vmem>>, vector<16xi32>,
    %add3A_1598 = arith.addi %add3A_1578, %get3A_1589 : vector<16xi32>
    %gt3A_1599 = arith.cmpf ogt, %get3A_1593, %select_n3A_1584 : vector<16xf32>
    %eq3A_1600 = arith.cmpf oeq, %get3A_1593, %select_n3A_1584 : vector<16xf32>
    %lt3A_1601 = arith.cmpi slt, %get3A_1597, %select_n3A_1585 : vector<16xi32>
    %and3A_1602 = arith.andi %eq3A_1600, %lt3A_1601 : vector<16xi1>
    %or3A_1603 = arith.ori %gt3A_1599, %and3A_1602 : vector<16xi1>
    %select_n3A_1604 = arith.select %or3A_1603, %get3A_1593, %select_n3A_1584 : vector<16xi1>, vector<16xf32>
    %select_n3A_1605 = arith.select %or3A_1603, %get3A_1597, %select_n3A_1585 : vector<16xi1>, vector<16xi32>
    %get3A_1606 = arith.constant 10 : i32
    %get3A_1607 = arith.index_cast %get3A_1606 : i32 to index
    %get3A_1608 = arith.constant 64 : index
    %get3A_1609 = tpu.vector_load %arg15[%get3A_1607, %get3A_1608] {strides = array<i32>} : memref<16x128xi32, #tpu.memory_space<vmem>>, vector<16xi32>,
    %get3A_1610 = arith.constant 10 : i32
    %get3A_1611 = arith.index_cast %get3A_1610 : i32 to index
    %get3A_1612 = arith.constant 64 : index
    %get3A_1613 = tpu.vector_load %arg16[%get3A_1611, %get3A_1612] {strides = array<i32>} : memref<16x128xf32, #tpu.memory_space<vmem>>, vector<16xf32>,
    %get3A_1614 = arith.constant 10 : i32
    %get3A_1615 = arith.index_cast %get3A_1614 : i32 to index
    %get3A_1616 = arith.constant 64 : index
    %get3A_1617 = tpu.vector_load %arg17[%get3A_1615, %get3A_1616] {strides = array<i32>} : memref<16x128xi32, #tpu.memory_space<vmem>>, vector<16xi32>,
    %add3A_1618 = arith.addi %add3A_1598, %get3A_1609 : vector<16xi32>
    %gt3A_1619 = arith.cmpf ogt, %get3A_1613, %select_n3A_1604 : vector<16xf32>
    %eq3A_1620 = arith.cmpf oeq, %get3A_1613, %select_n3A_1604 : vector<16xf32>
    %lt3A_1621 = arith.cmpi slt, %get3A_1617, %select_n3A_1605 : vector<16xi32>
    %and3A_1622 = arith.andi %eq3A_1620, %lt3A_1621 : vector<16xi1>
    %or3A_1623 = arith.ori %gt3A_1619, %and3A_1622 : vector<16xi1>
    %select_n3A_1624 = arith.select %or3A_1623, %get3A_1613, %select_n3A_1604 : vector<16xi1>, vector<16xf32>
    %select_n3A_1625 = arith.select %or3A_1623, %get3A_1617, %select_n3A_1605 : vector<16xi1>, vector<16xi32>
    %get3A_1626 = arith.constant 11 : i32
    %get3A_1627 = arith.index_cast %get3A_1626 : i32 to index
    %get3A_1628 = arith.constant 64 : index
    %get3A_1629 = tpu.vector_load %arg15[%get3A_1627, %get3A_1628] {strides = array<i32>} : memref<16x128xi32, #tpu.memory_space<vmem>>, vector<16xi32>,
    %get3A_1630 = arith.constant 11 : i32
    %get3A_1631 = arith.index_cast %get3A_1630 : i32 to index
    %get3A_1632 = arith.constant 64 : index
    %get3A_1633 = tpu.vector_load %arg16[%get3A_1631, %get3A_1632] {strides = array<i32>} : memref<16x128xf32, #tpu.memory_space<vmem>>, vector<16xf32>,
    %get3A_1634 = arith.constant 11 : i32
    %get3A_1635 = arith.index_cast %get3A_1634 : i32 to index
    %get3A_1636 = arith.constant 64 : index
    %get3A_1637 = tpu.vector_load %arg17[%get3A_1635, %get3A_1636] {strides = array<i32>} : memref<16x128xi32, #tpu.memory_space<vmem>>, vector<16xi32>,
    %add3A_1638 = arith.addi %add3A_1618, %get3A_1629 : vector<16xi32>
    %gt3A_1639 = arith.cmpf ogt, %get3A_1633, %select_n3A_1624 : vector<16xf32>
    %eq3A_1640 = arith.cmpf oeq, %get3A_1633, %select_n3A_1624 : vector<16xf32>
    %lt3A_1641 = arith.cmpi slt, %get3A_1637, %select_n3A_1625 : vector<16xi32>
    %and3A_1642 = arith.andi %eq3A_1640, %lt3A_1641 : vector<16xi1>
    %or3A_1643 = arith.ori %gt3A_1639, %and3A_1642 : vector<16xi1>
    %select_n3A_1644 = arith.select %or3A_1643, %get3A_1633, %select_n3A_1624 : vector<16xi1>, vector<16xf32>
    %select_n3A_1645 = arith.select %or3A_1643, %get3A_1637, %select_n3A_1625 : vector<16xi1>, vector<16xi32>
    %get3A_1646 = arith.constant 12 : i32
    %get3A_1647 = arith.index_cast %get3A_1646 : i32 to index
    %get3A_1648 = arith.constant 64 : index
    %get3A_1649 = tpu.vector_load %arg15[%get3A_1647, %get3A_1648] {strides = array<i32>} : memref<16x128xi32, #tpu.memory_space<vmem>>, vector<16xi32>,
    %get3A_1650 = arith.constant 12 : i32
    %get3A_1651 = arith.index_cast %get3A_1650 : i32 to index
    %get3A_1652 = arith.constant 64 : index
    %get3A_1653 = tpu.vector_load %arg16[%get3A_1651, %get3A_1652] {strides = array<i32>} : memref<16x128xf32, #tpu.memory_space<vmem>>, vector<16xf32>,
    %get3A_1654 = arith.constant 12 : i32
    %get3A_1655 = arith.index_cast %get3A_1654 : i32 to index
    %get3A_1656 = arith.constant 64 : index
    %get3A_1657 = tpu.vector_load %arg17[%get3A_1655, %get3A_1656] {strides = array<i32>} : memref<16x128xi32, #tpu.memory_space<vmem>>, vector<16xi32>,
    %add3A_1658 = arith.addi %add3A_1638, %get3A_1649 : vector<16xi32>
    %gt3A_1659 = arith.cmpf ogt, %get3A_1653, %select_n3A_1644 : vector<16xf32>
    %eq3A_1660 = arith.cmpf oeq, %get3A_1653, %select_n3A_1644 : vector<16xf32>
    %lt3A_1661 = arith.cmpi slt, %get3A_1657, %select_n3A_1645 : vector<16xi32>
    %and3A_1662 = arith.andi %eq3A_1660, %lt3A_1661 : vector<16xi1>
    %or3A_1663 = arith.ori %gt3A_1659, %and3A_1662 : vector<16xi1>
    %select_n3A_1664 = arith.select %or3A_1663, %get3A_1653, %select_n3A_1644 : vector<16xi1>, vector<16xf32>
    %select_n3A_1665 = arith.select %or3A_1663, %get3A_1657, %select_n3A_1645 : vector<16xi1>, vector<16xi32>
    %get3A_1666 = arith.constant 13 : i32
    %get3A_1667 = arith.index_cast %get3A_1666 : i32 to index
    %get3A_1668 = arith.constant 64 : index
    %get3A_1669 = tpu.vector_load %arg15[%get3A_1667, %get3A_1668] {strides = array<i32>} : memref<16x128xi32, #tpu.memory_space<vmem>>, vector<16xi32>,
    %get3A_1670 = arith.constant 13 : i32
    %get3A_1671 = arith.index_cast %get3A_1670 : i32 to index
    %get3A_1672 = arith.constant 64 : index
    %get3A_1673 = tpu.vector_load %arg16[%get3A_1671, %get3A_1672] {strides = array<i32>} : memref<16x128xf32, #tpu.memory_space<vmem>>, vector<16xf32>,
    %get3A_1674 = arith.constant 13 : i32
    %get3A_1675 = arith.index_cast %get3A_1674 : i32 to index
    %get3A_1676 = arith.constant 64 : index
    %get3A_1677 = tpu.vector_load %arg17[%get3A_1675, %get3A_1676] {strides = array<i32>} : memref<16x128xi32, #tpu.memory_space<vmem>>, vector<16xi32>,
    %add3A_1678 = arith.addi %add3A_1658, %get3A_1669 : vector<16xi32>
    %gt3A_1679 = arith.cmpf ogt, %get3A_1673, %select_n3A_1664 : vector<16xf32>
    %eq3A_1680 = arith.cmpf oeq, %get3A_1673, %select_n3A_1664 : vector<16xf32>
    %lt3A_1681 = arith.cmpi slt, %get3A_1677, %select_n3A_1665 : vector<16xi32>
    %and3A_1682 = arith.andi %eq3A_1680, %lt3A_1681 : vector<16xi1>
    %or3A_1683 = arith.ori %gt3A_1679, %and3A_1682 : vector<16xi1>
    %select_n3A_1684 = arith.select %or3A_1683, %get3A_1673, %select_n3A_1664 : vector<16xi1>, vector<16xf32>
    %select_n3A_1685 = arith.select %or3A_1683, %get3A_1677, %select_n3A_1665 : vector<16xi1>, vector<16xi32>
    %get3A_1686 = arith.constant 14 : i32
    %get3A_1687 = arith.index_cast %get3A_1686 : i32 to index
    %get3A_1688 = arith.constant 64 : index
    %get3A_1689 = tpu.vector_load %arg15[%get3A_1687, %get3A_1688] {strides = array<i32>} : memref<16x128xi32, #tpu.memory_space<vmem>>, vector<16xi32>,
    %get3A_1690 = arith.constant 14 : i32
    %get3A_1691 = arith.index_cast %get3A_1690 : i32 to index
    %get3A_1692 = arith.constant 64 : index
    %get3A_1693 = tpu.vector_load %arg16[%get3A_1691, %get3A_1692] {strides = array<i32>} : memref<16x128xf32, #tpu.memory_space<vmem>>, vector<16xf32>,
    %get3A_1694 = arith.constant 14 : i32
    %get3A_1695 = arith.index_cast %get3A_1694 : i32 to index
    %get3A_1696 = arith.constant 64 : index
    %get3A_1697 = tpu.vector_load %arg17[%get3A_1695, %get3A_1696] {strides = array<i32>} : memref<16x128xi32, #tpu.memory_space<vmem>>, vector<16xi32>,
    %add3A_1698 = arith.addi %add3A_1678, %get3A_1689 : vector<16xi32>
    %gt3A_1699 = arith.cmpf ogt, %get3A_1693, %select_n3A_1684 : vector<16xf32>
    %eq3A_1700 = arith.cmpf oeq, %get3A_1693, %select_n3A_1684 : vector<16xf32>
    %lt3A_1701 = arith.cmpi slt, %get3A_1697, %select_n3A_1685 : vector<16xi32>
    %and3A_1702 = arith.andi %eq3A_1700, %lt3A_1701 : vector<16xi1>
    %or3A_1703 = arith.ori %gt3A_1699, %and3A_1702 : vector<16xi1>
    %select_n3A_1704 = arith.select %or3A_1703, %get3A_1693, %select_n3A_1684 : vector<16xi1>, vector<16xf32>
    %select_n3A_1705 = arith.select %or3A_1703, %get3A_1697, %select_n3A_1685 : vector<16xi1>, vector<16xi32>
    %get3A_1706 = arith.constant 15 : i32
    %get3A_1707 = arith.index_cast %get3A_1706 : i32 to index
    %get3A_1708 = arith.constant 64 : index
    %get3A_1709 = tpu.vector_load %arg15[%get3A_1707, %get3A_1708] {strides = array<i32>} : memref<16x128xi32, #tpu.memory_space<vmem>>, vector<16xi32>,
    %get3A_1710 = arith.constant 15 : i32
    %get3A_1711 = arith.index_cast %get3A_1710 : i32 to index
    %get3A_1712 = arith.constant 64 : index
    %get3A_1713 = tpu.vector_load %arg16[%get3A_1711, %get3A_1712] {strides = array<i32>} : memref<16x128xf32, #tpu.memory_space<vmem>>, vector<16xf32>,
    %get3A_1714 = arith.constant 15 : i32
    %get3A_1715 = arith.index_cast %get3A_1714 : i32 to index
    %get3A_1716 = arith.constant 64 : index
    %get3A_1717 = tpu.vector_load %arg17[%get3A_1715, %get3A_1716] {strides = array<i32>} : memref<16x128xi32, #tpu.memory_space<vmem>>, vector<16xi32>,
    %add3A_1718 = arith.addi %add3A_1698, %get3A_1709 : vector<16xi32>
    %gt3A_1719 = arith.cmpf ogt, %get3A_1713, %select_n3A_1704 : vector<16xf32>
    %eq3A_1720 = arith.cmpf oeq, %get3A_1713, %select_n3A_1704 : vector<16xf32>
    %lt3A_1721 = arith.cmpi slt, %get3A_1717, %select_n3A_1705 : vector<16xi32>
    %and3A_1722 = arith.andi %eq3A_1720, %lt3A_1721 : vector<16xi1>
    %or3A_1723 = arith.ori %gt3A_1719, %and3A_1722 : vector<16xi1>
    %select_n3A_1724 = arith.select %or3A_1723, %get3A_1713, %select_n3A_1704 : vector<16xi1>, vector<16xf32>
    %select_n3A_1725 = arith.select %or3A_1723, %get3A_1717, %select_n3A_1705 : vector<16xi1>, vector<16xi32>
    %swap3A_1726 = arith.constant 64 : index
    %swap3A_1727 = tpu.vector_load %arg18[%swap3A_1726] {strides = array<i32>} : memref<128xi32, #tpu.memory_space<vmem>>, vector<16xi32>,
    tpu.vector_store %arg18[%swap3A_1726], %add3A_1718 {strides = array<i32>} : memref<128xi32, #tpu.memory_space<vmem>>, vector<16xi32>,
    %swap3A_1728 = arith.constant 64 : index
    %swap3A_1729 = tpu.vector_load %arg19[%swap3A_1728] {strides = array<i32>} : memref<128xf32, #tpu.memory_space<vmem>>, vector<16xf32>,
    tpu.vector_store %arg19[%swap3A_1728], %select_n3A_1724 {strides = array<i32>} : memref<128xf32, #tpu.memory_space<vmem>>, vector<16xf32>,
    %swap3A_1730 = arith.constant 64 : index
    %swap3A_1731 = tpu.vector_load %arg20[%swap3A_1730] {strides = array<i32>} : memref<128xi32, #tpu.memory_space<vmem>>, vector<16xi32>,
    tpu.vector_store %arg20[%swap3A_1730], %select_n3A_1725 {strides = array<i32>} : memref<128xi32, #tpu.memory_space<vmem>>, vector<16xi32>,
    %min3A_1732 = arith.constant 19999 : i32
    %min3A_1733 = vector.broadcast %min3A_1732 : i32 to vector<16xi32>
    %min3A_1734 = arith.minsi %select_n3A_1725, %min3A_1733 : vector<16xi32>
    %mul3A_1735 = arith.constant 8 : i32
    %mul3A_1736 = vector.broadcast %mul3A_1735 : i32 to vector<16xi32>
    %mul3A_1737 = arith.muli %min3A_1734, %mul3A_1736 : vector<16xi32>
    %swap3A_1738 = arith.constant 64 : index
    %swap3A_1739 = tpu.vector_load %arg21[%swap3A_1738] {strides = array<i32>} : memref<128xi32, #tpu.memory_space<vmem>>, vector<16xi32>,
    tpu.vector_store %arg21[%swap3A_1738], %mul3A_1737 {strides = array<i32>} : memref<128xi32, #tpu.memory_space<vmem>>, vector<16xi32>,
    %broadcast_in_dim3A_1740 = arith.constant 0 : i32
    %broadcast_in_dim3A_1741 = vector.broadcast %broadcast_in_dim3A_1740 : i32 to vector<16xi32>
    %broadcast_in_dim3A_1742 = arith.constant -1.000000e+00 : f32
    %broadcast_in_dim3A_1743 = vector.broadcast %broadcast_in_dim3A_1742 : f32 to vector<16xf32>
    %broadcast_in_dim3A_1744 = arith.constant 1073741824 : i32
    %broadcast_in_dim3A_1745 = vector.broadcast %broadcast_in_dim3A_1744 : i32 to vector<16xi32>
    %get3A_1746 = arith.constant 0 : i32
    %get3A_1747 = arith.index_cast %get3A_1746 : i32 to index
    %get3A_1748 = arith.constant 80 : index
    %get3A_1749 = tpu.vector_load %arg15[%get3A_1747, %get3A_1748] {strides = array<i32>} : memref<16x128xi32, #tpu.memory_space<vmem>>, vector<16xi32>,
    %get3A_1750 = arith.constant 0 : i32
    %get3A_1751 = arith.index_cast %get3A_1750 : i32 to index
    %get3A_1752 = arith.constant 80 : index
    %get3A_1753 = tpu.vector_load %arg16[%get3A_1751, %get3A_1752] {strides = array<i32>} : memref<16x128xf32, #tpu.memory_space<vmem>>, vector<16xf32>,
    %get3A_1754 = arith.constant 0 : i32
    %get3A_1755 = arith.index_cast %get3A_1754 : i32 to index
    %get3A_1756 = arith.constant 80 : index
    %get3A_1757 = tpu.vector_load %arg17[%get3A_1755, %get3A_1756] {strides = array<i32>} : memref<16x128xi32, #tpu.memory_space<vmem>>, vector<16xi32>,
    %add3A_1758 = arith.addi %broadcast_in_dim3A_1741, %get3A_1749 : vector<16xi32>
    %gt3A_1759 = arith.cmpf ogt, %get3A_1753, %broadcast_in_dim3A_1743 : vector<16xf32>
    %eq3A_1760 = arith.cmpf oeq, %get3A_1753, %broadcast_in_dim3A_1743 : vector<16xf32>
    %lt3A_1761 = arith.cmpi slt, %get3A_1757, %broadcast_in_dim3A_1745 : vector<16xi32>
    %and3A_1762 = arith.andi %eq3A_1760, %lt3A_1761 : vector<16xi1>
    %or3A_1763 = arith.ori %gt3A_1759, %and3A_1762 : vector<16xi1>
    %select_n3A_1764 = arith.select %or3A_1763, %get3A_1753, %broadcast_in_dim3A_1743 : vector<16xi1>, vector<16xf32>
    %select_n3A_1765 = arith.select %or3A_1763, %get3A_1757, %broadcast_in_dim3A_1745 : vector<16xi1>, vector<16xi32>
    %get3A_1766 = arith.constant 1 : i32
    %get3A_1767 = arith.index_cast %get3A_1766 : i32 to index
    %get3A_1768 = arith.constant 80 : index
    %get3A_1769 = tpu.vector_load %arg15[%get3A_1767, %get3A_1768] {strides = array<i32>} : memref<16x128xi32, #tpu.memory_space<vmem>>, vector<16xi32>,
    %get3A_1770 = arith.constant 1 : i32
    %get3A_1771 = arith.index_cast %get3A_1770 : i32 to index
    %get3A_1772 = arith.constant 80 : index
    %get3A_1773 = tpu.vector_load %arg16[%get3A_1771, %get3A_1772] {strides = array<i32>} : memref<16x128xf32, #tpu.memory_space<vmem>>, vector<16xf32>,
    %get3A_1774 = arith.constant 1 : i32
    %get3A_1775 = arith.index_cast %get3A_1774 : i32 to index
    %get3A_1776 = arith.constant 80 : index
    %get3A_1777 = tpu.vector_load %arg17[%get3A_1775, %get3A_1776] {strides = array<i32>} : memref<16x128xi32, #tpu.memory_space<vmem>>, vector<16xi32>,
    %add3A_1778 = arith.addi %add3A_1758, %get3A_1769 : vector<16xi32>
    %gt3A_1779 = arith.cmpf ogt, %get3A_1773, %select_n3A_1764 : vector<16xf32>
    %eq3A_1780 = arith.cmpf oeq, %get3A_1773, %select_n3A_1764 : vector<16xf32>
    %lt3A_1781 = arith.cmpi slt, %get3A_1777, %select_n3A_1765 : vector<16xi32>
    %and3A_1782 = arith.andi %eq3A_1780, %lt3A_1781 : vector<16xi1>
    %or3A_1783 = arith.ori %gt3A_1779, %and3A_1782 : vector<16xi1>
    %select_n3A_1784 = arith.select %or3A_1783, %get3A_1773, %select_n3A_1764 : vector<16xi1>, vector<16xf32>
    %select_n3A_1785 = arith.select %or3A_1783, %get3A_1777, %select_n3A_1765 : vector<16xi1>, vector<16xi32>
    %get3A_1786 = arith.constant 2 : i32
    %get3A_1787 = arith.index_cast %get3A_1786 : i32 to index
    %get3A_1788 = arith.constant 80 : index
    %get3A_1789 = tpu.vector_load %arg15[%get3A_1787, %get3A_1788] {strides = array<i32>} : memref<16x128xi32, #tpu.memory_space<vmem>>, vector<16xi32>,
    %get3A_1790 = arith.constant 2 : i32
    %get3A_1791 = arith.index_cast %get3A_1790 : i32 to index
    %get3A_1792 = arith.constant 80 : index
    %get3A_1793 = tpu.vector_load %arg16[%get3A_1791, %get3A_1792] {strides = array<i32>} : memref<16x128xf32, #tpu.memory_space<vmem>>, vector<16xf32>,
    %get3A_1794 = arith.constant 2 : i32
    %get3A_1795 = arith.index_cast %get3A_1794 : i32 to index
    %get3A_1796 = arith.constant 80 : index
    %get3A_1797 = tpu.vector_load %arg17[%get3A_1795, %get3A_1796] {strides = array<i32>} : memref<16x128xi32, #tpu.memory_space<vmem>>, vector<16xi32>,
    %add3A_1798 = arith.addi %add3A_1778, %get3A_1789 : vector<16xi32>
    %gt3A_1799 = arith.cmpf ogt, %get3A_1793, %select_n3A_1784 : vector<16xf32>
    %eq3A_1800 = arith.cmpf oeq, %get3A_1793, %select_n3A_1784 : vector<16xf32>
    %lt3A_1801 = arith.cmpi slt, %get3A_1797, %select_n3A_1785 : vector<16xi32>
    %and3A_1802 = arith.andi %eq3A_1800, %lt3A_1801 : vector<16xi1>
    %or3A_1803 = arith.ori %gt3A_1799, %and3A_1802 : vector<16xi1>
    %select_n3A_1804 = arith.select %or3A_1803, %get3A_1793, %select_n3A_1784 : vector<16xi1>, vector<16xf32>
    %select_n3A_1805 = arith.select %or3A_1803, %get3A_1797, %select_n3A_1785 : vector<16xi1>, vector<16xi32>
    %get3A_1806 = arith.constant 3 : i32
    %get3A_1807 = arith.index_cast %get3A_1806 : i32 to index
    %get3A_1808 = arith.constant 80 : index
    %get3A_1809 = tpu.vector_load %arg15[%get3A_1807, %get3A_1808] {strides = array<i32>} : memref<16x128xi32, #tpu.memory_space<vmem>>, vector<16xi32>,
    %get3A_1810 = arith.constant 3 : i32
    %get3A_1811 = arith.index_cast %get3A_1810 : i32 to index
    %get3A_1812 = arith.constant 80 : index
    %get3A_1813 = tpu.vector_load %arg16[%get3A_1811, %get3A_1812] {strides = array<i32>} : memref<16x128xf32, #tpu.memory_space<vmem>>, vector<16xf32>,
    %get3A_1814 = arith.constant 3 : i32
    %get3A_1815 = arith.index_cast %get3A_1814 : i32 to index
    %get3A_1816 = arith.constant 80 : index
    %get3A_1817 = tpu.vector_load %arg17[%get3A_1815, %get3A_1816] {strides = array<i32>} : memref<16x128xi32, #tpu.memory_space<vmem>>, vector<16xi32>,
    %add3A_1818 = arith.addi %add3A_1798, %get3A_1809 : vector<16xi32>
    %gt3A_1819 = arith.cmpf ogt, %get3A_1813, %select_n3A_1804 : vector<16xf32>
    %eq3A_1820 = arith.cmpf oeq, %get3A_1813, %select_n3A_1804 : vector<16xf32>
    %lt3A_1821 = arith.cmpi slt, %get3A_1817, %select_n3A_1805 : vector<16xi32>
    %and3A_1822 = arith.andi %eq3A_1820, %lt3A_1821 : vector<16xi1>
    %or3A_1823 = arith.ori %gt3A_1819, %and3A_1822 : vector<16xi1>
    %select_n3A_1824 = arith.select %or3A_1823, %get3A_1813, %select_n3A_1804 : vector<16xi1>, vector<16xf32>
    %select_n3A_1825 = arith.select %or3A_1823, %get3A_1817, %select_n3A_1805 : vector<16xi1>, vector<16xi32>
    %get3A_1826 = arith.constant 4 : i32
    %get3A_1827 = arith.index_cast %get3A_1826 : i32 to index
    %get3A_1828 = arith.constant 80 : index
    %get3A_1829 = tpu.vector_load %arg15[%get3A_1827, %get3A_1828] {strides = array<i32>} : memref<16x128xi32, #tpu.memory_space<vmem>>, vector<16xi32>,
    %get3A_1830 = arith.constant 4 : i32
    %get3A_1831 = arith.index_cast %get3A_1830 : i32 to index
    %get3A_1832 = arith.constant 80 : index
    %get3A_1833 = tpu.vector_load %arg16[%get3A_1831, %get3A_1832] {strides = array<i32>} : memref<16x128xf32, #tpu.memory_space<vmem>>, vector<16xf32>,
    %get3A_1834 = arith.constant 4 : i32
    %get3A_1835 = arith.index_cast %get3A_1834 : i32 to index
    %get3A_1836 = arith.constant 80 : index
    %get3A_1837 = tpu.vector_load %arg17[%get3A_1835, %get3A_1836] {strides = array<i32>} : memref<16x128xi32, #tpu.memory_space<vmem>>, vector<16xi32>,
    %add3A_1838 = arith.addi %add3A_1818, %get3A_1829 : vector<16xi32>
    %gt3A_1839 = arith.cmpf ogt, %get3A_1833, %select_n3A_1824 : vector<16xf32>
    %eq3A_1840 = arith.cmpf oeq, %get3A_1833, %select_n3A_1824 : vector<16xf32>
    %lt3A_1841 = arith.cmpi slt, %get3A_1837, %select_n3A_1825 : vector<16xi32>
    %and3A_1842 = arith.andi %eq3A_1840, %lt3A_1841 : vector<16xi1>
    %or3A_1843 = arith.ori %gt3A_1839, %and3A_1842 : vector<16xi1>
    %select_n3A_1844 = arith.select %or3A_1843, %get3A_1833, %select_n3A_1824 : vector<16xi1>, vector<16xf32>
    %select_n3A_1845 = arith.select %or3A_1843, %get3A_1837, %select_n3A_1825 : vector<16xi1>, vector<16xi32>
    %get3A_1846 = arith.constant 5 : i32
    %get3A_1847 = arith.index_cast %get3A_1846 : i32 to index
    %get3A_1848 = arith.constant 80 : index
    %get3A_1849 = tpu.vector_load %arg15[%get3A_1847, %get3A_1848] {strides = array<i32>} : memref<16x128xi32, #tpu.memory_space<vmem>>, vector<16xi32>,
    %get3A_1850 = arith.constant 5 : i32
    %get3A_1851 = arith.index_cast %get3A_1850 : i32 to index
    %get3A_1852 = arith.constant 80 : index
    %get3A_1853 = tpu.vector_load %arg16[%get3A_1851, %get3A_1852] {strides = array<i32>} : memref<16x128xf32, #tpu.memory_space<vmem>>, vector<16xf32>,
    %get3A_1854 = arith.constant 5 : i32
    %get3A_1855 = arith.index_cast %get3A_1854 : i32 to index
    %get3A_1856 = arith.constant 80 : index
    %get3A_1857 = tpu.vector_load %arg17[%get3A_1855, %get3A_1856] {strides = array<i32>} : memref<16x128xi32, #tpu.memory_space<vmem>>, vector<16xi32>,
    %add3A_1858 = arith.addi %add3A_1838, %get3A_1849 : vector<16xi32>
    %gt3A_1859 = arith.cmpf ogt, %get3A_1853, %select_n3A_1844 : vector<16xf32>
    %eq3A_1860 = arith.cmpf oeq, %get3A_1853, %select_n3A_1844 : vector<16xf32>
    %lt3A_1861 = arith.cmpi slt, %get3A_1857, %select_n3A_1845 : vector<16xi32>
    %and3A_1862 = arith.andi %eq3A_1860, %lt3A_1861 : vector<16xi1>
    %or3A_1863 = arith.ori %gt3A_1859, %and3A_1862 : vector<16xi1>
    %select_n3A_1864 = arith.select %or3A_1863, %get3A_1853, %select_n3A_1844 : vector<16xi1>, vector<16xf32>
    %select_n3A_1865 = arith.select %or3A_1863, %get3A_1857, %select_n3A_1845 : vector<16xi1>, vector<16xi32>
    %get3A_1866 = arith.constant 6 : i32
    %get3A_1867 = arith.index_cast %get3A_1866 : i32 to index
    %get3A_1868 = arith.constant 80 : index
    %get3A_1869 = tpu.vector_load %arg15[%get3A_1867, %get3A_1868] {strides = array<i32>} : memref<16x128xi32, #tpu.memory_space<vmem>>, vector<16xi32>,
    %get3A_1870 = arith.constant 6 : i32
    %get3A_1871 = arith.index_cast %get3A_1870 : i32 to index
    %get3A_1872 = arith.constant 80 : index
    %get3A_1873 = tpu.vector_load %arg16[%get3A_1871, %get3A_1872] {strides = array<i32>} : memref<16x128xf32, #tpu.memory_space<vmem>>, vector<16xf32>,
    %get3A_1874 = arith.constant 6 : i32
    %get3A_1875 = arith.index_cast %get3A_1874 : i32 to index
    %get3A_1876 = arith.constant 80 : index
    %get3A_1877 = tpu.vector_load %arg17[%get3A_1875, %get3A_1876] {strides = array<i32>} : memref<16x128xi32, #tpu.memory_space<vmem>>, vector<16xi32>,
    %add3A_1878 = arith.addi %add3A_1858, %get3A_1869 : vector<16xi32>
    %gt3A_1879 = arith.cmpf ogt, %get3A_1873, %select_n3A_1864 : vector<16xf32>
    %eq3A_1880 = arith.cmpf oeq, %get3A_1873, %select_n3A_1864 : vector<16xf32>
    %lt3A_1881 = arith.cmpi slt, %get3A_1877, %select_n3A_1865 : vector<16xi32>
    %and3A_1882 = arith.andi %eq3A_1880, %lt3A_1881 : vector<16xi1>
    %or3A_1883 = arith.ori %gt3A_1879, %and3A_1882 : vector<16xi1>
    %select_n3A_1884 = arith.select %or3A_1883, %get3A_1873, %select_n3A_1864 : vector<16xi1>, vector<16xf32>
    %select_n3A_1885 = arith.select %or3A_1883, %get3A_1877, %select_n3A_1865 : vector<16xi1>, vector<16xi32>
    %get3A_1886 = arith.constant 7 : i32
    %get3A_1887 = arith.index_cast %get3A_1886 : i32 to index
    %get3A_1888 = arith.constant 80 : index
    %get3A_1889 = tpu.vector_load %arg15[%get3A_1887, %get3A_1888] {strides = array<i32>} : memref<16x128xi32, #tpu.memory_space<vmem>>, vector<16xi32>,
    %get3A_1890 = arith.constant 7 : i32
    %get3A_1891 = arith.index_cast %get3A_1890 : i32 to index
    %get3A_1892 = arith.constant 80 : index
    %get3A_1893 = tpu.vector_load %arg16[%get3A_1891, %get3A_1892] {strides = array<i32>} : memref<16x128xf32, #tpu.memory_space<vmem>>, vector<16xf32>,
    %get3A_1894 = arith.constant 7 : i32
    %get3A_1895 = arith.index_cast %get3A_1894 : i32 to index
    %get3A_1896 = arith.constant 80 : index
    %get3A_1897 = tpu.vector_load %arg17[%get3A_1895, %get3A_1896] {strides = array<i32>} : memref<16x128xi32, #tpu.memory_space<vmem>>, vector<16xi32>,
    %add3A_1898 = arith.addi %add3A_1878, %get3A_1889 : vector<16xi32>
    %gt3A_1899 = arith.cmpf ogt, %get3A_1893, %select_n3A_1884 : vector<16xf32>
    %eq3A_1900 = arith.cmpf oeq, %get3A_1893, %select_n3A_1884 : vector<16xf32>
    %lt3A_1901 = arith.cmpi slt, %get3A_1897, %select_n3A_1885 : vector<16xi32>
    %and3A_1902 = arith.andi %eq3A_1900, %lt3A_1901 : vector<16xi1>
    %or3A_1903 = arith.ori %gt3A_1899, %and3A_1902 : vector<16xi1>
    %select_n3A_1904 = arith.select %or3A_1903, %get3A_1893, %select_n3A_1884 : vector<16xi1>, vector<16xf32>
    %select_n3A_1905 = arith.select %or3A_1903, %get3A_1897, %select_n3A_1885 : vector<16xi1>, vector<16xi32>
    %get3A_1906 = arith.constant 8 : i32
    %get3A_1907 = arith.index_cast %get3A_1906 : i32 to index
    %get3A_1908 = arith.constant 80 : index
    %get3A_1909 = tpu.vector_load %arg15[%get3A_1907, %get3A_1908] {strides = array<i32>} : memref<16x128xi32, #tpu.memory_space<vmem>>, vector<16xi32>,
    %get3A_1910 = arith.constant 8 : i32
    %get3A_1911 = arith.index_cast %get3A_1910 : i32 to index
    %get3A_1912 = arith.constant 80 : index
    %get3A_1913 = tpu.vector_load %arg16[%get3A_1911, %get3A_1912] {strides = array<i32>} : memref<16x128xf32, #tpu.memory_space<vmem>>, vector<16xf32>,
    %get3A_1914 = arith.constant 8 : i32
    %get3A_1915 = arith.index_cast %get3A_1914 : i32 to index
    %get3A_1916 = arith.constant 80 : index
    %get3A_1917 = tpu.vector_load %arg17[%get3A_1915, %get3A_1916] {strides = array<i32>} : memref<16x128xi32, #tpu.memory_space<vmem>>, vector<16xi32>,
    %add3A_1918 = arith.addi %add3A_1898, %get3A_1909 : vector<16xi32>
    %gt3A_1919 = arith.cmpf ogt, %get3A_1913, %select_n3A_1904 : vector<16xf32>
    %eq3A_1920 = arith.cmpf oeq, %get3A_1913, %select_n3A_1904 : vector<16xf32>
    %lt3A_1921 = arith.cmpi slt, %get3A_1917, %select_n3A_1905 : vector<16xi32>
    %and3A_1922 = arith.andi %eq3A_1920, %lt3A_1921 : vector<16xi1>
    %or3A_1923 = arith.ori %gt3A_1919, %and3A_1922 : vector<16xi1>
    %select_n3A_1924 = arith.select %or3A_1923, %get3A_1913, %select_n3A_1904 : vector<16xi1>, vector<16xf32>
    %select_n3A_1925 = arith.select %or3A_1923, %get3A_1917, %select_n3A_1905 : vector<16xi1>, vector<16xi32>
    %get3A_1926 = arith.constant 9 : i32
    %get3A_1927 = arith.index_cast %get3A_1926 : i32 to index
    %get3A_1928 = arith.constant 80 : index
    %get3A_1929 = tpu.vector_load %arg15[%get3A_1927, %get3A_1928] {strides = array<i32>} : memref<16x128xi32, #tpu.memory_space<vmem>>, vector<16xi32>,
    %get3A_1930 = arith.constant 9 : i32
    %get3A_1931 = arith.index_cast %get3A_1930 : i32 to index
    %get3A_1932 = arith.constant 80 : index
    %get3A_1933 = tpu.vector_load %arg16[%get3A_1931, %get3A_1932] {strides = array<i32>} : memref<16x128xf32, #tpu.memory_space<vmem>>, vector<16xf32>,
    %get3A_1934 = arith.constant 9 : i32
    %get3A_1935 = arith.index_cast %get3A_1934 : i32 to index
    %get3A_1936 = arith.constant 80 : index
    %get3A_1937 = tpu.vector_load %arg17[%get3A_1935, %get3A_1936] {strides = array<i32>} : memref<16x128xi32, #tpu.memory_space<vmem>>, vector<16xi32>,
    %add3A_1938 = arith.addi %add3A_1918, %get3A_1929 : vector<16xi32>
    %gt3A_1939 = arith.cmpf ogt, %get3A_1933, %select_n3A_1924 : vector<16xf32>
    %eq3A_1940 = arith.cmpf oeq, %get3A_1933, %select_n3A_1924 : vector<16xf32>
    %lt3A_1941 = arith.cmpi slt, %get3A_1937, %select_n3A_1925 : vector<16xi32>
    %and3A_1942 = arith.andi %eq3A_1940, %lt3A_1941 : vector<16xi1>
    %or3A_1943 = arith.ori %gt3A_1939, %and3A_1942 : vector<16xi1>
    %select_n3A_1944 = arith.select %or3A_1943, %get3A_1933, %select_n3A_1924 : vector<16xi1>, vector<16xf32>
    %select_n3A_1945 = arith.select %or3A_1943, %get3A_1937, %select_n3A_1925 : vector<16xi1>, vector<16xi32>
    %get3A_1946 = arith.constant 10 : i32
    %get3A_1947 = arith.index_cast %get3A_1946 : i32 to index
    %get3A_1948 = arith.constant 80 : index
    %get3A_1949 = tpu.vector_load %arg15[%get3A_1947, %get3A_1948] {strides = array<i32>} : memref<16x128xi32, #tpu.memory_space<vmem>>, vector<16xi32>,
    %get3A_1950 = arith.constant 10 : i32
    %get3A_1951 = arith.index_cast %get3A_1950 : i32 to index
    %get3A_1952 = arith.constant 80 : index
    %get3A_1953 = tpu.vector_load %arg16[%get3A_1951, %get3A_1952] {strides = array<i32>} : memref<16x128xf32, #tpu.memory_space<vmem>>, vector<16xf32>,
    %get3A_1954 = arith.constant 10 : i32
    %get3A_1955 = arith.index_cast %get3A_1954 : i32 to index
    %get3A_1956 = arith.constant 80 : index
    %get3A_1957 = tpu.vector_load %arg17[%get3A_1955, %get3A_1956] {strides = array<i32>} : memref<16x128xi32, #tpu.memory_space<vmem>>, vector<16xi32>,
    %add3A_1958 = arith.addi %add3A_1938, %get3A_1949 : vector<16xi32>
    %gt3A_1959 = arith.cmpf ogt, %get3A_1953, %select_n3A_1944 : vector<16xf32>
    %eq3A_1960 = arith.cmpf oeq, %get3A_1953, %select_n3A_1944 : vector<16xf32>
    %lt3A_1961 = arith.cmpi slt, %get3A_1957, %select_n3A_1945 : vector<16xi32>
    %and3A_1962 = arith.andi %eq3A_1960, %lt3A_1961 : vector<16xi1>
    %or3A_1963 = arith.ori %gt3A_1959, %and3A_1962 : vector<16xi1>
    %select_n3A_1964 = arith.select %or3A_1963, %get3A_1953, %select_n3A_1944 : vector<16xi1>, vector<16xf32>
    %select_n3A_1965 = arith.select %or3A_1963, %get3A_1957, %select_n3A_1945 : vector<16xi1>, vector<16xi32>
    %get3A_1966 = arith.constant 11 : i32
    %get3A_1967 = arith.index_cast %get3A_1966 : i32 to index
    %get3A_1968 = arith.constant 80 : index
    %get3A_1969 = tpu.vector_load %arg15[%get3A_1967, %get3A_1968] {strides = array<i32>} : memref<16x128xi32, #tpu.memory_space<vmem>>, vector<16xi32>,
    %get3A_1970 = arith.constant 11 : i32
    %get3A_1971 = arith.index_cast %get3A_1970 : i32 to index
    %get3A_1972 = arith.constant 80 : index
    %get3A_1973 = tpu.vector_load %arg16[%get3A_1971, %get3A_1972] {strides = array<i32>} : memref<16x128xf32, #tpu.memory_space<vmem>>, vector<16xf32>,
    %get3A_1974 = arith.constant 11 : i32
    %get3A_1975 = arith.index_cast %get3A_1974 : i32 to index
    %get3A_1976 = arith.constant 80 : index
    %get3A_1977 = tpu.vector_load %arg17[%get3A_1975, %get3A_1976] {strides = array<i32>} : memref<16x128xi32, #tpu.memory_space<vmem>>, vector<16xi32>,
    %add3A_1978 = arith.addi %add3A_1958, %get3A_1969 : vector<16xi32>
    %gt3A_1979 = arith.cmpf ogt, %get3A_1973, %select_n3A_1964 : vector<16xf32>
    %eq3A_1980 = arith.cmpf oeq, %get3A_1973, %select_n3A_1964 : vector<16xf32>
    %lt3A_1981 = arith.cmpi slt, %get3A_1977, %select_n3A_1965 : vector<16xi32>
    %and3A_1982 = arith.andi %eq3A_1980, %lt3A_1981 : vector<16xi1>
    %or3A_1983 = arith.ori %gt3A_1979, %and3A_1982 : vector<16xi1>
    %select_n3A_1984 = arith.select %or3A_1983, %get3A_1973, %select_n3A_1964 : vector<16xi1>, vector<16xf32>
    %select_n3A_1985 = arith.select %or3A_1983, %get3A_1977, %select_n3A_1965 : vector<16xi1>, vector<16xi32>
    %get3A_1986 = arith.constant 12 : i32
    %get3A_1987 = arith.index_cast %get3A_1986 : i32 to index
    %get3A_1988 = arith.constant 80 : index
    %get3A_1989 = tpu.vector_load %arg15[%get3A_1987, %get3A_1988] {strides = array<i32>} : memref<16x128xi32, #tpu.memory_space<vmem>>, vector<16xi32>,
    %get3A_1990 = arith.constant 12 : i32
    %get3A_1991 = arith.index_cast %get3A_1990 : i32 to index
    %get3A_1992 = arith.constant 80 : index
    %get3A_1993 = tpu.vector_load %arg16[%get3A_1991, %get3A_1992] {strides = array<i32>} : memref<16x128xf32, #tpu.memory_space<vmem>>, vector<16xf32>,
    %get3A_1994 = arith.constant 12 : i32
    %get3A_1995 = arith.index_cast %get3A_1994 : i32 to index
    %get3A_1996 = arith.constant 80 : index
    %get3A_1997 = tpu.vector_load %arg17[%get3A_1995, %get3A_1996] {strides = array<i32>} : memref<16x128xi32, #tpu.memory_space<vmem>>, vector<16xi32>,
    %add3A_1998 = arith.addi %add3A_1978, %get3A_1989 : vector<16xi32>
    %gt3A_1999 = arith.cmpf ogt, %get3A_1993, %select_n3A_1984 : vector<16xf32>
    %eq3A_2000 = arith.cmpf oeq, %get3A_1993, %select_n3A_1984 : vector<16xf32>
    %lt3A_2001 = arith.cmpi slt, %get3A_1997, %select_n3A_1985 : vector<16xi32>
    %and3A_2002 = arith.andi %eq3A_2000, %lt3A_2001 : vector<16xi1>
    %or3A_2003 = arith.ori %gt3A_1999, %and3A_2002 : vector<16xi1>
    %select_n3A_2004 = arith.select %or3A_2003, %get3A_1993, %select_n3A_1984 : vector<16xi1>, vector<16xf32>
    %select_n3A_2005 = arith.select %or3A_2003, %get3A_1997, %select_n3A_1985 : vector<16xi1>, vector<16xi32>
    %get3A_2006 = arith.constant 13 : i32
    %get3A_2007 = arith.index_cast %get3A_2006 : i32 to index
    %get3A_2008 = arith.constant 80 : index
    %get3A_2009 = tpu.vector_load %arg15[%get3A_2007, %get3A_2008] {strides = array<i32>} : memref<16x128xi32, #tpu.memory_space<vmem>>, vector<16xi32>,
    %get3A_2010 = arith.constant 13 : i32
    %get3A_2011 = arith.index_cast %get3A_2010 : i32 to index
    %get3A_2012 = arith.constant 80 : index
    %get3A_2013 = tpu.vector_load %arg16[%get3A_2011, %get3A_2012] {strides = array<i32>} : memref<16x128xf32, #tpu.memory_space<vmem>>, vector<16xf32>,
    %get3A_2014 = arith.constant 13 : i32
    %get3A_2015 = arith.index_cast %get3A_2014 : i32 to index
    %get3A_2016 = arith.constant 80 : index
    %get3A_2017 = tpu.vector_load %arg17[%get3A_2015, %get3A_2016] {strides = array<i32>} : memref<16x128xi32, #tpu.memory_space<vmem>>, vector<16xi32>,
    %add3A_2018 = arith.addi %add3A_1998, %get3A_2009 : vector<16xi32>
    %gt3A_2019 = arith.cmpf ogt, %get3A_2013, %select_n3A_2004 : vector<16xf32>
    %eq3A_2020 = arith.cmpf oeq, %get3A_2013, %select_n3A_2004 : vector<16xf32>
    %lt3A_2021 = arith.cmpi slt, %get3A_2017, %select_n3A_2005 : vector<16xi32>
    %and3A_2022 = arith.andi %eq3A_2020, %lt3A_2021 : vector<16xi1>
    %or3A_2023 = arith.ori %gt3A_2019, %and3A_2022 : vector<16xi1>
    %select_n3A_2024 = arith.select %or3A_2023, %get3A_2013, %select_n3A_2004 : vector<16xi1>, vector<16xf32>
    %select_n3A_2025 = arith.select %or3A_2023, %get3A_2017, %select_n3A_2005 : vector<16xi1>, vector<16xi32>
    %get3A_2026 = arith.constant 14 : i32
    %get3A_2027 = arith.index_cast %get3A_2026 : i32 to index
    %get3A_2028 = arith.constant 80 : index
    %get3A_2029 = tpu.vector_load %arg15[%get3A_2027, %get3A_2028] {strides = array<i32>} : memref<16x128xi32, #tpu.memory_space<vmem>>, vector<16xi32>,
    %get3A_2030 = arith.constant 14 : i32
    %get3A_2031 = arith.index_cast %get3A_2030 : i32 to index
    %get3A_2032 = arith.constant 80 : index
    %get3A_2033 = tpu.vector_load %arg16[%get3A_2031, %get3A_2032] {strides = array<i32>} : memref<16x128xf32, #tpu.memory_space<vmem>>, vector<16xf32>,
    %get3A_2034 = arith.constant 14 : i32
    %get3A_2035 = arith.index_cast %get3A_2034 : i32 to index
    %get3A_2036 = arith.constant 80 : index
    %get3A_2037 = tpu.vector_load %arg17[%get3A_2035, %get3A_2036] {strides = array<i32>} : memref<16x128xi32, #tpu.memory_space<vmem>>, vector<16xi32>,
    %add3A_2038 = arith.addi %add3A_2018, %get3A_2029 : vector<16xi32>
    %gt3A_2039 = arith.cmpf ogt, %get3A_2033, %select_n3A_2024 : vector<16xf32>
    %eq3A_2040 = arith.cmpf oeq, %get3A_2033, %select_n3A_2024 : vector<16xf32>
    %lt3A_2041 = arith.cmpi slt, %get3A_2037, %select_n3A_2025 : vector<16xi32>
    %and3A_2042 = arith.andi %eq3A_2040, %lt3A_2041 : vector<16xi1>
    %or3A_2043 = arith.ori %gt3A_2039, %and3A_2042 : vector<16xi1>
    %select_n3A_2044 = arith.select %or3A_2043, %get3A_2033, %select_n3A_2024 : vector<16xi1>, vector<16xf32>
    %select_n3A_2045 = arith.select %or3A_2043, %get3A_2037, %select_n3A_2025 : vector<16xi1>, vector<16xi32>
    %get3A_2046 = arith.constant 15 : i32
    %get3A_2047 = arith.index_cast %get3A_2046 : i32 to index
    %get3A_2048 = arith.constant 80 : index
    %get3A_2049 = tpu.vector_load %arg15[%get3A_2047, %get3A_2048] {strides = array<i32>} : memref<16x128xi32, #tpu.memory_space<vmem>>, vector<16xi32>,
    %get3A_2050 = arith.constant 15 : i32
    %get3A_2051 = arith.index_cast %get3A_2050 : i32 to index
    %get3A_2052 = arith.constant 80 : index
    %get3A_2053 = tpu.vector_load %arg16[%get3A_2051, %get3A_2052] {strides = array<i32>} : memref<16x128xf32, #tpu.memory_space<vmem>>, vector<16xf32>,
    %get3A_2054 = arith.constant 15 : i32
    %get3A_2055 = arith.index_cast %get3A_2054 : i32 to index
    %get3A_2056 = arith.constant 80 : index
    %get3A_2057 = tpu.vector_load %arg17[%get3A_2055, %get3A_2056] {strides = array<i32>} : memref<16x128xi32, #tpu.memory_space<vmem>>, vector<16xi32>,
    %add3A_2058 = arith.addi %add3A_2038, %get3A_2049 : vector<16xi32>
    %gt3A_2059 = arith.cmpf ogt, %get3A_2053, %select_n3A_2044 : vector<16xf32>
    %eq3A_2060 = arith.cmpf oeq, %get3A_2053, %select_n3A_2044 : vector<16xf32>
    %lt3A_2061 = arith.cmpi slt, %get3A_2057, %select_n3A_2045 : vector<16xi32>
    %and3A_2062 = arith.andi %eq3A_2060, %lt3A_2061 : vector<16xi1>
    %or3A_2063 = arith.ori %gt3A_2059, %and3A_2062 : vector<16xi1>
    %select_n3A_2064 = arith.select %or3A_2063, %get3A_2053, %select_n3A_2044 : vector<16xi1>, vector<16xf32>
    %select_n3A_2065 = arith.select %or3A_2063, %get3A_2057, %select_n3A_2045 : vector<16xi1>, vector<16xi32>
    %swap3A_2066 = arith.constant 80 : index
    %swap3A_2067 = tpu.vector_load %arg18[%swap3A_2066] {strides = array<i32>} : memref<128xi32, #tpu.memory_space<vmem>>, vector<16xi32>,
    tpu.vector_store %arg18[%swap3A_2066], %add3A_2058 {strides = array<i32>} : memref<128xi32, #tpu.memory_space<vmem>>, vector<16xi32>,
    %swap3A_2068 = arith.constant 80 : index
    %swap3A_2069 = tpu.vector_load %arg19[%swap3A_2068] {strides = array<i32>} : memref<128xf32, #tpu.memory_space<vmem>>, vector<16xf32>,
    tpu.vector_store %arg19[%swap3A_2068], %select_n3A_2064 {strides = array<i32>} : memref<128xf32, #tpu.memory_space<vmem>>, vector<16xf32>,
    %swap3A_2070 = arith.constant 80 : index
    %swap3A_2071 = tpu.vector_load %arg20[%swap3A_2070] {strides = array<i32>} : memref<128xi32, #tpu.memory_space<vmem>>, vector<16xi32>,
    tpu.vector_store %arg20[%swap3A_2070], %select_n3A_2065 {strides = array<i32>} : memref<128xi32, #tpu.memory_space<vmem>>, vector<16xi32>,
    %min3A_2072 = arith.constant 19999 : i32
    %min3A_2073 = vector.broadcast %min3A_2072 : i32 to vector<16xi32>
    %min3A_2074 = arith.minsi %select_n3A_2065, %min3A_2073 : vector<16xi32>
    %mul3A_2075 = arith.constant 8 : i32
    %mul3A_2076 = vector.broadcast %mul3A_2075 : i32 to vector<16xi32>
    %mul3A_2077 = arith.muli %min3A_2074, %mul3A_2076 : vector<16xi32>
    %swap3A_2078 = arith.constant 80 : index
    %swap3A_2079 = tpu.vector_load %arg21[%swap3A_2078] {strides = array<i32>} : memref<128xi32, #tpu.memory_space<vmem>>, vector<16xi32>,
    tpu.vector_store %arg21[%swap3A_2078], %mul3A_2077 {strides = array<i32>} : memref<128xi32, #tpu.memory_space<vmem>>, vector<16xi32>,
    %broadcast_in_dim3A_2080 = arith.constant 0 : i32
    %broadcast_in_dim3A_2081 = vector.broadcast %broadcast_in_dim3A_2080 : i32 to vector<16xi32>
    %broadcast_in_dim3A_2082 = arith.constant -1.000000e+00 : f32
    %broadcast_in_dim3A_2083 = vector.broadcast %broadcast_in_dim3A_2082 : f32 to vector<16xf32>
    %broadcast_in_dim3A_2084 = arith.constant 1073741824 : i32
    %broadcast_in_dim3A_2085 = vector.broadcast %broadcast_in_dim3A_2084 : i32 to vector<16xi32>
    %get3A_2086 = arith.constant 0 : i32
    %get3A_2087 = arith.index_cast %get3A_2086 : i32 to index
    %get3A_2088 = arith.constant 96 : index
    %get3A_2089 = tpu.vector_load %arg15[%get3A_2087, %get3A_2088] {strides = array<i32>} : memref<16x128xi32, #tpu.memory_space<vmem>>, vector<16xi32>,
    %get3A_2090 = arith.constant 0 : i32
    %get3A_2091 = arith.index_cast %get3A_2090 : i32 to index
    %get3A_2092 = arith.constant 96 : index
    %get3A_2093 = tpu.vector_load %arg16[%get3A_2091, %get3A_2092] {strides = array<i32>} : memref<16x128xf32, #tpu.memory_space<vmem>>, vector<16xf32>,
    %get3A_2094 = arith.constant 0 : i32
    %get3A_2095 = arith.index_cast %get3A_2094 : i32 to index
    %get3A_2096 = arith.constant 96 : index
    %get3A_2097 = tpu.vector_load %arg17[%get3A_2095, %get3A_2096] {strides = array<i32>} : memref<16x128xi32, #tpu.memory_space<vmem>>, vector<16xi32>,
    %add3A_2098 = arith.addi %broadcast_in_dim3A_2081, %get3A_2089 : vector<16xi32>
    %gt3A_2099 = arith.cmpf ogt, %get3A_2093, %broadcast_in_dim3A_2083 : vector<16xf32>
    %eq3A_2100 = arith.cmpf oeq, %get3A_2093, %broadcast_in_dim3A_2083 : vector<16xf32>
    %lt3A_2101 = arith.cmpi slt, %get3A_2097, %broadcast_in_dim3A_2085 : vector<16xi32>
    %and3A_2102 = arith.andi %eq3A_2100, %lt3A_2101 : vector<16xi1>
    %or3A_2103 = arith.ori %gt3A_2099, %and3A_2102 : vector<16xi1>
    %select_n3A_2104 = arith.select %or3A_2103, %get3A_2093, %broadcast_in_dim3A_2083 : vector<16xi1>, vector<16xf32>
    %select_n3A_2105 = arith.select %or3A_2103, %get3A_2097, %broadcast_in_dim3A_2085 : vector<16xi1>, vector<16xi32>
    %get3A_2106 = arith.constant 1 : i32
    %get3A_2107 = arith.index_cast %get3A_2106 : i32 to index
    %get3A_2108 = arith.constant 96 : index
    %get3A_2109 = tpu.vector_load %arg15[%get3A_2107, %get3A_2108] {strides = array<i32>} : memref<16x128xi32, #tpu.memory_space<vmem>>, vector<16xi32>,
    %get3A_2110 = arith.constant 1 : i32
    %get3A_2111 = arith.index_cast %get3A_2110 : i32 to index
    %get3A_2112 = arith.constant 96 : index
    %get3A_2113 = tpu.vector_load %arg16[%get3A_2111, %get3A_2112] {strides = array<i32>} : memref<16x128xf32, #tpu.memory_space<vmem>>, vector<16xf32>,
    %get3A_2114 = arith.constant 1 : i32
    %get3A_2115 = arith.index_cast %get3A_2114 : i32 to index
    %get3A_2116 = arith.constant 96 : index
    %get3A_2117 = tpu.vector_load %arg17[%get3A_2115, %get3A_2116] {strides = array<i32>} : memref<16x128xi32, #tpu.memory_space<vmem>>, vector<16xi32>,
    %add3A_2118 = arith.addi %add3A_2098, %get3A_2109 : vector<16xi32>
    %gt3A_2119 = arith.cmpf ogt, %get3A_2113, %select_n3A_2104 : vector<16xf32>
    %eq3A_2120 = arith.cmpf oeq, %get3A_2113, %select_n3A_2104 : vector<16xf32>
    %lt3A_2121 = arith.cmpi slt, %get3A_2117, %select_n3A_2105 : vector<16xi32>
    %and3A_2122 = arith.andi %eq3A_2120, %lt3A_2121 : vector<16xi1>
    %or3A_2123 = arith.ori %gt3A_2119, %and3A_2122 : vector<16xi1>
    %select_n3A_2124 = arith.select %or3A_2123, %get3A_2113, %select_n3A_2104 : vector<16xi1>, vector<16xf32>
    %select_n3A_2125 = arith.select %or3A_2123, %get3A_2117, %select_n3A_2105 : vector<16xi1>, vector<16xi32>
    %get3A_2126 = arith.constant 2 : i32
    %get3A_2127 = arith.index_cast %get3A_2126 : i32 to index
    %get3A_2128 = arith.constant 96 : index
    %get3A_2129 = tpu.vector_load %arg15[%get3A_2127, %get3A_2128] {strides = array<i32>} : memref<16x128xi32, #tpu.memory_space<vmem>>, vector<16xi32>,
    %get3A_2130 = arith.constant 2 : i32
    %get3A_2131 = arith.index_cast %get3A_2130 : i32 to index
    %get3A_2132 = arith.constant 96 : index
    %get3A_2133 = tpu.vector_load %arg16[%get3A_2131, %get3A_2132] {strides = array<i32>} : memref<16x128xf32, #tpu.memory_space<vmem>>, vector<16xf32>,
    %get3A_2134 = arith.constant 2 : i32
    %get3A_2135 = arith.index_cast %get3A_2134 : i32 to index
    %get3A_2136 = arith.constant 96 : index
    %get3A_2137 = tpu.vector_load %arg17[%get3A_2135, %get3A_2136] {strides = array<i32>} : memref<16x128xi32, #tpu.memory_space<vmem>>, vector<16xi32>,
    %add3A_2138 = arith.addi %add3A_2118, %get3A_2129 : vector<16xi32>
    %gt3A_2139 = arith.cmpf ogt, %get3A_2133, %select_n3A_2124 : vector<16xf32>
    %eq3A_2140 = arith.cmpf oeq, %get3A_2133, %select_n3A_2124 : vector<16xf32>
    %lt3A_2141 = arith.cmpi slt, %get3A_2137, %select_n3A_2125 : vector<16xi32>
    %and3A_2142 = arith.andi %eq3A_2140, %lt3A_2141 : vector<16xi1>
    %or3A_2143 = arith.ori %gt3A_2139, %and3A_2142 : vector<16xi1>
    %select_n3A_2144 = arith.select %or3A_2143, %get3A_2133, %select_n3A_2124 : vector<16xi1>, vector<16xf32>
    %select_n3A_2145 = arith.select %or3A_2143, %get3A_2137, %select_n3A_2125 : vector<16xi1>, vector<16xi32>
    %get3A_2146 = arith.constant 3 : i32
    %get3A_2147 = arith.index_cast %get3A_2146 : i32 to index
    %get3A_2148 = arith.constant 96 : index
    %get3A_2149 = tpu.vector_load %arg15[%get3A_2147, %get3A_2148] {strides = array<i32>} : memref<16x128xi32, #tpu.memory_space<vmem>>, vector<16xi32>,
    %get3A_2150 = arith.constant 3 : i32
    %get3A_2151 = arith.index_cast %get3A_2150 : i32 to index
    %get3A_2152 = arith.constant 96 : index
    %get3A_2153 = tpu.vector_load %arg16[%get3A_2151, %get3A_2152] {strides = array<i32>} : memref<16x128xf32, #tpu.memory_space<vmem>>, vector<16xf32>,
    %get3A_2154 = arith.constant 3 : i32
    %get3A_2155 = arith.index_cast %get3A_2154 : i32 to index
    %get3A_2156 = arith.constant 96 : index
    %get3A_2157 = tpu.vector_load %arg17[%get3A_2155, %get3A_2156] {strides = array<i32>} : memref<16x128xi32, #tpu.memory_space<vmem>>, vector<16xi32>,
    %add3A_2158 = arith.addi %add3A_2138, %get3A_2149 : vector<16xi32>
    %gt3A_2159 = arith.cmpf ogt, %get3A_2153, %select_n3A_2144 : vector<16xf32>
    %eq3A_2160 = arith.cmpf oeq, %get3A_2153, %select_n3A_2144 : vector<16xf32>
    %lt3A_2161 = arith.cmpi slt, %get3A_2157, %select_n3A_2145 : vector<16xi32>
    %and3A_2162 = arith.andi %eq3A_2160, %lt3A_2161 : vector<16xi1>
    %or3A_2163 = arith.ori %gt3A_2159, %and3A_2162 : vector<16xi1>
    %select_n3A_2164 = arith.select %or3A_2163, %get3A_2153, %select_n3A_2144 : vector<16xi1>, vector<16xf32>
    %select_n3A_2165 = arith.select %or3A_2163, %get3A_2157, %select_n3A_2145 : vector<16xi1>, vector<16xi32>
    %get3A_2166 = arith.constant 4 : i32
    %get3A_2167 = arith.index_cast %get3A_2166 : i32 to index
    %get3A_2168 = arith.constant 96 : index
    %get3A_2169 = tpu.vector_load %arg15[%get3A_2167, %get3A_2168] {strides = array<i32>} : memref<16x128xi32, #tpu.memory_space<vmem>>, vector<16xi32>,
    %get3A_2170 = arith.constant 4 : i32
    %get3A_2171 = arith.index_cast %get3A_2170 : i32 to index
    %get3A_2172 = arith.constant 96 : index
    %get3A_2173 = tpu.vector_load %arg16[%get3A_2171, %get3A_2172] {strides = array<i32>} : memref<16x128xf32, #tpu.memory_space<vmem>>, vector<16xf32>,
    %get3A_2174 = arith.constant 4 : i32
    %get3A_2175 = arith.index_cast %get3A_2174 : i32 to index
    %get3A_2176 = arith.constant 96 : index
    %get3A_2177 = tpu.vector_load %arg17[%get3A_2175, %get3A_2176] {strides = array<i32>} : memref<16x128xi32, #tpu.memory_space<vmem>>, vector<16xi32>,
    %add3A_2178 = arith.addi %add3A_2158, %get3A_2169 : vector<16xi32>
    %gt3A_2179 = arith.cmpf ogt, %get3A_2173, %select_n3A_2164 : vector<16xf32>
    %eq3A_2180 = arith.cmpf oeq, %get3A_2173, %select_n3A_2164 : vector<16xf32>
    %lt3A_2181 = arith.cmpi slt, %get3A_2177, %select_n3A_2165 : vector<16xi32>
    %and3A_2182 = arith.andi %eq3A_2180, %lt3A_2181 : vector<16xi1>
    %or3A_2183 = arith.ori %gt3A_2179, %and3A_2182 : vector<16xi1>
    %select_n3A_2184 = arith.select %or3A_2183, %get3A_2173, %select_n3A_2164 : vector<16xi1>, vector<16xf32>
    %select_n3A_2185 = arith.select %or3A_2183, %get3A_2177, %select_n3A_2165 : vector<16xi1>, vector<16xi32>
    %get3A_2186 = arith.constant 5 : i32
    %get3A_2187 = arith.index_cast %get3A_2186 : i32 to index
    %get3A_2188 = arith.constant 96 : index
    %get3A_2189 = tpu.vector_load %arg15[%get3A_2187, %get3A_2188] {strides = array<i32>} : memref<16x128xi32, #tpu.memory_space<vmem>>, vector<16xi32>,
    %get3A_2190 = arith.constant 5 : i32
    %get3A_2191 = arith.index_cast %get3A_2190 : i32 to index
    %get3A_2192 = arith.constant 96 : index
    %get3A_2193 = tpu.vector_load %arg16[%get3A_2191, %get3A_2192] {strides = array<i32>} : memref<16x128xf32, #tpu.memory_space<vmem>>, vector<16xf32>,
    %get3A_2194 = arith.constant 5 : i32
    %get3A_2195 = arith.index_cast %get3A_2194 : i32 to index
    %get3A_2196 = arith.constant 96 : index
    %get3A_2197 = tpu.vector_load %arg17[%get3A_2195, %get3A_2196] {strides = array<i32>} : memref<16x128xi32, #tpu.memory_space<vmem>>, vector<16xi32>,
    %add3A_2198 = arith.addi %add3A_2178, %get3A_2189 : vector<16xi32>
    %gt3A_2199 = arith.cmpf ogt, %get3A_2193, %select_n3A_2184 : vector<16xf32>
    %eq3A_2200 = arith.cmpf oeq, %get3A_2193, %select_n3A_2184 : vector<16xf32>
    %lt3A_2201 = arith.cmpi slt, %get3A_2197, %select_n3A_2185 : vector<16xi32>
    %and3A_2202 = arith.andi %eq3A_2200, %lt3A_2201 : vector<16xi1>
    %or3A_2203 = arith.ori %gt3A_2199, %and3A_2202 : vector<16xi1>
    %select_n3A_2204 = arith.select %or3A_2203, %get3A_2193, %select_n3A_2184 : vector<16xi1>, vector<16xf32>
    %select_n3A_2205 = arith.select %or3A_2203, %get3A_2197, %select_n3A_2185 : vector<16xi1>, vector<16xi32>
    %get3A_2206 = arith.constant 6 : i32
    %get3A_2207 = arith.index_cast %get3A_2206 : i32 to index
    %get3A_2208 = arith.constant 96 : index
    %get3A_2209 = tpu.vector_load %arg15[%get3A_2207, %get3A_2208] {strides = array<i32>} : memref<16x128xi32, #tpu.memory_space<vmem>>, vector<16xi32>,
    %get3A_2210 = arith.constant 6 : i32
    %get3A_2211 = arith.index_cast %get3A_2210 : i32 to index
    %get3A_2212 = arith.constant 96 : index
    %get3A_2213 = tpu.vector_load %arg16[%get3A_2211, %get3A_2212] {strides = array<i32>} : memref<16x128xf32, #tpu.memory_space<vmem>>, vector<16xf32>,
    %get3A_2214 = arith.constant 6 : i32
    %get3A_2215 = arith.index_cast %get3A_2214 : i32 to index
    %get3A_2216 = arith.constant 96 : index
    %get3A_2217 = tpu.vector_load %arg17[%get3A_2215, %get3A_2216] {strides = array<i32>} : memref<16x128xi32, #tpu.memory_space<vmem>>, vector<16xi32>,
    %add3A_2218 = arith.addi %add3A_2198, %get3A_2209 : vector<16xi32>
    %gt3A_2219 = arith.cmpf ogt, %get3A_2213, %select_n3A_2204 : vector<16xf32>
    %eq3A_2220 = arith.cmpf oeq, %get3A_2213, %select_n3A_2204 : vector<16xf32>
    %lt3A_2221 = arith.cmpi slt, %get3A_2217, %select_n3A_2205 : vector<16xi32>
    %and3A_2222 = arith.andi %eq3A_2220, %lt3A_2221 : vector<16xi1>
    %or3A_2223 = arith.ori %gt3A_2219, %and3A_2222 : vector<16xi1>
    %select_n3A_2224 = arith.select %or3A_2223, %get3A_2213, %select_n3A_2204 : vector<16xi1>, vector<16xf32>
    %select_n3A_2225 = arith.select %or3A_2223, %get3A_2217, %select_n3A_2205 : vector<16xi1>, vector<16xi32>
    %get3A_2226 = arith.constant 7 : i32
    %get3A_2227 = arith.index_cast %get3A_2226 : i32 to index
    %get3A_2228 = arith.constant 96 : index
    %get3A_2229 = tpu.vector_load %arg15[%get3A_2227, %get3A_2228] {strides = array<i32>} : memref<16x128xi32, #tpu.memory_space<vmem>>, vector<16xi32>,
    %get3A_2230 = arith.constant 7 : i32
    %get3A_2231 = arith.index_cast %get3A_2230 : i32 to index
    %get3A_2232 = arith.constant 96 : index
    %get3A_2233 = tpu.vector_load %arg16[%get3A_2231, %get3A_2232] {strides = array<i32>} : memref<16x128xf32, #tpu.memory_space<vmem>>, vector<16xf32>,
    %get3A_2234 = arith.constant 7 : i32
    %get3A_2235 = arith.index_cast %get3A_2234 : i32 to index
    %get3A_2236 = arith.constant 96 : index
    %get3A_2237 = tpu.vector_load %arg17[%get3A_2235, %get3A_2236] {strides = array<i32>} : memref<16x128xi32, #tpu.memory_space<vmem>>, vector<16xi32>,
    %add3A_2238 = arith.addi %add3A_2218, %get3A_2229 : vector<16xi32>
    %gt3A_2239 = arith.cmpf ogt, %get3A_2233, %select_n3A_2224 : vector<16xf32>
    %eq3A_2240 = arith.cmpf oeq, %get3A_2233, %select_n3A_2224 : vector<16xf32>
    %lt3A_2241 = arith.cmpi slt, %get3A_2237, %select_n3A_2225 : vector<16xi32>
    %and3A_2242 = arith.andi %eq3A_2240, %lt3A_2241 : vector<16xi1>
    %or3A_2243 = arith.ori %gt3A_2239, %and3A_2242 : vector<16xi1>
    %select_n3A_2244 = arith.select %or3A_2243, %get3A_2233, %select_n3A_2224 : vector<16xi1>, vector<16xf32>
    %select_n3A_2245 = arith.select %or3A_2243, %get3A_2237, %select_n3A_2225 : vector<16xi1>, vector<16xi32>
    %get3A_2246 = arith.constant 8 : i32
    %get3A_2247 = arith.index_cast %get3A_2246 : i32 to index
    %get3A_2248 = arith.constant 96 : index
    %get3A_2249 = tpu.vector_load %arg15[%get3A_2247, %get3A_2248] {strides = array<i32>} : memref<16x128xi32, #tpu.memory_space<vmem>>, vector<16xi32>,
    %get3A_2250 = arith.constant 8 : i32
    %get3A_2251 = arith.index_cast %get3A_2250 : i32 to index
    %get3A_2252 = arith.constant 96 : index
    %get3A_2253 = tpu.vector_load %arg16[%get3A_2251, %get3A_2252] {strides = array<i32>} : memref<16x128xf32, #tpu.memory_space<vmem>>, vector<16xf32>,
    %get3A_2254 = arith.constant 8 : i32
    %get3A_2255 = arith.index_cast %get3A_2254 : i32 to index
    %get3A_2256 = arith.constant 96 : index
    %get3A_2257 = tpu.vector_load %arg17[%get3A_2255, %get3A_2256] {strides = array<i32>} : memref<16x128xi32, #tpu.memory_space<vmem>>, vector<16xi32>,
    %add3A_2258 = arith.addi %add3A_2238, %get3A_2249 : vector<16xi32>
    %gt3A_2259 = arith.cmpf ogt, %get3A_2253, %select_n3A_2244 : vector<16xf32>
    %eq3A_2260 = arith.cmpf oeq, %get3A_2253, %select_n3A_2244 : vector<16xf32>
    %lt3A_2261 = arith.cmpi slt, %get3A_2257, %select_n3A_2245 : vector<16xi32>
    %and3A_2262 = arith.andi %eq3A_2260, %lt3A_2261 : vector<16xi1>
    %or3A_2263 = arith.ori %gt3A_2259, %and3A_2262 : vector<16xi1>
    %select_n3A_2264 = arith.select %or3A_2263, %get3A_2253, %select_n3A_2244 : vector<16xi1>, vector<16xf32>
    %select_n3A_2265 = arith.select %or3A_2263, %get3A_2257, %select_n3A_2245 : vector<16xi1>, vector<16xi32>
    %get3A_2266 = arith.constant 9 : i32
    %get3A_2267 = arith.index_cast %get3A_2266 : i32 to index
    %get3A_2268 = arith.constant 96 : index
    %get3A_2269 = tpu.vector_load %arg15[%get3A_2267, %get3A_2268] {strides = array<i32>} : memref<16x128xi32, #tpu.memory_space<vmem>>, vector<16xi32>,
    %get3A_2270 = arith.constant 9 : i32
    %get3A_2271 = arith.index_cast %get3A_2270 : i32 to index
    %get3A_2272 = arith.constant 96 : index
    %get3A_2273 = tpu.vector_load %arg16[%get3A_2271, %get3A_2272] {strides = array<i32>} : memref<16x128xf32, #tpu.memory_space<vmem>>, vector<16xf32>,
    %get3A_2274 = arith.constant 9 : i32
    %get3A_2275 = arith.index_cast %get3A_2274 : i32 to index
    %get3A_2276 = arith.constant 96 : index
    %get3A_2277 = tpu.vector_load %arg17[%get3A_2275, %get3A_2276] {strides = array<i32>} : memref<16x128xi32, #tpu.memory_space<vmem>>, vector<16xi32>,
    %add3A_2278 = arith.addi %add3A_2258, %get3A_2269 : vector<16xi32>
    %gt3A_2279 = arith.cmpf ogt, %get3A_2273, %select_n3A_2264 : vector<16xf32>
    %eq3A_2280 = arith.cmpf oeq, %get3A_2273, %select_n3A_2264 : vector<16xf32>
    %lt3A_2281 = arith.cmpi slt, %get3A_2277, %select_n3A_2265 : vector<16xi32>
    %and3A_2282 = arith.andi %eq3A_2280, %lt3A_2281 : vector<16xi1>
    %or3A_2283 = arith.ori %gt3A_2279, %and3A_2282 : vector<16xi1>
    %select_n3A_2284 = arith.select %or3A_2283, %get3A_2273, %select_n3A_2264 : vector<16xi1>, vector<16xf32>
    %select_n3A_2285 = arith.select %or3A_2283, %get3A_2277, %select_n3A_2265 : vector<16xi1>, vector<16xi32>
    %get3A_2286 = arith.constant 10 : i32
    %get3A_2287 = arith.index_cast %get3A_2286 : i32 to index
    %get3A_2288 = arith.constant 96 : index
    %get3A_2289 = tpu.vector_load %arg15[%get3A_2287, %get3A_2288] {strides = array<i32>} : memref<16x128xi32, #tpu.memory_space<vmem>>, vector<16xi32>,
    %get3A_2290 = arith.constant 10 : i32
    %get3A_2291 = arith.index_cast %get3A_2290 : i32 to index
    %get3A_2292 = arith.constant 96 : index
    %get3A_2293 = tpu.vector_load %arg16[%get3A_2291, %get3A_2292] {strides = array<i32>} : memref<16x128xf32, #tpu.memory_space<vmem>>, vector<16xf32>,
    %get3A_2294 = arith.constant 10 : i32
    %get3A_2295 = arith.index_cast %get3A_2294 : i32 to index
    %get3A_2296 = arith.constant 96 : index
    %get3A_2297 = tpu.vector_load %arg17[%get3A_2295, %get3A_2296] {strides = array<i32>} : memref<16x128xi32, #tpu.memory_space<vmem>>, vector<16xi32>,
    %add3A_2298 = arith.addi %add3A_2278, %get3A_2289 : vector<16xi32>
    %gt3A_2299 = arith.cmpf ogt, %get3A_2293, %select_n3A_2284 : vector<16xf32>
    %eq3A_2300 = arith.cmpf oeq, %get3A_2293, %select_n3A_2284 : vector<16xf32>
    %lt3A_2301 = arith.cmpi slt, %get3A_2297, %select_n3A_2285 : vector<16xi32>
    %and3A_2302 = arith.andi %eq3A_2300, %lt3A_2301 : vector<16xi1>
    %or3A_2303 = arith.ori %gt3A_2299, %and3A_2302 : vector<16xi1>
    %select_n3A_2304 = arith.select %or3A_2303, %get3A_2293, %select_n3A_2284 : vector<16xi1>, vector<16xf32>
    %select_n3A_2305 = arith.select %or3A_2303, %get3A_2297, %select_n3A_2285 : vector<16xi1>, vector<16xi32>
    %get3A_2306 = arith.constant 11 : i32
    %get3A_2307 = arith.index_cast %get3A_2306 : i32 to index
    %get3A_2308 = arith.constant 96 : index
    %get3A_2309 = tpu.vector_load %arg15[%get3A_2307, %get3A_2308] {strides = array<i32>} : memref<16x128xi32, #tpu.memory_space<vmem>>, vector<16xi32>,
    %get3A_2310 = arith.constant 11 : i32
    %get3A_2311 = arith.index_cast %get3A_2310 : i32 to index
    %get3A_2312 = arith.constant 96 : index
    %get3A_2313 = tpu.vector_load %arg16[%get3A_2311, %get3A_2312] {strides = array<i32>} : memref<16x128xf32, #tpu.memory_space<vmem>>, vector<16xf32>,
    %get3A_2314 = arith.constant 11 : i32
    %get3A_2315 = arith.index_cast %get3A_2314 : i32 to index
    %get3A_2316 = arith.constant 96 : index
    %get3A_2317 = tpu.vector_load %arg17[%get3A_2315, %get3A_2316] {strides = array<i32>} : memref<16x128xi32, #tpu.memory_space<vmem>>, vector<16xi32>,
    %add3A_2318 = arith.addi %add3A_2298, %get3A_2309 : vector<16xi32>
    %gt3A_2319 = arith.cmpf ogt, %get3A_2313, %select_n3A_2304 : vector<16xf32>
    %eq3A_2320 = arith.cmpf oeq, %get3A_2313, %select_n3A_2304 : vector<16xf32>
    %lt3A_2321 = arith.cmpi slt, %get3A_2317, %select_n3A_2305 : vector<16xi32>
    %and3A_2322 = arith.andi %eq3A_2320, %lt3A_2321 : vector<16xi1>
    %or3A_2323 = arith.ori %gt3A_2319, %and3A_2322 : vector<16xi1>
    %select_n3A_2324 = arith.select %or3A_2323, %get3A_2313, %select_n3A_2304 : vector<16xi1>, vector<16xf32>
    %select_n3A_2325 = arith.select %or3A_2323, %get3A_2317, %select_n3A_2305 : vector<16xi1>, vector<16xi32>
    %get3A_2326 = arith.constant 12 : i32
    %get3A_2327 = arith.index_cast %get3A_2326 : i32 to index
    %get3A_2328 = arith.constant 96 : index
    %get3A_2329 = tpu.vector_load %arg15[%get3A_2327, %get3A_2328] {strides = array<i32>} : memref<16x128xi32, #tpu.memory_space<vmem>>, vector<16xi32>,
    %get3A_2330 = arith.constant 12 : i32
    %get3A_2331 = arith.index_cast %get3A_2330 : i32 to index
    %get3A_2332 = arith.constant 96 : index
    %get3A_2333 = tpu.vector_load %arg16[%get3A_2331, %get3A_2332] {strides = array<i32>} : memref<16x128xf32, #tpu.memory_space<vmem>>, vector<16xf32>,
    %get3A_2334 = arith.constant 12 : i32
    %get3A_2335 = arith.index_cast %get3A_2334 : i32 to index
    %get3A_2336 = arith.constant 96 : index
    %get3A_2337 = tpu.vector_load %arg17[%get3A_2335, %get3A_2336] {strides = array<i32>} : memref<16x128xi32, #tpu.memory_space<vmem>>, vector<16xi32>,
    %add3A_2338 = arith.addi %add3A_2318, %get3A_2329 : vector<16xi32>
    %gt3A_2339 = arith.cmpf ogt, %get3A_2333, %select_n3A_2324 : vector<16xf32>
    %eq3A_2340 = arith.cmpf oeq, %get3A_2333, %select_n3A_2324 : vector<16xf32>
    %lt3A_2341 = arith.cmpi slt, %get3A_2337, %select_n3A_2325 : vector<16xi32>
    %and3A_2342 = arith.andi %eq3A_2340, %lt3A_2341 : vector<16xi1>
    %or3A_2343 = arith.ori %gt3A_2339, %and3A_2342 : vector<16xi1>
    %select_n3A_2344 = arith.select %or3A_2343, %get3A_2333, %select_n3A_2324 : vector<16xi1>, vector<16xf32>
    %select_n3A_2345 = arith.select %or3A_2343, %get3A_2337, %select_n3A_2325 : vector<16xi1>, vector<16xi32>
    %get3A_2346 = arith.constant 13 : i32
    %get3A_2347 = arith.index_cast %get3A_2346 : i32 to index
    %get3A_2348 = arith.constant 96 : index
    %get3A_2349 = tpu.vector_load %arg15[%get3A_2347, %get3A_2348] {strides = array<i32>} : memref<16x128xi32, #tpu.memory_space<vmem>>, vector<16xi32>,
    %get3A_2350 = arith.constant 13 : i32
    %get3A_2351 = arith.index_cast %get3A_2350 : i32 to index
    %get3A_2352 = arith.constant 96 : index
    %get3A_2353 = tpu.vector_load %arg16[%get3A_2351, %get3A_2352] {strides = array<i32>} : memref<16x128xf32, #tpu.memory_space<vmem>>, vector<16xf32>,
    %get3A_2354 = arith.constant 13 : i32
    %get3A_2355 = arith.index_cast %get3A_2354 : i32 to index
    %get3A_2356 = arith.constant 96 : index
    %get3A_2357 = tpu.vector_load %arg17[%get3A_2355, %get3A_2356] {strides = array<i32>} : memref<16x128xi32, #tpu.memory_space<vmem>>, vector<16xi32>,
    %add3A_2358 = arith.addi %add3A_2338, %get3A_2349 : vector<16xi32>
    %gt3A_2359 = arith.cmpf ogt, %get3A_2353, %select_n3A_2344 : vector<16xf32>
    %eq3A_2360 = arith.cmpf oeq, %get3A_2353, %select_n3A_2344 : vector<16xf32>
    %lt3A_2361 = arith.cmpi slt, %get3A_2357, %select_n3A_2345 : vector<16xi32>
    %and3A_2362 = arith.andi %eq3A_2360, %lt3A_2361 : vector<16xi1>
    %or3A_2363 = arith.ori %gt3A_2359, %and3A_2362 : vector<16xi1>
    %select_n3A_2364 = arith.select %or3A_2363, %get3A_2353, %select_n3A_2344 : vector<16xi1>, vector<16xf32>
    %select_n3A_2365 = arith.select %or3A_2363, %get3A_2357, %select_n3A_2345 : vector<16xi1>, vector<16xi32>
    %get3A_2366 = arith.constant 14 : i32
    %get3A_2367 = arith.index_cast %get3A_2366 : i32 to index
    %get3A_2368 = arith.constant 96 : index
    %get3A_2369 = tpu.vector_load %arg15[%get3A_2367, %get3A_2368] {strides = array<i32>} : memref<16x128xi32, #tpu.memory_space<vmem>>, vector<16xi32>,
    %get3A_2370 = arith.constant 14 : i32
    %get3A_2371 = arith.index_cast %get3A_2370 : i32 to index
    %get3A_2372 = arith.constant 96 : index
    %get3A_2373 = tpu.vector_load %arg16[%get3A_2371, %get3A_2372] {strides = array<i32>} : memref<16x128xf32, #tpu.memory_space<vmem>>, vector<16xf32>,
    %get3A_2374 = arith.constant 14 : i32
    %get3A_2375 = arith.index_cast %get3A_2374 : i32 to index
    %get3A_2376 = arith.constant 96 : index
    %get3A_2377 = tpu.vector_load %arg17[%get3A_2375, %get3A_2376] {strides = array<i32>} : memref<16x128xi32, #tpu.memory_space<vmem>>, vector<16xi32>,
    %add3A_2378 = arith.addi %add3A_2358, %get3A_2369 : vector<16xi32>
    %gt3A_2379 = arith.cmpf ogt, %get3A_2373, %select_n3A_2364 : vector<16xf32>
    %eq3A_2380 = arith.cmpf oeq, %get3A_2373, %select_n3A_2364 : vector<16xf32>
    %lt3A_2381 = arith.cmpi slt, %get3A_2377, %select_n3A_2365 : vector<16xi32>
    %and3A_2382 = arith.andi %eq3A_2380, %lt3A_2381 : vector<16xi1>
    %or3A_2383 = arith.ori %gt3A_2379, %and3A_2382 : vector<16xi1>
    %select_n3A_2384 = arith.select %or3A_2383, %get3A_2373, %select_n3A_2364 : vector<16xi1>, vector<16xf32>
    %select_n3A_2385 = arith.select %or3A_2383, %get3A_2377, %select_n3A_2365 : vector<16xi1>, vector<16xi32>
    %get3A_2386 = arith.constant 15 : i32
    %get3A_2387 = arith.index_cast %get3A_2386 : i32 to index
    %get3A_2388 = arith.constant 96 : index
    %get3A_2389 = tpu.vector_load %arg15[%get3A_2387, %get3A_2388] {strides = array<i32>} : memref<16x128xi32, #tpu.memory_space<vmem>>, vector<16xi32>,
    %get3A_2390 = arith.constant 15 : i32
    %get3A_2391 = arith.index_cast %get3A_2390 : i32 to index
    %get3A_2392 = arith.constant 96 : index
    %get3A_2393 = tpu.vector_load %arg16[%get3A_2391, %get3A_2392] {strides = array<i32>} : memref<16x128xf32, #tpu.memory_space<vmem>>, vector<16xf32>,
    %get3A_2394 = arith.constant 15 : i32
    %get3A_2395 = arith.index_cast %get3A_2394 : i32 to index
    %get3A_2396 = arith.constant 96 : index
    %get3A_2397 = tpu.vector_load %arg17[%get3A_2395, %get3A_2396] {strides = array<i32>} : memref<16x128xi32, #tpu.memory_space<vmem>>, vector<16xi32>,
    %add3A_2398 = arith.addi %add3A_2378, %get3A_2389 : vector<16xi32>
    %gt3A_2399 = arith.cmpf ogt, %get3A_2393, %select_n3A_2384 : vector<16xf32>
    %eq3A_2400 = arith.cmpf oeq, %get3A_2393, %select_n3A_2384 : vector<16xf32>
    %lt3A_2401 = arith.cmpi slt, %get3A_2397, %select_n3A_2385 : vector<16xi32>
    %and3A_2402 = arith.andi %eq3A_2400, %lt3A_2401 : vector<16xi1>
    %or3A_2403 = arith.ori %gt3A_2399, %and3A_2402 : vector<16xi1>
    %select_n3A_2404 = arith.select %or3A_2403, %get3A_2393, %select_n3A_2384 : vector<16xi1>, vector<16xf32>
    %select_n3A_2405 = arith.select %or3A_2403, %get3A_2397, %select_n3A_2385 : vector<16xi1>, vector<16xi32>
    %swap3A_2406 = arith.constant 96 : index
    %swap3A_2407 = tpu.vector_load %arg18[%swap3A_2406] {strides = array<i32>} : memref<128xi32, #tpu.memory_space<vmem>>, vector<16xi32>,
    tpu.vector_store %arg18[%swap3A_2406], %add3A_2398 {strides = array<i32>} : memref<128xi32, #tpu.memory_space<vmem>>, vector<16xi32>,
    %swap3A_2408 = arith.constant 96 : index
    %swap3A_2409 = tpu.vector_load %arg19[%swap3A_2408] {strides = array<i32>} : memref<128xf32, #tpu.memory_space<vmem>>, vector<16xf32>,
    tpu.vector_store %arg19[%swap3A_2408], %select_n3A_2404 {strides = array<i32>} : memref<128xf32, #tpu.memory_space<vmem>>, vector<16xf32>,
    %swap3A_2410 = arith.constant 96 : index
    %swap3A_2411 = tpu.vector_load %arg20[%swap3A_2410] {strides = array<i32>} : memref<128xi32, #tpu.memory_space<vmem>>, vector<16xi32>,
    tpu.vector_store %arg20[%swap3A_2410], %select_n3A_2405 {strides = array<i32>} : memref<128xi32, #tpu.memory_space<vmem>>, vector<16xi32>,
    %min3A_2412 = arith.constant 19999 : i32
    %min3A_2413 = vector.broadcast %min3A_2412 : i32 to vector<16xi32>
    %min3A_2414 = arith.minsi %select_n3A_2405, %min3A_2413 : vector<16xi32>
    %mul3A_2415 = arith.constant 8 : i32
    %mul3A_2416 = vector.broadcast %mul3A_2415 : i32 to vector<16xi32>
    %mul3A_2417 = arith.muli %min3A_2414, %mul3A_2416 : vector<16xi32>
    %swap3A_2418 = arith.constant 96 : index
    %swap3A_2419 = tpu.vector_load %arg21[%swap3A_2418] {strides = array<i32>} : memref<128xi32, #tpu.memory_space<vmem>>, vector<16xi32>,
    tpu.vector_store %arg21[%swap3A_2418], %mul3A_2417 {strides = array<i32>} : memref<128xi32, #tpu.memory_space<vmem>>, vector<16xi32>,
    %broadcast_in_dim3A_2420 = arith.constant 0 : i32
    %broadcast_in_dim3A_2421 = vector.broadcast %broadcast_in_dim3A_2420 : i32 to vector<16xi32>
    %broadcast_in_dim3A_2422 = arith.constant -1.000000e+00 : f32
    %broadcast_in_dim3A_2423 = vector.broadcast %broadcast_in_dim3A_2422 : f32 to vector<16xf32>
    %broadcast_in_dim3A_2424 = arith.constant 1073741824 : i32
    %broadcast_in_dim3A_2425 = vector.broadcast %broadcast_in_dim3A_2424 : i32 to vector<16xi32>
    %get3A_2426 = arith.constant 0 : i32
    %get3A_2427 = arith.index_cast %get3A_2426 : i32 to index
    %get3A_2428 = arith.constant 112 : index
    %get3A_2429 = tpu.vector_load %arg15[%get3A_2427, %get3A_2428] {strides = array<i32>} : memref<16x128xi32, #tpu.memory_space<vmem>>, vector<16xi32>,
    %get3A_2430 = arith.constant 0 : i32
    %get3A_2431 = arith.index_cast %get3A_2430 : i32 to index
    %get3A_2432 = arith.constant 112 : index
    %get3A_2433 = tpu.vector_load %arg16[%get3A_2431, %get3A_2432] {strides = array<i32>} : memref<16x128xf32, #tpu.memory_space<vmem>>, vector<16xf32>,
    %get3A_2434 = arith.constant 0 : i32
    %get3A_2435 = arith.index_cast %get3A_2434 : i32 to index
    %get3A_2436 = arith.constant 112 : index
    %get3A_2437 = tpu.vector_load %arg17[%get3A_2435, %get3A_2436] {strides = array<i32>} : memref<16x128xi32, #tpu.memory_space<vmem>>, vector<16xi32>,
    %add3A_2438 = arith.addi %broadcast_in_dim3A_2421, %get3A_2429 : vector<16xi32>
    %gt3A_2439 = arith.cmpf ogt, %get3A_2433, %broadcast_in_dim3A_2423 : vector<16xf32>
    %eq3A_2440 = arith.cmpf oeq, %get3A_2433, %broadcast_in_dim3A_2423 : vector<16xf32>
    %lt3A_2441 = arith.cmpi slt, %get3A_2437, %broadcast_in_dim3A_2425 : vector<16xi32>
    %and3A_2442 = arith.andi %eq3A_2440, %lt3A_2441 : vector<16xi1>
    %or3A_2443 = arith.ori %gt3A_2439, %and3A_2442 : vector<16xi1>
    %select_n3A_2444 = arith.select %or3A_2443, %get3A_2433, %broadcast_in_dim3A_2423 : vector<16xi1>, vector<16xf32>
    %select_n3A_2445 = arith.select %or3A_2443, %get3A_2437, %broadcast_in_dim3A_2425 : vector<16xi1>, vector<16xi32>
    %get3A_2446 = arith.constant 1 : i32
    %get3A_2447 = arith.index_cast %get3A_2446 : i32 to index
    %get3A_2448 = arith.constant 112 : index
    %get3A_2449 = tpu.vector_load %arg15[%get3A_2447, %get3A_2448] {strides = array<i32>} : memref<16x128xi32, #tpu.memory_space<vmem>>, vector<16xi32>,
    %get3A_2450 = arith.constant 1 : i32
    %get3A_2451 = arith.index_cast %get3A_2450 : i32 to index
    %get3A_2452 = arith.constant 112 : index
    %get3A_2453 = tpu.vector_load %arg16[%get3A_2451, %get3A_2452] {strides = array<i32>} : memref<16x128xf32, #tpu.memory_space<vmem>>, vector<16xf32>,
    %get3A_2454 = arith.constant 1 : i32
    %get3A_2455 = arith.index_cast %get3A_2454 : i32 to index
    %get3A_2456 = arith.constant 112 : index
    %get3A_2457 = tpu.vector_load %arg17[%get3A_2455, %get3A_2456] {strides = array<i32>} : memref<16x128xi32, #tpu.memory_space<vmem>>, vector<16xi32>,
    %add3A_2458 = arith.addi %add3A_2438, %get3A_2449 : vector<16xi32>
    %gt3A_2459 = arith.cmpf ogt, %get3A_2453, %select_n3A_2444 : vector<16xf32>
    %eq3A_2460 = arith.cmpf oeq, %get3A_2453, %select_n3A_2444 : vector<16xf32>
    %lt3A_2461 = arith.cmpi slt, %get3A_2457, %select_n3A_2445 : vector<16xi32>
    %and3A_2462 = arith.andi %eq3A_2460, %lt3A_2461 : vector<16xi1>
    %or3A_2463 = arith.ori %gt3A_2459, %and3A_2462 : vector<16xi1>
    %select_n3A_2464 = arith.select %or3A_2463, %get3A_2453, %select_n3A_2444 : vector<16xi1>, vector<16xf32>
    %select_n3A_2465 = arith.select %or3A_2463, %get3A_2457, %select_n3A_2445 : vector<16xi1>, vector<16xi32>
    %get3A_2466 = arith.constant 2 : i32
    %get3A_2467 = arith.index_cast %get3A_2466 : i32 to index
    %get3A_2468 = arith.constant 112 : index
    %get3A_2469 = tpu.vector_load %arg15[%get3A_2467, %get3A_2468] {strides = array<i32>} : memref<16x128xi32, #tpu.memory_space<vmem>>, vector<16xi32>,
    %get3A_2470 = arith.constant 2 : i32
    %get3A_2471 = arith.index_cast %get3A_2470 : i32 to index
    %get3A_2472 = arith.constant 112 : index
    %get3A_2473 = tpu.vector_load %arg16[%get3A_2471, %get3A_2472] {strides = array<i32>} : memref<16x128xf32, #tpu.memory_space<vmem>>, vector<16xf32>,
    %get3A_2474 = arith.constant 2 : i32
    %get3A_2475 = arith.index_cast %get3A_2474 : i32 to index
    %get3A_2476 = arith.constant 112 : index
    %get3A_2477 = tpu.vector_load %arg17[%get3A_2475, %get3A_2476] {strides = array<i32>} : memref<16x128xi32, #tpu.memory_space<vmem>>, vector<16xi32>,
    %add3A_2478 = arith.addi %add3A_2458, %get3A_2469 : vector<16xi32>
    %gt3A_2479 = arith.cmpf ogt, %get3A_2473, %select_n3A_2464 : vector<16xf32>
    %eq3A_2480 = arith.cmpf oeq, %get3A_2473, %select_n3A_2464 : vector<16xf32>
    %lt3A_2481 = arith.cmpi slt, %get3A_2477, %select_n3A_2465 : vector<16xi32>
    %and3A_2482 = arith.andi %eq3A_2480, %lt3A_2481 : vector<16xi1>
    %or3A_2483 = arith.ori %gt3A_2479, %and3A_2482 : vector<16xi1>
    %select_n3A_2484 = arith.select %or3A_2483, %get3A_2473, %select_n3A_2464 : vector<16xi1>, vector<16xf32>
    %select_n3A_2485 = arith.select %or3A_2483, %get3A_2477, %select_n3A_2465 : vector<16xi1>, vector<16xi32>
    %get3A_2486 = arith.constant 3 : i32
    %get3A_2487 = arith.index_cast %get3A_2486 : i32 to index
    %get3A_2488 = arith.constant 112 : index
    %get3A_2489 = tpu.vector_load %arg15[%get3A_2487, %get3A_2488] {strides = array<i32>} : memref<16x128xi32, #tpu.memory_space<vmem>>, vector<16xi32>,
    %get3A_2490 = arith.constant 3 : i32
    %get3A_2491 = arith.index_cast %get3A_2490 : i32 to index
    %get3A_2492 = arith.constant 112 : index
    %get3A_2493 = tpu.vector_load %arg16[%get3A_2491, %get3A_2492] {strides = array<i32>} : memref<16x128xf32, #tpu.memory_space<vmem>>, vector<16xf32>,
    %get3A_2494 = arith.constant 3 : i32
    %get3A_2495 = arith.index_cast %get3A_2494 : i32 to index
    %get3A_2496 = arith.constant 112 : index
    %get3A_2497 = tpu.vector_load %arg17[%get3A_2495, %get3A_2496] {strides = array<i32>} : memref<16x128xi32, #tpu.memory_space<vmem>>, vector<16xi32>,
    %add3A_2498 = arith.addi %add3A_2478, %get3A_2489 : vector<16xi32>
    %gt3A_2499 = arith.cmpf ogt, %get3A_2493, %select_n3A_2484 : vector<16xf32>
    %eq3A_2500 = arith.cmpf oeq, %get3A_2493, %select_n3A_2484 : vector<16xf32>
    %lt3A_2501 = arith.cmpi slt, %get3A_2497, %select_n3A_2485 : vector<16xi32>
    %and3A_2502 = arith.andi %eq3A_2500, %lt3A_2501 : vector<16xi1>
    %or3A_2503 = arith.ori %gt3A_2499, %and3A_2502 : vector<16xi1>
    %select_n3A_2504 = arith.select %or3A_2503, %get3A_2493, %select_n3A_2484 : vector<16xi1>, vector<16xf32>
    %select_n3A_2505 = arith.select %or3A_2503, %get3A_2497, %select_n3A_2485 : vector<16xi1>, vector<16xi32>
    %get3A_2506 = arith.constant 4 : i32
    %get3A_2507 = arith.index_cast %get3A_2506 : i32 to index
    %get3A_2508 = arith.constant 112 : index
    %get3A_2509 = tpu.vector_load %arg15[%get3A_2507, %get3A_2508] {strides = array<i32>} : memref<16x128xi32, #tpu.memory_space<vmem>>, vector<16xi32>,
    %get3A_2510 = arith.constant 4 : i32
    %get3A_2511 = arith.index_cast %get3A_2510 : i32 to index
    %get3A_2512 = arith.constant 112 : index
    %get3A_2513 = tpu.vector_load %arg16[%get3A_2511, %get3A_2512] {strides = array<i32>} : memref<16x128xf32, #tpu.memory_space<vmem>>, vector<16xf32>,
    %get3A_2514 = arith.constant 4 : i32
    %get3A_2515 = arith.index_cast %get3A_2514 : i32 to index
    %get3A_2516 = arith.constant 112 : index
    %get3A_2517 = tpu.vector_load %arg17[%get3A_2515, %get3A_2516] {strides = array<i32>} : memref<16x128xi32, #tpu.memory_space<vmem>>, vector<16xi32>,
    %add3A_2518 = arith.addi %add3A_2498, %get3A_2509 : vector<16xi32>
    %gt3A_2519 = arith.cmpf ogt, %get3A_2513, %select_n3A_2504 : vector<16xf32>
    %eq3A_2520 = arith.cmpf oeq, %get3A_2513, %select_n3A_2504 : vector<16xf32>
    %lt3A_2521 = arith.cmpi slt, %get3A_2517, %select_n3A_2505 : vector<16xi32>
    %and3A_2522 = arith.andi %eq3A_2520, %lt3A_2521 : vector<16xi1>
    %or3A_2523 = arith.ori %gt3A_2519, %and3A_2522 : vector<16xi1>
    %select_n3A_2524 = arith.select %or3A_2523, %get3A_2513, %select_n3A_2504 : vector<16xi1>, vector<16xf32>
    %select_n3A_2525 = arith.select %or3A_2523, %get3A_2517, %select_n3A_2505 : vector<16xi1>, vector<16xi32>
    %get3A_2526 = arith.constant 5 : i32
    %get3A_2527 = arith.index_cast %get3A_2526 : i32 to index
    %get3A_2528 = arith.constant 112 : index
    %get3A_2529 = tpu.vector_load %arg15[%get3A_2527, %get3A_2528] {strides = array<i32>} : memref<16x128xi32, #tpu.memory_space<vmem>>, vector<16xi32>,
    %get3A_2530 = arith.constant 5 : i32
    %get3A_2531 = arith.index_cast %get3A_2530 : i32 to index
    %get3A_2532 = arith.constant 112 : index
    %get3A_2533 = tpu.vector_load %arg16[%get3A_2531, %get3A_2532] {strides = array<i32>} : memref<16x128xf32, #tpu.memory_space<vmem>>, vector<16xf32>,
    %get3A_2534 = arith.constant 5 : i32
    %get3A_2535 = arith.index_cast %get3A_2534 : i32 to index
    %get3A_2536 = arith.constant 112 : index
    %get3A_2537 = tpu.vector_load %arg17[%get3A_2535, %get3A_2536] {strides = array<i32>} : memref<16x128xi32, #tpu.memory_space<vmem>>, vector<16xi32>,
    %add3A_2538 = arith.addi %add3A_2518, %get3A_2529 : vector<16xi32>
    %gt3A_2539 = arith.cmpf ogt, %get3A_2533, %select_n3A_2524 : vector<16xf32>
    %eq3A_2540 = arith.cmpf oeq, %get3A_2533, %select_n3A_2524 : vector<16xf32>
    %lt3A_2541 = arith.cmpi slt, %get3A_2537, %select_n3A_2525 : vector<16xi32>
    %and3A_2542 = arith.andi %eq3A_2540, %lt3A_2541 : vector<16xi1>
    %or3A_2543 = arith.ori %gt3A_2539, %and3A_2542 : vector<16xi1>
    %select_n3A_2544 = arith.select %or3A_2543, %get3A_2533, %select_n3A_2524 : vector<16xi1>, vector<16xf32>
    %select_n3A_2545 = arith.select %or3A_2543, %get3A_2537, %select_n3A_2525 : vector<16xi1>, vector<16xi32>
    %get3A_2546 = arith.constant 6 : i32
    %get3A_2547 = arith.index_cast %get3A_2546 : i32 to index
    %get3A_2548 = arith.constant 112 : index
    %get3A_2549 = tpu.vector_load %arg15[%get3A_2547, %get3A_2548] {strides = array<i32>} : memref<16x128xi32, #tpu.memory_space<vmem>>, vector<16xi32>,
    %get3A_2550 = arith.constant 6 : i32
    %get3A_2551 = arith.index_cast %get3A_2550 : i32 to index
    %get3A_2552 = arith.constant 112 : index
    %get3A_2553 = tpu.vector_load %arg16[%get3A_2551, %get3A_2552] {strides = array<i32>} : memref<16x128xf32, #tpu.memory_space<vmem>>, vector<16xf32>,
    %get3A_2554 = arith.constant 6 : i32
    %get3A_2555 = arith.index_cast %get3A_2554 : i32 to index
    %get3A_2556 = arith.constant 112 : index
    %get3A_2557 = tpu.vector_load %arg17[%get3A_2555, %get3A_2556] {strides = array<i32>} : memref<16x128xi32, #tpu.memory_space<vmem>>, vector<16xi32>,
    %add3A_2558 = arith.addi %add3A_2538, %get3A_2549 : vector<16xi32>
    %gt3A_2559 = arith.cmpf ogt, %get3A_2553, %select_n3A_2544 : vector<16xf32>
    %eq3A_2560 = arith.cmpf oeq, %get3A_2553, %select_n3A_2544 : vector<16xf32>
    %lt3A_2561 = arith.cmpi slt, %get3A_2557, %select_n3A_2545 : vector<16xi32>
    %and3A_2562 = arith.andi %eq3A_2560, %lt3A_2561 : vector<16xi1>
    %or3A_2563 = arith.ori %gt3A_2559, %and3A_2562 : vector<16xi1>
    %select_n3A_2564 = arith.select %or3A_2563, %get3A_2553, %select_n3A_2544 : vector<16xi1>, vector<16xf32>
    %select_n3A_2565 = arith.select %or3A_2563, %get3A_2557, %select_n3A_2545 : vector<16xi1>, vector<16xi32>
    %get3A_2566 = arith.constant 7 : i32
    %get3A_2567 = arith.index_cast %get3A_2566 : i32 to index
    %get3A_2568 = arith.constant 112 : index
    %get3A_2569 = tpu.vector_load %arg15[%get3A_2567, %get3A_2568] {strides = array<i32>} : memref<16x128xi32, #tpu.memory_space<vmem>>, vector<16xi32>,
    %get3A_2570 = arith.constant 7 : i32
    %get3A_2571 = arith.index_cast %get3A_2570 : i32 to index
    %get3A_2572 = arith.constant 112 : index
    %get3A_2573 = tpu.vector_load %arg16[%get3A_2571, %get3A_2572] {strides = array<i32>} : memref<16x128xf32, #tpu.memory_space<vmem>>, vector<16xf32>,
    %get3A_2574 = arith.constant 7 : i32
    %get3A_2575 = arith.index_cast %get3A_2574 : i32 to index
    %get3A_2576 = arith.constant 112 : index
    %get3A_2577 = tpu.vector_load %arg17[%get3A_2575, %get3A_2576] {strides = array<i32>} : memref<16x128xi32, #tpu.memory_space<vmem>>, vector<16xi32>,
    %add3A_2578 = arith.addi %add3A_2558, %get3A_2569 : vector<16xi32>
    %gt3A_2579 = arith.cmpf ogt, %get3A_2573, %select_n3A_2564 : vector<16xf32>
    %eq3A_2580 = arith.cmpf oeq, %get3A_2573, %select_n3A_2564 : vector<16xf32>
    %lt3A_2581 = arith.cmpi slt, %get3A_2577, %select_n3A_2565 : vector<16xi32>
    %and3A_2582 = arith.andi %eq3A_2580, %lt3A_2581 : vector<16xi1>
    %or3A_2583 = arith.ori %gt3A_2579, %and3A_2582 : vector<16xi1>
    %select_n3A_2584 = arith.select %or3A_2583, %get3A_2573, %select_n3A_2564 : vector<16xi1>, vector<16xf32>
    %select_n3A_2585 = arith.select %or3A_2583, %get3A_2577, %select_n3A_2565 : vector<16xi1>, vector<16xi32>
    %get3A_2586 = arith.constant 8 : i32
    %get3A_2587 = arith.index_cast %get3A_2586 : i32 to index
    %get3A_2588 = arith.constant 112 : index
    %get3A_2589 = tpu.vector_load %arg15[%get3A_2587, %get3A_2588] {strides = array<i32>} : memref<16x128xi32, #tpu.memory_space<vmem>>, vector<16xi32>,
    %get3A_2590 = arith.constant 8 : i32
    %get3A_2591 = arith.index_cast %get3A_2590 : i32 to index
    %get3A_2592 = arith.constant 112 : index
    %get3A_2593 = tpu.vector_load %arg16[%get3A_2591, %get3A_2592] {strides = array<i32>} : memref<16x128xf32, #tpu.memory_space<vmem>>, vector<16xf32>,
    %get3A_2594 = arith.constant 8 : i32
    %get3A_2595 = arith.index_cast %get3A_2594 : i32 to index
    %get3A_2596 = arith.constant 112 : index
    %get3A_2597 = tpu.vector_load %arg17[%get3A_2595, %get3A_2596] {strides = array<i32>} : memref<16x128xi32, #tpu.memory_space<vmem>>, vector<16xi32>,
    %add3A_2598 = arith.addi %add3A_2578, %get3A_2589 : vector<16xi32>
    %gt3A_2599 = arith.cmpf ogt, %get3A_2593, %select_n3A_2584 : vector<16xf32>
    %eq3A_2600 = arith.cmpf oeq, %get3A_2593, %select_n3A_2584 : vector<16xf32>
    %lt3A_2601 = arith.cmpi slt, %get3A_2597, %select_n3A_2585 : vector<16xi32>
    %and3A_2602 = arith.andi %eq3A_2600, %lt3A_2601 : vector<16xi1>
    %or3A_2603 = arith.ori %gt3A_2599, %and3A_2602 : vector<16xi1>
    %select_n3A_2604 = arith.select %or3A_2603, %get3A_2593, %select_n3A_2584 : vector<16xi1>, vector<16xf32>
    %select_n3A_2605 = arith.select %or3A_2603, %get3A_2597, %select_n3A_2585 : vector<16xi1>, vector<16xi32>
    %get3A_2606 = arith.constant 9 : i32
    %get3A_2607 = arith.index_cast %get3A_2606 : i32 to index
    %get3A_2608 = arith.constant 112 : index
    %get3A_2609 = tpu.vector_load %arg15[%get3A_2607, %get3A_2608] {strides = array<i32>} : memref<16x128xi32, #tpu.memory_space<vmem>>, vector<16xi32>,
    %get3A_2610 = arith.constant 9 : i32
    %get3A_2611 = arith.index_cast %get3A_2610 : i32 to index
    %get3A_2612 = arith.constant 112 : index
    %get3A_2613 = tpu.vector_load %arg16[%get3A_2611, %get3A_2612] {strides = array<i32>} : memref<16x128xf32, #tpu.memory_space<vmem>>, vector<16xf32>,
    %get3A_2614 = arith.constant 9 : i32
    %get3A_2615 = arith.index_cast %get3A_2614 : i32 to index
    %get3A_2616 = arith.constant 112 : index
    %get3A_2617 = tpu.vector_load %arg17[%get3A_2615, %get3A_2616] {strides = array<i32>} : memref<16x128xi32, #tpu.memory_space<vmem>>, vector<16xi32>,
    %add3A_2618 = arith.addi %add3A_2598, %get3A_2609 : vector<16xi32>
    %gt3A_2619 = arith.cmpf ogt, %get3A_2613, %select_n3A_2604 : vector<16xf32>
    %eq3A_2620 = arith.cmpf oeq, %get3A_2613, %select_n3A_2604 : vector<16xf32>
    %lt3A_2621 = arith.cmpi slt, %get3A_2617, %select_n3A_2605 : vector<16xi32>
    %and3A_2622 = arith.andi %eq3A_2620, %lt3A_2621 : vector<16xi1>
    %or3A_2623 = arith.ori %gt3A_2619, %and3A_2622 : vector<16xi1>
    %select_n3A_2624 = arith.select %or3A_2623, %get3A_2613, %select_n3A_2604 : vector<16xi1>, vector<16xf32>
    %select_n3A_2625 = arith.select %or3A_2623, %get3A_2617, %select_n3A_2605 : vector<16xi1>, vector<16xi32>
    %get3A_2626 = arith.constant 10 : i32
    %get3A_2627 = arith.index_cast %get3A_2626 : i32 to index
    %get3A_2628 = arith.constant 112 : index
    %get3A_2629 = tpu.vector_load %arg15[%get3A_2627, %get3A_2628] {strides = array<i32>} : memref<16x128xi32, #tpu.memory_space<vmem>>, vector<16xi32>,
    %get3A_2630 = arith.constant 10 : i32
    %get3A_2631 = arith.index_cast %get3A_2630 : i32 to index
    %get3A_2632 = arith.constant 112 : index
    %get3A_2633 = tpu.vector_load %arg16[%get3A_2631, %get3A_2632] {strides = array<i32>} : memref<16x128xf32, #tpu.memory_space<vmem>>, vector<16xf32>,
    %get3A_2634 = arith.constant 10 : i32
    %get3A_2635 = arith.index_cast %get3A_2634 : i32 to index
    %get3A_2636 = arith.constant 112 : index
    %get3A_2637 = tpu.vector_load %arg17[%get3A_2635, %get3A_2636] {strides = array<i32>} : memref<16x128xi32, #tpu.memory_space<vmem>>, vector<16xi32>,
    %add3A_2638 = arith.addi %add3A_2618, %get3A_2629 : vector<16xi32>
    %gt3A_2639 = arith.cmpf ogt, %get3A_2633, %select_n3A_2624 : vector<16xf32>
    %eq3A_2640 = arith.cmpf oeq, %get3A_2633, %select_n3A_2624 : vector<16xf32>
    %lt3A_2641 = arith.cmpi slt, %get3A_2637, %select_n3A_2625 : vector<16xi32>
    %and3A_2642 = arith.andi %eq3A_2640, %lt3A_2641 : vector<16xi1>
    %or3A_2643 = arith.ori %gt3A_2639, %and3A_2642 : vector<16xi1>
    %select_n3A_2644 = arith.select %or3A_2643, %get3A_2633, %select_n3A_2624 : vector<16xi1>, vector<16xf32>
    %select_n3A_2645 = arith.select %or3A_2643, %get3A_2637, %select_n3A_2625 : vector<16xi1>, vector<16xi32>
    %get3A_2646 = arith.constant 11 : i32
    %get3A_2647 = arith.index_cast %get3A_2646 : i32 to index
    %get3A_2648 = arith.constant 112 : index
    %get3A_2649 = tpu.vector_load %arg15[%get3A_2647, %get3A_2648] {strides = array<i32>} : memref<16x128xi32, #tpu.memory_space<vmem>>, vector<16xi32>,
    %get3A_2650 = arith.constant 11 : i32
    %get3A_2651 = arith.index_cast %get3A_2650 : i32 to index
    %get3A_2652 = arith.constant 112 : index
    %get3A_2653 = tpu.vector_load %arg16[%get3A_2651, %get3A_2652] {strides = array<i32>} : memref<16x128xf32, #tpu.memory_space<vmem>>, vector<16xf32>,
    %get3A_2654 = arith.constant 11 : i32
    %get3A_2655 = arith.index_cast %get3A_2654 : i32 to index
    %get3A_2656 = arith.constant 112 : index
    %get3A_2657 = tpu.vector_load %arg17[%get3A_2655, %get3A_2656] {strides = array<i32>} : memref<16x128xi32, #tpu.memory_space<vmem>>, vector<16xi32>,
    %add3A_2658 = arith.addi %add3A_2638, %get3A_2649 : vector<16xi32>
    %gt3A_2659 = arith.cmpf ogt, %get3A_2653, %select_n3A_2644 : vector<16xf32>
    %eq3A_2660 = arith.cmpf oeq, %get3A_2653, %select_n3A_2644 : vector<16xf32>
    %lt3A_2661 = arith.cmpi slt, %get3A_2657, %select_n3A_2645 : vector<16xi32>
    %and3A_2662 = arith.andi %eq3A_2660, %lt3A_2661 : vector<16xi1>
    %or3A_2663 = arith.ori %gt3A_2659, %and3A_2662 : vector<16xi1>
    %select_n3A_2664 = arith.select %or3A_2663, %get3A_2653, %select_n3A_2644 : vector<16xi1>, vector<16xf32>
    %select_n3A_2665 = arith.select %or3A_2663, %get3A_2657, %select_n3A_2645 : vector<16xi1>, vector<16xi32>
    %get3A_2666 = arith.constant 12 : i32
    %get3A_2667 = arith.index_cast %get3A_2666 : i32 to index
    %get3A_2668 = arith.constant 112 : index
    %get3A_2669 = tpu.vector_load %arg15[%get3A_2667, %get3A_2668] {strides = array<i32>} : memref<16x128xi32, #tpu.memory_space<vmem>>, vector<16xi32>,
    %get3A_2670 = arith.constant 12 : i32
    %get3A_2671 = arith.index_cast %get3A_2670 : i32 to index
    %get3A_2672 = arith.constant 112 : index
    %get3A_2673 = tpu.vector_load %arg16[%get3A_2671, %get3A_2672] {strides = array<i32>} : memref<16x128xf32, #tpu.memory_space<vmem>>, vector<16xf32>,
    %get3A_2674 = arith.constant 12 : i32
    %get3A_2675 = arith.index_cast %get3A_2674 : i32 to index
    %get3A_2676 = arith.constant 112 : index
    %get3A_2677 = tpu.vector_load %arg17[%get3A_2675, %get3A_2676] {strides = array<i32>} : memref<16x128xi32, #tpu.memory_space<vmem>>, vector<16xi32>,
    %add3A_2678 = arith.addi %add3A_2658, %get3A_2669 : vector<16xi32>
    %gt3A_2679 = arith.cmpf ogt, %get3A_2673, %select_n3A_2664 : vector<16xf32>
    %eq3A_2680 = arith.cmpf oeq, %get3A_2673, %select_n3A_2664 : vector<16xf32>
    %lt3A_2681 = arith.cmpi slt, %get3A_2677, %select_n3A_2665 : vector<16xi32>
    %and3A_2682 = arith.andi %eq3A_2680, %lt3A_2681 : vector<16xi1>
    %or3A_2683 = arith.ori %gt3A_2679, %and3A_2682 : vector<16xi1>
    %select_n3A_2684 = arith.select %or3A_2683, %get3A_2673, %select_n3A_2664 : vector<16xi1>, vector<16xf32>
    %select_n3A_2685 = arith.select %or3A_2683, %get3A_2677, %select_n3A_2665 : vector<16xi1>, vector<16xi32>
    %get3A_2686 = arith.constant 13 : i32
    %get3A_2687 = arith.index_cast %get3A_2686 : i32 to index
    %get3A_2688 = arith.constant 112 : index
    %get3A_2689 = tpu.vector_load %arg15[%get3A_2687, %get3A_2688] {strides = array<i32>} : memref<16x128xi32, #tpu.memory_space<vmem>>, vector<16xi32>,
    %get3A_2690 = arith.constant 13 : i32
    %get3A_2691 = arith.index_cast %get3A_2690 : i32 to index
    %get3A_2692 = arith.constant 112 : index
    %get3A_2693 = tpu.vector_load %arg16[%get3A_2691, %get3A_2692] {strides = array<i32>} : memref<16x128xf32, #tpu.memory_space<vmem>>, vector<16xf32>,
    %get3A_2694 = arith.constant 13 : i32
    %get3A_2695 = arith.index_cast %get3A_2694 : i32 to index
    %get3A_2696 = arith.constant 112 : index
    %get3A_2697 = tpu.vector_load %arg17[%get3A_2695, %get3A_2696] {strides = array<i32>} : memref<16x128xi32, #tpu.memory_space<vmem>>, vector<16xi32>,
    %add3A_2698 = arith.addi %add3A_2678, %get3A_2689 : vector<16xi32>
    %gt3A_2699 = arith.cmpf ogt, %get3A_2693, %select_n3A_2684 : vector<16xf32>
    %eq3A_2700 = arith.cmpf oeq, %get3A_2693, %select_n3A_2684 : vector<16xf32>
    %lt3A_2701 = arith.cmpi slt, %get3A_2697, %select_n3A_2685 : vector<16xi32>
    %and3A_2702 = arith.andi %eq3A_2700, %lt3A_2701 : vector<16xi1>
    %or3A_2703 = arith.ori %gt3A_2699, %and3A_2702 : vector<16xi1>
    %select_n3A_2704 = arith.select %or3A_2703, %get3A_2693, %select_n3A_2684 : vector<16xi1>, vector<16xf32>
    %select_n3A_2705 = arith.select %or3A_2703, %get3A_2697, %select_n3A_2685 : vector<16xi1>, vector<16xi32>
    %get3A_2706 = arith.constant 14 : i32
    %get3A_2707 = arith.index_cast %get3A_2706 : i32 to index
    %get3A_2708 = arith.constant 112 : index
    %get3A_2709 = tpu.vector_load %arg15[%get3A_2707, %get3A_2708] {strides = array<i32>} : memref<16x128xi32, #tpu.memory_space<vmem>>, vector<16xi32>,
    %get3A_2710 = arith.constant 14 : i32
    %get3A_2711 = arith.index_cast %get3A_2710 : i32 to index
    %get3A_2712 = arith.constant 112 : index
    %get3A_2713 = tpu.vector_load %arg16[%get3A_2711, %get3A_2712] {strides = array<i32>} : memref<16x128xf32, #tpu.memory_space<vmem>>, vector<16xf32>,
    %get3A_2714 = arith.constant 14 : i32
    %get3A_2715 = arith.index_cast %get3A_2714 : i32 to index
    %get3A_2716 = arith.constant 112 : index
    %get3A_2717 = tpu.vector_load %arg17[%get3A_2715, %get3A_2716] {strides = array<i32>} : memref<16x128xi32, #tpu.memory_space<vmem>>, vector<16xi32>,
    %add3A_2718 = arith.addi %add3A_2698, %get3A_2709 : vector<16xi32>
    %gt3A_2719 = arith.cmpf ogt, %get3A_2713, %select_n3A_2704 : vector<16xf32>
    %eq3A_2720 = arith.cmpf oeq, %get3A_2713, %select_n3A_2704 : vector<16xf32>
    %lt3A_2721 = arith.cmpi slt, %get3A_2717, %select_n3A_2705 : vector<16xi32>
    %and3A_2722 = arith.andi %eq3A_2720, %lt3A_2721 : vector<16xi1>
    %or3A_2723 = arith.ori %gt3A_2719, %and3A_2722 : vector<16xi1>
    %select_n3A_2724 = arith.select %or3A_2723, %get3A_2713, %select_n3A_2704 : vector<16xi1>, vector<16xf32>
    %select_n3A_2725 = arith.select %or3A_2723, %get3A_2717, %select_n3A_2705 : vector<16xi1>, vector<16xi32>
    %get3A_2726 = arith.constant 15 : i32
    %get3A_2727 = arith.index_cast %get3A_2726 : i32 to index
    %get3A_2728 = arith.constant 112 : index
    %get3A_2729 = tpu.vector_load %arg15[%get3A_2727, %get3A_2728] {strides = array<i32>} : memref<16x128xi32, #tpu.memory_space<vmem>>, vector<16xi32>,
    %get3A_2730 = arith.constant 15 : i32
    %get3A_2731 = arith.index_cast %get3A_2730 : i32 to index
    %get3A_2732 = arith.constant 112 : index
    %get3A_2733 = tpu.vector_load %arg16[%get3A_2731, %get3A_2732] {strides = array<i32>} : memref<16x128xf32, #tpu.memory_space<vmem>>, vector<16xf32>,
    %get3A_2734 = arith.constant 15 : i32
    %get3A_2735 = arith.index_cast %get3A_2734 : i32 to index
    %get3A_2736 = arith.constant 112 : index
    %get3A_2737 = tpu.vector_load %arg17[%get3A_2735, %get3A_2736] {strides = array<i32>} : memref<16x128xi32, #tpu.memory_space<vmem>>, vector<16xi32>,
    %add3A_2738 = arith.addi %add3A_2718, %get3A_2729 : vector<16xi32>
    %gt3A_2739 = arith.cmpf ogt, %get3A_2733, %select_n3A_2724 : vector<16xf32>
    %eq3A_2740 = arith.cmpf oeq, %get3A_2733, %select_n3A_2724 : vector<16xf32>
    %lt3A_2741 = arith.cmpi slt, %get3A_2737, %select_n3A_2725 : vector<16xi32>
    %and3A_2742 = arith.andi %eq3A_2740, %lt3A_2741 : vector<16xi1>
    %or3A_2743 = arith.ori %gt3A_2739, %and3A_2742 : vector<16xi1>
    %select_n3A_2744 = arith.select %or3A_2743, %get3A_2733, %select_n3A_2724 : vector<16xi1>, vector<16xf32>
    %select_n3A_2745 = arith.select %or3A_2743, %get3A_2737, %select_n3A_2725 : vector<16xi1>, vector<16xi32>
    %swap3A_2746 = arith.constant 112 : index
    %swap3A_2747 = tpu.vector_load %arg18[%swap3A_2746] {strides = array<i32>} : memref<128xi32, #tpu.memory_space<vmem>>, vector<16xi32>,
    tpu.vector_store %arg18[%swap3A_2746], %add3A_2738 {strides = array<i32>} : memref<128xi32, #tpu.memory_space<vmem>>, vector<16xi32>,
    %swap3A_2748 = arith.constant 112 : index
    %swap3A_2749 = tpu.vector_load %arg19[%swap3A_2748] {strides = array<i32>} : memref<128xf32, #tpu.memory_space<vmem>>, vector<16xf32>,
    tpu.vector_store %arg19[%swap3A_2748], %select_n3A_2744 {strides = array<i32>} : memref<128xf32, #tpu.memory_space<vmem>>, vector<16xf32>,
    %swap3A_2750 = arith.constant 112 : index
    %swap3A_2751 = tpu.vector_load %arg20[%swap3A_2750] {strides = array<i32>} : memref<128xi32, #tpu.memory_space<vmem>>, vector<16xi32>,
    tpu.vector_store %arg20[%swap3A_2750], %select_n3A_2745 {strides = array<i32>} : memref<128xi32, #tpu.memory_space<vmem>>, vector<16xi32>,
    %min3A_2752 = arith.constant 19999 : i32
    %min3A_2753 = vector.broadcast %min3A_2752 : i32 to vector<16xi32>
    %min3A_2754 = arith.minsi %select_n3A_2745, %min3A_2753 : vector<16xi32>
    %mul3A_2755 = arith.constant 8 : i32
    %mul3A_2756 = vector.broadcast %mul3A_2755 : i32 to vector<16xi32>
    %mul3A_2757 = arith.muli %min3A_2754, %mul3A_2756 : vector<16xi32>
    %swap3A_2758 = arith.constant 112 : index
    %swap3A_2759 = tpu.vector_load %arg21[%swap3A_2758] {strides = array<i32>} : memref<128xi32, #tpu.memory_space<vmem>>, vector<16xi32>,
    tpu.vector_store %arg21[%swap3A_2758], %mul3A_2757 {strides = array<i32>} : memref<128xi32, #tpu.memory_space<vmem>>, vector<16xi32>,
    %lt3A_2760 = arith.constant 12 : i32
    %lt3A_2761 = arith.cmpi slt, %arg1, %lt3A_2760 : i32
    %convert_element_type3A = arith.extui %lt3A_2761 : i1 to i32
    %cond3A = arith.constant 0 : i32
    %cond3A_2762 = arith.cmpi ne, %convert_element_type3A, %cond3A : i32
    scf.if %cond3A_2762 {
      "tpu.region"() ({
        %run_scoped3A = tpu.sem_alloc : memref<!tpu.dma_semaphore, #tpu.memory_space<semaphore_mem>>
        %dma_start3A_3502 = tpu.memref_slice %arg5[%arg0, %mul3A_44] : memref<2x1536xi32, #tpu.memory_space<hbm>> -> memref<1x128xi32, #tpu.memory_space<hbm>>
        %dma_start3A_3503 = tpu.memref_squeeze %dma_start3A_3502 : memref<1x128xi32, #tpu.memory_space<hbm>> -> memref<128xi32, #tpu.memory_space<hbm>>
        %dma_start3A_3504 = tpu.memref_slice %arg5[%arg0, %mul3A_44] : memref<2x1536xi32, #tpu.memory_space<hbm>> -> memref<1x128xi32, #tpu.memory_space<hbm>>
        %dma_start3A_3505 = tpu.memref_squeeze %dma_start3A_3504 : memref<1x128xi32, #tpu.memory_space<hbm>> -> memref<128xi32, #tpu.memory_space<hbm>>
        tpu.enqueue_dma source(%arg18 : memref<128xi32, #tpu.memory_space<vmem>>) target(%dma_start3A_3505 : memref<128xi32, #tpu.memory_space<hbm>>) target_semaphore(%run_scoped3A : memref<!tpu.dma_semaphore, #tpu.memory_space<semaphore_mem>>)
        %dma_wait3A_3506 = tpu.memref_slice %arg5[%arg0, %mul3A_44] : memref<2x1536xi32, #tpu.memory_space<hbm>> -> memref<1x128xi32, #tpu.memory_space<hbm>>
        %dma_wait3A_3507 = tpu.memref_squeeze %dma_wait3A_3506 : memref<1x128xi32, #tpu.memory_space<hbm>> -> memref<128xi32, #tpu.memory_space<hbm>>
        %dma_wait3A_3508 = tpu.memref_slice %arg5[%arg0, %mul3A_44] : memref<2x1536xi32, #tpu.memory_space<hbm>> -> memref<1x128xi32, #tpu.memory_space<hbm>>
        %dma_wait3A_3509 = tpu.memref_squeeze %dma_wait3A_3508 : memref<1x128xi32, #tpu.memory_space<hbm>> -> memref<128xi32, #tpu.memory_space<hbm>>
        tpu.wait_dma2 semaphore(%run_scoped3A : memref<!tpu.dma_semaphore, #tpu.memory_space<semaphore_mem>>) src(%arg18 : memref<128xi32, #tpu.memory_space<vmem>>) dst(%dma_wait3A_3509 : memref<128xi32, #tpu.memory_space<hbm>>)
        tpu.yield
      }) : () -> ()
      "tpu.region"() ({
        %run_scoped3A = tpu.sem_alloc : memref<!tpu.dma_semaphore, #tpu.memory_space<semaphore_mem>>
        %dma_start3A_3502 = tpu.memref_slice %arg6[%arg0, %mul3A_44] : memref<2x1536xf32, #tpu.memory_space<hbm>> -> memref<1x128xf32, #tpu.memory_space<hbm>>
        %dma_start3A_3503 = tpu.memref_squeeze %dma_start3A_3502 : memref<1x128xf32, #tpu.memory_space<hbm>> -> memref<128xf32, #tpu.memory_space<hbm>>
        %dma_start3A_3504 = tpu.memref_slice %arg6[%arg0, %mul3A_44] : memref<2x1536xf32, #tpu.memory_space<hbm>> -> memref<1x128xf32, #tpu.memory_space<hbm>>
        %dma_start3A_3505 = tpu.memref_squeeze %dma_start3A_3504 : memref<1x128xf32, #tpu.memory_space<hbm>> -> memref<128xf32, #tpu.memory_space<hbm>>
        tpu.enqueue_dma source(%arg19 : memref<128xf32, #tpu.memory_space<vmem>>) target(%dma_start3A_3505 : memref<128xf32, #tpu.memory_space<hbm>>) target_semaphore(%run_scoped3A : memref<!tpu.dma_semaphore, #tpu.memory_space<semaphore_mem>>)
        %dma_wait3A_3506 = tpu.memref_slice %arg6[%arg0, %mul3A_44] : memref<2x1536xf32, #tpu.memory_space<hbm>> -> memref<1x128xf32, #tpu.memory_space<hbm>>
        %dma_wait3A_3507 = tpu.memref_squeeze %dma_wait3A_3506 : memref<1x128xf32, #tpu.memory_space<hbm>> -> memref<128xf32, #tpu.memory_space<hbm>>
        %dma_wait3A_3508 = tpu.memref_slice %arg6[%arg0, %mul3A_44] : memref<2x1536xf32, #tpu.memory_space<hbm>> -> memref<1x128xf32, #tpu.memory_space<hbm>>
        %dma_wait3A_3509 = tpu.memref_squeeze %dma_wait3A_3508 : memref<1x128xf32, #tpu.memory_space<hbm>> -> memref<128xf32, #tpu.memory_space<hbm>>
        tpu.wait_dma2 semaphore(%run_scoped3A : memref<!tpu.dma_semaphore, #tpu.memory_space<semaphore_mem>>) src(%arg19 : memref<128xf32, #tpu.memory_space<vmem>>) dst(%dma_wait3A_3509 : memref<128xf32, #tpu.memory_space<hbm>>)
        tpu.yield
      }) : () -> ()
      "tpu.region"() ({
        %run_scoped3A = tpu.sem_alloc : memref<!tpu.dma_semaphore, #tpu.memory_space<semaphore_mem>>
        %dma_start3A_3502 = tpu.memref_slice %arg7[%arg0, %mul3A_44] : memref<2x1536xi32, #tpu.memory_space<hbm>> -> memref<1x128xi32, #tpu.memory_space<hbm>>
        %dma_start3A_3503 = tpu.memref_squeeze %dma_start3A_3502 : memref<1x128xi32, #tpu.memory_space<hbm>> -> memref<128xi32, #tpu.memory_space<hbm>>
        %dma_start3A_3504 = tpu.memref_slice %arg7[%arg0, %mul3A_44] : memref<2x1536xi32, #tpu.memory_space<hbm>> -> memref<1x128xi32, #tpu.memory_space<hbm>>
        %dma_start3A_3505 = tpu.memref_squeeze %dma_start3A_3504 : memref<1x128xi32, #tpu.memory_space<hbm>> -> memref<128xi32, #tpu.memory_space<hbm>>
        tpu.enqueue_dma source(%arg20 : memref<128xi32, #tpu.memory_space<vmem>>) target(%dma_start3A_3505 : memref<128xi32, #tpu.memory_space<hbm>>) target_semaphore(%run_scoped3A : memref<!tpu.dma_semaphore, #tpu.memory_space<semaphore_mem>>)
        %dma_wait3A_3506 = tpu.memref_slice %arg7[%arg0, %mul3A_44] : memref<2x1536xi32, #tpu.memory_space<hbm>> -> memref<1x128xi32, #tpu.memory_space<hbm>>
        %dma_wait3A_3507 = tpu.memref_squeeze %dma_wait3A_3506 : memref<1x128xi32, #tpu.memory_space<hbm>> -> memref<128xi32, #tpu.memory_space<hbm>>
        %dma_wait3A_3508 = tpu.memref_slice %arg7[%arg0, %mul3A_44] : memref<2x1536xi32, #tpu.memory_space<hbm>> -> memref<1x128xi32, #tpu.memory_space<hbm>>
        %dma_wait3A_3509 = tpu.memref_squeeze %dma_wait3A_3508 : memref<1x128xi32, #tpu.memory_space<hbm>> -> memref<128xi32, #tpu.memory_space<hbm>>
        tpu.wait_dma2 semaphore(%run_scoped3A : memref<!tpu.dma_semaphore, #tpu.memory_space<semaphore_mem>>) src(%arg20 : memref<128xi32, #tpu.memory_space<vmem>>) dst(%dma_wait3A_3509 : memref<128xi32, #tpu.memory_space<hbm>>)
        tpu.yield
      }) : () -> ()
      %get3A_2768 = arith.constant 0 : index
      %get3A_2769 = tpu.vector_load %arg21[%get3A_2768] {strides = array<i32>} : memref<128xi32, #tpu.memory_space<vmem>>, vector<16xi32>,
      %add3A_2770 = arith.constant 0 : i32
      %add3A_2771 = vector.broadcast %add3A_2770 : i32 to vector<16xi32>
      %add3A_2772 = arith.addi %get3A_2769, %add3A_2771 : vector<16xi32>
      %swap3A_2773 = arith.constant 0 : i32
      %swap3A_2774 = arith.index_cast %swap3A_2773 : i32 to index
      %swap3A_2775 = arith.constant 0 : index
      %swap3A_2776 = tpu.vector_load %arg22[%swap3A_2774, %swap3A_2775] {strides = array<i32>} : memref<8x128xi32, #tpu.memory_space<vmem>>, vector<16xi32>,
      tpu.vector_store %arg22[%swap3A_2774, %swap3A_2775], %add3A_2772 {strides = array<i32>} : memref<8x128xi32, #tpu.memory_space<vmem>>, vector<16xi32>,
      %get3A_2777 = arith.constant 16 : index
      %get3A_2778 = tpu.vector_load %arg21[%get3A_2777] {strides = array<i32>} : memref<128xi32, #tpu.memory_space<vmem>>, vector<16xi32>,
      %add3A_2779 = arith.constant 0 : i32
      %add3A_2780 = vector.broadcast %add3A_2779 : i32 to vector<16xi32>
      %add3A_2781 = arith.addi %get3A_2778, %add3A_2780 : vector<16xi32>
      %swap3A_2782 = arith.constant 0 : i32
      %swap3A_2783 = arith.index_cast %swap3A_2782 : i32 to index
      %swap3A_2784 = arith.constant 16 : index
      %swap3A_2785 = tpu.vector_load %arg22[%swap3A_2783, %swap3A_2784] {strides = array<i32>} : memref<8x128xi32, #tpu.memory_space<vmem>>, vector<16xi32>,
      tpu.vector_store %arg22[%swap3A_2783, %swap3A_2784], %add3A_2781 {strides = array<i32>} : memref<8x128xi32, #tpu.memory_space<vmem>>, vector<16xi32>,
      %get3A_2786 = arith.constant 32 : index
      %get3A_2787 = tpu.vector_load %arg21[%get3A_2786] {strides = array<i32>} : memref<128xi32, #tpu.memory_space<vmem>>, vector<16xi32>,
      %add3A_2788 = arith.constant 0 : i32
      %add3A_2789 = vector.broadcast %add3A_2788 : i32 to vector<16xi32>
      %add3A_2790 = arith.addi %get3A_2787, %add3A_2789 : vector<16xi32>
      %swap3A_2791 = arith.constant 0 : i32
      %swap3A_2792 = arith.index_cast %swap3A_2791 : i32 to index
      %swap3A_2793 = arith.constant 32 : index
      %swap3A_2794 = tpu.vector_load %arg22[%swap3A_2792, %swap3A_2793] {strides = array<i32>} : memref<8x128xi32, #tpu.memory_space<vmem>>, vector<16xi32>,
      tpu.vector_store %arg22[%swap3A_2792, %swap3A_2793], %add3A_2790 {strides = array<i32>} : memref<8x128xi32, #tpu.memory_space<vmem>>, vector<16xi32>,
      %get3A_2795 = arith.constant 48 : index
      %get3A_2796 = tpu.vector_load %arg21[%get3A_2795] {strides = array<i32>} : memref<128xi32, #tpu.memory_space<vmem>>, vector<16xi32>,
      %add3A_2797 = arith.constant 0 : i32
      %add3A_2798 = vector.broadcast %add3A_2797 : i32 to vector<16xi32>
      %add3A_2799 = arith.addi %get3A_2796, %add3A_2798 : vector<16xi32>
      %swap3A_2800 = arith.constant 0 : i32
      %swap3A_2801 = arith.index_cast %swap3A_2800 : i32 to index
      %swap3A_2802 = arith.constant 48 : index
      %swap3A_2803 = tpu.vector_load %arg22[%swap3A_2801, %swap3A_2802] {strides = array<i32>} : memref<8x128xi32, #tpu.memory_space<vmem>>, vector<16xi32>,
      tpu.vector_store %arg22[%swap3A_2801, %swap3A_2802], %add3A_2799 {strides = array<i32>} : memref<8x128xi32, #tpu.memory_space<vmem>>, vector<16xi32>,
      %get3A_2804 = arith.constant 64 : index
      %get3A_2805 = tpu.vector_load %arg21[%get3A_2804] {strides = array<i32>} : memref<128xi32, #tpu.memory_space<vmem>>, vector<16xi32>,
      %add3A_2806 = arith.constant 0 : i32
      %add3A_2807 = vector.broadcast %add3A_2806 : i32 to vector<16xi32>
      %add3A_2808 = arith.addi %get3A_2805, %add3A_2807 : vector<16xi32>
      %swap3A_2809 = arith.constant 0 : i32
      %swap3A_2810 = arith.index_cast %swap3A_2809 : i32 to index
      %swap3A_2811 = arith.constant 64 : index
      %swap3A_2812 = tpu.vector_load %arg22[%swap3A_2810, %swap3A_2811] {strides = array<i32>} : memref<8x128xi32, #tpu.memory_space<vmem>>, vector<16xi32>,
      tpu.vector_store %arg22[%swap3A_2810, %swap3A_2811], %add3A_2808 {strides = array<i32>} : memref<8x128xi32, #tpu.memory_space<vmem>>, vector<16xi32>,
      %get3A_2813 = arith.constant 80 : index
      %get3A_2814 = tpu.vector_load %arg21[%get3A_2813] {strides = array<i32>} : memref<128xi32, #tpu.memory_space<vmem>>, vector<16xi32>,
      %add3A_2815 = arith.constant 0 : i32
      %add3A_2816 = vector.broadcast %add3A_2815 : i32 to vector<16xi32>
      %add3A_2817 = arith.addi %get3A_2814, %add3A_2816 : vector<16xi32>
      %swap3A_2818 = arith.constant 0 : i32
      %swap3A_2819 = arith.index_cast %swap3A_2818 : i32 to index
      %swap3A_2820 = arith.constant 80 : index
      %swap3A_2821 = tpu.vector_load %arg22[%swap3A_2819, %swap3A_2820] {strides = array<i32>} : memref<8x128xi32, #tpu.memory_space<vmem>>, vector<16xi32>,
      tpu.vector_store %arg22[%swap3A_2819, %swap3A_2820], %add3A_2817 {strides = array<i32>} : memref<8x128xi32, #tpu.memory_space<vmem>>, vector<16xi32>,
      %get3A_2822 = arith.constant 96 : index
      %get3A_2823 = tpu.vector_load %arg21[%get3A_2822] {strides = array<i32>} : memref<128xi32, #tpu.memory_space<vmem>>, vector<16xi32>,
      %add3A_2824 = arith.constant 0 : i32
      %add3A_2825 = vector.broadcast %add3A_2824 : i32 to vector<16xi32>
      %add3A_2826 = arith.addi %get3A_2823, %add3A_2825 : vector<16xi32>
      %swap3A_2827 = arith.constant 0 : i32
      %swap3A_2828 = arith.index_cast %swap3A_2827 : i32 to index
      %swap3A_2829 = arith.constant 96 : index
      %swap3A_2830 = tpu.vector_load %arg22[%swap3A_2828, %swap3A_2829] {strides = array<i32>} : memref<8x128xi32, #tpu.memory_space<vmem>>, vector<16xi32>,
      tpu.vector_store %arg22[%swap3A_2828, %swap3A_2829], %add3A_2826 {strides = array<i32>} : memref<8x128xi32, #tpu.memory_space<vmem>>, vector<16xi32>,
      %get3A_2831 = arith.constant 112 : index
      %get3A_2832 = tpu.vector_load %arg21[%get3A_2831] {strides = array<i32>} : memref<128xi32, #tpu.memory_space<vmem>>, vector<16xi32>,
      %add3A_2833 = arith.constant 0 : i32
      %add3A_2834 = vector.broadcast %add3A_2833 : i32 to vector<16xi32>
      %add3A_2835 = arith.addi %get3A_2832, %add3A_2834 : vector<16xi32>
      %swap3A_2836 = arith.constant 0 : i32
      %swap3A_2837 = arith.index_cast %swap3A_2836 : i32 to index
      %swap3A_2838 = arith.constant 112 : index
      %swap3A_2839 = tpu.vector_load %arg22[%swap3A_2837, %swap3A_2838] {strides = array<i32>} : memref<8x128xi32, #tpu.memory_space<vmem>>, vector<16xi32>,
      tpu.vector_store %arg22[%swap3A_2837, %swap3A_2838], %add3A_2835 {strides = array<i32>} : memref<8x128xi32, #tpu.memory_space<vmem>>, vector<16xi32>,
      %get3A_2840 = arith.constant 0 : index
      %get3A_2841 = tpu.vector_load %arg21[%get3A_2840] {strides = array<i32>} : memref<128xi32, #tpu.memory_space<vmem>>, vector<16xi32>,
      %add3A_2842 = arith.constant 1 : i32
      %add3A_2843 = vector.broadcast %add3A_2842 : i32 to vector<16xi32>
      %add3A_2844 = arith.addi %get3A_2841, %add3A_2843 : vector<16xi32>
      %swap3A_2845 = arith.constant 1 : i32
      %swap3A_2846 = arith.index_cast %swap3A_2845 : i32 to index
      %swap3A_2847 = arith.constant 0 : index
      %swap3A_2848 = tpu.vector_load %arg22[%swap3A_2846, %swap3A_2847] {strides = array<i32>} : memref<8x128xi32, #tpu.memory_space<vmem>>, vector<16xi32>,
      tpu.vector_store %arg22[%swap3A_2846, %swap3A_2847], %add3A_2844 {strides = array<i32>} : memref<8x128xi32, #tpu.memory_space<vmem>>, vector<16xi32>,
      %get3A_2849 = arith.constant 16 : index
      %get3A_2850 = tpu.vector_load %arg21[%get3A_2849] {strides = array<i32>} : memref<128xi32, #tpu.memory_space<vmem>>, vector<16xi32>,
      %add3A_2851 = arith.constant 1 : i32
      %add3A_2852 = vector.broadcast %add3A_2851 : i32 to vector<16xi32>
      %add3A_2853 = arith.addi %get3A_2850, %add3A_2852 : vector<16xi32>
      %swap3A_2854 = arith.constant 1 : i32
      %swap3A_2855 = arith.index_cast %swap3A_2854 : i32 to index
      %swap3A_2856 = arith.constant 16 : index
      %swap3A_2857 = tpu.vector_load %arg22[%swap3A_2855, %swap3A_2856] {strides = array<i32>} : memref<8x128xi32, #tpu.memory_space<vmem>>, vector<16xi32>,
      tpu.vector_store %arg22[%swap3A_2855, %swap3A_2856], %add3A_2853 {strides = array<i32>} : memref<8x128xi32, #tpu.memory_space<vmem>>, vector<16xi32>,
      %get3A_2858 = arith.constant 32 : index
      %get3A_2859 = tpu.vector_load %arg21[%get3A_2858] {strides = array<i32>} : memref<128xi32, #tpu.memory_space<vmem>>, vector<16xi32>,
      %add3A_2860 = arith.constant 1 : i32
      %add3A_2861 = vector.broadcast %add3A_2860 : i32 to vector<16xi32>
      %add3A_2862 = arith.addi %get3A_2859, %add3A_2861 : vector<16xi32>
      %swap3A_2863 = arith.constant 1 : i32
      %swap3A_2864 = arith.index_cast %swap3A_2863 : i32 to index
      %swap3A_2865 = arith.constant 32 : index
      %swap3A_2866 = tpu.vector_load %arg22[%swap3A_2864, %swap3A_2865] {strides = array<i32>} : memref<8x128xi32, #tpu.memory_space<vmem>>, vector<16xi32>,
      tpu.vector_store %arg22[%swap3A_2864, %swap3A_2865], %add3A_2862 {strides = array<i32>} : memref<8x128xi32, #tpu.memory_space<vmem>>, vector<16xi32>,
      %get3A_2867 = arith.constant 48 : index
      %get3A_2868 = tpu.vector_load %arg21[%get3A_2867] {strides = array<i32>} : memref<128xi32, #tpu.memory_space<vmem>>, vector<16xi32>,
      %add3A_2869 = arith.constant 1 : i32
      %add3A_2870 = vector.broadcast %add3A_2869 : i32 to vector<16xi32>
      %add3A_2871 = arith.addi %get3A_2868, %add3A_2870 : vector<16xi32>
      %swap3A_2872 = arith.constant 1 : i32
      %swap3A_2873 = arith.index_cast %swap3A_2872 : i32 to index
      %swap3A_2874 = arith.constant 48 : index
      %swap3A_2875 = tpu.vector_load %arg22[%swap3A_2873, %swap3A_2874] {strides = array<i32>} : memref<8x128xi32, #tpu.memory_space<vmem>>, vector<16xi32>,
      tpu.vector_store %arg22[%swap3A_2873, %swap3A_2874], %add3A_2871 {strides = array<i32>} : memref<8x128xi32, #tpu.memory_space<vmem>>, vector<16xi32>,
      %get3A_2876 = arith.constant 64 : index
      %get3A_2877 = tpu.vector_load %arg21[%get3A_2876] {strides = array<i32>} : memref<128xi32, #tpu.memory_space<vmem>>, vector<16xi32>,
      %add3A_2878 = arith.constant 1 : i32
      %add3A_2879 = vector.broadcast %add3A_2878 : i32 to vector<16xi32>
      %add3A_2880 = arith.addi %get3A_2877, %add3A_2879 : vector<16xi32>
      %swap3A_2881 = arith.constant 1 : i32
      %swap3A_2882 = arith.index_cast %swap3A_2881 : i32 to index
      %swap3A_2883 = arith.constant 64 : index
      %swap3A_2884 = tpu.vector_load %arg22[%swap3A_2882, %swap3A_2883] {strides = array<i32>} : memref<8x128xi32, #tpu.memory_space<vmem>>, vector<16xi32>,
      tpu.vector_store %arg22[%swap3A_2882, %swap3A_2883], %add3A_2880 {strides = array<i32>} : memref<8x128xi32, #tpu.memory_space<vmem>>, vector<16xi32>,
      %get3A_2885 = arith.constant 80 : index
      %get3A_2886 = tpu.vector_load %arg21[%get3A_2885] {strides = array<i32>} : memref<128xi32, #tpu.memory_space<vmem>>, vector<16xi32>,
      %add3A_2887 = arith.constant 1 : i32
      %add3A_2888 = vector.broadcast %add3A_2887 : i32 to vector<16xi32>
      %add3A_2889 = arith.addi %get3A_2886, %add3A_2888 : vector<16xi32>
      %swap3A_2890 = arith.constant 1 : i32
      %swap3A_2891 = arith.index_cast %swap3A_2890 : i32 to index
      %swap3A_2892 = arith.constant 80 : index
      %swap3A_2893 = tpu.vector_load %arg22[%swap3A_2891, %swap3A_2892] {strides = array<i32>} : memref<8x128xi32, #tpu.memory_space<vmem>>, vector<16xi32>,
      tpu.vector_store %arg22[%swap3A_2891, %swap3A_2892], %add3A_2889 {strides = array<i32>} : memref<8x128xi32, #tpu.memory_space<vmem>>, vector<16xi32>,
      %get3A_2894 = arith.constant 96 : index
      %get3A_2895 = tpu.vector_load %arg21[%get3A_2894] {strides = array<i32>} : memref<128xi32, #tpu.memory_space<vmem>>, vector<16xi32>,
      %add3A_2896 = arith.constant 1 : i32
      %add3A_2897 = vector.broadcast %add3A_2896 : i32 to vector<16xi32>
      %add3A_2898 = arith.addi %get3A_2895, %add3A_2897 : vector<16xi32>
      %swap3A_2899 = arith.constant 1 : i32
      %swap3A_2900 = arith.index_cast %swap3A_2899 : i32 to index
      %swap3A_2901 = arith.constant 96 : index
      %swap3A_2902 = tpu.vector_load %arg22[%swap3A_2900, %swap3A_2901] {strides = array<i32>} : memref<8x128xi32, #tpu.memory_space<vmem>>, vector<16xi32>,
      tpu.vector_store %arg22[%swap3A_2900, %swap3A_2901], %add3A_2898 {strides = array<i32>} : memref<8x128xi32, #tpu.memory_space<vmem>>, vector<16xi32>,
      %get3A_2903 = arith.constant 112 : index
      %get3A_2904 = tpu.vector_load %arg21[%get3A_2903] {strides = array<i32>} : memref<128xi32, #tpu.memory_space<vmem>>, vector<16xi32>,
      %add3A_2905 = arith.constant 1 : i32
      %add3A_2906 = vector.broadcast %add3A_2905 : i32 to vector<16xi32>
      %add3A_2907 = arith.addi %get3A_2904, %add3A_2906 : vector<16xi32>
      %swap3A_2908 = arith.constant 1 : i32
      %swap3A_2909 = arith.index_cast %swap3A_2908 : i32 to index
      %swap3A_2910 = arith.constant 112 : index
      %swap3A_2911 = tpu.vector_load %arg22[%swap3A_2909, %swap3A_2910] {strides = array<i32>} : memref<8x128xi32, #tpu.memory_space<vmem>>, vector<16xi32>,
      tpu.vector_store %arg22[%swap3A_2909, %swap3A_2910], %add3A_2907 {strides = array<i32>} : memref<8x128xi32, #tpu.memory_space<vmem>>, vector<16xi32>,
      %get3A_2912 = arith.constant 0 : index
      %get3A_2913 = tpu.vector_load %arg21[%get3A_2912] {strides = array<i32>} : memref<128xi32, #tpu.memory_space<vmem>>, vector<16xi32>,
      %add3A_2914 = arith.constant 2 : i32
      %add3A_2915 = vector.broadcast %add3A_2914 : i32 to vector<16xi32>
      %add3A_2916 = arith.addi %get3A_2913, %add3A_2915 : vector<16xi32>
      %swap3A_2917 = arith.constant 2 : i32
      %swap3A_2918 = arith.index_cast %swap3A_2917 : i32 to index
      %swap3A_2919 = arith.constant 0 : index
      %swap3A_2920 = tpu.vector_load %arg22[%swap3A_2918, %swap3A_2919] {strides = array<i32>} : memref<8x128xi32, #tpu.memory_space<vmem>>, vector<16xi32>,
      tpu.vector_store %arg22[%swap3A_2918, %swap3A_2919], %add3A_2916 {strides = array<i32>} : memref<8x128xi32, #tpu.memory_space<vmem>>, vector<16xi32>,
      %get3A_2921 = arith.constant 16 : index
      %get3A_2922 = tpu.vector_load %arg21[%get3A_2921] {strides = array<i32>} : memref<128xi32, #tpu.memory_space<vmem>>, vector<16xi32>,
      %add3A_2923 = arith.constant 2 : i32
      %add3A_2924 = vector.broadcast %add3A_2923 : i32 to vector<16xi32>
      %add3A_2925 = arith.addi %get3A_2922, %add3A_2924 : vector<16xi32>
      %swap3A_2926 = arith.constant 2 : i32
      %swap3A_2927 = arith.index_cast %swap3A_2926 : i32 to index
      %swap3A_2928 = arith.constant 16 : index
      %swap3A_2929 = tpu.vector_load %arg22[%swap3A_2927, %swap3A_2928] {strides = array<i32>} : memref<8x128xi32, #tpu.memory_space<vmem>>, vector<16xi32>,
      tpu.vector_store %arg22[%swap3A_2927, %swap3A_2928], %add3A_2925 {strides = array<i32>} : memref<8x128xi32, #tpu.memory_space<vmem>>, vector<16xi32>,
      %get3A_2930 = arith.constant 32 : index
      %get3A_2931 = tpu.vector_load %arg21[%get3A_2930] {strides = array<i32>} : memref<128xi32, #tpu.memory_space<vmem>>, vector<16xi32>,
      %add3A_2932 = arith.constant 2 : i32
      %add3A_2933 = vector.broadcast %add3A_2932 : i32 to vector<16xi32>
      %add3A_2934 = arith.addi %get3A_2931, %add3A_2933 : vector<16xi32>
      %swap3A_2935 = arith.constant 2 : i32
      %swap3A_2936 = arith.index_cast %swap3A_2935 : i32 to index
      %swap3A_2937 = arith.constant 32 : index
      %swap3A_2938 = tpu.vector_load %arg22[%swap3A_2936, %swap3A_2937] {strides = array<i32>} : memref<8x128xi32, #tpu.memory_space<vmem>>, vector<16xi32>,
      tpu.vector_store %arg22[%swap3A_2936, %swap3A_2937], %add3A_2934 {strides = array<i32>} : memref<8x128xi32, #tpu.memory_space<vmem>>, vector<16xi32>,
      %get3A_2939 = arith.constant 48 : index
      %get3A_2940 = tpu.vector_load %arg21[%get3A_2939] {strides = array<i32>} : memref<128xi32, #tpu.memory_space<vmem>>, vector<16xi32>,
      %add3A_2941 = arith.constant 2 : i32
      %add3A_2942 = vector.broadcast %add3A_2941 : i32 to vector<16xi32>
      %add3A_2943 = arith.addi %get3A_2940, %add3A_2942 : vector<16xi32>
      %swap3A_2944 = arith.constant 2 : i32
      %swap3A_2945 = arith.index_cast %swap3A_2944 : i32 to index
      %swap3A_2946 = arith.constant 48 : index
      %swap3A_2947 = tpu.vector_load %arg22[%swap3A_2945, %swap3A_2946] {strides = array<i32>} : memref<8x128xi32, #tpu.memory_space<vmem>>, vector<16xi32>,
      tpu.vector_store %arg22[%swap3A_2945, %swap3A_2946], %add3A_2943 {strides = array<i32>} : memref<8x128xi32, #tpu.memory_space<vmem>>, vector<16xi32>,
      %get3A_2948 = arith.constant 64 : index
      %get3A_2949 = tpu.vector_load %arg21[%get3A_2948] {strides = array<i32>} : memref<128xi32, #tpu.memory_space<vmem>>, vector<16xi32>,
      %add3A_2950 = arith.constant 2 : i32
      %add3A_2951 = vector.broadcast %add3A_2950 : i32 to vector<16xi32>
      %add3A_2952 = arith.addi %get3A_2949, %add3A_2951 : vector<16xi32>
      %swap3A_2953 = arith.constant 2 : i32
      %swap3A_2954 = arith.index_cast %swap3A_2953 : i32 to index
      %swap3A_2955 = arith.constant 64 : index
      %swap3A_2956 = tpu.vector_load %arg22[%swap3A_2954, %swap3A_2955] {strides = array<i32>} : memref<8x128xi32, #tpu.memory_space<vmem>>, vector<16xi32>,
      tpu.vector_store %arg22[%swap3A_2954, %swap3A_2955], %add3A_2952 {strides = array<i32>} : memref<8x128xi32, #tpu.memory_space<vmem>>, vector<16xi32>,
      %get3A_2957 = arith.constant 80 : index
      %get3A_2958 = tpu.vector_load %arg21[%get3A_2957] {strides = array<i32>} : memref<128xi32, #tpu.memory_space<vmem>>, vector<16xi32>,
      %add3A_2959 = arith.constant 2 : i32
      %add3A_2960 = vector.broadcast %add3A_2959 : i32 to vector<16xi32>
      %add3A_2961 = arith.addi %get3A_2958, %add3A_2960 : vector<16xi32>
      %swap3A_2962 = arith.constant 2 : i32
      %swap3A_2963 = arith.index_cast %swap3A_2962 : i32 to index
      %swap3A_2964 = arith.constant 80 : index
      %swap3A_2965 = tpu.vector_load %arg22[%swap3A_2963, %swap3A_2964] {strides = array<i32>} : memref<8x128xi32, #tpu.memory_space<vmem>>, vector<16xi32>,
      tpu.vector_store %arg22[%swap3A_2963, %swap3A_2964], %add3A_2961 {strides = array<i32>} : memref<8x128xi32, #tpu.memory_space<vmem>>, vector<16xi32>,
      %get3A_2966 = arith.constant 96 : index
      %get3A_2967 = tpu.vector_load %arg21[%get3A_2966] {strides = array<i32>} : memref<128xi32, #tpu.memory_space<vmem>>, vector<16xi32>,
      %add3A_2968 = arith.constant 2 : i32
      %add3A_2969 = vector.broadcast %add3A_2968 : i32 to vector<16xi32>
      %add3A_2970 = arith.addi %get3A_2967, %add3A_2969 : vector<16xi32>
      %swap3A_2971 = arith.constant 2 : i32
      %swap3A_2972 = arith.index_cast %swap3A_2971 : i32 to index
      %swap3A_2973 = arith.constant 96 : index
      %swap3A_2974 = tpu.vector_load %arg22[%swap3A_2972, %swap3A_2973] {strides = array<i32>} : memref<8x128xi32, #tpu.memory_space<vmem>>, vector<16xi32>,
      tpu.vector_store %arg22[%swap3A_2972, %swap3A_2973], %add3A_2970 {strides = array<i32>} : memref<8x128xi32, #tpu.memory_space<vmem>>, vector<16xi32>,
      %get3A_2975 = arith.constant 112 : index
      %get3A_2976 = tpu.vector_load %arg21[%get3A_2975] {strides = array<i32>} : memref<128xi32, #tpu.memory_space<vmem>>, vector<16xi32>,
      %add3A_2977 = arith.constant 2 : i32
      %add3A_2978 = vector.broadcast %add3A_2977 : i32 to vector<16xi32>
      %add3A_2979 = arith.addi %get3A_2976, %add3A_2978 : vector<16xi32>
      %swap3A_2980 = arith.constant 2 : i32
      %swap3A_2981 = arith.index_cast %swap3A_2980 : i32 to index
      %swap3A_2982 = arith.constant 112 : index
      %swap3A_2983 = tpu.vector_load %arg22[%swap3A_2981, %swap3A_2982] {strides = array<i32>} : memref<8x128xi32, #tpu.memory_space<vmem>>, vector<16xi32>,
      tpu.vector_store %arg22[%swap3A_2981, %swap3A_2982], %add3A_2979 {strides = array<i32>} : memref<8x128xi32, #tpu.memory_space<vmem>>, vector<16xi32>,
      %get3A_2984 = arith.constant 0 : index
      %get3A_2985 = tpu.vector_load %arg21[%get3A_2984] {strides = array<i32>} : memref<128xi32, #tpu.memory_space<vmem>>, vector<16xi32>,
      %add3A_2986 = arith.constant 3 : i32
      %add3A_2987 = vector.broadcast %add3A_2986 : i32 to vector<16xi32>
      %add3A_2988 = arith.addi %get3A_2985, %add3A_2987 : vector<16xi32>
      %swap3A_2989 = arith.constant 3 : i32
      %swap3A_2990 = arith.index_cast %swap3A_2989 : i32 to index
      %swap3A_2991 = arith.constant 0 : index
      %swap3A_2992 = tpu.vector_load %arg22[%swap3A_2990, %swap3A_2991] {strides = array<i32>} : memref<8x128xi32, #tpu.memory_space<vmem>>, vector<16xi32>,
      tpu.vector_store %arg22[%swap3A_2990, %swap3A_2991], %add3A_2988 {strides = array<i32>} : memref<8x128xi32, #tpu.memory_space<vmem>>, vector<16xi32>,
      %get3A_2993 = arith.constant 16 : index
      %get3A_2994 = tpu.vector_load %arg21[%get3A_2993] {strides = array<i32>} : memref<128xi32, #tpu.memory_space<vmem>>, vector<16xi32>,
      %add3A_2995 = arith.constant 3 : i32
      %add3A_2996 = vector.broadcast %add3A_2995 : i32 to vector<16xi32>
      %add3A_2997 = arith.addi %get3A_2994, %add3A_2996 : vector<16xi32>
      %swap3A_2998 = arith.constant 3 : i32
      %swap3A_2999 = arith.index_cast %swap3A_2998 : i32 to index
      %swap3A_3000 = arith.constant 16 : index
      %swap3A_3001 = tpu.vector_load %arg22[%swap3A_2999, %swap3A_3000] {strides = array<i32>} : memref<8x128xi32, #tpu.memory_space<vmem>>, vector<16xi32>,
      tpu.vector_store %arg22[%swap3A_2999, %swap3A_3000], %add3A_2997 {strides = array<i32>} : memref<8x128xi32, #tpu.memory_space<vmem>>, vector<16xi32>,
      %get3A_3002 = arith.constant 32 : index
      %get3A_3003 = tpu.vector_load %arg21[%get3A_3002] {strides = array<i32>} : memref<128xi32, #tpu.memory_space<vmem>>, vector<16xi32>,
      %add3A_3004 = arith.constant 3 : i32
      %add3A_3005 = vector.broadcast %add3A_3004 : i32 to vector<16xi32>
      %add3A_3006 = arith.addi %get3A_3003, %add3A_3005 : vector<16xi32>
      %swap3A_3007 = arith.constant 3 : i32
      %swap3A_3008 = arith.index_cast %swap3A_3007 : i32 to index
      %swap3A_3009 = arith.constant 32 : index
      %swap3A_3010 = tpu.vector_load %arg22[%swap3A_3008, %swap3A_3009] {strides = array<i32>} : memref<8x128xi32, #tpu.memory_space<vmem>>, vector<16xi32>,
      tpu.vector_store %arg22[%swap3A_3008, %swap3A_3009], %add3A_3006 {strides = array<i32>} : memref<8x128xi32, #tpu.memory_space<vmem>>, vector<16xi32>,
      %get3A_3011 = arith.constant 48 : index
      %get3A_3012 = tpu.vector_load %arg21[%get3A_3011] {strides = array<i32>} : memref<128xi32, #tpu.memory_space<vmem>>, vector<16xi32>,
      %add3A_3013 = arith.constant 3 : i32
      %add3A_3014 = vector.broadcast %add3A_3013 : i32 to vector<16xi32>
      %add3A_3015 = arith.addi %get3A_3012, %add3A_3014 : vector<16xi32>
      %swap3A_3016 = arith.constant 3 : i32
      %swap3A_3017 = arith.index_cast %swap3A_3016 : i32 to index
      %swap3A_3018 = arith.constant 48 : index
      %swap3A_3019 = tpu.vector_load %arg22[%swap3A_3017, %swap3A_3018] {strides = array<i32>} : memref<8x128xi32, #tpu.memory_space<vmem>>, vector<16xi32>,
      tpu.vector_store %arg22[%swap3A_3017, %swap3A_3018], %add3A_3015 {strides = array<i32>} : memref<8x128xi32, #tpu.memory_space<vmem>>, vector<16xi32>,
      %get3A_3020 = arith.constant 64 : index
      %get3A_3021 = tpu.vector_load %arg21[%get3A_3020] {strides = array<i32>} : memref<128xi32, #tpu.memory_space<vmem>>, vector<16xi32>,
      %add3A_3022 = arith.constant 3 : i32
      %add3A_3023 = vector.broadcast %add3A_3022 : i32 to vector<16xi32>
      %add3A_3024 = arith.addi %get3A_3021, %add3A_3023 : vector<16xi32>
      %swap3A_3025 = arith.constant 3 : i32
      %swap3A_3026 = arith.index_cast %swap3A_3025 : i32 to index
      %swap3A_3027 = arith.constant 64 : index
      %swap3A_3028 = tpu.vector_load %arg22[%swap3A_3026, %swap3A_3027] {strides = array<i32>} : memref<8x128xi32, #tpu.memory_space<vmem>>, vector<16xi32>,
      tpu.vector_store %arg22[%swap3A_3026, %swap3A_3027], %add3A_3024 {strides = array<i32>} : memref<8x128xi32, #tpu.memory_space<vmem>>, vector<16xi32>,
      %get3A_3029 = arith.constant 80 : index
      %get3A_3030 = tpu.vector_load %arg21[%get3A_3029] {strides = array<i32>} : memref<128xi32, #tpu.memory_space<vmem>>, vector<16xi32>,
      %add3A_3031 = arith.constant 3 : i32
      %add3A_3032 = vector.broadcast %add3A_3031 : i32 to vector<16xi32>
      %add3A_3033 = arith.addi %get3A_3030, %add3A_3032 : vector<16xi32>
      %swap3A_3034 = arith.constant 3 : i32
      %swap3A_3035 = arith.index_cast %swap3A_3034 : i32 to index
      %swap3A_3036 = arith.constant 80 : index
      %swap3A_3037 = tpu.vector_load %arg22[%swap3A_3035, %swap3A_3036] {strides = array<i32>} : memref<8x128xi32, #tpu.memory_space<vmem>>, vector<16xi32>,
      tpu.vector_store %arg22[%swap3A_3035, %swap3A_3036], %add3A_3033 {strides = array<i32>} : memref<8x128xi32, #tpu.memory_space<vmem>>, vector<16xi32>,
      %get3A_3038 = arith.constant 96 : index
      %get3A_3039 = tpu.vector_load %arg21[%get3A_3038] {strides = array<i32>} : memref<128xi32, #tpu.memory_space<vmem>>, vector<16xi32>,
      %add3A_3040 = arith.constant 3 : i32
      %add3A_3041 = vector.broadcast %add3A_3040 : i32 to vector<16xi32>
      %add3A_3042 = arith.addi %get3A_3039, %add3A_3041 : vector<16xi32>
      %swap3A_3043 = arith.constant 3 : i32
      %swap3A_3044 = arith.index_cast %swap3A_3043 : i32 to index
      %swap3A_3045 = arith.constant 96 : index
      %swap3A_3046 = tpu.vector_load %arg22[%swap3A_3044, %swap3A_3045] {strides = array<i32>} : memref<8x128xi32, #tpu.memory_space<vmem>>, vector<16xi32>,
      tpu.vector_store %arg22[%swap3A_3044, %swap3A_3045], %add3A_3042 {strides = array<i32>} : memref<8x128xi32, #tpu.memory_space<vmem>>, vector<16xi32>,
      %get3A_3047 = arith.constant 112 : index
      %get3A_3048 = tpu.vector_load %arg21[%get3A_3047] {strides = array<i32>} : memref<128xi32, #tpu.memory_space<vmem>>, vector<16xi32>,
      %add3A_3049 = arith.constant 3 : i32
      %add3A_3050 = vector.broadcast %add3A_3049 : i32 to vector<16xi32>
      %add3A_3051 = arith.addi %get3A_3048, %add3A_3050 : vector<16xi32>
      %swap3A_3052 = arith.constant 3 : i32
      %swap3A_3053 = arith.index_cast %swap3A_3052 : i32 to index
      %swap3A_3054 = arith.constant 112 : index
      %swap3A_3055 = tpu.vector_load %arg22[%swap3A_3053, %swap3A_3054] {strides = array<i32>} : memref<8x128xi32, #tpu.memory_space<vmem>>, vector<16xi32>,
      tpu.vector_store %arg22[%swap3A_3053, %swap3A_3054], %add3A_3051 {strides = array<i32>} : memref<8x128xi32, #tpu.memory_space<vmem>>, vector<16xi32>,
      %get3A_3056 = arith.constant 0 : index
      %get3A_3057 = tpu.vector_load %arg21[%get3A_3056] {strides = array<i32>} : memref<128xi32, #tpu.memory_space<vmem>>, vector<16xi32>,
      %add3A_3058 = arith.constant 4 : i32
      %add3A_3059 = vector.broadcast %add3A_3058 : i32 to vector<16xi32>
      %add3A_3060 = arith.addi %get3A_3057, %add3A_3059 : vector<16xi32>
      %swap3A_3061 = arith.constant 4 : i32
      %swap3A_3062 = arith.index_cast %swap3A_3061 : i32 to index
      %swap3A_3063 = arith.constant 0 : index
      %swap3A_3064 = tpu.vector_load %arg22[%swap3A_3062, %swap3A_3063] {strides = array<i32>} : memref<8x128xi32, #tpu.memory_space<vmem>>, vector<16xi32>,
      tpu.vector_store %arg22[%swap3A_3062, %swap3A_3063], %add3A_3060 {strides = array<i32>} : memref<8x128xi32, #tpu.memory_space<vmem>>, vector<16xi32>,
      %get3A_3065 = arith.constant 16 : index
      %get3A_3066 = tpu.vector_load %arg21[%get3A_3065] {strides = array<i32>} : memref<128xi32, #tpu.memory_space<vmem>>, vector<16xi32>,
      %add3A_3067 = arith.constant 4 : i32
      %add3A_3068 = vector.broadcast %add3A_3067 : i32 to vector<16xi32>
      %add3A_3069 = arith.addi %get3A_3066, %add3A_3068 : vector<16xi32>
      %swap3A_3070 = arith.constant 4 : i32
      %swap3A_3071 = arith.index_cast %swap3A_3070 : i32 to index
      %swap3A_3072 = arith.constant 16 : index
      %swap3A_3073 = tpu.vector_load %arg22[%swap3A_3071, %swap3A_3072] {strides = array<i32>} : memref<8x128xi32, #tpu.memory_space<vmem>>, vector<16xi32>,
      tpu.vector_store %arg22[%swap3A_3071, %swap3A_3072], %add3A_3069 {strides = array<i32>} : memref<8x128xi32, #tpu.memory_space<vmem>>, vector<16xi32>,
      %get3A_3074 = arith.constant 32 : index
      %get3A_3075 = tpu.vector_load %arg21[%get3A_3074] {strides = array<i32>} : memref<128xi32, #tpu.memory_space<vmem>>, vector<16xi32>,
      %add3A_3076 = arith.constant 4 : i32
      %add3A_3077 = vector.broadcast %add3A_3076 : i32 to vector<16xi32>
      %add3A_3078 = arith.addi %get3A_3075, %add3A_3077 : vector<16xi32>
      %swap3A_3079 = arith.constant 4 : i32
      %swap3A_3080 = arith.index_cast %swap3A_3079 : i32 to index
      %swap3A_3081 = arith.constant 32 : index
      %swap3A_3082 = tpu.vector_load %arg22[%swap3A_3080, %swap3A_3081] {strides = array<i32>} : memref<8x128xi32, #tpu.memory_space<vmem>>, vector<16xi32>,
      tpu.vector_store %arg22[%swap3A_3080, %swap3A_3081], %add3A_3078 {strides = array<i32>} : memref<8x128xi32, #tpu.memory_space<vmem>>, vector<16xi32>,
      %get3A_3083 = arith.constant 48 : index
      %get3A_3084 = tpu.vector_load %arg21[%get3A_3083] {strides = array<i32>} : memref<128xi32, #tpu.memory_space<vmem>>, vector<16xi32>,
      %add3A_3085 = arith.constant 4 : i32
      %add3A_3086 = vector.broadcast %add3A_3085 : i32 to vector<16xi32>
      %add3A_3087 = arith.addi %get3A_3084, %add3A_3086 : vector<16xi32>
      %swap3A_3088 = arith.constant 4 : i32
      %swap3A_3089 = arith.index_cast %swap3A_3088 : i32 to index
      %swap3A_3090 = arith.constant 48 : index
      %swap3A_3091 = tpu.vector_load %arg22[%swap3A_3089, %swap3A_3090] {strides = array<i32>} : memref<8x128xi32, #tpu.memory_space<vmem>>, vector<16xi32>,
      tpu.vector_store %arg22[%swap3A_3089, %swap3A_3090], %add3A_3087 {strides = array<i32>} : memref<8x128xi32, #tpu.memory_space<vmem>>, vector<16xi32>,
      %get3A_3092 = arith.constant 64 : index
      %get3A_3093 = tpu.vector_load %arg21[%get3A_3092] {strides = array<i32>} : memref<128xi32, #tpu.memory_space<vmem>>, vector<16xi32>,
      %add3A_3094 = arith.constant 4 : i32
      %add3A_3095 = vector.broadcast %add3A_3094 : i32 to vector<16xi32>
      %add3A_3096 = arith.addi %get3A_3093, %add3A_3095 : vector<16xi32>
      %swap3A_3097 = arith.constant 4 : i32
      %swap3A_3098 = arith.index_cast %swap3A_3097 : i32 to index
      %swap3A_3099 = arith.constant 64 : index
      %swap3A_3100 = tpu.vector_load %arg22[%swap3A_3098, %swap3A_3099] {strides = array<i32>} : memref<8x128xi32, #tpu.memory_space<vmem>>, vector<16xi32>,
      tpu.vector_store %arg22[%swap3A_3098, %swap3A_3099], %add3A_3096 {strides = array<i32>} : memref<8x128xi32, #tpu.memory_space<vmem>>, vector<16xi32>,
      %get3A_3101 = arith.constant 80 : index
      %get3A_3102 = tpu.vector_load %arg21[%get3A_3101] {strides = array<i32>} : memref<128xi32, #tpu.memory_space<vmem>>, vector<16xi32>,
      %add3A_3103 = arith.constant 4 : i32
      %add3A_3104 = vector.broadcast %add3A_3103 : i32 to vector<16xi32>
      %add3A_3105 = arith.addi %get3A_3102, %add3A_3104 : vector<16xi32>
      %swap3A_3106 = arith.constant 4 : i32
      %swap3A_3107 = arith.index_cast %swap3A_3106 : i32 to index
      %swap3A_3108 = arith.constant 80 : index
      %swap3A_3109 = tpu.vector_load %arg22[%swap3A_3107, %swap3A_3108] {strides = array<i32>} : memref<8x128xi32, #tpu.memory_space<vmem>>, vector<16xi32>,
      tpu.vector_store %arg22[%swap3A_3107, %swap3A_3108], %add3A_3105 {strides = array<i32>} : memref<8x128xi32, #tpu.memory_space<vmem>>, vector<16xi32>,
      %get3A_3110 = arith.constant 96 : index
      %get3A_3111 = tpu.vector_load %arg21[%get3A_3110] {strides = array<i32>} : memref<128xi32, #tpu.memory_space<vmem>>, vector<16xi32>,
      %add3A_3112 = arith.constant 4 : i32
      %add3A_3113 = vector.broadcast %add3A_3112 : i32 to vector<16xi32>
      %add3A_3114 = arith.addi %get3A_3111, %add3A_3113 : vector<16xi32>
      %swap3A_3115 = arith.constant 4 : i32
      %swap3A_3116 = arith.index_cast %swap3A_3115 : i32 to index
      %swap3A_3117 = arith.constant 96 : index
      %swap3A_3118 = tpu.vector_load %arg22[%swap3A_3116, %swap3A_3117] {strides = array<i32>} : memref<8x128xi32, #tpu.memory_space<vmem>>, vector<16xi32>,
      tpu.vector_store %arg22[%swap3A_3116, %swap3A_3117], %add3A_3114 {strides = array<i32>} : memref<8x128xi32, #tpu.memory_space<vmem>>, vector<16xi32>,
      %get3A_3119 = arith.constant 112 : index
      %get3A_3120 = tpu.vector_load %arg21[%get3A_3119] {strides = array<i32>} : memref<128xi32, #tpu.memory_space<vmem>>, vector<16xi32>,
      %add3A_3121 = arith.constant 4 : i32
      %add3A_3122 = vector.broadcast %add3A_3121 : i32 to vector<16xi32>
      %add3A_3123 = arith.addi %get3A_3120, %add3A_3122 : vector<16xi32>
      %swap3A_3124 = arith.constant 4 : i32
      %swap3A_3125 = arith.index_cast %swap3A_3124 : i32 to index
      %swap3A_3126 = arith.constant 112 : index
      %swap3A_3127 = tpu.vector_load %arg22[%swap3A_3125, %swap3A_3126] {strides = array<i32>} : memref<8x128xi32, #tpu.memory_space<vmem>>, vector<16xi32>,
      tpu.vector_store %arg22[%swap3A_3125, %swap3A_3126], %add3A_3123 {strides = array<i32>} : memref<8x128xi32, #tpu.memory_space<vmem>>, vector<16xi32>,
      %get3A_3128 = arith.constant 0 : index
      %get3A_3129 = tpu.vector_load %arg21[%get3A_3128] {strides = array<i32>} : memref<128xi32, #tpu.memory_space<vmem>>, vector<16xi32>,
      %add3A_3130 = arith.constant 5 : i32
      %add3A_3131 = vector.broadcast %add3A_3130 : i32 to vector<16xi32>
      %add3A_3132 = arith.addi %get3A_3129, %add3A_3131 : vector<16xi32>
      %swap3A_3133 = arith.constant 5 : i32
      %swap3A_3134 = arith.index_cast %swap3A_3133 : i32 to index
      %swap3A_3135 = arith.constant 0 : index
      %swap3A_3136 = tpu.vector_load %arg22[%swap3A_3134, %swap3A_3135] {strides = array<i32>} : memref<8x128xi32, #tpu.memory_space<vmem>>, vector<16xi32>,
      tpu.vector_store %arg22[%swap3A_3134, %swap3A_3135], %add3A_3132 {strides = array<i32>} : memref<8x128xi32, #tpu.memory_space<vmem>>, vector<16xi32>,
      %get3A_3137 = arith.constant 16 : index
      %get3A_3138 = tpu.vector_load %arg21[%get3A_3137] {strides = array<i32>} : memref<128xi32, #tpu.memory_space<vmem>>, vector<16xi32>,
      %add3A_3139 = arith.constant 5 : i32
      %add3A_3140 = vector.broadcast %add3A_3139 : i32 to vector<16xi32>
      %add3A_3141 = arith.addi %get3A_3138, %add3A_3140 : vector<16xi32>
      %swap3A_3142 = arith.constant 5 : i32
      %swap3A_3143 = arith.index_cast %swap3A_3142 : i32 to index
      %swap3A_3144 = arith.constant 16 : index
      %swap3A_3145 = tpu.vector_load %arg22[%swap3A_3143, %swap3A_3144] {strides = array<i32>} : memref<8x128xi32, #tpu.memory_space<vmem>>, vector<16xi32>,
      tpu.vector_store %arg22[%swap3A_3143, %swap3A_3144], %add3A_3141 {strides = array<i32>} : memref<8x128xi32, #tpu.memory_space<vmem>>, vector<16xi32>,
      %get3A_3146 = arith.constant 32 : index
      %get3A_3147 = tpu.vector_load %arg21[%get3A_3146] {strides = array<i32>} : memref<128xi32, #tpu.memory_space<vmem>>, vector<16xi32>,
      %add3A_3148 = arith.constant 5 : i32
      %add3A_3149 = vector.broadcast %add3A_3148 : i32 to vector<16xi32>
      %add3A_3150 = arith.addi %get3A_3147, %add3A_3149 : vector<16xi32>
      %swap3A_3151 = arith.constant 5 : i32
      %swap3A_3152 = arith.index_cast %swap3A_3151 : i32 to index
      %swap3A_3153 = arith.constant 32 : index
      %swap3A_3154 = tpu.vector_load %arg22[%swap3A_3152, %swap3A_3153] {strides = array<i32>} : memref<8x128xi32, #tpu.memory_space<vmem>>, vector<16xi32>,
      tpu.vector_store %arg22[%swap3A_3152, %swap3A_3153], %add3A_3150 {strides = array<i32>} : memref<8x128xi32, #tpu.memory_space<vmem>>, vector<16xi32>,
      %get3A_3155 = arith.constant 48 : index
      %get3A_3156 = tpu.vector_load %arg21[%get3A_3155] {strides = array<i32>} : memref<128xi32, #tpu.memory_space<vmem>>, vector<16xi32>,
      %add3A_3157 = arith.constant 5 : i32
      %add3A_3158 = vector.broadcast %add3A_3157 : i32 to vector<16xi32>
      %add3A_3159 = arith.addi %get3A_3156, %add3A_3158 : vector<16xi32>
      %swap3A_3160 = arith.constant 5 : i32
      %swap3A_3161 = arith.index_cast %swap3A_3160 : i32 to index
      %swap3A_3162 = arith.constant 48 : index
      %swap3A_3163 = tpu.vector_load %arg22[%swap3A_3161, %swap3A_3162] {strides = array<i32>} : memref<8x128xi32, #tpu.memory_space<vmem>>, vector<16xi32>,
      tpu.vector_store %arg22[%swap3A_3161, %swap3A_3162], %add3A_3159 {strides = array<i32>} : memref<8x128xi32, #tpu.memory_space<vmem>>, vector<16xi32>,
      %get3A_3164 = arith.constant 64 : index
      %get3A_3165 = tpu.vector_load %arg21[%get3A_3164] {strides = array<i32>} : memref<128xi32, #tpu.memory_space<vmem>>, vector<16xi32>,
      %add3A_3166 = arith.constant 5 : i32
      %add3A_3167 = vector.broadcast %add3A_3166 : i32 to vector<16xi32>
      %add3A_3168 = arith.addi %get3A_3165, %add3A_3167 : vector<16xi32>
      %swap3A_3169 = arith.constant 5 : i32
      %swap3A_3170 = arith.index_cast %swap3A_3169 : i32 to index
      %swap3A_3171 = arith.constant 64 : index
      %swap3A_3172 = tpu.vector_load %arg22[%swap3A_3170, %swap3A_3171] {strides = array<i32>} : memref<8x128xi32, #tpu.memory_space<vmem>>, vector<16xi32>,
      tpu.vector_store %arg22[%swap3A_3170, %swap3A_3171], %add3A_3168 {strides = array<i32>} : memref<8x128xi32, #tpu.memory_space<vmem>>, vector<16xi32>,
      %get3A_3173 = arith.constant 80 : index
      %get3A_3174 = tpu.vector_load %arg21[%get3A_3173] {strides = array<i32>} : memref<128xi32, #tpu.memory_space<vmem>>, vector<16xi32>,
      %add3A_3175 = arith.constant 5 : i32
      %add3A_3176 = vector.broadcast %add3A_3175 : i32 to vector<16xi32>
      %add3A_3177 = arith.addi %get3A_3174, %add3A_3176 : vector<16xi32>
      %swap3A_3178 = arith.constant 5 : i32
      %swap3A_3179 = arith.index_cast %swap3A_3178 : i32 to index
      %swap3A_3180 = arith.constant 80 : index
      %swap3A_3181 = tpu.vector_load %arg22[%swap3A_3179, %swap3A_3180] {strides = array<i32>} : memref<8x128xi32, #tpu.memory_space<vmem>>, vector<16xi32>,
      tpu.vector_store %arg22[%swap3A_3179, %swap3A_3180], %add3A_3177 {strides = array<i32>} : memref<8x128xi32, #tpu.memory_space<vmem>>, vector<16xi32>,
      %get3A_3182 = arith.constant 96 : index
      %get3A_3183 = tpu.vector_load %arg21[%get3A_3182] {strides = array<i32>} : memref<128xi32, #tpu.memory_space<vmem>>, vector<16xi32>,
      %add3A_3184 = arith.constant 5 : i32
      %add3A_3185 = vector.broadcast %add3A_3184 : i32 to vector<16xi32>
      %add3A_3186 = arith.addi %get3A_3183, %add3A_3185 : vector<16xi32>
      %swap3A_3187 = arith.constant 5 : i32
      %swap3A_3188 = arith.index_cast %swap3A_3187 : i32 to index
      %swap3A_3189 = arith.constant 96 : index
      %swap3A_3190 = tpu.vector_load %arg22[%swap3A_3188, %swap3A_3189] {strides = array<i32>} : memref<8x128xi32, #tpu.memory_space<vmem>>, vector<16xi32>,
      tpu.vector_store %arg22[%swap3A_3188, %swap3A_3189], %add3A_3186 {strides = array<i32>} : memref<8x128xi32, #tpu.memory_space<vmem>>, vector<16xi32>,
      %get3A_3191 = arith.constant 112 : index
      %get3A_3192 = tpu.vector_load %arg21[%get3A_3191] {strides = array<i32>} : memref<128xi32, #tpu.memory_space<vmem>>, vector<16xi32>,
      %add3A_3193 = arith.constant 5 : i32
      %add3A_3194 = vector.broadcast %add3A_3193 : i32 to vector<16xi32>
      %add3A_3195 = arith.addi %get3A_3192, %add3A_3194 : vector<16xi32>
      %swap3A_3196 = arith.constant 5 : i32
      %swap3A_3197 = arith.index_cast %swap3A_3196 : i32 to index
      %swap3A_3198 = arith.constant 112 : index
      %swap3A_3199 = tpu.vector_load %arg22[%swap3A_3197, %swap3A_3198] {strides = array<i32>} : memref<8x128xi32, #tpu.memory_space<vmem>>, vector<16xi32>,
      tpu.vector_store %arg22[%swap3A_3197, %swap3A_3198], %add3A_3195 {strides = array<i32>} : memref<8x128xi32, #tpu.memory_space<vmem>>, vector<16xi32>,
      %get3A_3200 = arith.constant 0 : index
      %get3A_3201 = tpu.vector_load %arg21[%get3A_3200] {strides = array<i32>} : memref<128xi32, #tpu.memory_space<vmem>>, vector<16xi32>,
      %add3A_3202 = arith.constant 6 : i32
      %add3A_3203 = vector.broadcast %add3A_3202 : i32 to vector<16xi32>
      %add3A_3204 = arith.addi %get3A_3201, %add3A_3203 : vector<16xi32>
      %swap3A_3205 = arith.constant 6 : i32
      %swap3A_3206 = arith.index_cast %swap3A_3205 : i32 to index
      %swap3A_3207 = arith.constant 0 : index
      %swap3A_3208 = tpu.vector_load %arg22[%swap3A_3206, %swap3A_3207] {strides = array<i32>} : memref<8x128xi32, #tpu.memory_space<vmem>>, vector<16xi32>,
      tpu.vector_store %arg22[%swap3A_3206, %swap3A_3207], %add3A_3204 {strides = array<i32>} : memref<8x128xi32, #tpu.memory_space<vmem>>, vector<16xi32>,
      %get3A_3209 = arith.constant 16 : index
      %get3A_3210 = tpu.vector_load %arg21[%get3A_3209] {strides = array<i32>} : memref<128xi32, #tpu.memory_space<vmem>>, vector<16xi32>,
      %add3A_3211 = arith.constant 6 : i32
      %add3A_3212 = vector.broadcast %add3A_3211 : i32 to vector<16xi32>
      %add3A_3213 = arith.addi %get3A_3210, %add3A_3212 : vector<16xi32>
      %swap3A_3214 = arith.constant 6 : i32
      %swap3A_3215 = arith.index_cast %swap3A_3214 : i32 to index
      %swap3A_3216 = arith.constant 16 : index
      %swap3A_3217 = tpu.vector_load %arg22[%swap3A_3215, %swap3A_3216] {strides = array<i32>} : memref<8x128xi32, #tpu.memory_space<vmem>>, vector<16xi32>,
      tpu.vector_store %arg22[%swap3A_3215, %swap3A_3216], %add3A_3213 {strides = array<i32>} : memref<8x128xi32, #tpu.memory_space<vmem>>, vector<16xi32>,
      %get3A_3218 = arith.constant 32 : index
      %get3A_3219 = tpu.vector_load %arg21[%get3A_3218] {strides = array<i32>} : memref<128xi32, #tpu.memory_space<vmem>>, vector<16xi32>,
      %add3A_3220 = arith.constant 6 : i32
      %add3A_3221 = vector.broadcast %add3A_3220 : i32 to vector<16xi32>
      %add3A_3222 = arith.addi %get3A_3219, %add3A_3221 : vector<16xi32>
      %swap3A_3223 = arith.constant 6 : i32
      %swap3A_3224 = arith.index_cast %swap3A_3223 : i32 to index
      %swap3A_3225 = arith.constant 32 : index
      %swap3A_3226 = tpu.vector_load %arg22[%swap3A_3224, %swap3A_3225] {strides = array<i32>} : memref<8x128xi32, #tpu.memory_space<vmem>>, vector<16xi32>,
      tpu.vector_store %arg22[%swap3A_3224, %swap3A_3225], %add3A_3222 {strides = array<i32>} : memref<8x128xi32, #tpu.memory_space<vmem>>, vector<16xi32>,
      %get3A_3227 = arith.constant 48 : index
      %get3A_3228 = tpu.vector_load %arg21[%get3A_3227] {strides = array<i32>} : memref<128xi32, #tpu.memory_space<vmem>>, vector<16xi32>,
      %add3A_3229 = arith.constant 6 : i32
      %add3A_3230 = vector.broadcast %add3A_3229 : i32 to vector<16xi32>
      %add3A_3231 = arith.addi %get3A_3228, %add3A_3230 : vector<16xi32>
      %swap3A_3232 = arith.constant 6 : i32
      %swap3A_3233 = arith.index_cast %swap3A_3232 : i32 to index
      %swap3A_3234 = arith.constant 48 : index
      %swap3A_3235 = tpu.vector_load %arg22[%swap3A_3233, %swap3A_3234] {strides = array<i32>} : memref<8x128xi32, #tpu.memory_space<vmem>>, vector<16xi32>,
      tpu.vector_store %arg22[%swap3A_3233, %swap3A_3234], %add3A_3231 {strides = array<i32>} : memref<8x128xi32, #tpu.memory_space<vmem>>, vector<16xi32>,
      %get3A_3236 = arith.constant 64 : index
      %get3A_3237 = tpu.vector_load %arg21[%get3A_3236] {strides = array<i32>} : memref<128xi32, #tpu.memory_space<vmem>>, vector<16xi32>,
      %add3A_3238 = arith.constant 6 : i32
      %add3A_3239 = vector.broadcast %add3A_3238 : i32 to vector<16xi32>
      %add3A_3240 = arith.addi %get3A_3237, %add3A_3239 : vector<16xi32>
      %swap3A_3241 = arith.constant 6 : i32
      %swap3A_3242 = arith.index_cast %swap3A_3241 : i32 to index
      %swap3A_3243 = arith.constant 64 : index
      %swap3A_3244 = tpu.vector_load %arg22[%swap3A_3242, %swap3A_3243] {strides = array<i32>} : memref<8x128xi32, #tpu.memory_space<vmem>>, vector<16xi32>,
      tpu.vector_store %arg22[%swap3A_3242, %swap3A_3243], %add3A_3240 {strides = array<i32>} : memref<8x128xi32, #tpu.memory_space<vmem>>, vector<16xi32>,
      %get3A_3245 = arith.constant 80 : index
      %get3A_3246 = tpu.vector_load %arg21[%get3A_3245] {strides = array<i32>} : memref<128xi32, #tpu.memory_space<vmem>>, vector<16xi32>,
      %add3A_3247 = arith.constant 6 : i32
      %add3A_3248 = vector.broadcast %add3A_3247 : i32 to vector<16xi32>
      %add3A_3249 = arith.addi %get3A_3246, %add3A_3248 : vector<16xi32>
      %swap3A_3250 = arith.constant 6 : i32
      %swap3A_3251 = arith.index_cast %swap3A_3250 : i32 to index
      %swap3A_3252 = arith.constant 80 : index
      %swap3A_3253 = tpu.vector_load %arg22[%swap3A_3251, %swap3A_3252] {strides = array<i32>} : memref<8x128xi32, #tpu.memory_space<vmem>>, vector<16xi32>,
      tpu.vector_store %arg22[%swap3A_3251, %swap3A_3252], %add3A_3249 {strides = array<i32>} : memref<8x128xi32, #tpu.memory_space<vmem>>, vector<16xi32>,
      %get3A_3254 = arith.constant 96 : index
      %get3A_3255 = tpu.vector_load %arg21[%get3A_3254] {strides = array<i32>} : memref<128xi32, #tpu.memory_space<vmem>>, vector<16xi32>,
      %add3A_3256 = arith.constant 6 : i32
      %add3A_3257 = vector.broadcast %add3A_3256 : i32 to vector<16xi32>
      %add3A_3258 = arith.addi %get3A_3255, %add3A_3257 : vector<16xi32>
      %swap3A_3259 = arith.constant 6 : i32
      %swap3A_3260 = arith.index_cast %swap3A_3259 : i32 to index
      %swap3A_3261 = arith.constant 96 : index
      %swap3A_3262 = tpu.vector_load %arg22[%swap3A_3260, %swap3A_3261] {strides = array<i32>} : memref<8x128xi32, #tpu.memory_space<vmem>>, vector<16xi32>,
      tpu.vector_store %arg22[%swap3A_3260, %swap3A_3261], %add3A_3258 {strides = array<i32>} : memref<8x128xi32, #tpu.memory_space<vmem>>, vector<16xi32>,
      %get3A_3263 = arith.constant 112 : index
      %get3A_3264 = tpu.vector_load %arg21[%get3A_3263] {strides = array<i32>} : memref<128xi32, #tpu.memory_space<vmem>>, vector<16xi32>,
      %add3A_3265 = arith.constant 6 : i32
      %add3A_3266 = vector.broadcast %add3A_3265 : i32 to vector<16xi32>
      %add3A_3267 = arith.addi %get3A_3264, %add3A_3266 : vector<16xi32>
      %swap3A_3268 = arith.constant 6 : i32
      %swap3A_3269 = arith.index_cast %swap3A_3268 : i32 to index
      %swap3A_3270 = arith.constant 112 : index
      %swap3A_3271 = tpu.vector_load %arg22[%swap3A_3269, %swap3A_3270] {strides = array<i32>} : memref<8x128xi32, #tpu.memory_space<vmem>>, vector<16xi32>,
      tpu.vector_store %arg22[%swap3A_3269, %swap3A_3270], %add3A_3267 {strides = array<i32>} : memref<8x128xi32, #tpu.memory_space<vmem>>, vector<16xi32>,
      %get3A_3272 = arith.constant 0 : index
      %get3A_3273 = tpu.vector_load %arg21[%get3A_3272] {strides = array<i32>} : memref<128xi32, #tpu.memory_space<vmem>>, vector<16xi32>,
      %add3A_3274 = arith.constant 7 : i32
      %add3A_3275 = vector.broadcast %add3A_3274 : i32 to vector<16xi32>
      %add3A_3276 = arith.addi %get3A_3273, %add3A_3275 : vector<16xi32>
      %swap3A_3277 = arith.constant 7 : i32
      %swap3A_3278 = arith.index_cast %swap3A_3277 : i32 to index
      %swap3A_3279 = arith.constant 0 : index
      %swap3A_3280 = tpu.vector_load %arg22[%swap3A_3278, %swap3A_3279] {strides = array<i32>} : memref<8x128xi32, #tpu.memory_space<vmem>>, vector<16xi32>,
      tpu.vector_store %arg22[%swap3A_3278, %swap3A_3279], %add3A_3276 {strides = array<i32>} : memref<8x128xi32, #tpu.memory_space<vmem>>, vector<16xi32>,
      %get3A_3281 = arith.constant 16 : index
      %get3A_3282 = tpu.vector_load %arg21[%get3A_3281] {strides = array<i32>} : memref<128xi32, #tpu.memory_space<vmem>>, vector<16xi32>,
      %add3A_3283 = arith.constant 7 : i32
      %add3A_3284 = vector.broadcast %add3A_3283 : i32 to vector<16xi32>
      %add3A_3285 = arith.addi %get3A_3282, %add3A_3284 : vector<16xi32>
      %swap3A_3286 = arith.constant 7 : i32
      %swap3A_3287 = arith.index_cast %swap3A_3286 : i32 to index
      %swap3A_3288 = arith.constant 16 : index
      %swap3A_3289 = tpu.vector_load %arg22[%swap3A_3287, %swap3A_3288] {strides = array<i32>} : memref<8x128xi32, #tpu.memory_space<vmem>>, vector<16xi32>,
      tpu.vector_store %arg22[%swap3A_3287, %swap3A_3288], %add3A_3285 {strides = array<i32>} : memref<8x128xi32, #tpu.memory_space<vmem>>, vector<16xi32>,
      %get3A_3290 = arith.constant 32 : index
      %get3A_3291 = tpu.vector_load %arg21[%get3A_3290] {strides = array<i32>} : memref<128xi32, #tpu.memory_space<vmem>>, vector<16xi32>,
      %add3A_3292 = arith.constant 7 : i32
      %add3A_3293 = vector.broadcast %add3A_3292 : i32 to vector<16xi32>
      %add3A_3294 = arith.addi %get3A_3291, %add3A_3293 : vector<16xi32>
      %swap3A_3295 = arith.constant 7 : i32
      %swap3A_3296 = arith.index_cast %swap3A_3295 : i32 to index
      %swap3A_3297 = arith.constant 32 : index
      %swap3A_3298 = tpu.vector_load %arg22[%swap3A_3296, %swap3A_3297] {strides = array<i32>} : memref<8x128xi32, #tpu.memory_space<vmem>>, vector<16xi32>,
      tpu.vector_store %arg22[%swap3A_3296, %swap3A_3297], %add3A_3294 {strides = array<i32>} : memref<8x128xi32, #tpu.memory_space<vmem>>, vector<16xi32>,
      %get3A_3299 = arith.constant 48 : index
      %get3A_3300 = tpu.vector_load %arg21[%get3A_3299] {strides = array<i32>} : memref<128xi32, #tpu.memory_space<vmem>>, vector<16xi32>,
      %add3A_3301 = arith.constant 7 : i32
      %add3A_3302 = vector.broadcast %add3A_3301 : i32 to vector<16xi32>
      %add3A_3303 = arith.addi %get3A_3300, %add3A_3302 : vector<16xi32>
      %swap3A_3304 = arith.constant 7 : i32
      %swap3A_3305 = arith.index_cast %swap3A_3304 : i32 to index
      %swap3A_3306 = arith.constant 48 : index
      %swap3A_3307 = tpu.vector_load %arg22[%swap3A_3305, %swap3A_3306] {strides = array<i32>} : memref<8x128xi32, #tpu.memory_space<vmem>>, vector<16xi32>,
      tpu.vector_store %arg22[%swap3A_3305, %swap3A_3306], %add3A_3303 {strides = array<i32>} : memref<8x128xi32, #tpu.memory_space<vmem>>, vector<16xi32>,
      %get3A_3308 = arith.constant 64 : index
      %get3A_3309 = tpu.vector_load %arg21[%get3A_3308] {strides = array<i32>} : memref<128xi32, #tpu.memory_space<vmem>>, vector<16xi32>,
      %add3A_3310 = arith.constant 7 : i32
      %add3A_3311 = vector.broadcast %add3A_3310 : i32 to vector<16xi32>
      %add3A_3312 = arith.addi %get3A_3309, %add3A_3311 : vector<16xi32>
      %swap3A_3313 = arith.constant 7 : i32
      %swap3A_3314 = arith.index_cast %swap3A_3313 : i32 to index
      %swap3A_3315 = arith.constant 64 : index
      %swap3A_3316 = tpu.vector_load %arg22[%swap3A_3314, %swap3A_3315] {strides = array<i32>} : memref<8x128xi32, #tpu.memory_space<vmem>>, vector<16xi32>,
      tpu.vector_store %arg22[%swap3A_3314, %swap3A_3315], %add3A_3312 {strides = array<i32>} : memref<8x128xi32, #tpu.memory_space<vmem>>, vector<16xi32>,
      %get3A_3317 = arith.constant 80 : index
      %get3A_3318 = tpu.vector_load %arg21[%get3A_3317] {strides = array<i32>} : memref<128xi32, #tpu.memory_space<vmem>>, vector<16xi32>,
      %add3A_3319 = arith.constant 7 : i32
      %add3A_3320 = vector.broadcast %add3A_3319 : i32 to vector<16xi32>
      %add3A_3321 = arith.addi %get3A_3318, %add3A_3320 : vector<16xi32>
      %swap3A_3322 = arith.constant 7 : i32
      %swap3A_3323 = arith.index_cast %swap3A_3322 : i32 to index
      %swap3A_3324 = arith.constant 80 : index
      %swap3A_3325 = tpu.vector_load %arg22[%swap3A_3323, %swap3A_3324] {strides = array<i32>} : memref<8x128xi32, #tpu.memory_space<vmem>>, vector<16xi32>,
      tpu.vector_store %arg22[%swap3A_3323, %swap3A_3324], %add3A_3321 {strides = array<i32>} : memref<8x128xi32, #tpu.memory_space<vmem>>, vector<16xi32>,
      %get3A_3326 = arith.constant 96 : index
      %get3A_3327 = tpu.vector_load %arg21[%get3A_3326] {strides = array<i32>} : memref<128xi32, #tpu.memory_space<vmem>>, vector<16xi32>,
      %add3A_3328 = arith.constant 7 : i32
      %add3A_3329 = vector.broadcast %add3A_3328 : i32 to vector<16xi32>
      %add3A_3330 = arith.addi %get3A_3327, %add3A_3329 : vector<16xi32>
      %swap3A_3331 = arith.constant 7 : i32
      %swap3A_3332 = arith.index_cast %swap3A_3331 : i32 to index
      %swap3A_3333 = arith.constant 96 : index
      %swap3A_3334 = tpu.vector_load %arg22[%swap3A_3332, %swap3A_3333] {strides = array<i32>} : memref<8x128xi32, #tpu.memory_space<vmem>>, vector<16xi32>,
      tpu.vector_store %arg22[%swap3A_3332, %swap3A_3333], %add3A_3330 {strides = array<i32>} : memref<8x128xi32, #tpu.memory_space<vmem>>, vector<16xi32>,
      %get3A_3335 = arith.constant 112 : index
      %get3A_3336 = tpu.vector_load %arg21[%get3A_3335] {strides = array<i32>} : memref<128xi32, #tpu.memory_space<vmem>>, vector<16xi32>,
      %add3A_3337 = arith.constant 7 : i32
      %add3A_3338 = vector.broadcast %add3A_3337 : i32 to vector<16xi32>
      %add3A_3339 = arith.addi %get3A_3336, %add3A_3338 : vector<16xi32>
      %swap3A_3340 = arith.constant 7 : i32
      %swap3A_3341 = arith.index_cast %swap3A_3340 : i32 to index
      %swap3A_3342 = arith.constant 112 : index
      %swap3A_3343 = tpu.vector_load %arg22[%swap3A_3341, %swap3A_3342] {strides = array<i32>} : memref<8x128xi32, #tpu.memory_space<vmem>>, vector<16xi32>,
      tpu.vector_store %arg22[%swap3A_3341, %swap3A_3342], %add3A_3339 {strides = array<i32>} : memref<8x128xi32, #tpu.memory_space<vmem>>, vector<16xi32>,
      %dma_start3A = arith.constant 0 : i32
      %dma_start3A_3344 = arith.constant 0 : i32
      %dma_start3A_3345 = arith.constant 0 : i32
      %dma_start3A_3346 = tpu.memref_slice %arg23[%dma_start3A_3344, %dma_start3A_3345] : memref<8x128xf32, #tpu.memory_space<vmem>> -> memref<1x128xf32, #tpu.memory_space<vmem>>
      %dma_start3A_3347 = tpu.memref_squeeze %dma_start3A_3346 : memref<1x128xf32, #tpu.memory_space<vmem>> -> memref<128xf32, #tpu.memory_space<vmem>>
      %dma_start3A_3348 = arith.constant 0 : i32
      %dma_start3A_3349 = tpu.memref_slice %arg22[%dma_start3A, %dma_start3A_3348] : memref<8x128xi32, #tpu.memory_space<vmem>> -> memref<1x128xi32, #tpu.memory_space<vmem>>
      %dma_start3A_3350 = tpu.memref_squeeze %dma_start3A_3349 : memref<1x128xi32, #tpu.memory_space<vmem>> -> memref<128xi32, #tpu.memory_space<vmem>>
      %dma_start3A_3351 = arith.constant 0 : i32
      %dma_start3A_3352 = tpu.memref_slice %arg4[%dma_start3A_3351] : memref<160000xf32, #tpu.memory_space<hbm>> -> memref<160000xf32, #tpu.memory_space<hbm>>
      tpu.enqueue_indirect_dma source(%dma_start3A_3352 : memref<160000xf32, #tpu.memory_space<hbm>>) target(%dma_start3A_3347 : memref<128xf32, #tpu.memory_space<vmem>>) offsets(%dma_start3A_3350 : memref<128xi32, #tpu.memory_space<vmem>>) semaphore(%arg30 : memref<!tpu.dma_semaphore, #tpu.memory_space<semaphore_mem>>)
      %dma_start3A_3353 = arith.constant 1 : i32
      %dma_start3A_3354 = arith.constant 1 : i32
      %dma_start3A_3355 = arith.constant 0 : i32
      %dma_start3A_3356 = tpu.memref_slice %arg23[%dma_start3A_3354, %dma_start3A_3355] : memref<8x128xf32, #tpu.memory_space<vmem>> -> memref<1x128xf32, #tpu.memory_space<vmem>>
      %dma_start3A_3357 = tpu.memref_squeeze %dma_start3A_3356 : memref<1x128xf32, #tpu.memory_space<vmem>> -> memref<128xf32, #tpu.memory_space<vmem>>
      %dma_start3A_3358 = arith.constant 0 : i32
      %dma_start3A_3359 = tpu.memref_slice %arg22[%dma_start3A_3353, %dma_start3A_3358] : memref<8x128xi32, #tpu.memory_space<vmem>> -> memref<1x128xi32, #tpu.memory_space<vmem>>
      %dma_start3A_3360 = tpu.memref_squeeze %dma_start3A_3359 : memref<1x128xi32, #tpu.memory_space<vmem>> -> memref<128xi32, #tpu.memory_space<vmem>>
      %dma_start3A_3361 = arith.constant 0 : i32
      %dma_start3A_3362 = tpu.memref_slice %arg4[%dma_start3A_3361] : memref<160000xf32, #tpu.memory_space<hbm>> -> memref<160000xf32, #tpu.memory_space<hbm>>
      tpu.enqueue_indirect_dma source(%dma_start3A_3362 : memref<160000xf32, #tpu.memory_space<hbm>>) target(%dma_start3A_3357 : memref<128xf32, #tpu.memory_space<vmem>>) offsets(%dma_start3A_3360 : memref<128xi32, #tpu.memory_space<vmem>>) semaphore(%arg30 : memref<!tpu.dma_semaphore, #tpu.memory_space<semaphore_mem>>)
      %dma_start3A_3363 = arith.constant 2 : i32
      %dma_start3A_3364 = arith.constant 2 : i32
      %dma_start3A_3365 = arith.constant 0 : i32
      %dma_start3A_3366 = tpu.memref_slice %arg23[%dma_start3A_3364, %dma_start3A_3365] : memref<8x128xf32, #tpu.memory_space<vmem>> -> memref<1x128xf32, #tpu.memory_space<vmem>>
      %dma_start3A_3367 = tpu.memref_squeeze %dma_start3A_3366 : memref<1x128xf32, #tpu.memory_space<vmem>> -> memref<128xf32, #tpu.memory_space<vmem>>
      %dma_start3A_3368 = arith.constant 0 : i32
      %dma_start3A_3369 = tpu.memref_slice %arg22[%dma_start3A_3363, %dma_start3A_3368] : memref<8x128xi32, #tpu.memory_space<vmem>> -> memref<1x128xi32, #tpu.memory_space<vmem>>
      %dma_start3A_3370 = tpu.memref_squeeze %dma_start3A_3369 : memref<1x128xi32, #tpu.memory_space<vmem>> -> memref<128xi32, #tpu.memory_space<vmem>>
      %dma_start3A_3371 = arith.constant 0 : i32
      %dma_start3A_3372 = tpu.memref_slice %arg4[%dma_start3A_3371] : memref<160000xf32, #tpu.memory_space<hbm>> -> memref<160000xf32, #tpu.memory_space<hbm>>
      tpu.enqueue_indirect_dma source(%dma_start3A_3372 : memref<160000xf32, #tpu.memory_space<hbm>>) target(%dma_start3A_3367 : memref<128xf32, #tpu.memory_space<vmem>>) offsets(%dma_start3A_3370 : memref<128xi32, #tpu.memory_space<vmem>>) semaphore(%arg30 : memref<!tpu.dma_semaphore, #tpu.memory_space<semaphore_mem>>)
      %dma_start3A_3373 = arith.constant 3 : i32
      %dma_start3A_3374 = arith.constant 3 : i32
      %dma_start3A_3375 = arith.constant 0 : i32
      %dma_start3A_3376 = tpu.memref_slice %arg23[%dma_start3A_3374, %dma_start3A_3375] : memref<8x128xf32, #tpu.memory_space<vmem>> -> memref<1x128xf32, #tpu.memory_space<vmem>>
      %dma_start3A_3377 = tpu.memref_squeeze %dma_start3A_3376 : memref<1x128xf32, #tpu.memory_space<vmem>> -> memref<128xf32, #tpu.memory_space<vmem>>
      %dma_start3A_3378 = arith.constant 0 : i32
      %dma_start3A_3379 = tpu.memref_slice %arg22[%dma_start3A_3373, %dma_start3A_3378] : memref<8x128xi32, #tpu.memory_space<vmem>> -> memref<1x128xi32, #tpu.memory_space<vmem>>
      %dma_start3A_3380 = tpu.memref_squeeze %dma_start3A_3379 : memref<1x128xi32, #tpu.memory_space<vmem>> -> memref<128xi32, #tpu.memory_space<vmem>>
      %dma_start3A_3381 = arith.constant 0 : i32
      %dma_start3A_3382 = tpu.memref_slice %arg4[%dma_start3A_3381] : memref<160000xf32, #tpu.memory_space<hbm>> -> memref<160000xf32, #tpu.memory_space<hbm>>
      tpu.enqueue_indirect_dma source(%dma_start3A_3382 : memref<160000xf32, #tpu.memory_space<hbm>>) target(%dma_start3A_3377 : memref<128xf32, #tpu.memory_space<vmem>>) offsets(%dma_start3A_3380 : memref<128xi32, #tpu.memory_space<vmem>>) semaphore(%arg30 : memref<!tpu.dma_semaphore, #tpu.memory_space<semaphore_mem>>)
      %dma_start3A_3383 = arith.constant 4 : i32
      %dma_start3A_3384 = arith.constant 4 : i32
      %dma_start3A_3385 = arith.constant 0 : i32
      %dma_start3A_3386 = tpu.memref_slice %arg23[%dma_start3A_3384, %dma_start3A_3385] : memref<8x128xf32, #tpu.memory_space<vmem>> -> memref<1x128xf32, #tpu.memory_space<vmem>>
      %dma_start3A_3387 = tpu.memref_squeeze %dma_start3A_3386 : memref<1x128xf32, #tpu.memory_space<vmem>> -> memref<128xf32, #tpu.memory_space<vmem>>
      %dma_start3A_3388 = arith.constant 0 : i32
      %dma_start3A_3389 = tpu.memref_slice %arg22[%dma_start3A_3383, %dma_start3A_3388] : memref<8x128xi32, #tpu.memory_space<vmem>> -> memref<1x128xi32, #tpu.memory_space<vmem>>
      %dma_start3A_3390 = tpu.memref_squeeze %dma_start3A_3389 : memref<1x128xi32, #tpu.memory_space<vmem>> -> memref<128xi32, #tpu.memory_space<vmem>>
      %dma_start3A_3391 = arith.constant 0 : i32
      %dma_start3A_3392 = tpu.memref_slice %arg4[%dma_start3A_3391] : memref<160000xf32, #tpu.memory_space<hbm>> -> memref<160000xf32, #tpu.memory_space<hbm>>
      tpu.enqueue_indirect_dma source(%dma_start3A_3392 : memref<160000xf32, #tpu.memory_space<hbm>>) target(%dma_start3A_3387 : memref<128xf32, #tpu.memory_space<vmem>>) offsets(%dma_start3A_3390 : memref<128xi32, #tpu.memory_space<vmem>>) semaphore(%arg30 : memref<!tpu.dma_semaphore, #tpu.memory_space<semaphore_mem>>)
      %dma_start3A_3393 = arith.constant 5 : i32
      %dma_start3A_3394 = arith.constant 5 : i32
      %dma_start3A_3395 = arith.constant 0 : i32
      %dma_start3A_3396 = tpu.memref_slice %arg23[%dma_start3A_3394, %dma_start3A_3395] : memref<8x128xf32, #tpu.memory_space<vmem>> -> memref<1x128xf32, #tpu.memory_space<vmem>>
      %dma_start3A_3397 = tpu.memref_squeeze %dma_start3A_3396 : memref<1x128xf32, #tpu.memory_space<vmem>> -> memref<128xf32, #tpu.memory_space<vmem>>
      %dma_start3A_3398 = arith.constant 0 : i32
      %dma_start3A_3399 = tpu.memref_slice %arg22[%dma_start3A_3393, %dma_start3A_3398] : memref<8x128xi32, #tpu.memory_space<vmem>> -> memref<1x128xi32, #tpu.memory_space<vmem>>
      %dma_start3A_3400 = tpu.memref_squeeze %dma_start3A_3399 : memref<1x128xi32, #tpu.memory_space<vmem>> -> memref<128xi32, #tpu.memory_space<vmem>>
      %dma_start3A_3401 = arith.constant 0 : i32
      %dma_start3A_3402 = tpu.memref_slice %arg4[%dma_start3A_3401] : memref<160000xf32, #tpu.memory_space<hbm>> -> memref<160000xf32, #tpu.memory_space<hbm>>
      tpu.enqueue_indirect_dma source(%dma_start3A_3402 : memref<160000xf32, #tpu.memory_space<hbm>>) target(%dma_start3A_3397 : memref<128xf32, #tpu.memory_space<vmem>>) offsets(%dma_start3A_3400 : memref<128xi32, #tpu.memory_space<vmem>>) semaphore(%arg30 : memref<!tpu.dma_semaphore, #tpu.memory_space<semaphore_mem>>)
      %dma_start3A_3403 = arith.constant 6 : i32
      %dma_start3A_3404 = arith.constant 6 : i32
      %dma_start3A_3405 = arith.constant 0 : i32
      %dma_start3A_3406 = tpu.memref_slice %arg23[%dma_start3A_3404, %dma_start3A_3405] : memref<8x128xf32, #tpu.memory_space<vmem>> -> memref<1x128xf32, #tpu.memory_space<vmem>>
      %dma_start3A_3407 = tpu.memref_squeeze %dma_start3A_3406 : memref<1x128xf32, #tpu.memory_space<vmem>> -> memref<128xf32, #tpu.memory_space<vmem>>
      %dma_start3A_3408 = arith.constant 0 : i32
      %dma_start3A_3409 = tpu.memref_slice %arg22[%dma_start3A_3403, %dma_start3A_3408] : memref<8x128xi32, #tpu.memory_space<vmem>> -> memref<1x128xi32, #tpu.memory_space<vmem>>
      %dma_start3A_3410 = tpu.memref_squeeze %dma_start3A_3409 : memref<1x128xi32, #tpu.memory_space<vmem>> -> memref<128xi32, #tpu.memory_space<vmem>>
      %dma_start3A_3411 = arith.constant 0 : i32
      %dma_start3A_3412 = tpu.memref_slice %arg4[%dma_start3A_3411] : memref<160000xf32, #tpu.memory_space<hbm>> -> memref<160000xf32, #tpu.memory_space<hbm>>
      tpu.enqueue_indirect_dma source(%dma_start3A_3412 : memref<160000xf32, #tpu.memory_space<hbm>>) target(%dma_start3A_3407 : memref<128xf32, #tpu.memory_space<vmem>>) offsets(%dma_start3A_3410 : memref<128xi32, #tpu.memory_space<vmem>>) semaphore(%arg30 : memref<!tpu.dma_semaphore, #tpu.memory_space<semaphore_mem>>)
      %dma_start3A_3413 = arith.constant 7 : i32
      %dma_start3A_3414 = arith.constant 7 : i32
      %dma_start3A_3415 = arith.constant 0 : i32
      %dma_start3A_3416 = tpu.memref_slice %arg23[%dma_start3A_3414, %dma_start3A_3415] : memref<8x128xf32, #tpu.memory_space<vmem>> -> memref<1x128xf32, #tpu.memory_space<vmem>>
      %dma_start3A_3417 = tpu.memref_squeeze %dma_start3A_3416 : memref<1x128xf32, #tpu.memory_space<vmem>> -> memref<128xf32, #tpu.memory_space<vmem>>
      %dma_start3A_3418 = arith.constant 0 : i32
      %dma_start3A_3419 = tpu.memref_slice %arg22[%dma_start3A_3413, %dma_start3A_3418] : memref<8x128xi32, #tpu.memory_space<vmem>> -> memref<1x128xi32, #tpu.memory_space<vmem>>
      %dma_start3A_3420 = tpu.memref_squeeze %dma_start3A_3419 : memref<1x128xi32, #tpu.memory_space<vmem>> -> memref<128xi32, #tpu.memory_space<vmem>>
      %dma_start3A_3421 = arith.constant 0 : i32
      %dma_start3A_3422 = tpu.memref_slice %arg4[%dma_start3A_3421] : memref<160000xf32, #tpu.memory_space<hbm>> -> memref<160000xf32, #tpu.memory_space<hbm>>
      tpu.enqueue_indirect_dma source(%dma_start3A_3422 : memref<160000xf32, #tpu.memory_space<hbm>>) target(%dma_start3A_3417 : memref<128xf32, #tpu.memory_space<vmem>>) offsets(%dma_start3A_3420 : memref<128xi32, #tpu.memory_space<vmem>>) semaphore(%arg30 : memref<!tpu.dma_semaphore, #tpu.memory_space<semaphore_mem>>)
      %dma_wait3A = arith.constant 0 : i32
      %dma_wait3A_3423 = arith.constant 0 : i32
      %dma_wait3A_3424 = arith.constant 0 : i32
      %dma_wait3A_3425 = tpu.memref_slice %arg23[%dma_wait3A_3423, %dma_wait3A_3424] : memref<8x128xf32, #tpu.memory_space<vmem>> -> memref<1x128xf32, #tpu.memory_space<vmem>>
      %dma_wait3A_3426 = tpu.memref_squeeze %dma_wait3A_3425 : memref<1x128xf32, #tpu.memory_space<vmem>> -> memref<128xf32, #tpu.memory_space<vmem>>
      %dma_wait3A_3427 = arith.constant 0 : i32
      %dma_wait3A_3428 = tpu.memref_slice %arg22[%dma_wait3A, %dma_wait3A_3427] : memref<8x128xi32, #tpu.memory_space<vmem>> -> memref<1x128xi32, #tpu.memory_space<vmem>>
      %dma_wait3A_3429 = tpu.memref_squeeze %dma_wait3A_3428 : memref<1x128xi32, #tpu.memory_space<vmem>> -> memref<128xi32, #tpu.memory_space<vmem>>
      %dma_wait3A_3430 = arith.constant 0 : i32
      %dma_wait3A_3431 = tpu.memref_slice %arg4[%dma_wait3A_3430] : memref<160000xf32, #tpu.memory_space<hbm>> -> memref<160000xf32, #tpu.memory_space<hbm>>
      tpu.wait_indirect_dma semaphore(%arg30 : memref<!tpu.dma_semaphore, #tpu.memory_space<semaphore_mem>>) src(%dma_wait3A_3431 : memref<160000xf32, #tpu.memory_space<hbm>>) dst(%dma_wait3A_3426 : memref<128xf32, #tpu.memory_space<vmem>>)
      %dma_wait3A_3432 = arith.constant 1 : i32
      %dma_wait3A_3433 = arith.constant 1 : i32
      %dma_wait3A_3434 = arith.constant 0 : i32
      %dma_wait3A_3435 = tpu.memref_slice %arg23[%dma_wait3A_3433, %dma_wait3A_3434] : memref<8x128xf32, #tpu.memory_space<vmem>> -> memref<1x128xf32, #tpu.memory_space<vmem>>
      %dma_wait3A_3436 = tpu.memref_squeeze %dma_wait3A_3435 : memref<1x128xf32, #tpu.memory_space<vmem>> -> memref<128xf32, #tpu.memory_space<vmem>>
      %dma_wait3A_3437 = arith.constant 0 : i32
      %dma_wait3A_3438 = tpu.memref_slice %arg22[%dma_wait3A_3432, %dma_wait3A_3437] : memref<8x128xi32, #tpu.memory_space<vmem>> -> memref<1x128xi32, #tpu.memory_space<vmem>>
      %dma_wait3A_3439 = tpu.memref_squeeze %dma_wait3A_3438 : memref<1x128xi32, #tpu.memory_space<vmem>> -> memref<128xi32, #tpu.memory_space<vmem>>
      %dma_wait3A_3440 = arith.constant 0 : i32
      %dma_wait3A_3441 = tpu.memref_slice %arg4[%dma_wait3A_3440] : memref<160000xf32, #tpu.memory_space<hbm>> -> memref<160000xf32, #tpu.memory_space<hbm>>
      tpu.wait_indirect_dma semaphore(%arg30 : memref<!tpu.dma_semaphore, #tpu.memory_space<semaphore_mem>>) src(%dma_wait3A_3441 : memref<160000xf32, #tpu.memory_space<hbm>>) dst(%dma_wait3A_3436 : memref<128xf32, #tpu.memory_space<vmem>>)
      %dma_wait3A_3442 = arith.constant 2 : i32
      %dma_wait3A_3443 = arith.constant 2 : i32
      %dma_wait3A_3444 = arith.constant 0 : i32
      %dma_wait3A_3445 = tpu.memref_slice %arg23[%dma_wait3A_3443, %dma_wait3A_3444] : memref<8x128xf32, #tpu.memory_space<vmem>> -> memref<1x128xf32, #tpu.memory_space<vmem>>
      %dma_wait3A_3446 = tpu.memref_squeeze %dma_wait3A_3445 : memref<1x128xf32, #tpu.memory_space<vmem>> -> memref<128xf32, #tpu.memory_space<vmem>>
      %dma_wait3A_3447 = arith.constant 0 : i32
      %dma_wait3A_3448 = tpu.memref_slice %arg22[%dma_wait3A_3442, %dma_wait3A_3447] : memref<8x128xi32, #tpu.memory_space<vmem>> -> memref<1x128xi32, #tpu.memory_space<vmem>>
      %dma_wait3A_3449 = tpu.memref_squeeze %dma_wait3A_3448 : memref<1x128xi32, #tpu.memory_space<vmem>> -> memref<128xi32, #tpu.memory_space<vmem>>
      %dma_wait3A_3450 = arith.constant 0 : i32
      %dma_wait3A_3451 = tpu.memref_slice %arg4[%dma_wait3A_3450] : memref<160000xf32, #tpu.memory_space<hbm>> -> memref<160000xf32, #tpu.memory_space<hbm>>
      tpu.wait_indirect_dma semaphore(%arg30 : memref<!tpu.dma_semaphore, #tpu.memory_space<semaphore_mem>>) src(%dma_wait3A_3451 : memref<160000xf32, #tpu.memory_space<hbm>>) dst(%dma_wait3A_3446 : memref<128xf32, #tpu.memory_space<vmem>>)
      %dma_wait3A_3452 = arith.constant 3 : i32
      %dma_wait3A_3453 = arith.constant 3 : i32
      %dma_wait3A_3454 = arith.constant 0 : i32
      %dma_wait3A_3455 = tpu.memref_slice %arg23[%dma_wait3A_3453, %dma_wait3A_3454] : memref<8x128xf32, #tpu.memory_space<vmem>> -> memref<1x128xf32, #tpu.memory_space<vmem>>
      %dma_wait3A_3456 = tpu.memref_squeeze %dma_wait3A_3455 : memref<1x128xf32, #tpu.memory_space<vmem>> -> memref<128xf32, #tpu.memory_space<vmem>>
      %dma_wait3A_3457 = arith.constant 0 : i32
      %dma_wait3A_3458 = tpu.memref_slice %arg22[%dma_wait3A_3452, %dma_wait3A_3457] : memref<8x128xi32, #tpu.memory_space<vmem>> -> memref<1x128xi32, #tpu.memory_space<vmem>>
      %dma_wait3A_3459 = tpu.memref_squeeze %dma_wait3A_3458 : memref<1x128xi32, #tpu.memory_space<vmem>> -> memref<128xi32, #tpu.memory_space<vmem>>
      %dma_wait3A_3460 = arith.constant 0 : i32
      %dma_wait3A_3461 = tpu.memref_slice %arg4[%dma_wait3A_3460] : memref<160000xf32, #tpu.memory_space<hbm>> -> memref<160000xf32, #tpu.memory_space<hbm>>
      tpu.wait_indirect_dma semaphore(%arg30 : memref<!tpu.dma_semaphore, #tpu.memory_space<semaphore_mem>>) src(%dma_wait3A_3461 : memref<160000xf32, #tpu.memory_space<hbm>>) dst(%dma_wait3A_3456 : memref<128xf32, #tpu.memory_space<vmem>>)
      %dma_wait3A_3462 = arith.constant 4 : i32
      %dma_wait3A_3463 = arith.constant 4 : i32
      %dma_wait3A_3464 = arith.constant 0 : i32
      %dma_wait3A_3465 = tpu.memref_slice %arg23[%dma_wait3A_3463, %dma_wait3A_3464] : memref<8x128xf32, #tpu.memory_space<vmem>> -> memref<1x128xf32, #tpu.memory_space<vmem>>
      %dma_wait3A_3466 = tpu.memref_squeeze %dma_wait3A_3465 : memref<1x128xf32, #tpu.memory_space<vmem>> -> memref<128xf32, #tpu.memory_space<vmem>>
      %dma_wait3A_3467 = arith.constant 0 : i32
      %dma_wait3A_3468 = tpu.memref_slice %arg22[%dma_wait3A_3462, %dma_wait3A_3467] : memref<8x128xi32, #tpu.memory_space<vmem>> -> memref<1x128xi32, #tpu.memory_space<vmem>>
      %dma_wait3A_3469 = tpu.memref_squeeze %dma_wait3A_3468 : memref<1x128xi32, #tpu.memory_space<vmem>> -> memref<128xi32, #tpu.memory_space<vmem>>
      %dma_wait3A_3470 = arith.constant 0 : i32
      %dma_wait3A_3471 = tpu.memref_slice %arg4[%dma_wait3A_3470] : memref<160000xf32, #tpu.memory_space<hbm>> -> memref<160000xf32, #tpu.memory_space<hbm>>
      tpu.wait_indirect_dma semaphore(%arg30 : memref<!tpu.dma_semaphore, #tpu.memory_space<semaphore_mem>>) src(%dma_wait3A_3471 : memref<160000xf32, #tpu.memory_space<hbm>>) dst(%dma_wait3A_3466 : memref<128xf32, #tpu.memory_space<vmem>>)
      %dma_wait3A_3472 = arith.constant 5 : i32
      %dma_wait3A_3473 = arith.constant 5 : i32
      %dma_wait3A_3474 = arith.constant 0 : i32
      %dma_wait3A_3475 = tpu.memref_slice %arg23[%dma_wait3A_3473, %dma_wait3A_3474] : memref<8x128xf32, #tpu.memory_space<vmem>> -> memref<1x128xf32, #tpu.memory_space<vmem>>
      %dma_wait3A_3476 = tpu.memref_squeeze %dma_wait3A_3475 : memref<1x128xf32, #tpu.memory_space<vmem>> -> memref<128xf32, #tpu.memory_space<vmem>>
      %dma_wait3A_3477 = arith.constant 0 : i32
      %dma_wait3A_3478 = tpu.memref_slice %arg22[%dma_wait3A_3472, %dma_wait3A_3477] : memref<8x128xi32, #tpu.memory_space<vmem>> -> memref<1x128xi32, #tpu.memory_space<vmem>>
      %dma_wait3A_3479 = tpu.memref_squeeze %dma_wait3A_3478 : memref<1x128xi32, #tpu.memory_space<vmem>> -> memref<128xi32, #tpu.memory_space<vmem>>
      %dma_wait3A_3480 = arith.constant 0 : i32
      %dma_wait3A_3481 = tpu.memref_slice %arg4[%dma_wait3A_3480] : memref<160000xf32, #tpu.memory_space<hbm>> -> memref<160000xf32, #tpu.memory_space<hbm>>
      tpu.wait_indirect_dma semaphore(%arg30 : memref<!tpu.dma_semaphore, #tpu.memory_space<semaphore_mem>>) src(%dma_wait3A_3481 : memref<160000xf32, #tpu.memory_space<hbm>>) dst(%dma_wait3A_3476 : memref<128xf32, #tpu.memory_space<vmem>>)
      %dma_wait3A_3482 = arith.constant 6 : i32
      %dma_wait3A_3483 = arith.constant 6 : i32
      %dma_wait3A_3484 = arith.constant 0 : i32
      %dma_wait3A_3485 = tpu.memref_slice %arg23[%dma_wait3A_3483, %dma_wait3A_3484] : memref<8x128xf32, #tpu.memory_space<vmem>> -> memref<1x128xf32, #tpu.memory_space<vmem>>
      %dma_wait3A_3486 = tpu.memref_squeeze %dma_wait3A_3485 : memref<1x128xf32, #tpu.memory_space<vmem>> -> memref<128xf32, #tpu.memory_space<vmem>>
      %dma_wait3A_3487 = arith.constant 0 : i32
      %dma_wait3A_3488 = tpu.memref_slice %arg22[%dma_wait3A_3482, %dma_wait3A_3487] : memref<8x128xi32, #tpu.memory_space<vmem>> -> memref<1x128xi32, #tpu.memory_space<vmem>>
      %dma_wait3A_3489 = tpu.memref_squeeze %dma_wait3A_3488 : memref<1x128xi32, #tpu.memory_space<vmem>> -> memref<128xi32, #tpu.memory_space<vmem>>
      %dma_wait3A_3490 = arith.constant 0 : i32
      %dma_wait3A_3491 = tpu.memref_slice %arg4[%dma_wait3A_3490] : memref<160000xf32, #tpu.memory_space<hbm>> -> memref<160000xf32, #tpu.memory_space<hbm>>
      tpu.wait_indirect_dma semaphore(%arg30 : memref<!tpu.dma_semaphore, #tpu.memory_space<semaphore_mem>>) src(%dma_wait3A_3491 : memref<160000xf32, #tpu.memory_space<hbm>>) dst(%dma_wait3A_3486 : memref<128xf32, #tpu.memory_space<vmem>>)
      %dma_wait3A_3492 = arith.constant 7 : i32
      %dma_wait3A_3493 = arith.constant 7 : i32
      %dma_wait3A_3494 = arith.constant 0 : i32
      %dma_wait3A_3495 = tpu.memref_slice %arg23[%dma_wait3A_3493, %dma_wait3A_3494] : memref<8x128xf32, #tpu.memory_space<vmem>> -> memref<1x128xf32, #tpu.memory_space<vmem>>
      %dma_wait3A_3496 = tpu.memref_squeeze %dma_wait3A_3495 : memref<1x128xf32, #tpu.memory_space<vmem>> -> memref<128xf32, #tpu.memory_space<vmem>>
      %dma_wait3A_3497 = arith.constant 0 : i32
      %dma_wait3A_3498 = tpu.memref_slice %arg22[%dma_wait3A_3492, %dma_wait3A_3497] : memref<8x128xi32, #tpu.memory_space<vmem>> -> memref<1x128xi32, #tpu.memory_space<vmem>>
      %dma_wait3A_3499 = tpu.memref_squeeze %dma_wait3A_3498 : memref<1x128xi32, #tpu.memory_space<vmem>> -> memref<128xi32, #tpu.memory_space<vmem>>
      %dma_wait3A_3500 = arith.constant 0 : i32
      %dma_wait3A_3501 = tpu.memref_slice %arg4[%dma_wait3A_3500] : memref<160000xf32, #tpu.memory_space<hbm>> -> memref<160000xf32, #tpu.memory_space<hbm>>
      tpu.wait_indirect_dma semaphore(%arg30 : memref<!tpu.dma_semaphore, #tpu.memory_space<semaphore_mem>>) src(%dma_wait3A_3501 : memref<160000xf32, #tpu.memory_space<hbm>>) dst(%dma_wait3A_3496 : memref<128xf32, #tpu.memory_space<vmem>>)
      "tpu.region"() ({
        %run_scoped3A = tpu.sem_alloc : memref<!tpu.dma_semaphore, #tpu.memory_space<semaphore_mem>>
        %dma_start3A_3502 = arith.constant 0 : i32
        %dma_start3A_3503 = tpu.memref_slice %arg8[%arg0, %dma_start3A_3502, %mul3A_44] : memref<2x8x1536xf32, #tpu.memory_space<hbm>> -> memref<1x8x128xf32, #tpu.memory_space<hbm>>
        %dma_start3A_3504 = tpu.memref_squeeze %dma_start3A_3503 : memref<1x8x128xf32, #tpu.memory_space<hbm>> -> memref<8x128xf32, #tpu.memory_space<hbm>>
        %dma_start3A_3505 = arith.constant 0 : i32
        %dma_start3A_3506 = tpu.memref_slice %arg8[%arg0, %dma_start3A_3505, %mul3A_44] : memref<2x8x1536xf32, #tpu.memory_space<hbm>> -> memref<1x8x128xf32, #tpu.memory_space<hbm>>
        %dma_start3A_3507 = tpu.memref_squeeze %dma_start3A_3506 : memref<1x8x128xf32, #tpu.memory_space<hbm>> -> memref<8x128xf32, #tpu.memory_space<hbm>>
        tpu.enqueue_dma source(%arg23 : memref<8x128xf32, #tpu.memory_space<vmem>>) target(%dma_start3A_3507 : memref<8x128xf32, #tpu.memory_space<hbm>>) target_semaphore(%run_scoped3A : memref<!tpu.dma_semaphore, #tpu.memory_space<semaphore_mem>>)
        %dma_wait3A_3508 = arith.constant 0 : i32
        %dma_wait3A_3509 = tpu.memref_slice %arg8[%arg0, %dma_wait3A_3508, %mul3A_44] : memref<2x8x1536xf32, #tpu.memory_space<hbm>> -> memref<1x8x128xf32, #tpu.memory_space<hbm>>
        %dma_wait3A_3510 = tpu.memref_squeeze %dma_wait3A_3509 : memref<1x8x128xf32, #tpu.memory_space<hbm>> -> memref<8x128xf32, #tpu.memory_space<hbm>>
        %dma_wait3A_3511 = arith.constant 0 : i32
        %dma_wait3A_3512 = tpu.memref_slice %arg8[%arg0, %dma_wait3A_3511, %mul3A_44] : memref<2x8x1536xf32, #tpu.memory_space<hbm>> -> memref<1x8x128xf32, #tpu.memory_space<hbm>>
        %dma_wait3A_3513 = tpu.memref_squeeze %dma_wait3A_3512 : memref<1x8x128xf32, #tpu.memory_space<hbm>> -> memref<8x128xf32, #tpu.memory_space<hbm>>
        tpu.wait_dma2 semaphore(%run_scoped3A : memref<!tpu.dma_semaphore, #tpu.memory_space<semaphore_mem>>) src(%arg23 : memref<8x128xf32, #tpu.memory_space<vmem>>) dst(%dma_wait3A_3513 : memref<8x128xf32, #tpu.memory_space<hbm>>)
        tpu.yield
      }) : () -> ()
    } else {
    }
    %eq3A_2763 = arith.constant 0 : i32
    %eq3A_2764 = arith.cmpi eq, %arg1, %eq3A_2763 : i32
    %convert_element_type3A_2765 = arith.extui %eq3A_2764 : i1 to i32
    %cond3A_2766 = arith.constant 0 : i32
    %cond3A_2767 = arith.cmpi ne, %convert_element_type3A_2765, %cond3A_2766 : i32
    scf.if %cond3A_2767 {
      "tpu.region"() ({
        %run_scoped3A = tpu.sem_alloc : memref<!tpu.dma_semaphore, #tpu.memory_space<semaphore_mem>>
        tpu.enqueue_dma source(%arg29 : memref<16x16xf32, #tpu.memory_space<vmem_shared>>) target(%arg25 : memref<16x16xf32, #tpu.memory_space<vmem>>) target_semaphore(%run_scoped3A : memref<!tpu.dma_semaphore, #tpu.memory_space<semaphore_mem>>)
        tpu.wait_dma2 semaphore(%run_scoped3A : memref<!tpu.dma_semaphore, #tpu.memory_space<semaphore_mem>>) src(%arg29 : memref<16x16xf32, #tpu.memory_space<vmem_shared>>) dst(%arg25 : memref<16x16xf32, #tpu.memory_space<vmem>>)
        tpu.yield
      }) : () -> ()
      %broadcast_in_dim3A_2768 = arith.constant 0.000000e+00 : f32
      %broadcast_in_dim3A_2769 = vector.broadcast %broadcast_in_dim3A_2768 : f32 to vector<16xf32>
      %get3A_2770 = arith.constant 0 : i32
      %get3A_2771 = arith.index_cast %get3A_2770 : i32 to index
      %get3A_2772 = arith.constant 0 : index
      %get3A_2773 = tpu.vector_load %arg25[%get3A_2771, %get3A_2772] {strides = array<i32>} : memref<16x16xf32, #tpu.memory_space<vmem>>, vector<16xf32>,
      %add3A_2774 = arith.addf %broadcast_in_dim3A_2769, %get3A_2773 : vector<16xf32>
      %get3A_2775 = arith.constant 1 : i32
      %get3A_2776 = arith.index_cast %get3A_2775 : i32 to index
      %get3A_2777 = arith.constant 0 : index
      %get3A_2778 = tpu.vector_load %arg25[%get3A_2776, %get3A_2777] {strides = array<i32>} : memref<16x16xf32, #tpu.memory_space<vmem>>, vector<16xf32>,
      %add3A_2779 = arith.addf %add3A_2774, %get3A_2778 : vector<16xf32>
      %get3A_2780 = arith.constant 2 : i32
      %get3A_2781 = arith.index_cast %get3A_2780 : i32 to index
      %get3A_2782 = arith.constant 0 : index
      %get3A_2783 = tpu.vector_load %arg25[%get3A_2781, %get3A_2782] {strides = array<i32>} : memref<16x16xf32, #tpu.memory_space<vmem>>, vector<16xf32>,
      %add3A_2784 = arith.addf %add3A_2779, %get3A_2783 : vector<16xf32>
      %get3A_2785 = arith.constant 3 : i32
      %get3A_2786 = arith.index_cast %get3A_2785 : i32 to index
      %get3A_2787 = arith.constant 0 : index
      %get3A_2788 = tpu.vector_load %arg25[%get3A_2786, %get3A_2787] {strides = array<i32>} : memref<16x16xf32, #tpu.memory_space<vmem>>, vector<16xf32>,
      %add3A_2789 = arith.addf %add3A_2784, %get3A_2788 : vector<16xf32>
      %get3A_2790 = arith.constant 4 : i32
      %get3A_2791 = arith.index_cast %get3A_2790 : i32 to index
      %get3A_2792 = arith.constant 0 : index
      %get3A_2793 = tpu.vector_load %arg25[%get3A_2791, %get3A_2792] {strides = array<i32>} : memref<16x16xf32, #tpu.memory_space<vmem>>, vector<16xf32>,
      %add3A_2794 = arith.addf %add3A_2789, %get3A_2793 : vector<16xf32>
      %get3A_2795 = arith.constant 5 : i32
      %get3A_2796 = arith.index_cast %get3A_2795 : i32 to index
      %get3A_2797 = arith.constant 0 : index
      %get3A_2798 = tpu.vector_load %arg25[%get3A_2796, %get3A_2797] {strides = array<i32>} : memref<16x16xf32, #tpu.memory_space<vmem>>, vector<16xf32>,
      %add3A_2799 = arith.addf %add3A_2794, %get3A_2798 : vector<16xf32>
      %get3A_2800 = arith.constant 6 : i32
      %get3A_2801 = arith.index_cast %get3A_2800 : i32 to index
      %get3A_2802 = arith.constant 0 : index
      %get3A_2803 = tpu.vector_load %arg25[%get3A_2801, %get3A_2802] {strides = array<i32>} : memref<16x16xf32, #tpu.memory_space<vmem>>, vector<16xf32>,
      %add3A_2804 = arith.addf %add3A_2799, %get3A_2803 : vector<16xf32>
      %get3A_2805 = arith.constant 7 : i32
      %get3A_2806 = arith.index_cast %get3A_2805 : i32 to index
      %get3A_2807 = arith.constant 0 : index
      %get3A_2808 = tpu.vector_load %arg25[%get3A_2806, %get3A_2807] {strides = array<i32>} : memref<16x16xf32, #tpu.memory_space<vmem>>, vector<16xf32>,
      %add3A_2809 = arith.addf %add3A_2804, %get3A_2808 : vector<16xf32>
      %get3A_2810 = arith.constant 8 : i32
      %get3A_2811 = arith.index_cast %get3A_2810 : i32 to index
      %get3A_2812 = arith.constant 0 : index
      %get3A_2813 = tpu.vector_load %arg25[%get3A_2811, %get3A_2812] {strides = array<i32>} : memref<16x16xf32, #tpu.memory_space<vmem>>, vector<16xf32>,
      %add3A_2814 = arith.addf %add3A_2809, %get3A_2813 : vector<16xf32>
      %get3A_2815 = arith.constant 9 : i32
      %get3A_2816 = arith.index_cast %get3A_2815 : i32 to index
      %get3A_2817 = arith.constant 0 : index
      %get3A_2818 = tpu.vector_load %arg25[%get3A_2816, %get3A_2817] {strides = array<i32>} : memref<16x16xf32, #tpu.memory_space<vmem>>, vector<16xf32>,
      %add3A_2819 = arith.addf %add3A_2814, %get3A_2818 : vector<16xf32>
      %get3A_2820 = arith.constant 10 : i32
      %get3A_2821 = arith.index_cast %get3A_2820 : i32 to index
      %get3A_2822 = arith.constant 0 : index
      %get3A_2823 = tpu.vector_load %arg25[%get3A_2821, %get3A_2822] {strides = array<i32>} : memref<16x16xf32, #tpu.memory_space<vmem>>, vector<16xf32>,
      %add3A_2824 = arith.addf %add3A_2819, %get3A_2823 : vector<16xf32>
      %get3A_2825 = arith.constant 11 : i32
      %get3A_2826 = arith.index_cast %get3A_2825 : i32 to index
      %get3A_2827 = arith.constant 0 : index
      %get3A_2828 = tpu.vector_load %arg25[%get3A_2826, %get3A_2827] {strides = array<i32>} : memref<16x16xf32, #tpu.memory_space<vmem>>, vector<16xf32>,
      %add3A_2829 = arith.addf %add3A_2824, %get3A_2828 : vector<16xf32>
      %get3A_2830 = arith.constant 12 : i32
      %get3A_2831 = arith.index_cast %get3A_2830 : i32 to index
      %get3A_2832 = arith.constant 0 : index
      %get3A_2833 = tpu.vector_load %arg25[%get3A_2831, %get3A_2832] {strides = array<i32>} : memref<16x16xf32, #tpu.memory_space<vmem>>, vector<16xf32>,
      %add3A_2834 = arith.addf %add3A_2829, %get3A_2833 : vector<16xf32>
      %get3A_2835 = arith.constant 13 : i32
      %get3A_2836 = arith.index_cast %get3A_2835 : i32 to index
      %get3A_2837 = arith.constant 0 : index
      %get3A_2838 = tpu.vector_load %arg25[%get3A_2836, %get3A_2837] {strides = array<i32>} : memref<16x16xf32, #tpu.memory_space<vmem>>, vector<16xf32>,
      %add3A_2839 = arith.addf %add3A_2834, %get3A_2838 : vector<16xf32>
      %get3A_2840 = arith.constant 14 : i32
      %get3A_2841 = arith.index_cast %get3A_2840 : i32 to index
      %get3A_2842 = arith.constant 0 : index
      %get3A_2843 = tpu.vector_load %arg25[%get3A_2841, %get3A_2842] {strides = array<i32>} : memref<16x16xf32, #tpu.memory_space<vmem>>, vector<16xf32>,
      %add3A_2844 = arith.addf %add3A_2839, %get3A_2843 : vector<16xf32>
      %get3A_2845 = arith.constant 15 : i32
      %get3A_2846 = arith.index_cast %get3A_2845 : i32 to index
      %get3A_2847 = arith.constant 0 : index
      %get3A_2848 = tpu.vector_load %arg25[%get3A_2846, %get3A_2847] {strides = array<i32>} : memref<16x16xf32, #tpu.memory_space<vmem>>, vector<16xf32>,
      %add3A_2849 = arith.addf %add3A_2844, %get3A_2848 : vector<16xf32>
      %swap3A_2850 = arith.constant 0 : index
      %swap3A_2851 = tpu.vector_load %arg24[%swap3A_2850] {strides = array<i32>} : memref<16xf32, #tpu.memory_space<vmem>>, vector<16xf32>,
      tpu.vector_store %arg24[%swap3A_2850], %add3A_2849 {strides = array<i32>} : memref<16xf32, #tpu.memory_space<vmem>>, vector<16xf32>,
      "tpu.region"() ({
        %run_scoped3A = tpu.sem_alloc : memref<!tpu.dma_semaphore, #tpu.memory_space<semaphore_mem>>
        %dma_start3A = arith.constant 0 : i32
        %dma_start3A_2852 = tpu.memref_slice %arg9[%arg0, %dma_start3A] : memref<2x16xf32, #tpu.memory_space<hbm>> -> memref<1x16xf32, #tpu.memory_space<hbm>>
        %dma_start3A_2853 = tpu.memref_squeeze %dma_start3A_2852 : memref<1x16xf32, #tpu.memory_space<hbm>> -> memref<16xf32, #tpu.memory_space<hbm>>
        %dma_start3A_2854 = arith.constant 0 : i32
        %dma_start3A_2855 = tpu.memref_slice %arg9[%arg0, %dma_start3A_2854] : memref<2x16xf32, #tpu.memory_space<hbm>> -> memref<1x16xf32, #tpu.memory_space<hbm>>
        %dma_start3A_2856 = tpu.memref_squeeze %dma_start3A_2855 : memref<1x16xf32, #tpu.memory_space<hbm>> -> memref<16xf32, #tpu.memory_space<hbm>>
        tpu.enqueue_dma source(%arg24 : memref<16xf32, #tpu.memory_space<vmem>>) target(%dma_start3A_2856 : memref<16xf32, #tpu.memory_space<hbm>>) target_semaphore(%run_scoped3A : memref<!tpu.dma_semaphore, #tpu.memory_space<semaphore_mem>>)
        %dma_wait3A = arith.constant 0 : i32
        %dma_wait3A_2857 = tpu.memref_slice %arg9[%arg0, %dma_wait3A] : memref<2x16xf32, #tpu.memory_space<hbm>> -> memref<1x16xf32, #tpu.memory_space<hbm>>
        %dma_wait3A_2858 = tpu.memref_squeeze %dma_wait3A_2857 : memref<1x16xf32, #tpu.memory_space<hbm>> -> memref<16xf32, #tpu.memory_space<hbm>>
        %dma_wait3A_2859 = arith.constant 0 : i32
        %dma_wait3A_2860 = tpu.memref_slice %arg9[%arg0, %dma_wait3A_2859] : memref<2x16xf32, #tpu.memory_space<hbm>> -> memref<1x16xf32, #tpu.memory_space<hbm>>
        %dma_wait3A_2861 = tpu.memref_squeeze %dma_wait3A_2860 : memref<1x16xf32, #tpu.memory_space<hbm>> -> memref<16xf32, #tpu.memory_space<hbm>>
        tpu.wait_dma2 semaphore(%run_scoped3A : memref<!tpu.dma_semaphore, #tpu.memory_space<semaphore_mem>>) src(%arg24 : memref<16xf32, #tpu.memory_space<vmem>>) dst(%dma_wait3A_2861 : memref<16xf32, #tpu.memory_space<hbm>>)
        tpu.yield
      }) : () -> ()
    } else {
    }
    return
  }
}

module attributes {stable_mosaic.version = 14 : i64} {
  func.func @_tc_body(%arg0: i32, %arg1: memref<2000x8xf32, #tpu.memory_space<vmem>>, %arg2: memref<2000x1xf32, #tpu.memory_space<vmem>>, %arg3: memref<2000x1xi32, #tpu.memory_space<vmem>>, %arg4: memref<2x1536xi32, #tpu.memory_space<vmem>>, %arg5: memref<2x1536xf32, #tpu.memory_space<vmem>>, %arg6: memref<2x1536xi32, #tpu.memory_space<vmem>>, %arg7: memref<16x1536xf32, #tpu.memory_space<vmem>>, %arg8: memref<2x16xf32, #tpu.memory_space<smem>>, %arg9: memref<1x1xf32, #tpu.memory_space<vmem>>, %arg10: memref<1x1xf32, #tpu.memory_space<vmem>>, %arg11: memref<1x1xf32, #tpu.memory_space<vmem>>, %arg12: memref<1x1xf32, #tpu.memory_space<vmem>>, %arg13: memref<1x1xf32, #tpu.memory_space<vmem>>, %arg14: memref<1x1xf32, #tpu.memory_space<vmem>>, %arg15: memref<9x1536xf32, #tpu.memory_space<vmem>>, %arg16: memref<1x1536xf32, #tpu.memory_space<vmem>>, %arg17: memref<1x1536xf32, #tpu.memory_space<vmem>>, %arg18: memref<1x1536xf32, #tpu.memory_space<vmem>>, %arg19: memref<1x1536xi32, #tpu.memory_space<vmem>>, %arg20: memref<1x1536xf32, #tpu.memory_space<vmem>>, %arg21: memref<1x1536xf32, #tpu.memory_space<vmem>>, %arg22: memref<1x1536xi32, #tpu.memory_space<vmem>>, %arg23: memref<2xf32, #tpu.memory_space<smem>>) attributes {dimension_semantics = [#tpu.dimension_semantics<arbitrary>], iteration_bounds = array<i64: 10>, scalar_prefetch = 0 : i64, scratch_operands = 9 : i64, tpu.core_type = #tpu.core_type<tc>, window_params = [{transform_indices = @transform_0, window_bounds = array<i64: 2000, 8>}, {transform_indices = @transform_1, window_bounds = array<i64: 2000, 1>}, {transform_indices = @transform_2, window_bounds = array<i64: 2000, 1>}, {pipeline_mode = #tpu.pipeline_mode<synchronous>, transform_indices = @transform_3, window_bounds = array<i64: 2, 1536>}, {pipeline_mode = #tpu.pipeline_mode<synchronous>, transform_indices = @transform_4, window_bounds = array<i64: 2, 1536>}, {pipeline_mode = #tpu.pipeline_mode<synchronous>, transform_indices = @transform_5, window_bounds = array<i64: 2, 1536>}, {pipeline_mode = #tpu.pipeline_mode<synchronous>, transform_indices = @transform_6, window_bounds = array<i64: 16, 1536>}, {transform_indices = @transform_7, window_bounds = array<i64: 2, 16>}, {pipeline_mode = #tpu.pipeline_mode<synchronous>, transform_indices = @transform_8, window_bounds = array<i64: 1, 1>}, {pipeline_mode = #tpu.pipeline_mode<synchronous>, transform_indices = @transform_9, window_bounds = array<i64: 1, 1>}, {pipeline_mode = #tpu.pipeline_mode<synchronous>, transform_indices = @transform_10, window_bounds = array<i64: 1, 1>}, {pipeline_mode = #tpu.pipeline_mode<synchronous>, transform_indices = @transform_11, window_bounds = array<i64: 1, 1>}, {pipeline_mode = #tpu.pipeline_mode<synchronous>, transform_indices = @transform_12, window_bounds = array<i64: 1, 1>}, {pipeline_mode = #tpu.pipeline_mode<synchronous>, transform_indices = @transform_13, window_bounds = array<i64: 1, 1>}]} {
    %eq3A = arith.constant 0 : i32
    %eq3A_0 = arith.cmpi eq, %arg0, %eq3A : i32
    %convert_element_type3A = arith.extui %eq3A_0 : i1 to i32
    %cond3A = arith.constant 0 : i32
    %cond3A_1 = arith.cmpi ne, %convert_element_type3A, %cond3A : i32
    scf.if %cond3A_1 {
      %get3A_107 = arith.constant 0 : index
      %get3A_108 = arith.constant 0 : index
      %get3A_109 = vector.load %arg4[%get3A_107, %get3A_108] : memref<2x1536xi32, #tpu.memory_space<vmem>>, vector<2x1536xi32>
      %reduce_sum3A_110 = arith.constant dense<0> : vector<1536xi32>
      %reduce_sum3A_111 = vector.multi_reduction <add>, %get3A_109, %reduce_sum3A_110 [0] : vector<2x1536xi32> to vector<1536xi32>
      %broadcast_in_dim3A_112 = vector.shape_cast %reduce_sum3A_111 : vector<1536xi32> to vector<1x1536xi32>
      %convert_element_type3A_113 = arith.sitofp %broadcast_in_dim3A_112 : vector<1x1536xi32> to vector<1x1536xf32>
      %get3A_114 = arith.constant 0 : index
      %get3A_115 = arith.constant 0 : index
      %get3A_116 = vector.load %arg5[%get3A_114, %get3A_115] : memref<2x1536xf32, #tpu.memory_space<vmem>>, vector<1x1536xf32>
      %get3A_117 = arith.constant 1 : index
      %get3A_118 = arith.constant 0 : index
      %get3A_119 = vector.load %arg5[%get3A_117, %get3A_118] : memref<2x1536xf32, #tpu.memory_space<vmem>>, vector<1x1536xf32>
      %get3A_120 = arith.constant 0 : index
      %get3A_121 = arith.constant 0 : index
      %get3A_122 = vector.load %arg6[%get3A_120, %get3A_121] : memref<2x1536xi32, #tpu.memory_space<vmem>>, vector<1x1536xi32>
      %get3A_123 = arith.constant 1 : index
      %get3A_124 = arith.constant 0 : index
      %get3A_125 = vector.load %arg6[%get3A_123, %get3A_124] : memref<2x1536xi32, #tpu.memory_space<vmem>>, vector<1x1536xi32>
      %gt3A = arith.cmpf ogt, %get3A_116, %get3A_119 : vector<1x1536xf32>
      %eq3A_126 = arith.cmpf oeq, %get3A_116, %get3A_119 : vector<1x1536xf32>
      %lt3A_127 = arith.cmpi slt, %get3A_122, %get3A_125 : vector<1x1536xi32>
      %and3A_128 = arith.andi %eq3A_126, %lt3A_127 : vector<1x1536xi1>
      %or3A = arith.ori %gt3A, %and3A_128 : vector<1x1536xi1>
      %select_n3A_129 = arith.select %or3A, %get3A_116, %get3A_119 : vector<1x1536xi1>, vector<1x1536xf32>
      %max3A_130 = arith.constant 0.000000e+00 : f32
      %max3A_131 = vector.broadcast %max3A_130 : f32 to vector<1x1536xf32>
      %max3A_132 = arith.maximumf %select_n3A_129, %max3A_131 : vector<1x1536xf32>
      %log1p3A_133 = math.log1p %max3A_132 : vector<1x1536xf32>
      %neg3A_134 = arith.constant 0.000000e+00 : f32
      %neg3A_135 = vector.broadcast %neg3A_134 : f32 to vector<1x1536xf32>
      %neg3A_136 = arith.subf %neg3A_135, %max3A_132 : vector<1x1536xf32>
      %log1p3A_137 = math.log1p %neg3A_136 : vector<1x1536xf32>
      %sub3A_138 = arith.subf %log1p3A_133, %log1p3A_137 : vector<1x1536xf32>
      %mul3A_139 = arith.constant 5.000000e-01 : f32
      %mul3A_140 = vector.broadcast %mul3A_139 : f32 to vector<1x1536xf32>
      %mul3A_141 = arith.mulf %mul3A_140, %sub3A_138 : vector<1x1536xf32>
      %mul3A_142 = arith.mulf %mul3A_141, %mul3A_141 : vector<1x1536xf32>
      %add3A_143 = arith.constant 0.00999999977 : f32
      %add3A_144 = vector.broadcast %add3A_143 : f32 to vector<1x1536xf32>
      %add3A_145 = arith.addf %mul3A_142, %add3A_144 : vector<1x1536xf32>
      %get3A_146 = arith.constant 0 : index
      %get3A_147 = arith.constant 0 : index
      %get3A_148 = vector.load %arg7[%get3A_146, %get3A_147] : memref<16x1536xf32, #tpu.memory_space<vmem>>, vector<8x1536xf32>
      %get3A_149 = arith.constant 8 : index
      %get3A_150 = arith.constant 0 : index
      %get3A_151 = vector.load %arg7[%get3A_149, %get3A_150] : memref<16x1536xf32, #tpu.memory_space<vmem>>, vector<8x1536xf32>
      %broadcast_in_dim3A_152 = vector.shape_cast %or3A : vector<1x1536xi1> to vector<1x1536xi1>
      %broadcast_in_dim3A_153 = vector.broadcast %broadcast_in_dim3A_152 : vector<1x1536xi1> to vector<8x1536xi1>
      %select_n3A_154 = arith.select %broadcast_in_dim3A_153, %get3A_148, %get3A_151 : vector<8x1536xi1>, vector<8x1536xf32>
      %swap3A_155 = arith.constant 0 : index
      %swap3A_156 = arith.constant 0 : index
      %swap3A_157 = vector.load %arg15[%swap3A_155, %swap3A_156] : memref<9x1536xf32, #tpu.memory_space<vmem>>, vector<8x1536xf32>
      tpu.vector_store %arg15[%swap3A_155, %swap3A_156], %select_n3A_154 {strides = array<i32>} : memref<9x1536xf32, #tpu.memory_space<vmem>>, vector<8x1536xf32>,
      %mul3A_158 = arith.mulf %select_n3A_154, %select_n3A_154 : vector<8x1536xf32>
      %reduce_sum3A_159 = arith.constant dense<0.000000e+00> : vector<1536xf32>
      %reduce_sum3A_160 = vector.multi_reduction <add>, %mul3A_158, %reduce_sum3A_159 [0] : vector<8x1536xf32> to vector<1536xf32>
      %broadcast_in_dim3A_161 = vector.shape_cast %reduce_sum3A_160 : vector<1536xf32> to vector<1x1536xf32>
      %swap3A_162 = arith.constant 8 : index
      %swap3A_163 = arith.constant 0 : index
      %swap3A_164 = vector.load %arg15[%swap3A_162, %swap3A_163] : memref<9x1536xf32, #tpu.memory_space<vmem>>, vector<1x1536xf32>
      tpu.vector_store %arg15[%swap3A_162, %swap3A_163], %broadcast_in_dim3A_161 {strides = array<i32>} : memref<9x1536xf32, #tpu.memory_space<vmem>>, vector<1x1536xf32>,
      %iota3A = tpu.iota {dimensions = array<i32: 1>} : vector<1x1536xi32>
      %swap3A_165 = arith.constant 0 : index
      %swap3A_166 = arith.constant 0 : index
      %swap3A_167 = vector.load %arg19[%swap3A_165, %swap3A_166] : memref<1x1536xi32, #tpu.memory_space<vmem>>, vector<1x1536xi32>
      tpu.vector_store %arg19[%swap3A_165, %swap3A_166], %iota3A {strides = array<i32>} : memref<1x1536xi32, #tpu.memory_space<vmem>>, vector<1x1536xi32>,
      %gt3A_168 = arith.constant 0.000000e+00 : f32
      %gt3A_169 = vector.broadcast %gt3A_168 : f32 to vector<1x1536xf32>
      %gt3A_170 = arith.cmpf ogt, %convert_element_type3A_113, %gt3A_169 : vector<1x1536xf32>
      %gt3A_171 = arith.constant 0 : i32
      %gt3A_172 = vector.broadcast %gt3A_171 : i32 to vector<1x1536xi32>
      %gt3A_173 = arith.cmpi sgt, %iota3A, %gt3A_172 : vector<1x1536xi32>
      %and3A_174 = arith.andi %gt3A_170, %gt3A_173 : vector<1x1536xi1>
      %convert_element_type3A_175 = arith.extui %and3A_174 : vector<1x1536xi1> to vector<1x1536xi32>
      %convert_element_type3A_176 = arith.sitofp %convert_element_type3A_175 : vector<1x1536xi32> to vector<1x1536xf32>
      %reduce_sum3A_177 = vector.shape_cast %convert_element_type3A_176 : vector<1x1536xf32> to vector<1x1x1536xf32>
      %reduce_sum3A_178 = arith.constant dense<0.000000e+00> : vector<1xf32>
      %reduce_sum3A_179 = vector.multi_reduction <add>, %reduce_sum3A_177, %reduce_sum3A_178 [1, 2] : vector<1x1x1536xf32> to vector<1xf32>
      %reduce_sum3A_180 = vector.shape_cast %reduce_sum3A_179 : vector<1xf32> to vector<1x1x1xf32>
      %reduce_sum3A_181 = vector.extract %reduce_sum3A_180[0, 0, 0] : f32 from vector<1x1x1xf32>
      %mul3A_182 = vector.broadcast %reduce_sum3A_181 : f32 to vector<1x1536xf32>
      %mul3A_183 = arith.mulf %convert_element_type3A_113, %mul3A_182 : vector<1x1536xf32>
      %div3A = arith.divf %add3A_145, %mul3A_183 : vector<1x1536xf32>
      %jit3A_184 = arith.constant 0.000000e+00 : f32
      %broadcast_in_dim3A_185 = vector.broadcast %jit3A_184 : f32 to vector<1x1536xf32>
      %select_n3A_186 = arith.select %and3A_174, %div3A, %broadcast_in_dim3A_185 : vector<1x1536xi1>, vector<1x1536xf32>
      %swap3A_187 = arith.constant 0 : index
      %swap3A_188 = arith.constant 0 : index
      %swap3A_189 = vector.load %arg16[%swap3A_187, %swap3A_188] : memref<1x1536xf32, #tpu.memory_space<vmem>>, vector<1x1536xf32>
      tpu.vector_store %arg16[%swap3A_187, %swap3A_188], %select_n3A_186 {strides = array<i32>} : memref<1x1536xf32, #tpu.memory_space<vmem>>, vector<1x1536xf32>,
      %sub3A_190 = arith.constant 2.000000e+04 : f32
      %sub3A_191 = vector.broadcast %sub3A_190 : f32 to vector<1x1536xf32>
      %sub3A_192 = arith.subf %sub3A_191, %convert_element_type3A_113 : vector<1x1536xf32>
      %mul3A_193 = vector.broadcast %reduce_sum3A_181 : f32 to vector<1x1536xf32>
      %mul3A_194 = arith.mulf %sub3A_192, %mul3A_193 : vector<1x1536xf32>
      %max3A_195 = arith.constant 1.000000e+00 : f32
      %max3A_196 = vector.broadcast %max3A_195 : f32 to vector<1x1536xf32>
      %max3A_197 = arith.maximumf %mul3A_194, %max3A_196 : vector<1x1536xf32>
      %div3A_198 = arith.divf %add3A_145, %max3A_197 : vector<1x1536xf32>
      %jit3A_199 = arith.constant 0.000000e+00 : f32
      %broadcast_in_dim3A_200 = vector.broadcast %jit3A_199 : f32 to vector<1x1536xf32>
      %select_n3A_201 = arith.select %and3A_174, %div3A_198, %broadcast_in_dim3A_200 : vector<1x1536xi1>, vector<1x1536xf32>
      %swap3A_202 = arith.constant 0 : index
      %swap3A_203 = arith.constant 0 : index
      %swap3A_204 = vector.load %arg17[%swap3A_202, %swap3A_203] : memref<1x1536xf32, #tpu.memory_space<vmem>>, vector<1x1536xf32>
      tpu.vector_store %arg17[%swap3A_202, %swap3A_203], %select_n3A_201 {strides = array<i32>} : memref<1x1536xf32, #tpu.memory_space<vmem>>, vector<1x1536xf32>,
      %jit3A_205 = arith.constant 1.000000e+00 : f32
      %jit3A_206 = arith.constant -1.000000e+00 : f32
      %broadcast_in_dim3A_207 = vector.broadcast %jit3A_205 : f32 to vector<1x1536xf32>
      %broadcast_in_dim3A_208 = vector.broadcast %jit3A_206 : f32 to vector<1x1536xf32>
      %select_n3A_209 = arith.select %and3A_174, %broadcast_in_dim3A_207, %broadcast_in_dim3A_208 : vector<1x1536xi1>, vector<1x1536xf32>
      %swap3A_210 = arith.constant 0 : index
      %swap3A_211 = arith.constant 0 : index
      %swap3A_212 = vector.load %arg18[%swap3A_210, %swap3A_211] : memref<1x1536xf32, #tpu.memory_space<vmem>>, vector<1x1536xf32>
      tpu.vector_store %arg18[%swap3A_210, %swap3A_211], %select_n3A_209 {strides = array<i32>} : memref<1x1536xf32, #tpu.memory_space<vmem>>, vector<1x1536xf32>,
      %sub3A_213 = arith.constant 1.000000e+00 : f32
      %sub3A_214 = vector.broadcast %sub3A_213 : f32 to vector<1x1536xf32>
      %sub3A_215 = arith.subf %sub3A_214, %max3A_132 : vector<1x1536xf32>
      %jit3A_216 = arith.constant 0.000000e+00 : f32
      %broadcast_in_dim3A_217 = vector.broadcast %jit3A_216 : f32 to vector<1x1536xf32>
      %select_n3A_218 = arith.select %and3A_174, %sub3A_215, %broadcast_in_dim3A_217 : vector<1x1536xi1>, vector<1x1536xf32>
      %reduce_sum3A_219 = vector.shape_cast %select_n3A_218 : vector<1x1536xf32> to vector<1x1x1536xf32>
      %reduce_sum3A_220 = arith.constant dense<0.000000e+00> : vector<1xf32>
      %reduce_sum3A_221 = vector.multi_reduction <add>, %reduce_sum3A_219, %reduce_sum3A_220 [1, 2] : vector<1x1x1536xf32> to vector<1xf32>
      %reduce_sum3A_222 = vector.shape_cast %reduce_sum3A_221 : vector<1xf32> to vector<1x1x1xf32>
      %reduce_sum3A_223 = vector.extract %reduce_sum3A_222[0, 0, 0] : f32 from vector<1x1x1xf32>
      %div3A_224 = arith.divf %reduce_sum3A_223, %reduce_sum3A_181 : f32
      %swap3A_225 = arith.constant 0 : index
      %swap3A_226 = memref.load %arg23[%swap3A_225] : memref<2xf32, #tpu.memory_space<smem>>
      memref.store %div3A_224, %arg23[%swap3A_225] : memref<2xf32, #tpu.memory_space<smem>>
      %get3A_227 = arith.constant 0 : index
      %get3A_228 = arith.constant 0 : index
      %get3A_229 = memref.load %arg8[%get3A_227, %get3A_228] : memref<2x16xf32, #tpu.memory_space<smem>>
      %get3A_230 = arith.constant 1 : index
      %get3A_231 = arith.constant 0 : index
      %get3A_232 = memref.load %arg8[%get3A_230, %get3A_231] : memref<2x16xf32, #tpu.memory_space<smem>>
      %add3A_233 = arith.addf %get3A_229, %get3A_232 : f32
      %get3A_234 = arith.constant 0 : index
      %get3A_235 = arith.constant 1 : index
      %get3A_236 = memref.load %arg8[%get3A_234, %get3A_235] : memref<2x16xf32, #tpu.memory_space<smem>>
      %get3A_237 = arith.constant 1 : index
      %get3A_238 = arith.constant 1 : index
      %get3A_239 = memref.load %arg8[%get3A_237, %get3A_238] : memref<2x16xf32, #tpu.memory_space<smem>>
      %add3A_240 = arith.addf %get3A_236, %get3A_239 : f32
      %div3A_241 = arith.divf %add3A_233, %add3A_240 : f32
      %swap3A_242 = arith.constant 1 : index
      %swap3A_243 = memref.load %arg23[%swap3A_242] : memref<2xf32, #tpu.memory_space<smem>>
      memref.store %div3A_241, %arg23[%swap3A_242] : memref<2xf32, #tpu.memory_space<smem>>
      %broadcast_in_dim3A_244 = arith.constant 0.000000e+00 : f32
      %broadcast_in_dim3A_245 = vector.broadcast %broadcast_in_dim3A_244 : f32 to vector<1x1536xf32>
      %swap3A_246 = arith.constant 0 : index
      %swap3A_247 = arith.constant 0 : index
      %swap3A_248 = vector.load %arg20[%swap3A_246, %swap3A_247] : memref<1x1536xf32, #tpu.memory_space<vmem>>, vector<1x1536xf32>
      tpu.vector_store %arg20[%swap3A_246, %swap3A_247], %broadcast_in_dim3A_245 {strides = array<i32>} : memref<1x1536xf32, #tpu.memory_space<vmem>>, vector<1x1536xf32>,
      %broadcast_in_dim3A_249 = arith.constant 0.000000e+00 : f32
      %broadcast_in_dim3A_250 = vector.broadcast %broadcast_in_dim3A_249 : f32 to vector<1x1536xf32>
      %swap3A_251 = arith.constant 0 : index
      %swap3A_252 = arith.constant 0 : index
      %swap3A_253 = vector.load %arg21[%swap3A_251, %swap3A_252] : memref<1x1536xf32, #tpu.memory_space<vmem>>, vector<1x1536xf32>
      tpu.vector_store %arg21[%swap3A_251, %swap3A_252], %broadcast_in_dim3A_250 {strides = array<i32>} : memref<1x1536xf32, #tpu.memory_space<vmem>>, vector<1x1536xf32>,
      %broadcast_in_dim3A_254 = arith.constant 0 : i32
      %broadcast_in_dim3A_255 = vector.broadcast %broadcast_in_dim3A_254 : i32 to vector<1x1536xi32>
      %swap3A_256 = arith.constant 0 : index
      %swap3A_257 = arith.constant 0 : index
      %swap3A_258 = vector.load %arg22[%swap3A_256, %swap3A_257] : memref<1x1536xi32, #tpu.memory_space<vmem>>, vector<1x1536xi32>
      tpu.vector_store %arg22[%swap3A_256, %swap3A_257], %broadcast_in_dim3A_255 {strides = array<i32>} : memref<1x1536xi32, #tpu.memory_space<vmem>>, vector<1x1536xi32>,
    } else {
    }
    %get3A = arith.constant 0 : index
    %get3A_2 = arith.constant 0 : index
    %get3A_3 = vector.load %arg3[%get3A, %get3A_2] : memref<2000x1xi32, #tpu.memory_space<vmem>>, vector<2000x1xi32>
    %get3A_4 = arith.constant 0 : index
    %get3A_5 = arith.constant 0 : index
    %get3A_6 = vector.load %arg2[%get3A_4, %get3A_5] : memref<2000x1xf32, #tpu.memory_space<vmem>>, vector<2000x1xf32>
    %log1p3A = math.log1p %get3A_6 : vector<2000x1xf32>
    %neg3A = arith.constant 0.000000e+00 : f32
    %neg3A_7 = vector.broadcast %neg3A : f32 to vector<2000x1xf32>
    %neg3A_8 = arith.subf %neg3A_7, %get3A_6 : vector<2000x1xf32>
    %log1p3A_9 = math.log1p %neg3A_8 : vector<2000x1xf32>
    %sub3A = arith.subf %log1p3A, %log1p3A_9 : vector<2000x1xf32>
    %mul3A = arith.constant 5.000000e-01 : f32
    %mul3A_10 = vector.broadcast %mul3A : f32 to vector<2000x1xf32>
    %mul3A_11 = arith.mulf %mul3A_10, %sub3A : vector<2000x1xf32>
    %mul3A_12 = arith.mulf %mul3A_11, %mul3A_11 : vector<2000x1xf32>
    %add3A = arith.constant 0.00999999977 : f32
    %add3A_13 = vector.broadcast %add3A : f32 to vector<2000x1xf32>
    %add3A_14 = arith.addf %mul3A_12, %add3A_13 : vector<2000x1xf32>
    %get3A_15 = arith.constant 0 : index
    %get3A_16 = arith.constant 0 : index
    %get3A_17 = vector.load %arg1[%get3A_15, %get3A_16] : memref<2000x8xf32, #tpu.memory_space<vmem>>, vector<2000x8xf32>
    %mul3A_18 = arith.mulf %get3A_17, %get3A_17 : vector<2000x8xf32>
    %reduce_sum3A = arith.constant dense<0.000000e+00> : vector<2000xf32>
    %reduce_sum3A_19 = vector.multi_reduction <add>, %mul3A_18, %reduce_sum3A [1] : vector<2000x8xf32> to vector<2000xf32>
    %broadcast_in_dim3A = vector.shape_cast %reduce_sum3A_19 : vector<2000xf32> to vector<2000x1xf32>
    %mul3A_20 = arith.constant -2.000000e+00 : f32
    %mul3A_21 = vector.broadcast %mul3A_20 : f32 to vector<2000x8xf32>
    %mul3A_22 = arith.mulf %mul3A_21, %get3A_17 : vector<2000x8xf32>
    %get3A_23 = arith.constant 0 : index
    %get3A_24 = arith.constant 0 : index
    %get3A_25 = vector.load %arg15[%get3A_23, %get3A_24] : memref<9x1536xf32, #tpu.memory_space<vmem>>, vector<8x1536xf32>
    %dot_general3A = arith.constant dense<0.000000e+00> : vector<2000x1536xf32>
    %dot_general3A_26 = tpu.matmul %mul3A_22, %get3A_25, %dot_general3A {dimension_numbers = #tpu.dot_dimension_numbers<[1], [0], [0], [1], [0, 0, 1, 1], [], []>, transpose_lhs_hint = false} : vector<2000x8xf32>, vector<8x1536xf32>, vector<2000x1536xf32> -> vector<2000x1536xf32>
    %get3A_27 = arith.constant 8 : index
    %get3A_28 = arith.constant 0 : index
    %get3A_29 = vector.load %arg15[%get3A_27, %get3A_28] : memref<9x1536xf32, #tpu.memory_space<vmem>>, vector<1x1536xf32>
    %add3A_30 = vector.broadcast %broadcast_in_dim3A : vector<2000x1xf32> to vector<2000x1536xf32>
    %add3A_31 = vector.broadcast %get3A_29 : vector<1x1536xf32> to vector<2000x1536xf32>
    %add3A_32 = arith.addf %add3A_30, %add3A_31 : vector<2000x1536xf32>
    %add3A_33 = arith.addf %add3A_32, %dot_general3A_26 : vector<2000x1536xf32>
    %max3A = arith.constant 0.000000e+00 : f32
    %max3A_34 = vector.broadcast %max3A : f32 to vector<2000x1536xf32>
    %max3A_35 = arith.maximumf %add3A_33, %max3A_34 : vector<2000x1536xf32>
    %get3A_36 = arith.constant 0 : index
    %get3A_37 = arith.constant 0 : index
    %get3A_38 = vector.load %arg19[%get3A_36, %get3A_37] : memref<1x1536xi32, #tpu.memory_space<vmem>>, vector<1x1536xi32>
    %eq3A_39 = vector.broadcast %get3A_3 : vector<2000x1xi32> to vector<2000x1536xi32>
    %eq3A_40 = vector.broadcast %get3A_38 : vector<1x1536xi32> to vector<2000x1536xi32>
    %eq3A_41 = arith.cmpi eq, %eq3A_39, %eq3A_40 : vector<2000x1536xi32>
    %get3A_42 = arith.constant 0 : index
    %get3A_43 = arith.constant 0 : index
    %get3A_44 = vector.load %arg20[%get3A_42, %get3A_43] : memref<1x1536xf32, #tpu.memory_space<vmem>>, vector<1x1536xf32>
    %get3A_45 = arith.constant 0 : index
    %get3A_46 = arith.constant 0 : index
    %get3A_47 = vector.load %arg16[%get3A_45, %get3A_46] : memref<1x1536xf32, #tpu.memory_space<vmem>>, vector<1x1536xf32>
    %mul3A_48 = vector.broadcast %add3A_14 : vector<2000x1xf32> to vector<2000x1536xf32>
    %mul3A_49 = vector.broadcast %get3A_47 : vector<1x1536xf32> to vector<2000x1536xf32>
    %mul3A_50 = arith.mulf %mul3A_48, %mul3A_49 : vector<2000x1536xf32>
    %mul3A_51 = arith.mulf %mul3A_50, %max3A_35 : vector<2000x1536xf32>
    %jit3A = arith.constant 0.000000e+00 : f32
    %broadcast_in_dim3A_52 = vector.broadcast %jit3A : f32 to vector<2000x1536xf32>
    %select_n3A = arith.select %eq3A_41, %mul3A_51, %broadcast_in_dim3A_52 : vector<2000x1536xi1>, vector<2000x1536xf32>
    %reduce_sum3A_53 = arith.constant dense<0.000000e+00> : vector<1536xf32>
    %reduce_sum3A_54 = vector.multi_reduction <add>, %select_n3A, %reduce_sum3A_53 [0] : vector<2000x1536xf32> to vector<1536xf32>
    %broadcast_in_dim3A_55 = vector.shape_cast %reduce_sum3A_54 : vector<1536xf32> to vector<1x1536xf32>
    %add3A_56 = arith.addf %get3A_44, %broadcast_in_dim3A_55 : vector<1x1536xf32>
    %swap3A = arith.constant 0 : index
    %swap3A_57 = arith.constant 0 : index
    %swap3A_58 = vector.load %arg20[%swap3A, %swap3A_57] : memref<1x1536xf32, #tpu.memory_space<vmem>>, vector<1x1536xf32>
    tpu.vector_store %arg20[%swap3A, %swap3A_57], %add3A_56 {strides = array<i32>} : memref<1x1536xf32, #tpu.memory_space<vmem>>, vector<1x1536xf32>,
    %get3A_59 = arith.constant 0 : index
    %get3A_60 = arith.constant 0 : index
    %get3A_61 = vector.load %arg18[%get3A_59, %get3A_60] : memref<1x1536xf32, #tpu.memory_space<vmem>>, vector<1x1536xf32>
    %lt3A = vector.broadcast %get3A_61 : vector<1x1536xf32> to vector<2000x1536xf32>
    %lt3A_62 = arith.cmpf olt, %max3A_35, %lt3A : vector<2000x1536xf32>
    %not3A = arith.constant dense<true> : vector<2000x1536xi1>
    %not3A_63 = arith.xori %eq3A_41, %not3A : vector<2000x1536xi1>
    %and3A = arith.andi %lt3A_62, %not3A_63 : vector<2000x1536xi1>
    %max3A_64 = arith.constant 9.99999996E-13 : f32
    %max3A_65 = vector.broadcast %max3A_64 : f32 to vector<2000x1536xf32>
    %max3A_66 = arith.maximumf %max3A_35, %max3A_65 : vector<2000x1536xf32>
    %rsqrt3A = math.rsqrt %max3A_66 : vector<2000x1536xf32>
    %mul3A_67 = arith.mulf %max3A_66, %rsqrt3A : vector<2000x1536xf32>
    %get3A_68 = arith.constant 0 : index
    %get3A_69 = arith.constant 0 : index
    %get3A_70 = vector.load %arg21[%get3A_68, %get3A_69] : memref<1x1536xf32, #tpu.memory_space<vmem>>, vector<1x1536xf32>
    %get3A_71 = arith.constant 0 : index
    %get3A_72 = arith.constant 0 : index
    %get3A_73 = vector.load %arg17[%get3A_71, %get3A_72] : memref<1x1536xf32, #tpu.memory_space<vmem>>, vector<1x1536xf32>
    %mul3A_74 = vector.broadcast %add3A_14 : vector<2000x1xf32> to vector<2000x1536xf32>
    %mul3A_75 = vector.broadcast %get3A_73 : vector<1x1536xf32> to vector<2000x1536xf32>
    %mul3A_76 = arith.mulf %mul3A_74, %mul3A_75 : vector<2000x1536xf32>
    %sub3A_77 = arith.constant 1.000000e+00 : f32
    %sub3A_78 = vector.broadcast %sub3A_77 : f32 to vector<2000x1536xf32>
    %sub3A_79 = arith.subf %sub3A_78, %mul3A_67 : vector<2000x1536xf32>
    %mul3A_80 = arith.mulf %mul3A_76, %sub3A_79 : vector<2000x1536xf32>
    %jit3A_81 = arith.constant 0.000000e+00 : f32
    %broadcast_in_dim3A_82 = vector.broadcast %jit3A_81 : f32 to vector<2000x1536xf32>
    %select_n3A_83 = arith.select %and3A, %mul3A_80, %broadcast_in_dim3A_82 : vector<2000x1536xi1>, vector<2000x1536xf32>
    %reduce_sum3A_84 = arith.constant dense<0.000000e+00> : vector<1536xf32>
    %reduce_sum3A_85 = vector.multi_reduction <add>, %select_n3A_83, %reduce_sum3A_84 [0] : vector<2000x1536xf32> to vector<1536xf32>
    %broadcast_in_dim3A_86 = vector.shape_cast %reduce_sum3A_85 : vector<1536xf32> to vector<1x1536xf32>
    %add3A_87 = arith.addf %get3A_70, %broadcast_in_dim3A_86 : vector<1x1536xf32>
    %swap3A_88 = arith.constant 0 : index
    %swap3A_89 = arith.constant 0 : index
    %swap3A_90 = vector.load %arg21[%swap3A_88, %swap3A_89] : memref<1x1536xf32, #tpu.memory_space<vmem>>, vector<1x1536xf32>
    tpu.vector_store %arg21[%swap3A_88, %swap3A_89], %add3A_87 {strides = array<i32>} : memref<1x1536xf32, #tpu.memory_space<vmem>>, vector<1x1536xf32>,
    %get3A_91 = arith.constant 0 : index
    %get3A_92 = arith.constant 0 : index
    %get3A_93 = vector.load %arg22[%get3A_91, %get3A_92] : memref<1x1536xi32, #tpu.memory_space<vmem>>, vector<1x1536xi32>
    %convert_element_type3A_94 = arith.extui %and3A : vector<2000x1536xi1> to vector<2000x1536xi32>
    %reduce_sum3A_95 = arith.constant dense<0> : vector<1536xi32>
    %reduce_sum3A_96 = vector.multi_reduction <add>, %convert_element_type3A_94, %reduce_sum3A_95 [0] : vector<2000x1536xi32> to vector<1536xi32>
    %broadcast_in_dim3A_97 = vector.shape_cast %reduce_sum3A_96 : vector<1536xi32> to vector<1x1536xi32>
    %add3A_98 = arith.addi %get3A_93, %broadcast_in_dim3A_97 : vector<1x1536xi32>
    %swap3A_99 = arith.constant 0 : index
    %swap3A_100 = arith.constant 0 : index
    %swap3A_101 = vector.load %arg22[%swap3A_99, %swap3A_100] : memref<1x1536xi32, #tpu.memory_space<vmem>>, vector<1x1536xi32>
    tpu.vector_store %arg22[%swap3A_99, %swap3A_100], %add3A_98 {strides = array<i32>} : memref<1x1536xi32, #tpu.memory_space<vmem>>, vector<1x1536xi32>,
    %eq3A_102 = arith.constant 9 : i32
    %eq3A_103 = arith.cmpi eq, %arg0, %eq3A_102 : i32
    %convert_element_type3A_104 = arith.extui %eq3A_103 : i1 to i32
    %cond3A_105 = arith.constant 0 : i32
    %cond3A_106 = arith.cmpi ne, %convert_element_type3A_104, %cond3A_105 : i32
    scf.if %cond3A_106 {
      %get3A_107 = arith.constant 0 : index
      %get3A_108 = arith.constant 0 : index
      %get3A_109 = vector.load %arg20[%get3A_107, %get3A_108] : memref<1x1536xf32, #tpu.memory_space<vmem>>, vector<1x1536xf32>
      %reduce_sum3A_110 = vector.shape_cast %get3A_109 : vector<1x1536xf32> to vector<1x1x1536xf32>
      %reduce_sum3A_111 = arith.constant dense<0.000000e+00> : vector<1xf32>
      %reduce_sum3A_112 = vector.multi_reduction <add>, %reduce_sum3A_110, %reduce_sum3A_111 [1, 2] : vector<1x1x1536xf32> to vector<1xf32>
      %reduce_sum3A_113 = vector.shape_cast %reduce_sum3A_112 : vector<1xf32> to vector<1x1x1xf32>
      %reduce_sum3A_114 = vector.extract %reduce_sum3A_113[0, 0, 0] : f32 from vector<1x1x1xf32>
      %get3A_115 = arith.constant 0 : index
      %get3A_116 = arith.constant 0 : index
      %get3A_117 = vector.load %arg21[%get3A_115, %get3A_116] : memref<1x1536xf32, #tpu.memory_space<vmem>>, vector<1x1536xf32>
      %reduce_sum3A_118 = vector.shape_cast %get3A_117 : vector<1x1536xf32> to vector<1x1x1536xf32>
      %reduce_sum3A_119 = arith.constant dense<0.000000e+00> : vector<1xf32>
      %reduce_sum3A_120 = vector.multi_reduction <add>, %reduce_sum3A_118, %reduce_sum3A_119 [1, 2] : vector<1x1x1536xf32> to vector<1xf32>
      %reduce_sum3A_121 = vector.shape_cast %reduce_sum3A_120 : vector<1xf32> to vector<1x1x1xf32>
      %reduce_sum3A_122 = vector.extract %reduce_sum3A_121[0, 0, 0] : f32 from vector<1x1x1xf32>
      %get3A_123 = arith.constant 0 : index
      %get3A_124 = arith.constant 0 : index
      %get3A_125 = vector.load %arg22[%get3A_123, %get3A_124] : memref<1x1536xi32, #tpu.memory_space<vmem>>, vector<1x1536xi32>
      %reduce_sum3A_126 = vector.shape_cast %get3A_125 : vector<1x1536xi32> to vector<1x1x1536xi32>
      %reduce_sum3A_127 = arith.constant dense<0> : vector<1xi32>
      %reduce_sum3A_128 = vector.multi_reduction <add>, %reduce_sum3A_126, %reduce_sum3A_127 [1, 2] : vector<1x1x1536xi32> to vector<1xi32>
      %reduce_sum3A_129 = vector.shape_cast %reduce_sum3A_128 : vector<1xi32> to vector<1x1x1xi32>
      %reduce_sum3A_130 = vector.extract %reduce_sum3A_129[0, 0, 0] : i32 from vector<1x1x1xi32>
      %convert_element_type3A_131 = arith.sitofp %reduce_sum3A_130 : i32 to f32
      %get3A_132 = arith.constant 0 : index
      %get3A_133 = memref.load %arg23[%get3A_132] : memref<2xf32, #tpu.memory_space<smem>>
      %get3A_134 = arith.constant 1 : index
      %get3A_135 = memref.load %arg23[%get3A_134] : memref<2xf32, #tpu.memory_space<smem>>
      %add3A_136 = arith.addf %reduce_sum3A_114, %reduce_sum3A_122 : f32
      %add3A_137 = arith.addf %add3A_136, %get3A_133 : f32
      %ne3A = arith.cmpf one, %get3A_135, %get3A_135 : f32
      %jit3A_138 = arith.constant 0.000000e+00 : f32
      %select_n3A_139 = arith.select %ne3A, %jit3A_138, %get3A_135 : f32
      %mul3A_140 = arith.constant 1.000000e-01 : f32
      %mul3A_141 = arith.mulf %select_n3A_139, %mul3A_140 : f32
      %add3A_142 = arith.addf %add3A_137, %mul3A_141 : f32
      %reshape3A = vector.broadcast %add3A_142 : f32 to vector<1x1xf32>
      %swap3A_143 = arith.constant 0 : index
      %swap3A_144 = arith.constant 0 : index
      %swap3A_145 = vector.load %arg9[%swap3A_143, %swap3A_144] : memref<1x1xf32, #tpu.memory_space<vmem>>, vector<1x1xf32>
      tpu.vector_store %arg9[%swap3A_143, %swap3A_144], %reshape3A {strides = array<i32>} : memref<1x1xf32, #tpu.memory_space<vmem>>, vector<1x1xf32>,
      %reshape3A_146 = vector.broadcast %reduce_sum3A_114 : f32 to vector<1x1xf32>
      %swap3A_147 = arith.constant 0 : index
      %swap3A_148 = arith.constant 0 : index
      %swap3A_149 = vector.load %arg10[%swap3A_147, %swap3A_148] : memref<1x1xf32, #tpu.memory_space<vmem>>, vector<1x1xf32>
      tpu.vector_store %arg10[%swap3A_147, %swap3A_148], %reshape3A_146 {strides = array<i32>} : memref<1x1xf32, #tpu.memory_space<vmem>>, vector<1x1xf32>,
      %reshape3A_150 = vector.broadcast %reduce_sum3A_122 : f32 to vector<1x1xf32>
      %swap3A_151 = arith.constant 0 : index
      %swap3A_152 = arith.constant 0 : index
      %swap3A_153 = vector.load %arg11[%swap3A_151, %swap3A_152] : memref<1x1xf32, #tpu.memory_space<vmem>>, vector<1x1xf32>
      tpu.vector_store %arg11[%swap3A_151, %swap3A_152], %reshape3A_150 {strides = array<i32>} : memref<1x1xf32, #tpu.memory_space<vmem>>, vector<1x1xf32>,
      %broadcast_in_dim3A_154 = vector.broadcast %get3A_133 : f32 to vector<1x1xf32>
      %swap3A_155 = arith.constant 0 : index
      %swap3A_156 = arith.constant 0 : index
      %swap3A_157 = vector.load %arg12[%swap3A_155, %swap3A_156] : memref<1x1xf32, #tpu.memory_space<vmem>>, vector<1x1xf32>
      tpu.vector_store %arg12[%swap3A_155, %swap3A_156], %broadcast_in_dim3A_154 {strides = array<i32>} : memref<1x1xf32, #tpu.memory_space<vmem>>, vector<1x1xf32>,
      %broadcast_in_dim3A_158 = vector.broadcast %get3A_135 : f32 to vector<1x1xf32>
      %swap3A_159 = arith.constant 0 : index
      %swap3A_160 = arith.constant 0 : index
      %swap3A_161 = vector.load %arg13[%swap3A_159, %swap3A_160] : memref<1x1xf32, #tpu.memory_space<vmem>>, vector<1x1xf32>
      tpu.vector_store %arg13[%swap3A_159, %swap3A_160], %broadcast_in_dim3A_158 {strides = array<i32>} : memref<1x1xf32, #tpu.memory_space<vmem>>, vector<1x1xf32>,
      %reshape3A_162 = vector.broadcast %convert_element_type3A_131 : f32 to vector<1x1xf32>
      %swap3A_163 = arith.constant 0 : index
      %swap3A_164 = arith.constant 0 : index
      %swap3A_165 = vector.load %arg14[%swap3A_163, %swap3A_164] : memref<1x1xf32, #tpu.memory_space<vmem>>, vector<1x1xf32>
      tpu.vector_store %arg14[%swap3A_163, %swap3A_164], %reshape3A_162 {strides = array<i32>} : memref<1x1xf32, #tpu.memory_space<vmem>>, vector<1x1xf32>,
    } else {
    }
    return
  }
  func.func @transform_0(%arg0: i32) -> (i32, i32) {
    %c0_i32 = arith.constant 0 : i32
    %c0_i32_0 = arith.constant 0 : i32
    return %arg0, %c0_i32 : i32, i32
  }
  func.func @transform_1(%arg0: i32) -> (i32, i32) {
    %c0_i32 = arith.constant 0 : i32
    %c0_i32_0 = arith.constant 0 : i32
    return %arg0, %c0_i32 : i32, i32
  }
  func.func @transform_2(%arg0: i32) -> (i32, i32) {
    %c0_i32 = arith.constant 0 : i32
    %c0_i32_0 = arith.constant 0 : i32
    return %arg0, %c0_i32 : i32, i32
  }
  func.func @transform_3(%arg0: i32) -> (i32, i32) {
    %c0_i32 = arith.constant 0 : i32
    %c0_i32_0 = arith.constant 0 : i32
    %c0_i32_1 = arith.constant 0 : i32
    return %c0_i32, %c0_i32_0 : i32, i32
  }
  func.func @transform_4(%arg0: i32) -> (i32, i32) {
    %c0_i32 = arith.constant 0 : i32
    %c0_i32_0 = arith.constant 0 : i32
    %c0_i32_1 = arith.constant 0 : i32
    return %c0_i32, %c0_i32_0 : i32, i32
  }
  func.func @transform_5(%arg0: i32) -> (i32, i32) {
    %c0_i32 = arith.constant 0 : i32
    %c0_i32_0 = arith.constant 0 : i32
    %c0_i32_1 = arith.constant 0 : i32
    return %c0_i32, %c0_i32_0 : i32, i32
  }
  func.func @transform_6(%arg0: i32) -> (i32, i32) {
    %c0_i32 = arith.constant 0 : i32
    %c0_i32_0 = arith.constant 0 : i32
    %c0_i32_1 = arith.constant 0 : i32
    return %c0_i32, %c0_i32_0 : i32, i32
  }
  func.func @transform_7(%arg0: i32) -> (i32, i32) {
    %c0_i32 = arith.constant 0 : i32
    %c0_i32_0 = arith.constant 0 : i32
    %c0_i32_1 = arith.constant 0 : i32
    return %c0_i32, %c0_i32_0 : i32, i32
  }
  func.func @transform_8(%arg0: i32) -> (i32, i32) {
    %c0_i32 = arith.constant 0 : i32
    %c0_i32_0 = arith.constant 0 : i32
    %c0_i32_1 = arith.constant 0 : i32
    return %c0_i32, %c0_i32_0 : i32, i32
  }
  func.func @transform_9(%arg0: i32) -> (i32, i32) {
    %c0_i32 = arith.constant 0 : i32
    %c0_i32_0 = arith.constant 0 : i32
    %c0_i32_1 = arith.constant 0 : i32
    return %c0_i32, %c0_i32_0 : i32, i32
  }
  func.func @transform_10(%arg0: i32) -> (i32, i32) {
    %c0_i32 = arith.constant 0 : i32
    %c0_i32_0 = arith.constant 0 : i32
    %c0_i32_1 = arith.constant 0 : i32
    return %c0_i32, %c0_i32_0 : i32, i32
  }
  func.func @transform_11(%arg0: i32) -> (i32, i32) {
    %c0_i32 = arith.constant 0 : i32
    %c0_i32_0 = arith.constant 0 : i32
    %c0_i32_1 = arith.constant 0 : i32
    return %c0_i32, %c0_i32_0 : i32, i32
  }
  func.func @transform_12(%arg0: i32) -> (i32, i32) {
    %c0_i32 = arith.constant 0 : i32
    %c0_i32_0 = arith.constant 0 : i32
    %c0_i32_1 = arith.constant 0 : i32
    return %c0_i32, %c0_i32_0 : i32, i32
  }
  func.func @transform_13(%arg0: i32) -> (i32, i32) {
    %c0_i32 = arith.constant 0 : i32
    %c0_i32_0 = arith.constant 0 : i32
    %c0_i32_1 = arith.constant 0 : i32
    return %c0_i32, %c0_i32_0 : i32, i32
  }
}

</mosaic_0001>

<sc_bundles>
// kernel: kernel.4.cloned.1.call-start
scs
__scs_entry_jumppad:
0x0: {  	(pc) =	sbr.rel $0x88, $3  }
0x1: {  	(tag) =	ssettag $0x0;
	lr =	simm.s32 $0x1  }
0x2: {  	[smem:$0x3F9E] =	sst lr;
	_ =	strace $0xD0000000  }
0x3: {  	_ = 	snop  }
0x4: {  	_ = 	snop  }
0x5: {  	_ = 	snop  }
0x6: {  	_ = 	snop  }
0x7: {  	_ = 	snop  }
__scs_overlays_trampoline_lowered:
0x8: {  	[smem:$0x3FAD] =	sst s0  }
0x9: {  	[smem:$0x3FAE] =	sst s1  }
0xa: {  	[smem:$0x3FAF] =	sst s2  }
0xb: {  	[smem:$0x3FB0] =	sst s3  }
0xc: {  	[smem:$0x3FB1] =	sst s4  }
0xd: {  	[smem:$0x3FB2] =	sst s5  }
0xe: {  	[smem:$0x3FB3] =	sst s6  }
0xf: {  	[smem:$0x3FB4] =	sst s7  }
0x10: {  	[smem:$0x3FB5] =	sst s8  }
0x11: {  	[smem:$0x3FB6] =	sst s9;
	s0 =	simm.s32 @!p0 $0x0  }
0x12: {  	s1 =	sld [smem:$0x3F9C];
	s0 =	simm.s32 @p0 $0x1  }
0x13: {  	[smem:$0x3FB7] =	sst s0;
	s0 =	simm.s32 @!p1 $0x0  }
0x14: {  	s2 =	sld [smem:$0x3F9B];
	s0 =	simm.s32 @p1 $0x1  }
0x15: {  	[smem:$0x3FB8] =	sst s0;
	s0 =	simm.s32 @!p2 $0x0  }
0x16: {  	s3 =	sld [smem:$0x3FDB];
	s0 =	simm.s32 @p2 $0x1  }
0x17: {  	s4 =	simm.s32 $0x1BF5;
	[smem:$0x3FBA] =	sst s0  }
0x18: {  	s0 =	sld [smem:$0x3F9D];
	_ =	swait.ge [sflag:s4], $0x0  }
0x19: {  	s7 =	sld [smem:$0x3F9E]  }
0x1a: {  	s8 =	sadd.s32 $0xFFFFE003, lr  }
0x1b: {  	s9 =	sadd.s32 $0xFFFFFEF7, lr;
	s5 =	simm.s32 $0xFFFFFFFF;
	p2 =	slt.u32 s8, $0xFFFFF086  }
0x1c: {  	p1 =	slt.u32 s9, $0xF7A;
	s5 =	simm.s32 @!p2 $0x0  }
0x1d: {  	s5 =	simm.s32 @p1 $0x1;
	p0 =	seq.s32 s7, s2  }
0x1e: {  	s7 =	smul.u32 @!p0 $0xF7A, s2;
	p2 =	seq.s32 @!p0 s5, $0x0  }
0x1f: {  	s9 =	smul.u32 $0xF7A, s1;
	s8 =	simm.s32 @!p0 $0x1BF5;
	p2 =	por !p2, p0  }
0x20: {  	[sflag:s8] =	ssyncset.s32 @!p0 $0xFFFFF086;
	s6 =	sadd.s32 @!p0 s3, s7;
	s7 =	simm.s32 @!p0 $0x108  }
0x21: {  	s3 =	sadd.s32 s3, s9;
	s6 =	sadd.s32 @!p0 $0x88, s6;
	s7 =	simm.s32 @p2 $0x1082  }
0x22: {  	[simem:s7], [sflag:s8] =	dma.local @!p0 [hbm:s6], $0xF7A  }
0x23: {  	s9 =	sor.u32 $0xD0000000, s2;
	s6 =	simm.s32 $0x108;
	_ =	swait.ge @!p0 [sflag:s8], $0x0  }
0x24: {  	s3 =	sadd.s32 $0x88, s3;
	s6 =	simm.s32 @!p1 $0x1082;
	[sflag:s4] =	ssyncset.s32 $0xFFFFF086  }
0x25: {  	[simem:s6], [sflag:s4] =	dma.local [hbm:s3], $0xF7A  }
0x26: {  	[smem:$0x3F9E] =	sst s1;
	(tag) =	ssettag s2;
	_ =	strace s9  }
0x27: {  	s1 =	sld [smem:$0x3FAE]  }
0x28: {  	s2 =	sld [smem:$0x3FAF]  }
0x29: {  	s4 =	sld [smem:$0x3FB1]  }
0x2a: {  	p0 =	seq.s32 s5, $0x0;
	s5 =	sld [smem:$0x3FB2]  }
0x2b: {  	s6 =	sld [smem:$0x3FB3]  }
0x2c: {  	s7 =	sld [smem:$0x3FB4]  }
0x2d: {  	s3 =	simm.s32 $0x108;
	s8 =	sld [smem:$0x3FB5]  }
0x2e: {  	s3 =	simm.s32 @!p0 $0x1082;
	s9 =	sld [smem:$0x3FB6]  }
0x2f: {  	lr =	sadd.s32 s0, s3;
	s0 =	sld [smem:$0x3FAD]  }
0x30: {  	s3 =	sld [smem:$0x3FB0]  }
0x31: {  	[smem:$0x3FB9] =	sst s10  }
0x32: {  	s10 =	sld [smem:$0x3FB7];
	_ =	sdelay $0x3  }
0x33: {  	p0 =	seq.s32 s10, $0x1;
	s10 =	sld [smem:$0x3FB9];
	_ =	sdelay $0x3  }
0x34: {  	[smem:$0x3FB9] =	sst s10  }
0x35: {  	s10 =	sld [smem:$0x3FB8];
	_ =	sdelay $0x3  }
0x36: {  	p1 =	seq.s32 s10, $0x1;
	s10 =	sld [smem:$0x3FB9];
	_ =	sdelay $0x3  }
0x37: {  	[smem:$0x3FB9] =	sst s10  }
0x38: {  	s10 =	sld [smem:$0x3FBA]  }
0x39: {  	_ = 	snop;
	(pc) =	sbr.ind lr, $3  }
0x3a: {  	_ = 	snop  }
0x3b: {  	_ = 	snop  }
0x3c: {  	p2 =	seq.s32 s10, $0x1;
	s10 =	sld [smem:$0x3FB9]  }
0x3d: {  	_ =	shalt  }
0x3e: {  	_ =	shalt  }
0x3f: {  	_ =	shalt  }
0x40: {  	_ =	shalt  }
0x41: {  	_ =	shalt  }
0x42: {  	_ =	shalt  }
0x43: {  	_ =	shalt  }
0x44: {  	_ =	shalt  }
0x45: {  	_ =	shalt  }
0x46: {  	_ =	shalt  }
0x47: {  	_ =	shalt  }
0x48: {  	_ =	shalt  }
0x49: {  	_ =	shalt  }
0x4a: {  	_ =	shalt  }
0x4b: {  	_ =	shalt  }
0x4c: {  	_ =	shalt  }
0x4d: {  	_ =	shalt  }
0x4e: {  	_ =	shalt  }
0x4f: {  	_ =	shalt  }
0x50: {  	_ =	shalt  }
0x51: {  	_ =	shalt  }
0x52: {  	_ =	shalt  }
0x53: {  	_ =	shalt  }
0x54: {  	_ =	shalt  }
0x55: {  	_ =	shalt  }
0x56: {  	_ =	shalt  }
0x57: {  	_ =	shalt  }
0x58: {  	_ =	shalt  }
0x59: {  	_ =	shalt  }
0x5a: {  	_ =	shalt  }
0x5b: {  	_ =	shalt  }
0x5c: {  	_ =	shalt  }
0x5d: {  	_ =	shalt  }
0x5e: {  	_ =	shalt  }
0x5f: {  	_ =	shalt  }
0x60: {  	_ =	shalt  }
0x61: {  	_ =	shalt  }
0x62: {  	_ =	shalt  }
0x63: {  	_ =	shalt  }
0x64: {  	_ =	shalt  }
0x65: {  	_ =	shalt  }
0x66: {  	_ =	shalt  }
0x67: {  	_ =	shalt  }
0x68: {  	_ =	shalt  }
0x69: {  	_ =	shalt  }
0x6a: {  	_ =	shalt  }
0x6b: {  	_ =	shalt  }
0x6c: {  	_ =	shalt  }
0x6d: {  	_ =	shalt  }
0x6e: {  	_ =	shalt  }
0x6f: {  	_ =	shalt  }
0x70: {  	_ =	shalt  }
0x71: {  	_ =	shalt  }
0x72: {  	_ =	shalt  }
0x73: {  	_ =	shalt  }
0x74: {  	_ =	shalt  }
0x75: {  	_ =	shalt  }
0x76: {  	_ =	shalt  }
0x77: {  	_ =	shalt  }
0x78: {  	_ =	shalt  }
0x79: {  	_ =	shalt  }
0x7a: {  	_ =	shalt  }
0x7b: {  	_ =	shalt  }
0x7c: {  	_ =	shalt  }
0x7d: {  	_ =	shalt  }
0x7e: {  	_ =	shalt  }
0x7f: {  	_ =	shalt  }
0x80: {  	_ =	shalt  }
0x81: {  	_ =	shalt  }
0x82: {  	_ =	shalt  }
0x83: {  	_ =	shalt  }
0x84: {  	_ =	shalt  }
0x85: {  	_ =	shalt  }
0x86: {  	_ =	shalt  }
0x87: {  	_ =	shalt  }
.Lfunc_end0:
.L_simem_size_0:
called_computation_lowered:
.L_overlay_start_0:
0x88: {  	s2 =	sld [smem:$0x3FD9]  }
0x89: {  	s3 =	sld [smem:$0x3FFE];
	_ =	sdelay $0x1  }
0x8a: {  	s1 =	srdreg.scid  }
0x8b: {  	s0 =	sand.u32 $0x1, s1  }
0x8c: {  	s14 =	sshll.u32 s0, $0xA;
	s2 =	sadd.s32 s3, s2  }
0x8d: {  	s2 =	sadd.s32 s2, s14  }
0x8e: {  	[smem:$0x3FC5] =	sst s2  }
0x8f: {  	_ = 	snop  }
0x90: {  	s2 =	sld [smem:$0x3FD0];
	_ =	sdelay $0x2  }
0x91: {  	s15 =	simm.s32 $0xA;
	s4 =	simm.s32 $0x10  }
0x92: {  	[smem:s4], [sflag:s15] =	dma.local [hbm:s2], $0x1  }
0x93: {  	_ =	swait.eq [sflag:s15], $0x1  }
0x94: {  	[sflag:s15] =	ssyncset.done $0x0  }
0x95: {  	[sflag:s15] =	ssyncadd.s32 $0xFFFFFFFF  }
0x96: {  	s16 =	sld [smem:$0x15];
	(tm) =	ssettm $0x1  }
0x97: {  	s17 =	sld [smem:$0x3FFB];
	_ =	sdelay $0x3  }
0x98: {  	_ =	strace s17  }
0x99: {  	s3 =	sld [smem:$0x3FFC];
	_ =	sdelay $0x3  }
0x9a: {  	_ =	strace s3  }
0x9b: {  	s3 =	sld [smem:$0x3FFD];
	_ =	sdelay $0x3  }
0x9c: {  	_ =	strace s3  }
0x9d: {  	_ =	strace $0x8FFFFFFF  }
0x9e: {  	s18 =	sld [smem:$0x3FDB];
	_ =	sdelay $0x1  }
0x9f: {  	s19 =	simm.s32 $_scs_section_size  }
0xa0: {  	s5 =	simm.s32 $_size__tile_overlayer_lowered;
	s6 =	simm.s32 $_tile_overlayer_lowered  }
0xa1: {  	s22 =	simm.s32 $0x1BFF;
	s21 =	sshll.u32 s6, $0x1;
	s3 =	sadd.s32 s19, s18  }
0xa2: {  	s7 =	simm.s32 $0x0;
	s20 =	sshll.u32 s5, $0x1;
	s5 =	sadd.s32 s21, s3  }
0xa3: {  	[timem:s7], [sflag:s22] =	dma.local [hbm:s5], s20  }
0xa4: {  	_ =	swait.ge [sflag:s22], s20  }
0xa5: {  	s4 =	ssub.s32 $0x0, s20;
	[sflag:s22] =	ssyncset.done $0x0  }
0xa6: {  	[sflag:s22] =	ssyncadd.s32 s4;
	_ =	sdelay $0x1  }
0xa7: {  	s23 =	simm.s32 $0x1B8B  }
0xa8: {  	_ =	swait.ge [sflag:s23], $0x1  }
0xa9: {  	[sflag:s23] =	ssyncset.done $0x0  }
0xaa: {  	s25 =	simm.s32 $0x1B8E;
	s24 =	sld [smem:$0x3FFE];
	[sflag:s23] =	ssyncadd.s32 $0xFFFFFFFF  }
0xab: {  	s26 =	simm.s32 $execute0_lowered;
	[smem:$0x3FD2] =	sst s25  }
0xac: {  	s5 =	sshll.u32 s26, $0x1;
	_ =	strace $0x80000046;
	[dreg:$0x1] =	wrdreg $0xFFFFFFFF  }
0xad: {  	s28 =	simm.s32 $_size_execute0_lowered;
	s3 =	sadd.s32 s3, s5;
	[dreg:$0x0] =	wrdreg $0x0  }
0xae: {  	s5 =	sshll.u32 s28, $0x1;
	[dreg:$0x2] =	wrdreg s3  }
0xaf: {  	[dreg:$0x3] =	wrdreg s5  }
0xb0: {  	[dreg:$0x4] =	wrdreg $0xC0  }
0xb1: {  	_ =	task [dreg:s7], $0x5FFFF  }
0xb2: {  	[dreg:$0x1] =	wrdreg $0xFFFFFFFF  }
0xb3: {  	[dreg:$0x0] =	wrdreg $0x60  }
0xb4: {  	[dreg:$0x2] =	wrdreg s24  }
0xb5: {  	[dreg:$0x3] =	wrdreg s16  }
0xb6: {  	[dreg:$0x4] =	wrdreg $0x40100  }
0xb7: {  	[dreg:$0x5] =	wrdreg $0x48100  }
0xb8: {  	[dreg:$0x6] =	wrdreg $0x50100  }
0xb9: {  	[dreg:$0x7] =	wrdreg $0x58100  }
0xba: {  	[dreg:$0x8] =	wrdreg $0x9  }
0xbb: {  	_ =	task.clear_ibuf [dreg:s7], $0x9FFFF;
	_ =	strace $0x90000046  }
0xbc: {  	s29 =	simm.s32 $0x9;
	_ =	strace $0x80000048  }
0xbd: {  	_ =	swait.ge [sflag:s29], $0x1  }
0xbe: {  	[sflag:s29] =	ssyncadd.s32 $0xFFFFFFFF  }
0xbf: {  	_ =	strace $0x90000048  }
0xc0: {  	_ =	sfence  }
0xc1: {  	s30 =	sld [smem:$0x0];
	_ =	sdelay $0x2  }
0xc2: {  	s31 =	sshll.u32 s1, $0xD;
	s1 =	sshrl.u32 s1, $0x2  }
0xc3: {  	s3 =	sand.u32 $0x4000, s31;
	s1 =	sadd.s32 s1, s30  }
0xc4: {  	s0 =	sor.u32 s3, s0;
	s1 =	sshll.u32 s1, $0x11  }
0xc5: {  	s0 =	sor.u32 s1, s0  }
0xc6: {  	s0 =	sadd.s32 $0x8F2B, s0  }
0xc7: {  	[sflag:s0] =	ssyncadd.remote.s32 $0x1  }
0xc8: {  	_ =	sfence.sel $0xFFFF  }
0xc9: {  	[dreg:$0x0] =	wrdreg $0xFFFFFFFF;
	(pc) =	sbr.abs _section_cstart, $3  }
0xca: {  	[dreg:$0x1] =	wrdreg $0xFFFFFFFF  }
0xcb: {  	_ =	task.clear_ibuf [dreg:s7], $0x2FFFF;
	_ =	strace $0x9FFFFFFF  }
0xcc: {  	(tm) =	ssettm $0x7FFFFFFF  }
0xcd: {  	_ =	shalt  }
tec
execute0_lowered:
.L_overlay_start_1:
0x0: {  	(tag) =	ssettag $0x1  }
0x1: {  	s0 =	rddreg [dreg:$0x0]  }
0x2: {  	s1 =	rddreg [dreg:$0x1]  }
0x3: {  	s10 =	rddreg [dreg:$0x2]  }
0x4: {  	s2 =	srdreg.scid;
	s11 =	rddreg [dreg:$0x3]  }
0x5: {  	s19 =	stileid.u32;
	s12 =	rddreg [dreg:$0x4]  }
0x6: {  	s14 =	rddreg [dreg:$0x5];
	s22 =	simm.s32 $0x500;
	s23 =	simm.s32 $0xD00  }
0x7: {  	s24 =	simm.s32 $0x1500;
	s26 =	simm.s32 $0x80;
	s28 =	simm.s32 $0x800  }
0x8: {  	s31 =	simm.s32 $0x2D00;
	s16 =	sand.u32 $0x1, s2;
	s13 =	sshll.u32 s19, $0x7  }
0x9: {  	s8 =	sshll.u32 s19, $0xB;
	s9 =	sshll.u32 s19, $0x4;
	s21 =	smul.u32 $0x280, s19  }
0xa: {  	p1 =	sgt.u32 s19, $0xB;
	p0 =	sne.s32 s19, $0x0;
	s4 =	smul.u32 $0x600, s16  }
0xb: {  	s2 =	sshll.u32 s16, $0x4;
	s5 =	smul.u32 $0x3000, s16;
	s7 =	ssub.s32 $0x2, s16  }
0xc: {  	s9 =	sadd.s32 s9, s14;
	s20 =	smul.u32 $0x2800, s16;
	s17 =	sshll.u32 s16, $0x1  }
0xd: {  	s2 =	sor.u32 s19, s2;
	s30 =	sshrl.u32 s7, $0x1;
	s17 =	sadd.s32 s1, s17  }
0xe: {  	s1 =	simm.s32 $0x1;
	s3 =	smul.u32 $0x280, s2;
	s2 =	simm.s32 $0x0  }
0xf: {  	s4 =	sadd.s32 s13, s4;
	s5 =	sor.u32 s13, s5;
	s18 =	ssub.s32 s7, s30  }
0x10: {  	s7 =	sadd.s32 s8, s11;
	s11 =	sadd.s32 s13, s11;
	s29 =	sadd.s32 s21, s20  }
0x11: {  	v0 =	vimm.s32 $0xFEDCBA9;
	v1 =	vimm.s32 $0x87654321;
	s20 =	simm.s32 $0x2;
	s21 =	simm.s32 $0x0;
	[smem:$0x7FF] =	sst s2  }
0x12: {  	v0 =	vunpack.c.l.s4.s8 v0;
	v1 =	vunpack.c.l.s4.s8 v1;
	s4 =	sshrl.u32 s4, $0x3;
	s5 =	sshrl.u32 s5, $0x3;
	s18 =	smax.u32 s18, $0x1  }
0x13: {  	s3 =	sshrl.u32 s3, $0x3;
	_ =	strace $0x80000047;
	s15 =	sadd.s32 s4, s0  }
.Ltmp0:
0x14: {  	v0 =	vunpack.c.0.s8.s32 v0;
	v1 =	vunpack.c.0.s8.s32 v1;
	s6 =	sadd.s32 s3, s0;
	s3 =	sadd.s32 $0xE00, s0;
	(pc) =	sbr.rel .LBB2_1-.Ltmp0, $4  }
0x15: {  	s0 =	sadd.s32 s5, s0;
	s14 =	sadd.s32 $0x7400, s15;
	s4 =	sadd.s32 $0x6800, s6  }
0x16: {  	v2 =	vimm.s32 $0x40000000;
	v3 =	vlaneseq.u32;
	v4 =	vcombine.low v1, v0;
	s5 =	sadd.s32 $0x5E00, s6;
	s6 =	sadd.s32 s8, s10;
	s8 =	sadd.s32 s8, s12  }
0x17: {  	v5 =	vimm.s32 $0x1;
	v6 =	vimm.f32 $0.0e+00;
	vm0 =	vcmask $0x704;
	s10 =	sadd.s32 s13, s10;
	s12 =	sadd.s32 s13, s12;
	s13 =	sadd.s32 $0x7200, s15  }
0x18: {  	v0 =	vimm.s32 $0x0;
	v1 =	vimm.f32 $-1.000000000e+00;
	v4 =	vand.u32 $0xF, v4;
	s15 =	sadd.s32 $0x7600, s15;
	s16 =	sadd.s32 $0x7800, s0;
	s0 =	simm.s32 $0x3B00  }
.LBB2_7:
0x19: {  	s21 =	sadd.s32 $0x1, s21  }
0x1a: {  	p2 =	sne.s32 s21, s18  }
.Ltmp1:
0x1b: {  	_ = 	snop;
	(pc) =	sbr.rel @!p2 .LBB2_8-.Ltmp1, $1  }
0x1c: {  	_ =	sdelay $0x3  }
.LBB2_1:
0x1d: {  	[tilespmem:s2], [sflag:$0x2] =	stream.linear.gather [hbm4b:s4+s2], $0x280, $0x38;
	[tilespmem:$0x5820] =	vst v63  }
0x1e: {  	_ =	swait.ge [sflag:s20], $0x280  }
0x1f: {  	[sflag:s20] =	ssyncset.done $0x0  }
0x20: {  	s19 =	simm.s32 $0x280;
	[sflag:s20] =	ssyncadd.s32 $0xFFFFFD80  }
0x21: {  	[tilespmem:s19], [sflag:$0x2] =	stream.linear.gather [hbm4b:s5+s2], $0x280, $0x38;
	[tilespmem:$0x5820] =	vst v63  }
0x22: {  	_ =	swait.ge [sflag:s20], $0x280  }
0x23: {  	[sflag:s20] =	ssyncset.done $0x0  }
0x24: {  	s19 =	simm.s32 $0x0;
	[sflag:s20] =	ssyncadd.s32 $0xFFFFFD80  }
.LBB2_2:
0x25: {  	p2 =	sne.s32 s19, $0x1FC0  }
.Ltmp2:
0x26: {  	_ = 	snop;
	(pc) =	sbr.rel @p2 .LBB2_2-.Ltmp2, $4  }
0x27: {  	s25 =	sshra.s32 s19, $0x2  }
0x28: {  	[tilespmem:s25+$0x500] =	vst v0  }
0x29: {  	[tilespmem:s25+$0xD00] =	vst v1  }
0x2a: {  	s19 =	sadd.s32 $0x40, s19;
	[tilespmem:s25+$0x1500] =	vst v2  }
0x2b: {  	v7 =	vimm.f32 $0.0e+00;
	s25 =	simm.s32 $0x0;
	s19 =	smov.u32 s29;
	v8 =	vimm.f32 $0.0e+00  }
.LBB2_4:
0x2c: {  	s30 =	sshra.s32 s25, $0x2  }
0x2d: {  	v10 =	vld [tilespmem:s30+$0x280];
	_ =	sdelay $0x1  }
0x2e: {  	v9 =	vld [tilespmem:s30+$0x0];
	_ =	sdelay $0x1  }
0x2f: {  	v11 =	vor.u32 s19, v3  }
0x30: {  	v13 =	vperm.xlane v11, v4;
	v12 =	vperm.xlane v10, v4;
	_ =	sdelay $0x1  }
0x31: {  	vm2 =	vlt.s32 v13, v11;
	v14 =	vperm.xlane v9, v4;
	vm1 =	veq.f32 v12, v10  }
0x32: {  	vm3 =	vgt.f32 v12, v10;
	vm2 =	vmand vm1, vm2  }
0x33: {  	vm1 =	veq.s32 v14, v9;
	vm2 =	vmor vm3, vm2  }
0x34: {  	v16 =	vperm.xlane v13, v4;
	v15 =	vperm.xlane v12, v4;
	vm2 =	vmand vm1, vm2  }
0x35: {  	v12 =	vsel vm2, v12, v10;
	v13 =	vsel vm2, v13, v11  }
0x36: {  	v14 =	vperm.xlane v14, v4;
	vm2 =	veq.f32 v15, v12;
	vm3 =	vlt.s32 v16, v13  }
0x37: {  	vm4 =	vgt.f32 v15, v12;
	vm3 =	vmand vm2, vm3  }
0x38: {  	vm2 =	veq.s32 v14, v9;
	vm3 =	vmor vm4, vm3  }
0x39: {  	v18 =	vperm.xlane v16, v4;
	v17 =	vperm.xlane v15, v4;
	vm3 =	vmand vm2, vm3  }
0x3a: {  	v12 =	vsel vm3, v15, v12;
	v13 =	vsel vm3, v16, v13  }
0x3b: {  	v14 =	vperm.xlane v14, v4;
	vm3 =	veq.f32 v17, v12;
	vm13 =	vlt.s32 v18, v13  }
0x3c: {  	vm5 =	vgt.f32 v17, v12;
	vm4 =	vmand vm3, vm13  }
0x3d: {  	vm3 =	veq.s32 v14, v9;
	vm4 =	vmor vm5, vm4  }
0x3e: {  	v29 =	vperm.xlane v18, v4;
	v28 =	vperm.xlane v17, v4;
	vm4 =	vmand vm3, vm4  }
0x3f: {  	v12 =	vsel vm4, v17, v12;
	v13 =	vsel vm4, v18, v13  }
0x40: {  	v14 =	vperm.xlane v14, v4;
	vm14 =	veq.f32 v28, v12;
	vm15 =	vlt.s32 v29, v13  }
0x41: {  	vm6 =	vgt.f32 v28, v12;
	vm4 =	vmand vm14, vm15  }
0x42: {  	vm5 =	veq.s32 v14, v9;
	vm4 =	vmor vm6, vm4  }
0x43: {  	v31 =	vperm.xlane v29, v4;
	v30 =	vperm.xlane v28, v4;
	vm4 =	vmand vm5, vm4  }
0x44: {  	v12 =	vsel vm4, v28, v12;
	v13 =	vsel vm4, v29, v13  }
0x45: {  	v14 =	vperm.xlane v14, v4;
	vm9 =	veq.f32 v30, v12;
	vm10 =	vlt.s32 v31, v13  }
0x46: {  	vm7 =	vgt.f32 v30, v12;
	vm4 =	vmand vm9, vm10  }
0x47: {  	vm8 =	veq.s32 v14, v9;
	vm4 =	vmor vm7, vm4  }
0x48: {  	v33 =	vperm.xlane v31, v4;
	v32 =	vperm.xlane v30, v4;
	vm4 =	vmand vm8, vm4  }
0x49: {  	v12 =	vsel vm4, v30, v12;
	v13 =	vsel vm4, v31, v13  }
0x4a: {  	v14 =	vperm.xlane v14, v4;
	vm11 =	veq.f32 v32, v12;
	vm12 =	vlt.s32 v33, v13  }
0x4b: {  	vm13 =	vgt.f32 v32, v12;
	vm4 =	vmand vm11, vm12  }
0x4c: {  	vm6 =	veq.s32 v14, v9;
	vm4 =	vmor vm13, vm4  }
0x4d: {  	v35 =	vperm.xlane v33, v4;
	v34 =	vperm.xlane v32, v4;
	vm4 =	vmand vm6, vm4  }
0x4e: {  	v12 =	vsel vm4, v32, v12;
	v13 =	vsel vm4, v33, v13  }
0x4f: {  	v14 =	vperm.xlane v14, v4;
	vm14 =	veq.f32 v34, v12;
	vm15 =	vlt.s32 v35, v13  }
0x50: {  	vm9 =	vgt.f32 v34, v12;
	vm7 =	vmand vm14, vm15  }
0x51: {  	vm4 =	veq.s32 v14, v9;
	vm7 =	vmor vm9, vm7  }
0x52: {  	v37 =	vperm.xlane v35, v4;
	v36 =	vperm.xlane v34, v4;
	vm7 =	vmand vm4, vm7  }
0x53: {  	v12 =	vsel vm7, v34, v12;
	v13 =	vsel vm7, v35, v13  }
0x54: {  	v14 =	vperm.xlane v14, v4;
	vm12 =	veq.f32 v36, v12;
	vm13 =	vlt.s32 v37, v13  }
0x55: {  	vm10 =	vgt.f32 v36, v12;
	vm9 =	vmand vm12, vm13  }
0x56: {  	vm7 =	veq.s32 v14, v9;
	vm9 =	vmor vm10, vm9  }
0x57: {  	v39 =	vperm.xlane v37, v4;
	v38 =	vperm.xlane v36, v4;
	vm9 =	vmand vm7, vm9  }
0x58: {  	v12 =	vsel vm9, v36, v12;
	v13 =	vsel vm9, v37, v13  }
0x59: {  	v14 =	vperm.xlane v14, v4;
	vm14 =	veq.f32 v38, v12;
	vm15 =	vlt.s32 v39, v13  }
0x5a: {  	vm11 =	vgt.f32 v38, v12;
	vm10 =	vmand vm14, vm15  }
0x5b: {  	vm9 =	veq.s32 v14, v9;
	vm10 =	vmor vm11, vm10  }
0x5c: {  	v41 =	vperm.xlane v39, v4;
	v40 =	vperm.xlane v38, v4;
	vm10 =	vmand vm9, vm10  }
0x5d: {  	v12 =	vsel vm10, v38, v12;
	v13 =	vsel vm10, v39, v13  }
0x5e: {  	v14 =	vperm.xlane v14, v4;
	vm10 =	veq.f32 v40, v12;
	vm11 =	vlt.s32 v41, v13  }
0x5f: {  	vm12 =	vgt.f32 v40, v12;
	vm11 =	vmand vm10, vm11  }
0x60: {  	v44 =	vsel vm1, $0x2, v5;
	vm10 =	veq.s32 v14, v9;
	vm11 =	vmor vm12, vm11  }
0x61: {  	v43 =	vperm.xlane v41, v4;
	v42 =	vperm.xlane v40, v4;
	vm11 =	vmand vm10, vm11  }
0x62: {  	v20 =	vsel vm2, $0x1, v0;
	v12 =	vsel vm11, v40, v12;
	v13 =	vsel vm11, v41, v13  }
0x63: {  	v14 =	vperm.xlane v14, v4;
	vm11 =	veq.f32 v42, v12;
	vm12 =	vlt.s32 v43, v13  }
0x64: {  	v15 =	vadd.s32 v20, v44;
	vm11 =	vmand vm11, vm12;
	vm12 =	vgt.f32 v42, v12  }
0x65: {  	v46 =	vsel vm3, $0x1, v0;
	vm1 =	veq.s32 v14, v9;
	vm11 =	vmor vm12, vm11  }
0x66: {  	v19 =	vperm.xlane v43, v4;
	v45 =	vperm.xlane v42, v4;
	vm11 =	vmand vm1, vm11  }
0x67: {  	v15 =	vadd.s32 v46, v15;
	v12 =	vsel vm11, v42, v12;
	v13 =	vsel vm11, v43, v13  }
0x68: {  	v14 =	vperm.xlane v14, v4;
	vm2 =	veq.f32 v45, v12;
	vm11 =	vlt.s32 v19, v13  }
0x69: {  	v47 =	vsel vm5, $0x1, v0;
	vm3 =	vgt.f32 v45, v12;
	vm2 =	vmand vm2, vm11  }
0x6a: {  	v15 =	vadd.s32 v47, v15;
	vm3 =	vmor vm3, vm2;
	vm2 =	veq.s32 v14, v9  }
0x6b: {  	v22 =	vperm.xlane v19, v4;
	v21 =	vperm.xlane v45, v4;
	vm3 =	vmand vm2, vm3  }
0x6c: {  	v48 =	vsel vm8, $0x1, v0;
	v12 =	vsel vm3, v45, v12;
	v13 =	vsel vm3, v19, v13  }
0x6d: {  	v14 =	vperm.xlane v14, v4;
	vm3 =	veq.f32 v21, v12;
	vm12 =	vlt.s32 v22, v13  }
0x6e: {  	v15 =	vadd.s32 v48, v15;
	vm13 =	vgt.f32 v21, v12;
	vm3 =	vmand vm3, vm12  }
0x6f: {  	v51 =	vsel vm6, $0x1, v0;
	vm5 =	vmor vm13, vm3;
	vm3 =	veq.s32 v14, v9  }
0x70: {  	v50 =	vperm.xlane v22, v4;
	v49 =	vperm.xlane v21, v4;
	vm5 =	vmand vm3, vm5  }
0x71: {  	v15 =	vadd.s32 v51, v15;
	v12 =	vsel vm5, v21, v12;
	v13 =	vsel vm5, v22, v13  }
0x72: {  	v14 =	vperm.xlane v14, v4;
	vm14 =	veq.f32 v49, v12;
	vm15 =	vlt.s32 v50, v13  }
0x73: {  	v53 =	vperm.xlane v50, v4;
	vm11 =	vgt.f32 v49, v12;
	vm5 =	vmand vm14, vm15  }
0x74: {  	v54 =	vsel vm4, $0x1, v0;
	vm12 =	veq.s32 v14, v9;
	vm5 =	vmor vm11, vm5  }
0x75: {  	v52 =	vperm.xlane v49, v4;
	v15 =	vadd.s32 v54, v15;
	vm5 =	vmand vm12, vm5  }
0x76: {  	v55 =	vsel vm7, $0x1, v0;
	v12 =	vsel vm5, v49, v12;
	v13 =	vsel vm5, v50, v13  }
0x77: {  	v14 =	vperm.xlane v14, v4;
	vm13 =	veq.f32 v52, v12;
	vm5 =	vlt.s32 v53, v13  }
0x78: {  	v15 =	vadd.s32 v55, v15;
	vm14 =	vgt.f32 v52, v12;
	vm4 =	vmand vm13, vm5  }
0x79: {  	v56 =	vsel vm9, $0x1, v0;
	vm15 =	veq.s32 v14, v9;
	vm4 =	vmor vm14, vm4  }
0x7a: {  	v15 =	vadd.s32 v56, v15;
	v57 =	vsel vm10, $0x1, v0;
	vm4 =	vmand vm15, vm4  }
0x7b: {  	v58 =	vsel vm1, $0x1, v0;
	v14 =	vadd.s32 v57, v15;
	v13 =	vsel vm4, v53, v13  }
0x7c: {  	v59 =	vsel vm2, $0x1, v0;
	v14 =	vadd.s32 v58, v14;
	vm1 =	veq.s32 v13, v11;
	v11 =	vld.idx.msk [tilespmem:v9+s22+$0x0], $0xffff  }
0x7d: {  	v60 =	vsel vm3, $0x1, v0;
	v14 =	vadd.s32 v59, v14  }
0x7e: {  	v61 =	vsel vm12, $0x1, v0;
	v14 =	vadd.s32 v60, v14  }
0x7f: {  	v62 =	vsel vm15, $0x1, v0;
	v14 =	vadd.s32 v61, v14  }
0x80: {  	v14 =	vadd.s32 v62, v14  }
0x81: {  	v11 =	vadd.s32 v11, v14  }
0x82: {  	[tilespmem:v9+s22+$0x0] =	vst.idx.msk vm1, v11  }
0x83: {  	v11 =	vld.idx.msk [tilespmem:v9+s23+$0x0], $0xffff  }
0x84: {  	v63 =	vld.idx.msk [tilespmem:v9+s24+$0x0], $0xffff;
	_ =	sdelay $0x3  }
0x85: {  	v12 =	vsel vm4, v52, v12  }
0x86: {  	vm2 =	veq.f32 v12, v11;
	vm3 =	vlt.s32 v13, v63  }
0x87: {  	vm4 =	vgt.f32 v12, v11;
	vm2 =	vmand vm2, vm3  }
0x88: {  	vm2 =	vmor vm4, vm2  }
0x89: {  	vm1 =	vmand vm1, vm2;
	_ =	sdelay $0x1  }
0x8a: {  	p2 =	sne.s32 s25, $0x9C0  }
.Ltmp3:
0x8b: {  	_ = 	snop;
	(pc) =	sbr.rel @p2 .LBB2_4-.Ltmp3, $4  }
0x8c: {  	_ = 	snop  }
0x8d: {  	vm2 =	veq.s32 v9, $0x0  }
0x8e: {  	v10 =	vnsel vm2, $0x0, v10;
	v11 =	vsel vm2, $0x3F800000, v6;
	[tilespmem:v9+s23+$0x0] =	vst.idx.msk vm1, v12  }
0x8f: {  	s19 =	sadd.s32 $0x10, s19;
	s25 =	sadd.s32 $0x40, s25;
	v8 =	vadd.f32 v10, v8;
	v7 =	vadd.f32 v11, v7;
	[tilespmem:v9+s24+$0x0] =	vst.idx.msk vm1, v13  }
0x90: {  	_ = 	snop  }
0x91: {  	(xrf2) =	vadd.scan.msk.f32 $0xffff, v8  }
0x92: {  	(xrf2) =	vadd.scan.msk.f32 $0xffff, v7;
	_ =	sdelay $0x8  }
0x93: {  	v7, _, _ =	vpop (xrf2)  }
0x94: {  	[spmem:s6] =	stream.linear.scatter [tilespmem:s22], [sflag:$0x2], $0x800, $0x38;
	v8, _, _ =	vpop (xrf2);
	[tilespmem:$0x5820] =	vst v63  }
0x95: {  	_ =	swait.ge [sflag:s20], $0x800  }
0x96: {  	[sflag:s20] =	ssyncset.done $0x0  }
0x97: {  	[sflag:s20] =	ssyncadd.s32 $0xFFFFF800  }
0x98: {  	[spmem:s7] =	stream.linear.scatter [tilespmem:s23], [sflag:$0x2], $0x800, $0x38;
	[tilespmem:$0x5820] =	vst v63  }
0x99: {  	_ =	swait.ge [sflag:s20], $0x800  }
0x9a: {  	[sflag:s20] =	ssyncset.done $0x0  }
0x9b: {  	v7 =	vbroadcast v7, $0xF;
	v8 =	vbroadcast v8, $0xF;
	[sflag:s20] =	ssyncadd.s32 $0xFFFFF800  }
0x9c: {  	vm1 =	vmmov $0x1;
	[spmem:s8] =	stream.linear.scatter [tilespmem:s24], [sflag:$0x2], $0x800, $0x38;
	[tilespmem:$0x5820] =	vst v63  }
0x9d: {  	v7 =	vnsel vm1, $0x0, v7;
	v8 =	vnsel vm0, $0x0, v8;
	_ =	swait.ge [sflag:s20], $0x800  }
0x9e: {  	v7 =	vadd.f32 v8, v7;
	[sflag:s20] =	ssyncset.done $0x0  }
0x9f: {  	[sflag:s20] =	ssyncadd.s32 $0xFFFFF800  }
0xa0: {  	s19 =	simm.s32 $0x3F00;
	[tilespmem:$0x3F00] =	vst v7  }
0xa1: {  	[spmem:s9] =	stream.linear.scatter [tilespmem:s19], [sflag:$0x2], $0x10, $0x38;
	[tilespmem:$0x5820] =	vst v63  }
0xa2: {  	_ =	swait.ge [sflag:s20], $0x10  }
0xa3: {  	[sflag:s20] =	ssyncset.done $0x0  }
0xa4: {  	[sflag:s20] =	ssyncadd.s32 $0xFFFFFFF0  }
0xa5: {  	s25 =	simm.s32 $0x1D00;
	[bflag:$0x0] =	sbarrier.arrive $0xFFFF  }
0xa6: {  	[tilespmem:s25], [sflag:$0x2] =	stream.strided.gather [spmem:s10], $0x800, s28, s26, $0x38;
	[tilespmem:$0x5820] =	vst v63  }
0xa7: {  	_ =	swait.ge [sflag:s20], $0x800  }
0xa8: {  	[sflag:s20] =	ssyncset.done $0x0  }
0xa9: {  	s30 =	simm.s32 $0x2500;
	[sflag:s20] =	ssyncadd.s32 $0xFFFFF800  }
0xaa: {  	[tilespmem:s30], [sflag:$0x2] =	stream.strided.gather [spmem:s11], $0x800, s28, s26, $0x38;
	[tilespmem:$0x5820] =	vst v63  }
0xab: {  	_ =	swait.ge [sflag:s20], $0x800  }
0xac: {  	[sflag:s20] =	ssyncset.done $0x0  }
0xad: {  	[sflag:s20] =	ssyncadd.s32 $0xFFFFF800  }
0xae: {  	[tilespmem:s31], [sflag:$0x2] =	stream.strided.gather [spmem:s12], $0x800, s28, s26, $0x38;
	[tilespmem:$0x5820] =	vst v63  }
0xaf: {  	_ =	swait.ge [sflag:s20], $0x800  }
0xb0: {  	[sflag:s20] =	ssyncset.done $0x0  }
0xb1: {  	[sflag:s20] =	ssyncadd.s32 $0xFFFFF800  }
0xb2: {  	v16 =	vld [tilespmem:$0x1D00]  }
0xb3: {  	v9 =	vld [tilespmem:$0x2500]  }
0xb4: {  	v10 =	vld [tilespmem:$0x2D00]  }
0xb5: {  	v17 =	vld [tilespmem:$0x1D80]  }
0xb6: {  	v11 =	vld [tilespmem:$0x2580]  }
0xb7: {  	v13 =	vld [tilespmem:$0x2D80]  }
0xb8: {  	v20 =	vld [tilespmem:$0x1E00]  }
0xb9: {  	v22 =	vld [tilespmem:$0x2600]  }
0xba: {  	v23 =	vld [tilespmem:$0x2E00]  }
0xbb: {  	v26 =	vld [tilespmem:$0x1E80]  }
0xbc: {  	v25 =	vld [tilespmem:$0x2680]  }
0xbd: {  	v28 =	vld [tilespmem:$0x2E80]  }
0xbe: {  	v37 =	vld [tilespmem:$0x1F00]  }
0xbf: {  	v29 =	vld [tilespmem:$0x2700]  }
0xc0: {  	v39 =	vld [tilespmem:$0x2F00]  }
0xc1: {  	v40 =	vld [tilespmem:$0x1F80]  }
0xc2: {  	v41 =	vld [tilespmem:$0x2780]  }
0xc3: {  	v42 =	vld [tilespmem:$0x2F80]  }
0xc4: {  	v21 =	vld [tilespmem:$0x2000]  }
0xc5: {  	v43 =	vld [tilespmem:$0x2800]  }
0xc6: {  	v44 =	vld [tilespmem:$0x3000]  }
0xc7: {  	v12 =	vld [tilespmem:$0x2080]  }
0xc8: {  	v45 =	vld [tilespmem:$0x2880]  }
0xc9: {  	v46 =	vld [tilespmem:$0x3080]  }
0xca: {  	v32 =	vld [tilespmem:$0x2100]  }
0xcb: {  	v47 =	vld [tilespmem:$0x2900]  }
0xcc: {  	v48 =	vld [tilespmem:$0x3100]  }
0xcd: {  	v27 =	vld [tilespmem:$0x2180]  }
0xce: {  	v49 =	vld [tilespmem:$0x2980];
	vm1 =	veq.f32 v9, $-1.000000000e+00;
	vm2 =	vlt.s32 v10, $0x40000000  }
0xcf: {  	v50 =	vld [tilespmem:$0x3180];
	vm3 =	vgt.f32 v9, $-1.000000000e+00;
	vm1 =	vmand vm1, vm2  }
0xd0: {  	v7 =	vld [tilespmem:$0x2200];
	vm1 =	vmor vm3, vm1  }
0xd1: {  	v24 =	vld [tilespmem:$0x2A00];
	v9 =	vnsel vm1, $0xBF800000, v9;
	v10 =	vnsel vm1, $0x40000000, v10  }
0xd2: {  	v18 =	vld [tilespmem:$0x3200];
	vm1 =	veq.f32 v11, v9;
	vm2 =	vlt.s32 v13, v10  }
0xd3: {  	v8 =	vld [tilespmem:$0x2280];
	vm3 =	vgt.f32 v11, v9;
	vm1 =	vmand vm1, vm2  }
0xd4: {  	v14 =	vld [tilespmem:$0x2A80];
	vm1 =	vmor vm3, vm1  }
0xd5: {  	v19 =	vld [tilespmem:$0x3280];
	v9 =	vsel vm1, v11, v9;
	v10 =	vsel vm1, v13, v10  }
0xd6: {  	v15 =	vld [tilespmem:$0x2300];
	vm1 =	veq.f32 v22, v9;
	vm2 =	vlt.s32 v23, v10  }
0xd7: {  	v36 =	vld [tilespmem:$0x2B00];
	vm3 =	vgt.f32 v22, v9;
	vm1 =	vmand vm1, vm2  }
0xd8: {  	v35 =	vld [tilespmem:$0x2B80];
	vm1 =	vmor vm3, vm1  }
0xd9: {  	v33 =	vld [tilespmem:$0x3380];
	v22 =	vsel vm1, v22, v9;
	v23 =	vsel vm1, v23, v10  }
0xda: {  	v38 =	vld [tilespmem:$0x2C00];
	vm1 =	veq.f32 v25, v22;
	vm2 =	vlt.s32 v28, v23  }
0xdb: {  	v34 =	vld [tilespmem:$0x3400];
	vm3 =	vgt.f32 v25, v22;
	vm1 =	vmand vm1, vm2  }
0xdc: {  	v30 =	vld [tilespmem:$0x2C80];
	vm1 =	vmor vm3, vm1  }
0xdd: {  	v31 =	vld [tilespmem:$0x3480];
	v22 =	vsel vm1, v25, v22;
	v23 =	vsel vm1, v28, v23  }
0xde: {  	v51 =	vld [tilespmem:$0x2510];
	vm1 =	veq.f32 v29, v22;
	vm2 =	vlt.s32 v39, v23  }
0xdf: {  	v52 =	vld [tilespmem:$0x2590];
	vm3 =	vgt.f32 v29, v22;
	vm1 =	vmand vm1, vm2  }
0xe0: {  	v53 =	vld [tilespmem:$0x2D90];
	vm1 =	vmor vm3, vm1  }
0xe1: {  	v54 =	vld [tilespmem:$0x2E10];
	v22 =	vsel vm1, v29, v22;
	v23 =	vsel vm1, v39, v23  }
0xe2: {  	v55 =	vld [tilespmem:$0x2E90];
	vm1 =	veq.f32 v41, v22;
	vm2 =	vlt.s32 v42, v23  }
0xe3: {  	v56 =	vld [tilespmem:$0x2710];
	vm3 =	vgt.f32 v41, v22;
	vm1 =	vmand vm1, vm2  }
0xe4: {  	v57 =	vld [tilespmem:$0x2F10];
	vm1 =	vmor vm3, vm1  }
0xe5: {  	v58 =	vld [tilespmem:$0x2790];
	v41 =	vsel vm1, v41, v22;
	v23 =	vsel vm1, v42, v23  }
0xe6: {  	v16 =	vadd.s32 v16, v17;
	v17 =	vld [tilespmem:$0x2090];
	vm1 =	veq.f32 v43, v41;
	vm2 =	vlt.s32 v44, v23  }
0xe7: {  	v20 =	vadd.s32 v20, v16;
	v16 =	vld [tilespmem:$0x1F90];
	vm3 =	vgt.f32 v43, v41;
	vm1 =	vmand vm1, vm2  }
0xe8: {  	v20 =	vadd.s32 v26, v20;
	v26 =	vld [tilespmem:$0x2110];
	vm1 =	vmor vm3, vm1  }
0xe9: {  	v25 =	vld [tilespmem:$0x1D10];
	v41 =	vsel vm1, v43, v41;
	v60 =	vsel vm1, v44, v23  }
0xea: {  	v28 =	vld [tilespmem:$0x1D90];
	vm1 =	veq.f32 v45, v41;
	vm2 =	vlt.s32 v46, v60  }
0xeb: {  	v39 =	vld [tilespmem:$0x2D10];
	vm3 =	vgt.f32 v45, v41;
	vm1 =	vmand vm1, vm2  }
0xec: {  	v29 =	vld [tilespmem:$0x1E10];
	vm1 =	vmor vm3, vm1  }
0xed: {  	v20 =	vadd.s32 v37, v20;
	v37 =	vld [tilespmem:$0x2F90];
	v61 =	vsel vm1, v45, v41;
	v62 =	vsel vm1, v46, v60  }
0xee: {  	v63 =	vadd.s32 v40, v20;
	v20 =	vld [tilespmem:$0x2010];
	vm1 =	veq.f32 v47, v61;
	vm2 =	vlt.s32 v48, v62  }
0xef: {  	v13 =	vld [tilespmem:$0x3300];
	vm3 =	vgt.f32 v47, v61;
	vm1 =	vmand vm1, vm2  }
0xf0: {  	v25 =	vadd.s32 v25, v28;
	v22 =	vld [tilespmem:$0x1E90];
	vm4 =	vlt.s32 v39, $0x40000000;
	vm1 =	vmor vm3, vm1  }
0xf1: {  	v11 =	vld [tilespmem:$0x2380];
	v28 =	vadd.s32 v29, v25;
	v59 =	vsel vm1, v47, v61;
	v41 =	vsel vm1, v48, v62  }
0xf2: {  	v10 =	vld [tilespmem:$0x2400];
	v43 =	vadd.s32 v21, v63;
	vm2 =	veq.f32 v49, v59;
	vm3 =	vlt.s32 v50, v41  }
0xf3: {  	v9 =	vld [tilespmem:$0x2480];
	vm1 =	vgt.f32 v49, v59;
	vm2 =	vmand vm2, vm3;
	vm3 =	veq.f32 v51, $-1.000000000e+00  }
0xf4: {  	v42 =	vld [tilespmem:$0x2610];
	vm1 =	vmor vm1, vm2;
	vm2 =	vgt.f32 v51, $-1.000000000e+00;
	vm3 =	vmand vm3, vm4  }
0xf5: {  	v29 =	vld [tilespmem:$0x20A0];
	v22 =	vadd.s32 v22, v28;
	v40 =	vsel vm1, v49, v59;
	vm2 =	vmor vm2, vm3  }
0xf6: {  	v25 =	vld [tilespmem:$0x2120];
	v41 =	vsel vm1, v50, v41;
	v60 =	vnsel vm2, $0xBF800000, v51;
	v39 =	vnsel vm2, $0x40000000, v39  }
0xf7: {  	v44 =	vld [tilespmem:$0x2690];
	vm1 =	veq.f32 v24, v40;
	vm2 =	veq.f32 v52, v60;
	vm3 =	vlt.s32 v53, v39  }
0xf8: {  	v23 =	vld [tilespmem:$0x1F10];
	vm15 =	vlt.s32 v18, v41;
	vm2 =	vmand vm2, vm3;
	vm3 =	vgt.f32 v52, v60  }
0xf9: {  	v21 =	vld [tilespmem:$0x2190];
	vm8 =	vgt.f32 v24, v40;
	vm1 =	vmand vm1, vm15;
	vm2 =	vmor vm3, vm2  }
0xfa: {  	v28 =	vld [tilespmem:$0x21A0];
	vm1 =	vmor vm8, vm1;
	v61 =	vsel vm2, v52, v60;
	v39 =	vsel vm2, v53, v39  }
0xfb: {  	v45 =	vld [tilespmem:$0x2A90];
	v40 =	vsel vm1, v24, v40;
	vm2 =	veq.f32 v42, v61;
	vm3 =	vlt.s32 v54, v39  }
0xfc: {  	v46 =	vld [tilespmem:$0x3290];
	v41 =	vsel vm1, v18, v41;
	vm1 =	vgt.f32 v42, v61;
	vm2 =	vmand vm2, vm3  }
0xfd: {  	v47 =	vld [tilespmem:$0x2810];
	vm9 =	veq.f32 v14, v40;
	vm1 =	vmor vm1, vm2  }
0xfe: {  	v48 =	vld [tilespmem:$0x3010];
	vm3 =	vgt.f32 v14, v40;
	vm2 =	vlt.s32 v19, v41;
	v42 =	vsel vm1, v42, v61  }
0xff: {  	v49 =	vld [tilespmem:$0x2890];
	v39 =	vsel vm1, v54, v39;
	vm1 =	vmand vm9, vm2;
	v61 =	vadd.s32 v12, v43  }
0x100: {  	v50 =	vld [tilespmem:$0x3090];
	vm2 =	veq.f32 v44, v42;
	vm10 =	vlt.s32 v55, v39;
	vm1 =	vmor vm3, vm1  }
0x101: {  	v59 =	vld [tilespmem:$0x3110];
	vm3 =	vgt.f32 v44, v42;
	v32 =	vadd.s32 v32, v61;
	vm2 =	vmand vm2, vm10  }
0x102: {  	v51 =	vld [tilespmem:$0x2910];
	v12 =	vsel vm1, v14, v40;
	v40 =	vsel vm1, v19, v41;
	vm2 =	vmor vm3, vm2  }
0x103: {  	v24 =	vld [tilespmem:$0x2210];
	v27 =	vadd.s32 v27, v32;
	v62 =	vsel vm2, v44, v42;
	v39 =	vsel vm2, v55, v39  }
0x104: {  	v18 =	vld [tilespmem:$0x2290];
	vm1 =	veq.f32 v36, v12;
	vm2 =	veq.f32 v56, v62;
	vm3 =	vlt.s32 v57, v39  }
0x105: {  	v52 =	vld [tilespmem:$0x2990];
	vm11 =	vlt.s32 v13, v40;
	vm2 =	vmand vm2, vm3;
	vm3 =	vgt.f32 v56, v62  }
0x106: {  	v53 =	vld [tilespmem:$0x3190];
	vm12 =	vgt.f32 v36, v12;
	vm1 =	vmand vm1, vm11;
	vm2 =	vmor vm3, vm2  }
0x107: {  	v60 =	vld [tilespmem:$0x3210];
	vm1 =	vmor vm12, vm1;
	v63 =	vsel vm2, v56, v62;
	v39 =	vsel vm2, v57, v39  }
0x108: {  	v54 =	vld [tilespmem:$0x2A10];
	v36 =	vsel vm1, v36, v12;
	vm2 =	veq.f32 v58, v63;
	vm3 =	vlt.s32 v37, v39  }
0x109: {  	v43 =	vld [tilespmem:$0x2B10];
	v62 =	vsel vm1, v13, v40;
	vm1 =	vgt.f32 v58, v63;
	vm2 =	vmand vm2, vm3  }
0x10a: {  	v19 =	vld [tilespmem:$0x2310];
	vm13 =	veq.f32 v35, v36;
	vm3 =	vgt.f32 v35, v36;
	vm1 =	vmor vm1, vm2  }
0x10b: {  	v14 =	vld [tilespmem:$0x2390];
	vm2 =	vlt.s32 v33, v62;
	v55 =	vsel vm1, v58, v63;
	v37 =	vsel vm1, v37, v39  }
0x10c: {  	v41 =	vld [tilespmem:$0x2B90];
	vm1 =	vmand vm13, vm2;
	vm2 =	veq.f32 v47, v55;
	vm14 =	vlt.s32 v48, v37  }
0x10d: {  	v32 =	vld [tilespmem:$0x1E20];
	vm1 =	vmor vm3, vm1;
	vm3 =	vgt.f32 v47, v55;
	vm2 =	vmand vm2, vm14  }
0x10e: {  	v7 =	vadd.s32 v7, v27;
	v27 =	vld [tilespmem:$0x2020];
	v63 =	vsel vm1, v35, v36;
	vm2 =	vmor vm3, vm2  }
0x10f: {  	v44 =	vld [tilespmem:$0x3310];
	v56 =	vsel vm1, v33, v62;
	v61 =	vsel vm2, v47, v55;
	v62 =	vsel vm2, v48, v37  }
0x110: {  	v42 =	vld [tilespmem:$0x3390];
	vm1 =	veq.f32 v38, v63;
	vm2 =	veq.f32 v49, v61;
	vm3 =	vlt.s32 v50, v62  }
0x111: {  	v12 =	vld [tilespmem:$0x2490];
	vm15 =	vlt.s32 v34, v56;
	vm2 =	vmand vm2, vm3;
	vm3 =	vgt.f32 v49, v61  }
0x112: {  	v13 =	vld [tilespmem:$0x2410];
	vm1 =	vmand vm1, vm15;
	vm2 =	vmor vm3, vm2;
	vm3 =	vgt.f32 v38, v63  }
0x113: {  	v40 =	vld [tilespmem:$0x3410];
	v49 =	vsel vm2, v49, v61;
	v47 =	vsel vm2, v50, v62;
	vm1 =	vmor vm3, vm1  }
0x114: {  	v57 =	vld [tilespmem:$0x2DA0];
	vm2 =	veq.f32 v51, v49;
	vm3 =	vlt.s32 v59, v47;
	v38 =	vsel vm1, v38, v63  }
0x115: {  	v39 =	vld [tilespmem:$0x2C10];
	v56 =	vsel vm1, v34, v56;
	vm2 =	vmand vm2, vm3;
	vm3 =	vgt.f32 v51, v49  }
0x116: {  	v58 =	vld [tilespmem:$0x2E20];
	vm1 =	veq.f32 v30, v38;
	vm2 =	vmor vm3, vm2;
	vm3 =	vlt.s32 v31, v56  }
0x117: {  	v36 =	vld [tilespmem:$0x2C90];
	v49 =	vsel vm2, v51, v49;
	v47 =	vsel vm2, v59, v47;
	vm1 =	vmand vm1, vm3  }
0x118: {  	v33 =	vld [tilespmem:$0x1D20];
	v59 =	vadd.s32 v8, v7;
	vm2 =	veq.f32 v52, v49;
	vm3 =	vlt.s32 v53, v47  }
0x119: {  	v48 =	vld [tilespmem:$0x2520];
	v15 =	vadd.s32 v15, v59;
	vm2 =	vmand vm2, vm3;
	vm3 =	vgt.f32 v52, v49  }
0x11a: {  	v55 =	vld [tilespmem:$0x2D20];
	v11 =	vadd.s32 v11, v15;
	v15 =	vadd.s32 v23, v22;
	vm2 =	vmor vm3, vm2  }
0x11b: {  	v35 =	vld [tilespmem:$0x1DA0];
	vm3 =	vgt.f32 v30, v38;
	v15 =	vadd.s32 v16, v15;
	v10 =	vadd.s32 v10, v11  }
0x11c: {  	v37 =	vld [tilespmem:$0x3490];
	vm1 =	vmor vm3, vm1;
	v63 =	vsel vm2, v52, v49;
	v47 =	vsel vm2, v53, v47  }
0x11d: {  	v50 =	vld [tilespmem:$0x25A0];
	v8 =	vsel vm1, v30, v38;
	vm2 =	veq.f32 v54, v63;
	vm3 =	vlt.s32 v60, v47  }
0x11e: {  	v61 =	vld [tilespmem:$0x26A0];
	v7 =	vsel vm1, v31, v56;
	vm1 =	vgt.f32 v54, v63;
	vm2 =	vmand vm2, vm3  }
0x11f: {  	v34 =	vld [tilespmem:$0x1EA0];
	vm3 =	vlt.s32 v55, $0x40000000;
	vm1 =	vmor vm1, vm2;
	vm2 =	veq.f32 v48, $-1.000000000e+00  }
0x120: {  	v51 =	vld [tilespmem:$0x2620];
	v53 =	vsel vm1, v54, v63;
	vm2 =	vmand vm2, vm3;
	vm3 =	vgt.f32 v48, $-1.000000000e+00  }
0x121: {  	v59 =	vld [tilespmem:$0x3020];
	v47 =	vsel vm1, v60, v47;
	vm1 =	veq.f32 v45, v53;
	vm2 =	vmor vm3, vm2  }
0x122: {  	v22 =	vld [tilespmem:$0x2220];
	vm3 =	vlt.s32 v46, v47;
	v48 =	vnsel vm2, $0xBF800000, v48;
	v55 =	vnsel vm2, $0x40000000, v55  }
0x123: {  	v16 =	vld [tilespmem:$0x23A0];
	vm1 =	vmand vm1, vm3;
	vm2 =	veq.f32 v50, v48;
	vm3 =	vlt.s32 v57, v55  }
0x124: {  	v49 =	vld [tilespmem:$0x2EA0];
	v11 =	vadd.s32 v20, v15;
	vm2 =	vmand vm2, vm3;
	vm3 =	vgt.f32 v50, v48  }
0x125: {  	v52 =	vld [tilespmem:$0x2F20];
	v11 =	vadd.s32 v17, v11;
	vm2 =	vmor vm3, vm2  }
0x126: {  	v20 =	vld [tilespmem:$0x2320];
	vm3 =	vgt.f32 v45, v53;
	v48 =	vsel vm2, v50, v48;
	v57 =	vsel vm2, v57, v55  }
0x127: {  	v30 =	vld [tilespmem:$0x1F20];
	vm1 =	vmor vm3, vm1;
	vm2 =	veq.f32 v51, v48;
	vm3 =	vlt.s32 v58, v57  }
0x128: {  	v38 =	vld [tilespmem:$0x2720];
	v45 =	vsel vm1, v45, v53;
	vm2 =	vmand vm2, vm3;
	vm3 =	vgt.f32 v51, v48  }
0x129: {  	v31 =	vld [tilespmem:$0x1FA0];
	v46 =	vsel vm1, v46, v47;
	vm1 =	veq.f32 v43, v45;
	vm2 =	vmor vm3, vm2  }
0x12a: {  	v56 =	vld [tilespmem:$0x2FA0];
	vm3 =	vlt.s32 v44, v46;
	v62 =	vsel vm2, v51, v48;
	v63 =	vsel vm2, v58, v57  }
0x12b: {  	v17 =	vld [tilespmem:$0x24A0];
	vm1 =	vmand vm1, vm3;
	vm2 =	veq.f32 v61, v62;
	vm3 =	vlt.s32 v49, v63  }
0x12c: {  	v54 =	vld [tilespmem:$0x27A0];
	vm2 =	vmand vm2, vm3;
	vm3 =	vgt.f32 v61, v62  }
0x12d: {  	v60 =	vld [tilespmem:$0x2820];
	vm2 =	vmor vm3, vm2  }
0x12e: {  	v55 =	vld [tilespmem:$0x28A0];
	vm3 =	vgt.f32 v43, v45;
	v23 =	vsel vm2, v61, v62;
	v48 =	vsel vm2, v49, v63  }
0x12f: {  	v50 =	vld [tilespmem:$0x2920];
	vm1 =	vmor vm3, vm1;
	vm2 =	veq.f32 v38, v23;
	vm3 =	vlt.s32 v52, v48  }
0x130: {  	v53 =	vld [tilespmem:$0x30A0];
	v43 =	vsel vm1, v43, v45;
	vm2 =	vmand vm2, vm3;
	vm3 =	vgt.f32 v38, v23  }
0x131: {  	v47 =	vld [tilespmem:$0x33A0];
	v44 =	vsel vm1, v44, v46;
	vm1 =	veq.f32 v41, v43;
	vm2 =	vmor vm3, vm2  }
0x132: {  	v51 =	vld [tilespmem:$0x3120];
	vm3 =	vlt.s32 v42, v44;
	v38 =	vsel vm2, v38, v23;
	v49 =	vsel vm2, v52, v48  }
0x133: {  	v57 =	vld [tilespmem:$0x29A0];
	vm1 =	vmand vm1, vm3;
	vm2 =	veq.f32 v54, v38;
	vm3 =	vlt.s32 v56, v49  }
0x134: {  	v58 =	vld [tilespmem:$0x31A0];
	vm2 =	vmand vm2, vm3;
	vm3 =	vgt.f32 v54, v38  }
0x135: {  	v9 =	vadd.s32 v9, v10;
	v61 =	vld [tilespmem:$0x2A20];
	vm2 =	vmor vm3, vm2;
	vm3 =	vgt.f32 v41, v43  }
0x136: {  	v62 =	vld [tilespmem:$0x3220];
	v15 =	vsel vm2, v54, v38;
	v38 =	vsel vm2, v56, v49;
	vm1 =	vmor vm3, vm1  }
0x137: {  	v63 =	vld [tilespmem:$0x32A0];
	vm2 =	veq.f32 v60, v15;
	vm3 =	vlt.s32 v59, v38;
	v41 =	vsel vm1, v41, v43  }
0x138: {  	v46 =	vld [tilespmem:$0x2BA0];
	v54 =	vsel vm1, v42, v44;
	vm2 =	vmand vm2, vm3;
	vm3 =	vgt.f32 v60, v15  }
0x139: {  	v45 =	vld [tilespmem:$0x3420];
	vm1 =	veq.f32 v39, v41;
	vm2 =	vmor vm3, vm2;
	vm3 =	vlt.s32 v40, v54  }
0x13a: {  	v23 =	vld [tilespmem:$0x22A0];
	v56 =	vsel vm2, v60, v15;
	v38 =	vsel vm2, v59, v38;
	vm1 =	vmand vm1, vm3  }
0x13b: {  	v52 =	vld [tilespmem:$0x2AA0];
	v60 =	vadd.s32 v26, v11;
	vm2 =	veq.f32 v55, v56;
	vm3 =	vlt.s32 v53, v38  }
0x13c: {  	v48 =	vld [tilespmem:$0x2B20];
	v10 =	vadd.s32 v21, v60;
	vm2 =	vmand vm2, vm3;
	vm3 =	vgt.f32 v55, v56  }
0x13d: {  	v49 =	vld [tilespmem:$0x3320];
	v21 =	vadd.s32 v24, v10;
	vm2 =	vmor vm3, vm2;
	vm3 =	vgt.f32 v39, v41  }
0x13e: {  	v44 =	vld [tilespmem:$0x2C20];
	v18 =	vadd.s32 v18, v21;
	v55 =	vsel vm2, v55, v56;
	v56 =	vsel vm2, v53, v38  }
0x13f: {  	v42 =	vld [tilespmem:$0x2CA0];
	vm1 =	vmor vm3, vm1;
	vm2 =	veq.f32 v50, v55;
	vm3 =	vlt.s32 v51, v56  }
0x140: {  	v43 =	vld [tilespmem:$0x34A0];
	v59 =	vsel vm1, v39, v41;
	vm2 =	vmand vm2, vm3;
	vm3 =	vgt.f32 v50, v55  }
0x141: {  	v15 =	vld [tilespmem:$0x2420];
	v40 =	vsel vm1, v40, v54;
	vm1 =	veq.f32 v36, v59;
	vm2 =	vmor vm3, vm2  }
0x142: {  	v24 =	vld [tilespmem:$0x25B0];
	vm3 =	vlt.s32 v37, v40;
	v11 =	vsel vm2, v50, v55;
	v26 =	vsel vm2, v51, v56  }
0x143: {  	v50 =	vld [tilespmem:$0x2530];
	vm1 =	vmand vm1, vm3;
	vm2 =	veq.f32 v57, v11;
	vm3 =	vlt.s32 v58, v26  }
0x144: {  	v18 =	vadd.s32 v19, v18;
	v51 =	vld [tilespmem:$0x2D30];
	vm2 =	vmand vm2, vm3;
	vm3 =	vgt.f32 v57, v11  }
0x145: {  	v21 =	vld [tilespmem:$0x2730];
	v14 =	vadd.s32 v14, v18;
	vm2 =	vmor vm3, vm2;
	vm3 =	vgt.f32 v36, v59  }
0x146: {  	v38 =	vld [tilespmem:$0x1E30];
	vm1 =	vmor vm3, vm1;
	v60 =	vsel vm2, v57, v11;
	v26 =	vsel vm2, v58, v26  }
0x147: {  	v39 =	vld [tilespmem:$0x1D30];
	v11 =	vsel vm1, v36, v59;
	vm2 =	veq.f32 v61, v60;
	vm3 =	vlt.s32 v62, v26  }
0x148: {  	v54 =	vld [tilespmem:$0x2DB0];
	v10 =	vsel vm1, v37, v40;
	vm1 =	vgt.f32 v61, v60;
	vm2 =	vmand vm2, vm3  }
0x149: {  	v41 =	vld [tilespmem:$0x1DB0];
	vm3 =	vlt.s32 v51, $0x40000000;
	vm1 =	vmor vm1, vm2;
	vm2 =	veq.f32 v50, $-1.000000000e+00  }
0x14a: {  	v55 =	vld [tilespmem:$0x2630];
	v53 =	vsel vm1, v61, v60;
	vm2 =	vmand vm2, vm3;
	vm3 =	vgt.f32 v50, $-1.000000000e+00  }
0x14b: {  	v56 =	vld [tilespmem:$0x2E30];
	v26 =	vsel vm1, v62, v26;
	vm1 =	veq.f32 v52, v53;
	vm2 =	vmor vm3, vm2  }
0x14c: {  	v57 =	vld [tilespmem:$0x26B0];
	vm3 =	vlt.s32 v63, v26;
	v37 =	vnsel vm2, $0xBF800000, v50;
	v60 =	vnsel vm2, $0x40000000, v51  }
0x14d: {  	v58 =	vld [tilespmem:$0x31B0];
	vm1 =	vmand vm1, vm3;
	vm2 =	veq.f32 v24, v37;
	vm3 =	vlt.s32 v54, v60  }
0x14e: {  	v40 =	vld [tilespmem:$0x1EB0];
	v61 =	vadd.s32 v33, v35;
	vm2 =	vmand vm2, vm3;
	vm3 =	vgt.f32 v24, v37  }
0x14f: {  	v36 =	vld [tilespmem:$0x1F30];
	v19 =	vadd.s32 v32, v61;
	vm2 =	vmor vm3, vm2;
	vm3 =	vgt.f32 v52, v53  }
0x150: {  	v51 =	vld [tilespmem:$0x2EB0];
	v24 =	vsel vm2, v24, v37;
	v59 =	vsel vm2, v54, v60;
	vm1 =	vmor vm3, vm1  }
0x151: {  	v62 =	vld [tilespmem:$0x2F30];
	v60 =	vadd.s32 v34, v19;
	vm2 =	veq.f32 v55, v24;
	vm3 =	vlt.s32 v56, v59  }
0x152: {  	v33 =	vld [tilespmem:$0x2030];
	v52 =	vsel vm1, v52, v53;
	vm2 =	vmand vm2, vm3;
	vm3 =	vgt.f32 v55, v24  }
0x153: {  	v35 =	vld [tilespmem:$0x20B0];
	v26 =	vsel vm1, v63, v26;
	vm1 =	veq.f32 v48, v52;
	vm2 =	vmor vm3, vm2  }
0x154: {  	v32 =	vld [tilespmem:$0x2130];
	vm3 =	vlt.s32 v49, v26;
	v24 =	vsel vm2, v55, v24;
	v54 =	vsel vm2, v56, v59  }
0x155: {  	v50 =	vld [tilespmem:$0x27B0];
	vm1 =	vmand vm1, vm3;
	vm2 =	veq.f32 v57, v24;
	vm3 =	vlt.s32 v51, v54  }
0x156: {  	v37 =	vld [tilespmem:$0x1FB0];
	v18 =	vadd.s32 v30, v60;
	vm2 =	vmand vm2, vm3;
	vm3 =	vgt.f32 v57, v24  }
0x157: {  	v13 =	vadd.s32 v13, v14;
	v19 =	vld [tilespmem:$0x28B0];
	v63 =	vadd.s32 v31, v18;
	vm2 =	vmor vm3, vm2  }
0x158: {  	v53 =	vld [tilespmem:$0x2FB0];
	vm3 =	vgt.f32 v48, v52;
	v24 =	vsel vm2, v57, v24;
	v61 =	vsel vm2, v51, v54  }
0x159: {  	v34 =	vld [tilespmem:$0x21B0];
	vm1 =	vmor vm3, vm1;
	vm2 =	veq.f32 v21, v24;
	vm3 =	vlt.s32 v62, v61  }
0x15a: {  	v30 =	vld [tilespmem:$0x22B0];
	v48 =	vsel vm1, v48, v52;
	vm2 =	vmand vm2, vm3;
	vm3 =	vgt.f32 v21, v24  }
0x15b: {  	v31 =	vld [tilespmem:$0x2BB0];
	v49 =	vsel vm1, v49, v26;
	vm1 =	veq.f32 v46, v48;
	vm2 =	vmor vm3, vm2  }
0x15c: {  	v55 =	vld [tilespmem:$0x2830];
	vm3 =	vlt.s32 v47, v49;
	v21 =	vsel vm2, v21, v24;
	v62 =	vsel vm2, v62, v61  }
0x15d: {  	v56 =	vld [tilespmem:$0x3030];
	vm1 =	vmand vm1, vm3;
	vm2 =	veq.f32 v50, v21;
	vm3 =	vlt.s32 v53, v62  }
0x15e: {  	v14 =	vadd.s32 v27, v63;
	v27 =	vld [tilespmem:$0x2C30];
	vm2 =	vmand vm2, vm3;
	vm3 =	vgt.f32 v50, v21  }
0x15f: {  	v51 =	vld [tilespmem:$0x30B0];
	vm2 =	vmor vm3, vm2  }
0x160: {  	v12 =	vadd.s32 v12, v13;
	v54 =	vld [tilespmem:$0x3130];
	vm3 =	vgt.f32 v46, v48;
	v59 =	vsel vm2, v50, v21  }
0x161: {  	v57 =	vld [tilespmem:$0x29B0];
	v60 =	vsel vm2, v53, v62;
	vm1 =	vmor vm3, vm1;
	v62 =	vadd.s32 v29, v14  }
0x162: {  	v52 =	vld [tilespmem:$0x2930];
	vm2 =	veq.f32 v55, v59;
	vm3 =	vlt.s32 v56, v60;
	v46 =	vsel vm1, v46, v48  }
0x163: {  	v26 =	vld [tilespmem:$0x2230];
	v61 =	vsel vm1, v47, v49;
	vm2 =	vmand vm2, vm3;
	vm3 =	vgt.f32 v55, v59  }
0x164: {  	v24 =	vld [tilespmem:$0x2330];
	v13 =	vadd.s32 v25, v62;
	vm1 =	veq.f32 v44, v46;
	vm2 =	vmor vm3, vm2  }
0x165: {  	v50 =	vld [tilespmem:$0x2A30];
	vm3 =	vlt.s32 v45, v61;
	v18 =	vsel vm2, v55, v59;
	v21 =	vsel vm2, v56, v60  }
0x166: {  	v53 =	vld [tilespmem:$0x3230];
	vm1 =	vmand vm1, vm3;
	vm2 =	veq.f32 v19, v18;
	vm3 =	vlt.s32 v51, v21  }
0x167: {  	v49 =	vld [tilespmem:$0x2AB0];
	v28 =	vadd.s32 v28, v13;
	vm2 =	vmand vm2, vm3;
	vm3 =	vgt.f32 v19, v18  }
0x168: {  	v47 =	vld [tilespmem:$0x33B0];
	v22 =	vadd.s32 v22, v28;
	vm2 =	vmor vm3, vm2  }
0x169: {  	v48 =	vld [tilespmem:$0x2540];
	vm3 =	vgt.f32 v44, v46;
	v63 =	vsel vm2, v19, v18;
	v51 =	vsel vm2, v51, v21  }
0x16a: {  	v62 =	vld [tilespmem:$0x2D40];
	vm1 =	vmor vm3, vm1;
	vm2 =	veq.f32 v52, v63;
	vm3 =	vlt.s32 v54, v51  }
0x16b: {  	v25 =	vld [tilespmem:$0x3430];
	v60 =	vsel vm1, v44, v46;
	vm2 =	vmand vm2, vm3;
	vm3 =	vgt.f32 v52, v63  }
0x16c: {  	v28 =	vld [tilespmem:$0x26C0];
	v61 =	vsel vm1, v45, v61;
	vm1 =	veq.f32 v42, v60;
	vm2 =	vmor vm3, vm2  }
0x16d: {  	v55 =	vld [tilespmem:$0x32B0];
	vm3 =	vlt.s32 v43, v61;
	v14 =	vsel vm2, v52, v63;
	v18 =	vsel vm2, v54, v51  }
0x16e: {  	v56 =	vld [tilespmem:$0x2B30];
	vm1 =	vmand vm1, vm3;
	vm2 =	veq.f32 v57, v14;
	vm3 =	vlt.s32 v58, v18  }
0x16f: {  	v59 =	vld [tilespmem:$0x3330];
	v22 =	vadd.s32 v23, v22;
	vm2 =	vmand vm2, vm3;
	vm3 =	vgt.f32 v57, v14  }
0x170: {  	v22 =	vadd.s32 v20, v22;
	v20 =	vld [tilespmem:$0x20C0];
	vm2 =	vmor vm3, vm2;
	vm3 =	vgt.f32 v42, v60  }
0x171: {  	v21 =	vld [tilespmem:$0x23B0];
	vm1 =	vmor vm3, vm1;
	v63 =	vsel vm2, v57, v14;
	v57 =	vsel vm2, v58, v18  }
0x172: {  	v58 =	vld [tilespmem:$0x25C0];
	v14 =	vsel vm1, v42, v60;
	vm2 =	veq.f32 v50, v63;
	vm3 =	vlt.s32 v53, v57  }
0x173: {  	v13 =	vsel vm1, v43, v61;
	vm1 =	vgt.f32 v50, v63;
	v60 =	vld [tilespmem:$0x2DC0];
	vm2 =	vmand vm2, vm3  }
0x174: {  	v19 =	vld [tilespmem:$0x2430];
	vm3 =	vlt.s32 v62, $0x40000000;
	vm1 =	vmor vm1, vm2;
	vm2 =	veq.f32 v48, $-1.000000000e+00  }
0x175: {  	v45 =	vld [tilespmem:$0x2CB0];
	v50 =	vsel vm1, v50, v63;
	vm2 =	vmand vm2, vm3;
	vm3 =	vgt.f32 v48, $-1.000000000e+00  }
0x176: {  	v61 =	vld [tilespmem:$0x2640];
	v52 =	vsel vm1, v53, v57;
	vm1 =	veq.f32 v49, v50;
	vm2 =	vmor vm3, vm2  }
0x177: {  	vm3 =	vlt.s32 v55, v52;
	v48 =	vnsel vm2, $0xBF800000, v48;
	v51 =	vnsel vm2, $0x40000000, v62;
	v62 =	vld [tilespmem:$0x2E40]  }
0x178: {  	v46 =	vld [tilespmem:$0x34B0];
	vm1 =	vmand vm1, vm3;
	vm2 =	veq.f32 v58, v48;
	vm3 =	vlt.s32 v60, v51  }
0x179: {  	v16 =	vadd.s32 v16, v22;
	v44 =	vld [tilespmem:$0x1E40];
	vm2 =	vmand vm2, vm3;
	vm3 =	vgt.f32 v58, v48  }
0x17a: {  	v18 =	vld [tilespmem:$0x24B0];
	v63 =	vadd.s32 v39, v41;
	v53 =	vadd.s32 v15, v16;
	vm2 =	vmor vm3, vm2  }
0x17b: {  	vm3 =	vgt.f32 v49, v50;
	v29 =	vsel vm2, v58, v48;
	v57 =	vsel vm2, v60, v51;
	v58 =	vld [tilespmem:$0x2EC0]  }
0x17c: {  	v42 =	vld [tilespmem:$0x1D40];
	vm1 =	vmor vm3, vm1;
	vm2 =	veq.f32 v61, v29;
	vm3 =	vlt.s32 v62, v57  }
0x17d: {  	v43 =	vld [tilespmem:$0x1DC0];
	v49 =	vsel vm1, v49, v50;
	vm2 =	vmand vm2, vm3;
	vm3 =	vgt.f32 v61, v29  }
0x17e: {  	v51 =	vld [tilespmem:$0x2740];
	v50 =	vsel vm1, v55, v52;
	vm1 =	veq.f32 v56, v49;
	vm2 =	vmor vm3, vm2  }
0x17f: {  	vm3 =	vlt.s32 v59, v50;
	v60 =	vsel vm2, v61, v29;
	v61 =	vsel vm2, v62, v57;
	v62 =	vld [tilespmem:$0x2F40]  }
0x180: {  	v39 =	vld [tilespmem:$0x1EC0];
	vm1 =	vmand vm1, vm3;
	vm2 =	veq.f32 v28, v60;
	vm3 =	vlt.s32 v58, v61  }
0x181: {  	v41 =	vld [tilespmem:$0x1F40];
	v23 =	vadd.s32 v38, v63;
	vm2 =	vmand vm2, vm3;
	vm3 =	vgt.f32 v28, v60  }
0x182: {  	v63 =	vld [tilespmem:$0x27C0];
	v23 =	vadd.s32 v40, v23;
	v42 =	vadd.s32 v42, v43;
	vm2 =	vmor vm3, vm2  }
0x183: {  	v38 =	vld [tilespmem:$0x2040];
	vm3 =	vgt.f32 v56, v49;
	v57 =	vsel vm2, v28, v60;
	v58 =	vsel vm2, v58, v61  }
0x184: {  	v48 =	vld [tilespmem:$0x2FC0];
	vm1 =	vmor vm3, vm1;
	vm2 =	veq.f32 v51, v57;
	vm3 =	vlt.s32 v62, v58  }
0x185: {  	v43 =	vld [tilespmem:$0x34C0];
	v23 =	vadd.s32 v36, v23;
	vm2 =	vmand vm2, vm3;
	vm3 =	vgt.f32 v51, v57  }
0x186: {  	v36 =	vld [tilespmem:$0x2240];
	v49 =	vsel vm1, v56, v49;
	v50 =	vsel vm1, v59, v50;
	vm2 =	vmor vm3, vm2  }
0x187: {  	v60 =	vld [tilespmem:$0x2840];
	vm1 =	veq.f32 v31, v49;
	vm3 =	vlt.s32 v47, v50;
	v51 =	vsel vm2, v51, v57  }
0x188: {  	v61 =	vld [tilespmem:$0x3040];
	v54 =	vsel vm2, v62, v58;
	vm1 =	vmand vm1, vm3;
	v62 =	vadd.s32 v37, v23  }
0x189: {  	v55 =	vld [tilespmem:$0x28C0];
	vm2 =	veq.f32 v63, v51;
	vm3 =	vlt.s32 v48, v54;
	v22 =	vadd.s32 v33, v62  }
0x18a: {  	v52 =	vld [tilespmem:$0x2A40];
	vm2 =	vmand vm2, vm3;
	vm3 =	vgt.f32 v63, v51;
	v62 =	vadd.s32 v35, v22  }
0x18b: {  	v29 =	vld [tilespmem:$0x1FC0];
	vm2 =	vmor vm3, vm2;
	vm3 =	vgt.f32 v31, v49;
	v15 =	vadd.s32 v32, v62  }
0x18c: {  	v28 =	vld [tilespmem:$0x2140];
	v63 =	vsel vm2, v63, v51;
	v57 =	vsel vm2, v48, v54;
	vm1 =	vmor vm3, vm1  }
0x18d: {  	v56 =	vld [tilespmem:$0x30C0];
	v34 =	vadd.s32 v34, v15;
	vm2 =	veq.f32 v60, v63;
	vm3 =	vlt.s32 v61, v57  }
0x18e: {  	v37 =	vld [tilespmem:$0x2940];
	v59 =	vsel vm1, v31, v49;
	v47 =	vsel vm1, v47, v50;
	v26 =	vadd.s32 v26, v34  }
0x18f: {  	v58 =	vld [tilespmem:$0x3140];
	vm2 =	vmand vm2, vm3;
	vm3 =	vgt.f32 v60, v63;
	vm1 =	veq.f32 v27, v59  }
0x190: {  	v33 =	vld [tilespmem:$0x22C0];
	v26 =	vadd.s32 v30, v26;
	vm2 =	vmor vm3, vm2;
	vm3 =	vlt.s32 v25, v47  }
0x191: {  	v35 =	vld [tilespmem:$0x2AC0];
	v24 =	vadd.s32 v24, v26;
	v23 =	vsel vm2, v60, v63;
	v60 =	vsel vm2, v61, v57  }
0x192: {  	v22 =	vld [tilespmem:$0x24C0];
	vm1 =	vmand vm1, vm3;
	vm2 =	veq.f32 v55, v23;
	vm3 =	vlt.s32 v56, v60  }
0x193: {  	v54 =	vld [tilespmem:$0x3340];
	v21 =	vadd.s32 v21, v24;
	vm2 =	vmand vm2, vm3;
	vm3 =	vgt.f32 v55, v23  }
0x194: {  	v49 =	vld [tilespmem:$0x29C0];
	v19 =	vadd.s32 v19, v21;
	vm2 =	vmor vm3, vm2  }
0x195: {  	v61 =	vld [tilespmem:$0x31C0];
	vm3 =	vgt.f32 v27, v59;
	v55 =	vsel vm2, v55, v23;
	v57 =	vsel vm2, v56, v60  }
0x196: {  	v31 =	vld [tilespmem:$0x21C0];
	vm1 =	vmor vm3, vm1;
	vm2 =	veq.f32 v37, v55;
	vm3 =	vlt.s32 v58, v57  }
0x197: {  	v50 =	vld [tilespmem:$0x32C0];
	v48 =	vsel vm1, v27, v59;
	vm2 =	vmand vm2, vm3;
	vm3 =	vgt.f32 v37, v55  }
0x198: {  	v63 =	vld [tilespmem:$0x3240];
	v47 =	vsel vm1, v25, v47;
	vm1 =	veq.f32 v45, v48;
	vm2 =	vmor vm3, vm2  }
0x199: {  	v21 =	vld [tilespmem:$0x2250];
	vm3 =	vlt.s32 v46, v47;
	v16 =	vsel vm2, v37, v55;
	v23 =	vsel vm2, v58, v57  }
0x19a: {  	v59 =	vld [tilespmem:$0x2D50];
	vm1 =	vmand vm1, vm3;
	vm2 =	veq.f32 v49, v16;
	vm3 =	vlt.s32 v61, v23  }
0x19b: {  	v56 =	vadd.s32 v44, v42;
	v58 =	vld [tilespmem:$0x2550];
	vm2 =	vmand vm2, vm3;
	vm3 =	vgt.f32 v49, v16  }
0x19c: {  	v60 =	vld [tilespmem:$0x25D0];
	v26 =	vadd.s32 v39, v56;
	vm2 =	vmor vm3, vm2;
	vm3 =	vgt.f32 v45, v48  }
0x19d: {  	v44 =	vld [tilespmem:$0x1D50];
	vm1 =	vmor vm3, vm1;
	v49 =	vsel vm2, v49, v16;
	v23 =	vsel vm2, v61, v23  }
0x19e: {  	v42 =	vld [tilespmem:$0x1F50];
	v16 =	vsel vm1, v45, v48;
	vm2 =	veq.f32 v52, v49;
	vm3 =	vlt.s32 v63, v23  }
0x19f: {  	v61 =	vld [tilespmem:$0x2DD0];
	v15 =	vsel vm1, v46, v47;
	vm1 =	vgt.f32 v52, v49;
	vm2 =	vmand vm2, vm3  }
0x1a0: {  	v27 =	vld [tilespmem:$0x2340];
	vm3 =	vlt.s32 v59, $0x40000000;
	vm1 =	vmor vm1, vm2;
	vm2 =	veq.f32 v58, $-1.000000000e+00  }
0x1a1: {  	v25 =	vld [tilespmem:$0x23C0];
	v62 =	vsel vm1, v52, v49;
	vm2 =	vmand vm2, vm3;
	vm3 =	vgt.f32 v58, $-1.000000000e+00  }
0x1a2: {  	v57 =	vld [tilespmem:$0x2E50];
	v51 =	vsel vm1, v63, v23;
	vm1 =	veq.f32 v35, v62;
	vm2 =	vmor vm3, vm2  }
0x1a3: {  	v52 =	vld [tilespmem:$0x2650];
	vm3 =	vlt.s32 v50, v51;
	v63 =	vnsel vm2, $0xBF800000, v58;
	v32 =	vnsel vm2, $0x40000000, v59  }
0x1a4: {  	v39 =	vld [tilespmem:$0x1ED0];
	vm1 =	vmand vm1, vm3;
	vm2 =	veq.f32 v60, v63;
	vm3 =	vlt.s32 v61, v32  }
0x1a5: {  	v37 =	vld [tilespmem:$0x2B40];
	vm2 =	vmand vm2, vm3;
	vm3 =	vgt.f32 v60, v63  }
0x1a6: {  	v58 =	vld [tilespmem:$0x26D0];
	vm2 =	vmor vm3, vm2  }
0x1a7: {  	vm3 =	vgt.f32 v35, v62;
	v59 =	vsel vm2, v60, v63;
	v32 =	vsel vm2, v61, v32;
	v60 =	vld [tilespmem:$0x2ED0]  }
0x1a8: {  	v56 =	vld [tilespmem:$0x30D0];
	vm1 =	vmor vm3, vm1;
	vm2 =	veq.f32 v52, v59;
	vm3 =	vlt.s32 v57, v32  }
0x1a9: {  	v55 =	vld [tilespmem:$0x2C40];
	v35 =	vsel vm1, v35, v62;
	vm2 =	vmand vm2, vm3;
	vm3 =	vgt.f32 v52, v59  }
0x1aa: {  	v63 =	vld [tilespmem:$0x2F50];
	v61 =	vsel vm1, v50, v51;
	vm1 =	veq.f32 v37, v35;
	vm2 =	vmor vm3, vm2  }
0x1ab: {  	v62 =	vld [tilespmem:$0x2750];
	vm3 =	vlt.s32 v54, v61;
	v34 =	vsel vm2, v52, v59;
	v32 =	vsel vm2, v57, v32  }
0x1ac: {  	v47 =	vld [tilespmem:$0x2BC0];
	vm1 =	vmand vm1, vm3;
	vm2 =	veq.f32 v58, v34;
	vm3 =	vlt.s32 v60, v32  }
0x1ad: {  	v49 =	vld [tilespmem:$0x33C0];
	vm2 =	vmand vm2, vm3;
	vm3 =	vgt.f32 v58, v34  }
0x1ae: {  	v57 =	vld [tilespmem:$0x27D0];
	vm2 =	vmor vm3, vm2;
	vm3 =	vgt.f32 v37, v35  }
0x1af: {  	v30 =	vsel vm2, v58, v34;
	v32 =	vsel vm2, v60, v32;
	v58 =	vld [tilespmem:$0x2FD0];
	vm1 =	vmor vm3, vm1  }
0x1b0: {  	v46 =	vld [tilespmem:$0x3440];
	vm2 =	veq.f32 v62, v30;
	vm3 =	vlt.s32 v63, v32;
	v35 =	vsel vm1, v37, v35  }
0x1b1: {  	v23 =	vld [tilespmem:$0x2440];
	v59 =	vsel vm1, v54, v61;
	vm2 =	vmand vm2, vm3;
	vm3 =	vgt.f32 v62, v30  }
0x1b2: {  	v60 =	vld [tilespmem:$0x2850];
	vm1 =	veq.f32 v47, v35;
	vm2 =	vmor vm3, vm2;
	vm3 =	vlt.s32 v49, v59  }
0x1b3: {  	v61 =	vld [tilespmem:$0x3050];
	v30 =	vsel vm2, v62, v30;
	v32 =	vsel vm2, v63, v32;
	vm1 =	vmand vm1, vm3  }
0x1b4: {  	v51 =	vld [tilespmem:$0x2CC0];
	v62 =	vadd.s32 v41, v26;
	vm2 =	veq.f32 v57, v30;
	vm3 =	vlt.s32 v58, v32  }
0x1b5: {  	v50 =	vld [tilespmem:$0x1E50];
	v24 =	vadd.s32 v29, v62;
	vm2 =	vmand vm2, vm3;
	vm3 =	vgt.f32 v57, v30  }
0x1b6: {  	v17 =	vadd.s32 v17, v53;
	v52 =	vld [tilespmem:$0x1FD0];
	v24 =	vadd.s32 v38, v24;
	vm2 =	vmor vm3, vm2  }
0x1b7: {  	v63 =	vld [tilespmem:$0x28D0];
	vm3 =	vgt.f32 v47, v35;
	v30 =	vsel vm2, v57, v30;
	v32 =	vsel vm2, v58, v32  }
0x1b8: {  	v34 =	vld [tilespmem:$0x20D0];
	vm1 =	vmor vm3, vm1;
	vm2 =	veq.f32 v60, v30;
	vm3 =	vlt.s32 v61, v32  }
0x1b9: {  	v37 =	vld [tilespmem:$0x1DD0];
	v47 =	vsel vm1, v47, v35;
	vm2 =	vmand vm2, vm3;
	vm3 =	vgt.f32 v60, v30  }
0x1ba: {  	v57 =	vld [tilespmem:$0x2950];
	v45 =	vsel vm1, v49, v59;
	vm1 =	veq.f32 v55, v47;
	vm2 =	vmor vm3, vm2  }
0x1bb: {  	v58 =	vld [tilespmem:$0x3150];
	vm3 =	vlt.s32 v46, v45;
	v30 =	vsel vm2, v60, v30;
	v32 =	vsel vm2, v61, v32  }
0x1bc: {  	v54 =	vld [tilespmem:$0x31D0];
	vm1 =	vmand vm1, vm3;
	vm2 =	veq.f32 v63, v30;
	vm3 =	vlt.s32 v56, v32  }
0x1bd: {  	v62 =	vld [tilespmem:$0x3250];
	v24 =	vadd.s32 v20, v24;
	vm2 =	vmand vm2, vm3;
	vm3 =	vgt.f32 v63, v30  }
0x1be: {  	v29 =	vld [tilespmem:$0x2350];
	v20 =	vadd.s32 v18, v19;
	vm2 =	vmor vm3, vm2;
	vm3 =	vgt.f32 v55, v47  }
0x1bf: {  	v59 =	vld [tilespmem:$0x29D0];
	v48 =	vsel vm2, v63, v30;
	v53 =	vsel vm2, v56, v32;
	vm1 =	vmor vm3, vm1  }
0x1c0: {  	v35 =	vld [tilespmem:$0x2050];
	v63 =	vadd.s32 v28, v24;
	vm2 =	veq.f32 v57, v48;
	vm3 =	vlt.s32 v58, v53  }
0x1c1: {  	v49 =	vld [tilespmem:$0x32D0];
	v56 =	vsel vm1, v55, v47;
	vm2 =	vmand vm2, vm3;
	vm3 =	vgt.f32 v57, v48  }
0x1c2: {  	v60 =	vld [tilespmem:$0x2A50];
	v45 =	vsel vm1, v46, v45;
	vm1 =	veq.f32 v51, v56;
	vm2 =	vmor vm3, vm2  }
0x1c3: {  	v30 =	vld [tilespmem:$0x2150];
	vm3 =	vlt.s32 v43, v45;
	v61 =	vsel vm2, v57, v48;
	v26 =	vsel vm2, v58, v53  }
0x1c4: {  	v32 =	vld [tilespmem:$0x21D0];
	vm1 =	vmand vm1, vm3;
	vm2 =	veq.f32 v59, v61;
	vm3 =	vlt.s32 v54, v26  }
0x1c5: {  	v18 =	vadd.s32 v31, v63;
	v31 =	vld [tilespmem:$0x22D0];
	vm2 =	vmand vm2, vm3;
	vm3 =	vgt.f32 v59, v61  }
0x1c6: {  	v48 =	vld [tilespmem:$0x2AD0];
	vm2 =	vmor vm3, vm2  }
0x1c7: {  	vm3 =	vgt.f32 v51, v56;
	v57 =	vsel vm2, v59, v61;
	v26 =	vsel vm2, v54, v26;
	v59 =	vld [tilespmem:$0x2D60]  }
0x1c8: {  	v58 =	vld [tilespmem:$0x2560];
	vm1 =	vmor vm3, vm1;
	vm2 =	veq.f32 v60, v57;
	vm3 =	vlt.s32 v62, v26  }
0x1c9: {  	v63 =	vld [tilespmem:$0x2DE0];
	v36 =	vadd.s32 v36, v18;
	vm2 =	vmand vm2, vm3;
	vm3 =	vgt.f32 v60, v57  }
0x1ca: {  	v55 =	vld [tilespmem:$0x2660];
	v19 =	vsel vm1, v51, v56;
	v18 =	vsel vm1, v43, v45;
	vm2 =	vmor vm3, vm2  }
0x1cb: {  	v46 =	vld [tilespmem:$0x1DE0];
	v60 =	vsel vm2, v60, v57;
	v26 =	vsel vm2, v62, v26;
	v62 =	vadd.s32 v44, v37  }
0x1cc: {  	v61 =	vld [tilespmem:$0x25E0];
	vm1 =	veq.f32 v48, v60;
	vm2 =	vlt.s32 v49, v26;
	vm3 =	vlt.s32 v59, $0x40000000  }
0x1cd: {  	v53 =	vld [tilespmem:$0x3350];
	v28 =	vadd.s32 v50, v62;
	vm1 =	vmand vm1, vm2;
	vm2 =	veq.f32 v58, $-1.000000000e+00  }
0x1ce: {  	v43 =	vld [tilespmem:$0x2B50];
	v54 =	vadd.s32 v39, v28;
	vm2 =	vmand vm2, vm3;
	vm3 =	vgt.f32 v58, $-1.000000000e+00  }
0x1cf: {  	v33 =	vadd.s32 v33, v36;
	v51 =	vld [tilespmem:$0x27E0];
	v36 =	vadd.s32 v42, v54;
	vm2 =	vmor vm3, vm2  }
0x1d0: {  	v57 =	vld [tilespmem:$0x2E60];
	vm3 =	vgt.f32 v48, v60;
	v38 =	vnsel vm2, $0xBF800000, v58;
	v56 =	vnsel vm2, $0x40000000, v59  }
0x1d1: {  	v45 =	vld [tilespmem:$0x27F0];
	vm1 =	vmor vm3, vm1;
	vm2 =	veq.f32 v61, v38;
	vm3 =	vlt.s32 v63, v56  }
0x1d2: {  	v50 =	vld [tilespmem:$0x2C50];
	v41 =	vsel vm1, v48, v60;
	vm2 =	vmand vm2, vm3;
	vm3 =	vgt.f32 v61, v38  }
0x1d3: {  	v59 =	vld [tilespmem:$0x26E0];
	v24 =	vsel vm1, v49, v26;
	vm1 =	veq.f32 v43, v41;
	vm2 =	vmor vm3, vm2  }
0x1d4: {  	v60 =	vld [tilespmem:$0x2EE0];
	vm3 =	vlt.s32 v53, v24;
	v38 =	vsel vm2, v61, v38;
	v37 =	vsel vm2, v63, v56  }
0x1d5: {  	v58 =	vld [tilespmem:$0x2BD0];
	vm1 =	vmand vm1, vm3;
	vm2 =	veq.f32 v55, v38;
	vm3 =	vlt.s32 v57, v37  }
0x1d6: {  	v62 =	vadd.s32 v52, v36;
	v49 =	vld [tilespmem:$0x2F60];
	vm2 =	vmand vm2, vm3;
	vm3 =	vgt.f32 v55, v38  }
0x1d7: {  	v27 =	vadd.s32 v27, v33;
	v33 =	vadd.s32 v35, v62;
	v61 =	vld [tilespmem:$0x33D0];
	vm2 =	vmor vm3, vm2  }
0x1d8: {  	v63 =	vld [tilespmem:$0x2760];
	vm3 =	vgt.f32 v43, v41;
	v38 =	vsel vm2, v55, v38;
	v37 =	vsel vm2, v57, v37  }
0x1d9: {  	v28 =	vld [tilespmem:$0x23D0];
	vm1 =	vmor vm3, vm1;
	vm2 =	veq.f32 v59, v38;
	vm3 =	vlt.s32 v60, v37  }
0x1da: {  	v54 =	vld [tilespmem:$0x2860];
	v41 =	vsel vm1, v43, v41;
	vm2 =	vmand vm2, vm3;
	vm3 =	vgt.f32 v59, v38  }
0x1db: {  	v52 =	vld [tilespmem:$0x2FE0];
	v44 =	vsel vm1, v53, v24;
	vm1 =	veq.f32 v58, v41;
	vm2 =	vmor vm3, vm2  }
0x1dc: {  	v35 =	vld [tilespmem:$0x2CD0];
	vm3 =	vlt.s32 v61, v44;
	v38 =	vsel vm2, v59, v38;
	v37 =	vsel vm2, v60, v37  }
0x1dd: {  	v62 =	vld [tilespmem:$0x2960];
	vm1 =	vmand vm1, vm3;
	vm2 =	veq.f32 v63, v38;
	vm3 =	vlt.s32 v49, v37  }
0x1de: {  	v26 =	vld [tilespmem:$0x2450];
	v53 =	vadd.s32 v34, v33;
	vm2 =	vmand vm2, vm3;
	vm3 =	vgt.f32 v63, v38  }
0x1df: {  	v25 =	vadd.s32 v25, v27;
	v43 =	vld [tilespmem:$0x3450];
	v27 =	vadd.s32 v30, v53;
	vm2 =	vmor vm3, vm2  }
0x1e0: {  	v57 =	vld [tilespmem:$0x3060];
	vm3 =	vgt.f32 v58, v41;
	v55 =	vsel vm2, v63, v38;
	v56 =	vsel vm2, v49, v37  }
0x1e1: {  	v48 =	vld [tilespmem:$0x3160];
	vm1 =	vmor vm3, vm1;
	vm2 =	veq.f32 v51, v55;
	vm3 =	vlt.s32 v52, v56  }
0x1e2: {  	v24 =	vld [tilespmem:$0x24D0];
	v58 =	vsel vm1, v58, v41;
	vm2 =	vmand vm2, vm3;
	vm3 =	vgt.f32 v51, v55  }
0x1e3: {  	v59 =	vld [tilespmem:$0x28E0];
	v44 =	vsel vm1, v61, v44;
	vm1 =	veq.f32 v50, v58;
	vm2 =	vmor vm3, vm2  }
0x1e4: {  	v60 =	vld [tilespmem:$0x30E0];
	vm3 =	vlt.s32 v43, v44;
	v34 =	vsel vm2, v51, v55;
	v36 =	vsel vm2, v52, v56  }
0x1e5: {  	v30 =	vld [tilespmem:$0x1E60];
	vm1 =	vmand vm1, vm3;
	vm2 =	veq.f32 v54, v34;
	vm3 =	vlt.s32 v57, v36  }
0x1e6: {  	v53 =	vld [tilespmem:$0x29E0];
	v61 =	vadd.s32 v32, v27;
	vm2 =	vmand vm2, vm3;
	vm3 =	vgt.f32 v54, v34  }
0x1e7: {  	v38 =	vld [tilespmem:$0x34D0];
	v21 =	vadd.s32 v21, v61;
	vm2 =	vmor vm3, vm2  }
0x1e8: {  	v49 =	vld [tilespmem:$0x1EE0];
	vm3 =	vgt.f32 v50, v58;
	v63 =	vsel vm2, v54, v34;
	v47 =	vsel vm2, v57, v36  }
0x1e9: {  	v41 =	vld [tilespmem:$0x1D60];
	vm1 =	vmor vm3, vm1;
	vm2 =	veq.f32 v59, v63;
	vm3 =	vlt.s32 v60, v47  }
0x1ea: {  	v61 =	vld [tilespmem:$0x2060];
	v50 =	vsel vm1, v50, v58;
	vm2 =	vmand vm2, vm3;
	vm3 =	vgt.f32 v59, v63  }
0x1eb: {  	v51 =	vld [tilespmem:$0x1F60];
	v52 =	vsel vm1, v43, v44;
	vm1 =	veq.f32 v35, v50;
	vm2 =	vmor vm3, vm2  }
0x1ec: {  	v55 =	vld [tilespmem:$0x1FE0];
	vm3 =	vlt.s32 v38, v52;
	v32 =	vsel vm2, v59, v63;
	v33 =	vsel vm2, v60, v47  }
0x1ed: {  	v54 =	vld [tilespmem:$0x31E0];
	vm1 =	vmand vm1, vm3;
	vm2 =	veq.f32 v62, v32;
	vm3 =	vlt.s32 v48, v33  }
0x1ee: {  	v23 =	vadd.s32 v23, v25;
	v56 =	vld [tilespmem:$0x2A60];
	vm2 =	vmand vm2, vm3;
	vm3 =	vgt.f32 v62, v32  }
0x1ef: {  	v23 =	vadd.s32 v22, v23;
	v31 =	vadd.s32 v31, v21;
	v57 =	vld [tilespmem:$0x3260];
	vm2 =	vmor vm3, vm2  }
0x1f0: {  	v29 =	vadd.s32 v29, v31;
	v60 =	vld [tilespmem:$0x2D70];
	vm3 =	vgt.f32 v35, v50;
	v27 =	vsel vm2, v62, v32  }
0x1f1: {  	v44 =	vld [tilespmem:$0x24E0];
	v58 =	vsel vm2, v48, v33;
	vm1 =	vmor vm3, vm1;
	v62 =	vadd.s32 v41, v46  }
0x1f2: {  	v59 =	vld [tilespmem:$0x2570];
	vm2 =	veq.f32 v53, v27;
	vm3 =	vlt.s32 v54, v58;
	v22 =	vsel vm1, v35, v50  }
0x1f3: {  	v63 =	vld [tilespmem:$0x20E0];
	v30 =	vadd.s32 v30, v62;
	vm2 =	vmand vm2, vm3;
	vm3 =	vgt.f32 v53, v27  }
0x1f4: {  	v47 =	vld [tilespmem:$0x2DF0];
	v21 =	vsel vm1, v38, v52;
	v30 =	vadd.s32 v49, v30;
	vm1 =	vmor vm3, vm2  }
0x1f5: {  	v46 =	vld [tilespmem:$0x25F0];
	vm3 =	vlt.s32 v60, $0x40000000;
	v27 =	vsel vm1, v53, v27;
	v32 =	vsel vm1, v54, v58  }
0x1f6: {  	v48 =	vld [tilespmem:$0x2AE0];
	v30 =	vadd.s32 v51, v30;
	vm1 =	veq.f32 v56, v27;
	vm2 =	vlt.s32 v57, v32  }
0x1f7: {  	v50 =	vld [tilespmem:$0x2670];
	v30 =	vadd.s32 v55, v30;
	vm1 =	vmand vm1, vm2;
	vm2 =	veq.f32 v59, $-1.000000000e+00  }
0x1f8: {  	v52 =	vld [tilespmem:$0x2160];
	v30 =	vadd.s32 v61, v30;
	vm2 =	vmand vm2, vm3;
	vm3 =	vgt.f32 v59, $-1.000000000e+00  }
0x1f9: {  	v28 =	vadd.s32 v28, v29;
	v49 =	vld [tilespmem:$0x32E0];
	v58 =	vadd.s32 v63, v30;
	vm2 =	vmor vm3, vm2  }
0x1fa: {  	v51 =	vld [tilespmem:$0x2E70];
	vm3 =	vgt.f32 v56, v27;
	v33 =	vnsel vm2, $0xBF800000, v59;
	v34 =	vnsel vm2, $0x40000000, v60  }
0x1fb: {  	v62 =	vld [tilespmem:$0x2260];
	vm1 =	vmor vm3, vm1;
	vm2 =	veq.f32 v46, v33;
	vm3 =	vlt.s32 v47, v34  }
0x1fc: {  	v53 =	vld [tilespmem:$0x21E0];
	v25 =	vsel vm1, v56, v27;
	vm2 =	vmand vm2, vm3;
	vm3 =	vgt.f32 v46, v33  }
0x1fd: {  	v54 =	vld [tilespmem:$0x26F0];
	v32 =	vsel vm1, v57, v32;
	vm1 =	veq.f32 v48, v25;
	vm2 =	vmor vm3, vm2  }
0x1fe: {  	v55 =	vld [tilespmem:$0x2EF0];
	vm3 =	vlt.s32 v49, v32;
	v33 =	vsel vm2, v46, v33;
	v34 =	vsel vm2, v47, v34  }
0x1ff: {  	v61 =	vld [tilespmem:$0x2F70];
	vm1 =	vmand vm1, vm3;
	vm2 =	veq.f32 v50, v33;
	vm3 =	vlt.s32 v51, v34  }
0x200: {  	v29 =	vadd.s32 v52, v58;
	v56 =	vld [tilespmem:$0x2B60];
	vm2 =	vmand vm2, vm3;
	vm3 =	vgt.f32 v50, v33  }
0x201: {  	v57 =	vld [tilespmem:$0x3360];
	v27 =	vadd.s32 v53, v29;
	vm2 =	vmor vm3, vm2  }
0x202: {  	v59 =	vld [tilespmem:$0x2770];
	vm3 =	vgt.f32 v48, v25;
	v31 =	vsel vm2, v50, v33;
	v60 =	vsel vm2, v51, v34  }
0x203: {  	v63 =	vld [tilespmem:$0x22E0];
	vm1 =	vmor vm3, vm1;
	vm2 =	veq.f32 v54, v31;
	vm3 =	vlt.s32 v55, v60  }
0x204: {  	v52 =	vld [tilespmem:$0x3070];
	v25 =	vsel vm1, v48, v25;
	vm2 =	vmand vm2, vm3;
	vm3 =	vgt.f32 v54, v31  }
0x205: {  	v58 =	vld [tilespmem:$0x3460];
	v32 =	vsel vm1, v49, v32;
	vm1 =	veq.f32 v56, v25;
	vm2 =	vmor vm3, vm2  }
0x206: {  	v53 =	vld [tilespmem:$0x2360];
	vm3 =	vlt.s32 v57, v32;
	v31 =	vsel vm2, v54, v31;
	v33 =	vsel vm2, v55, v60  }
0x207: {  	v46 =	vld [tilespmem:$0x2FF0];
	vm1 =	vmand vm1, vm3;
	vm2 =	veq.f32 v59, v31;
	vm3 =	vlt.s32 v61, v33  }
0x208: {  	v27 =	vadd.s32 v62, v27;
	v62 =	vld [tilespmem:$0x3170];
	vm2 =	vmand vm2, vm3;
	vm3 =	vgt.f32 v59, v31  }
0x209: {  	v26 =	vadd.s32 v26, v28;
	v47 =	vld [tilespmem:$0x2BE0];
	vm2 =	vmor vm3, vm2  }
0x20a: {  	v24 =	vadd.s32 v24, v26;
	v48 =	vld [tilespmem:$0x33E0];
	vm3 =	vgt.f32 v56, v25;
	v50 =	vsel vm2, v59, v31  }
0x20b: {  	v49 =	vld [tilespmem:$0x2870];
	v51 =	vsel vm2, v61, v33;
	vm1 =	vmor vm3, vm1;
	v59 =	vadd.s32 v63, v27  }
0x20c: {  	v54 =	vld [tilespmem:$0x23E0];
	vm2 =	veq.f32 v45, v50;
	vm3 =	vlt.s32 v46, v51;
	v25 =	vsel vm1, v56, v25  }
0x20d: {  	v63 =	vld [tilespmem:$0x2460];
	v32 =	vsel vm1, v57, v32;
	vm2 =	vmand vm2, vm3;
	vm3 =	vgt.f32 v45, v50  }
0x20e: {  	v55 =	vld [tilespmem:$0x28F0];
	v26 =	vadd.s32 v53, v59;
	vm1 =	veq.f32 v47, v25;
	vm2 =	vmor vm3, vm2  }
0x20f: {  	v56 =	vld [tilespmem:$0x30F0];
	vm3 =	vlt.s32 v48, v32;
	v29 =	vsel vm2, v45, v50;
	v30 =	vsel vm2, v46, v51  }
0x210: {  	v60 =	vld [tilespmem:$0x2970];
	vm1 =	vmand vm1, vm3;
	vm2 =	veq.f32 v49, v29;
	vm3 =	vlt.s32 v52, v30  }
0x211: {  	v57 =	vld [tilespmem:$0x2C60];
	v26 =	vadd.s32 v54, v26;
	vm2 =	vmand vm2, vm3;
	vm3 =	vgt.f32 v49, v29  }
0x212: {  	v54 =	vld [tilespmem:$0x1EF0];
	v26 =	vadd.s32 v63, v26;
	vm2 =	vmor vm3, vm2  }
0x213: {  	v50 =	vld [tilespmem:$0x1DF0];
	vm3 =	vgt.f32 v47, v25;
	v28 =	vsel vm2, v49, v29;
	v61 =	vsel vm2, v52, v30  }
0x214: {  	vm1 =	vmor vm3, vm1;
	v49 =	vld [tilespmem:$0x1D70];
	vm2 =	veq.f32 v55, v28;
	vm3 =	vlt.s32 v56, v61  }
0x215: {  	v51 =	vld [tilespmem:$0x1E70];
	v25 =	vsel vm1, v47, v25;
	vm2 =	vmand vm2, vm3;
	vm3 =	vgt.f32 v55, v28  }
0x216: {  	v45 =	vld [tilespmem:$0x29F0];
	v32 =	vsel vm1, v48, v32;
	vm1 =	veq.f32 v57, v25;
	vm2 =	vmor vm3, vm2  }
0x217: {  	v46 =	vld [tilespmem:$0x31F0];
	vm3 =	vlt.s32 v58, v32;
	v28 =	vsel vm2, v55, v28;
	v29 =	vsel vm2, v56, v61  }
0x218: {  	v47 =	vld [tilespmem:$0x2CE0];
	vm1 =	vmand vm1, vm3;
	vm2 =	veq.f32 v60, v28;
	vm3 =	vlt.s32 v62, v29  }
0x219: {  	v56 =	vld [tilespmem:$0x1F70];
	v61 =	vadd.s32 v49, v50;
	vm2 =	vmand vm2, vm3;
	vm3 =	vgt.f32 v60, v28  }
0x21a: {  	[tilespmem:$0x3580] =	vst v8;
	v48 =	vld [tilespmem:$0x34E0];
	v63 =	vadd.s32 v51, v61;
	vm2 =	vmor vm3, vm2;
	vm3 =	vgt.f32 v57, v25  }
0x21b: {  	[tilespmem:$0x3590] =	vst v11;
	v8 =	vadd.s32 v44, v26;
	v11 =	vadd.s32 v54, v63;
	vm1 =	vmor vm3, vm1  }
0x21c: {  	v27 =	vsel vm2, v60, v28;
	v29 =	vsel vm2, v62, v29;
	v25 =	vsel vm1, v57, v25  }
0x21d: {  	v53 =	vld [tilespmem:$0x3270];
	vm2 =	veq.f32 v45, v27;
	vm3 =	vlt.s32 v46, v29;
	v32 =	vsel vm1, v58, v32  }
0x21e: {  	v52 =	vld [tilespmem:$0x2A70];
	vm1 =	vgt.f32 v45, v27;
	v11 =	vadd.s32 v56, v11;
	vm2 =	vmand vm2, vm3  }
0x21f: {  	v36 =	vld [tilespmem:$0x20F0];
	vm3 =	veq.f32 v47, v25;
	vm1 =	vmor vm1, vm2;
	vm2 =	vlt.s32 v48, v32  }
0x220: {  	v59 =	vld [tilespmem:$0x2AF0];
	vm2 =	vmand vm3, vm2;
	v27 =	vsel vm1, v45, v27;
	vm3 =	vlt.s32 v7, $0x4E1F  }
0x221: {  	[tilespmem:$0x3500] =	vst v9;
	v58 =	vld [tilespmem:$0x1FF0];
	v55 =	vsel vm1, v46, v29;
	vm1 =	vgt.f32 v47, v25;
	v57 =	vnsel vm3, $0x4E1F, v7  }
0x222: {  	[tilespmem:$0x3600] =	vst v7;
	v60 =	vld [tilespmem:$0x32F0];
	vm1 =	vmor vm1, vm2;
	vm3 =	vlt.s32 v53, v55;
	v7 =	vshll.u32 v57, $0x3  }
0x223: {  	v43 =	vld [tilespmem:$0x3370];
	v25 =	vsel vm1, v47, v25;
	[tilespmem:$0x3680] =	vst v7;
	v7 =	vsel vm1, v48, v32;
	vm1 =	veq.f32 v52, v27  }
0x224: {  	[tilespmem:$0x3510] =	vst v12;
	v62 =	vld [tilespmem:$0x2070];
	vm2 =	vlt.s32 v10, $0x4E1F;
	vm1 =	vmand vm1, vm3;
	vm3 =	vgt.f32 v52, v27  }
0x225: {  	[tilespmem:$0x3610] =	vst v10;
	v41 =	vld [tilespmem:$0x2B70];
	v34 =	vnsel vm2, $0x4E1F, v10;
	vm2 =	vlt.s32 v13, $0x4E1F;
	vm1 =	vmor vm3, vm1  }
0x226: {  	[tilespmem:$0x35A0] =	vst v14;
	v44 =	vld [tilespmem:$0x2170];
	v11 =	vadd.s32 v58, v11;
	v40 =	vsel vm1, v52, v27;
	v9 =	vsel vm1, v53, v55  }
0x227: {  	[tilespmem:$0x3620] =	vst v13;
	v50 =	vld [tilespmem:$0x33F0];
	v39 =	vshll.u32 v34, $0x3;
	vm1 =	veq.f32 v59, v40;
	vm3 =	vlt.s32 v60, v9  }
0x228: {  	[tilespmem:$0x3520] =	vst v17;
	v51 =	vld [tilespmem:$0x2270];
	v42 =	vnsel vm2, $0x4E1F, v13;
	vm1 =	vmand vm1, vm3;
	vm3 =	vgt.f32 v59, v40  }
0x229: {  	[tilespmem:$0x35B0] =	vst v16;
	v45 =	vld [tilespmem:$0x21F0];
	vm2 =	vlt.s32 v15, $0x4E1F;
	v11 =	vadd.s32 v62, v11;
	vm1 =	vmor vm3, vm1  }
0x22a: {  	[tilespmem:$0x3630] =	vst v15;
	v47 =	vld [tilespmem:$0x2BF0];
	v10 =	vshll.u32 v42, $0x3;
	v48 =	vsel vm1, v59, v40;
	v9 =	vsel vm1, v60, v9  }
0x22b: {  	[tilespmem:$0x3530] =	vst v20;
	v46 =	vnsel vm2, $0x4E1F, v15;
	vm1 =	veq.f32 v41, v48;
	vm2 =	vlt.s32 v43, v9  }
0x22c: {  	[tilespmem:$0x3540] =	vst v23;
	v11 =	vadd.s32 v36, v11;
	v52 =	vld [tilespmem:$0x22F0];
	vm1 =	vmand vm1, vm2;
	vm2 =	vgt.f32 v41, v48  }
0x22d: {  	[tilespmem:$0x35C0] =	vst v19;
	v49 =	vshll.u32 v46, $0x3;
	v11 =	vadd.s32 v44, v11;
	v53 =	vld [tilespmem:$0x2C70];
	vm1 =	vmor vm2, vm1  }
0x22e: {  	[tilespmem:$0x36A0] =	vst v10;
	v55 =	vld [tilespmem:$0x3470];
	v11 =	vadd.s32 v45, v11;
	v10 =	vsel vm1, v41, v48;
	v9 =	vsel vm1, v43, v9  }
0x22f: {  	[tilespmem:$0x3640] =	vst v18;
	v56 =	vld [tilespmem:$0x2370];
	v11 =	vadd.s32 v51, v11;
	vm1 =	veq.f32 v47, v10;
	vm2 =	vlt.s32 v50, v9  }
0x230: {  	[tilespmem:$0x3550] =	vst v24;
	v57 =	vld [tilespmem:$0x23F0];
	vm3 =	vlt.s32 v18, $0x4E1F;
	vm1 =	vmand vm1, vm2;
	vm2 =	vgt.f32 v47, v10  }
0x231: {  	[tilespmem:$0x35D0] =	vst v22;
	v58 =	vld [tilespmem:$0x2CF0];
	v54 =	vnsel vm3, $0x4E1F, v18;
	v11 =	vadd.s32 v52, v11;
	vm1 =	vmor vm2, vm1  }
0x232: {  	[tilespmem:$0x3650] =	vst v21;
	v59 =	vld [tilespmem:$0x34F0];
	vm2 =	vlt.s32 v21, $0x4E1F;
	v10 =	vsel vm1, v47, v10;
	v9 =	vsel vm1, v50, v9  }
0x233: {  	[tilespmem:$0x3560] =	vst v8;
	v60 =	vnsel vm2, $0x4E1F, v21;
	vm1 =	veq.f32 v53, v10;
	vm2 =	vlt.s32 v55, v9  }
0x234: {  	v61 =	vld [tilespmem:$0x2470];
	[tilespmem:$0x35E0] =	vst v25;
	v11 =	vadd.s32 v56, v11;
	vm1 =	vmand vm1, vm2;
	vm2 =	vgt.f32 v53, v10  }
0x235: {  	v62 =	vld [tilespmem:$0x24F0];
	[tilespmem:$0x3690] =	vst v39;
	v12 =	vshll.u32 v54, $0x3;
	v11 =	vadd.s32 v57, v11;
	vm1 =	vmor vm2, vm1  }
0x236: {  	[tilespmem:$0x3660] =	vst v7;
	v13 =	vshll.u32 v60, $0x3;
	v10 =	vsel vm1, v53, v10;
	v9 =	vsel vm1, v55, v9  }
0x237: {  	[tilespmem:$0x36B0] =	vst v49;
	vm1 =	vlt.s32 v7, $0x4E1F;
	vm2 =	veq.f32 v58, v10;
	vm3 =	vlt.s32 v59, v9  }
0x238: {  	[tilespmem:$0x36C0] =	vst v12;
	v8 =	vnsel vm1, $0x4E1F, v7;
	vm1 =	vmand vm2, vm3;
	vm2 =	vgt.f32 v58, v10  }
0x239: {  	[tilespmem:$0x36D0] =	vst v13;
	v7 =	vadd.s32 v61, v11;
	v8 =	vshll.u32 v8, $0x3;
	vm1 =	vmor vm2, vm1  }
.Ltmp4:
0x23a: {  	v7 =	vadd.s32 v62, v7;
	[tilespmem:$0x36E0] =	vst v8;
	v8 =	vsel vm1, v59, v9;
	(pc) =	sbr.rel @p1 .LBB2_7-.Ltmp4, $4  }
0x23b: {  	[tilespmem:$0x3570] =	vst v7;
	v63 =	vsel vm1, v58, v10;
	vm1 =	vlt.s32 v8, $0x4E1F  }
0x23c: {  	[tilespmem:$0x35F0] =	vst v63;
	v7 =	vnsel vm1, $0x4E1F, v8  }
0x23d: {  	[tilespmem:$0x3670] =	vst v8;
	v7 =	vshll.u32 v7, $0x3  }
0x23e: {  	[tilespmem:$0x36F0] =	vst v7  }
0x23f: {  	s19 =	simm.s32 $0x3500  }
0x240: {  	[hbm4b:s13+s2] =	stream.linear.scatter [tilespmem:s19], [sflag:$0x2], $0x80, $0x38;
	[tilespmem:$0x5820] =	vst v63  }
0x241: {  	_ =	swait.ge [sflag:s20], $0x80  }
0x242: {  	[sflag:s20] =	ssyncset.done $0x0  }
0x243: {  	s25 =	simm.s32 $0x3580;
	[sflag:s20] =	ssyncadd.s32 $0xFFFFFF80  }
0x244: {  	[hbm4b:s14+s2] =	stream.linear.scatter [tilespmem:s25], [sflag:$0x2], $0x80, $0x38;
	[tilespmem:$0x5820] =	vst v63  }
0x245: {  	_ =	swait.ge [sflag:s20], $0x80  }
0x246: {  	[sflag:s20] =	ssyncset.done $0x0  }
0x247: {  	s30 =	simm.s32 $0x3600;
	[sflag:s20] =	ssyncadd.s32 $0xFFFFFF80  }
0x248: {  	[hbm4b:s15+s2] =	stream.linear.scatter [tilespmem:s30], [sflag:$0x2], $0x80, $0x38;
	[tilespmem:$0x5820] =	vst v63  }
0x249: {  	_ =	swait.ge [sflag:s20], $0x80  }
0x24a: {  	[sflag:s20] =	ssyncset.done $0x0  }
0x24b: {  	[sflag:s20] =	ssyncadd.s32 $0xFFFFFF80  }
0x24c: {  	v7 =	vld [tilespmem:$0x3680]  }
0x24d: {  	v8 =	vld [tilespmem:$0x3690]  }
0x24e: {  	v9 =	vld [tilespmem:$0x36A0]  }
0x24f: {  	v10 =	vld [tilespmem:$0x36B0]  }
0x250: {  	v11 =	vld [tilespmem:$0x36C0]  }
0x251: {  	v12 =	vld [tilespmem:$0x36D0]  }
0x252: {  	v19 =	vld [tilespmem:$0x3680];
	[tilespmem:$0x3700] =	vst v7  }
0x253: {  	v7 =	vld [tilespmem:$0x36E0];
	[tilespmem:$0x3710] =	vst v8  }
0x254: {  	v8 =	vld [tilespmem:$0x36F0];
	[tilespmem:$0x3720] =	vst v9  }
0x255: {  	v20 =	vld [tilespmem:$0x3690];
	[tilespmem:$0x3730] =	vst v10  }
0x256: {  	v21 =	vld [tilespmem:$0x36A0];
	[tilespmem:$0x3740] =	vst v11  }
0x257: {  	v22 =	vld [tilespmem:$0x36B0];
	[tilespmem:$0x3750] =	vst v12  }
0x258: {  	[tilespmem:$0x3760] =	vst v7;
	v7 =	vld [tilespmem:$0x36C0]  }
0x259: {  	v23 =	vld [tilespmem:$0x36D0];
	[tilespmem:$0x3770] =	vst v8;
	v8 =	vadd.s32 $0x1, v19  }
0x25a: {  	v24 =	vld [tilespmem:$0x36E0];
	[tilespmem:$0x3780] =	vst v8;
	v8 =	vadd.s32 $0x1, v20  }
0x25b: {  	v25 =	vld [tilespmem:$0x36F0];
	[tilespmem:$0x3790] =	vst v8;
	v8 =	vadd.s32 $0x1, v21  }
0x25c: {  	v26 =	vld [tilespmem:$0x3680];
	[tilespmem:$0x37A0] =	vst v8;
	v8 =	vadd.s32 $0x1, v22  }
0x25d: {  	[tilespmem:$0x37B0] =	vst v8;
	v8 =	vld [tilespmem:$0x3690];
	v7 =	vadd.s32 $0x1, v7  }
0x25e: {  	v27 =	vld [tilespmem:$0x36A0];
	[tilespmem:$0x37C0] =	vst v7;
	v7 =	vadd.s32 $0x1, v23  }
0x25f: {  	v28 =	vld [tilespmem:$0x36B0];
	[tilespmem:$0x37D0] =	vst v7;
	v7 =	vadd.s32 $0x1, v24  }
0x260: {  	v29 =	vld [tilespmem:$0x36C0];
	[tilespmem:$0x37E0] =	vst v7;
	v7 =	vadd.s32 $0x1, v25  }
0x261: {  	v30 =	vld [tilespmem:$0x36D0];
	[tilespmem:$0x37F0] =	vst v7;
	v7 =	vadd.s32 $0x2, v26  }
0x262: {  	[tilespmem:$0x3800] =	vst v7;
	v7 =	vadd.s32 $0x2, v8;
	v8 =	vld [tilespmem:$0x36E0]  }
0x263: {  	v31 =	vld [tilespmem:$0x36F0];
	[tilespmem:$0x3810] =	vst v7;
	v7 =	vadd.s32 $0x2, v27  }
0x264: {  	v32 =	vld [tilespmem:$0x3680];
	[tilespmem:$0x3820] =	vst v7;
	v7 =	vadd.s32 $0x2, v28  }
0x265: {  	v33 =	vld [tilespmem:$0x3690];
	[tilespmem:$0x3830] =	vst v7;
	v7 =	vadd.s32 $0x2, v29  }
0x266: {  	v34 =	vld [tilespmem:$0x36A0];
	[tilespmem:$0x3840] =	vst v7;
	v7 =	vadd.s32 $0x2, v30  }
0x267: {  	[tilespmem:$0x3850] =	vst v7;
	v7 =	vadd.s32 $0x2, v8;
	v8 =	vld [tilespmem:$0x36B0]  }
0x268: {  	v35 =	vld [tilespmem:$0x36C0];
	[tilespmem:$0x3860] =	vst v7;
	v7 =	vadd.s32 $0x2, v31  }
0x269: {  	v36 =	vld [tilespmem:$0x36D0];
	[tilespmem:$0x3870] =	vst v7;
	v7 =	vadd.s32 $0x3, v32  }
0x26a: {  	v37 =	vld [tilespmem:$0x36E0];
	[tilespmem:$0x3880] =	vst v7;
	v7 =	vadd.s32 $0x3, v33  }
0x26b: {  	v38 =	vld [tilespmem:$0x36F0];
	[tilespmem:$0x3890] =	vst v7;
	v7 =	vadd.s32 $0x3, v34  }
0x26c: {  	[tilespmem:$0x38A0] =	vst v7;
	v7 =	vadd.s32 $0x3, v8;
	v8 =	vld [tilespmem:$0x3680]  }
0x26d: {  	v39 =	vld [tilespmem:$0x3690];
	[tilespmem:$0x38B0] =	vst v7;
	v7 =	vadd.s32 $0x3, v35  }
0x26e: {  	v40 =	vld [tilespmem:$0x36A0];
	[tilespmem:$0x38C0] =	vst v7;
	v7 =	vadd.s32 $0x3, v36  }
0x26f: {  	v41 =	vld [tilespmem:$0x36B0];
	[tilespmem:$0x38D0] =	vst v7;
	v7 =	vadd.s32 $0x3, v37  }
0x270: {  	v42 =	vld [tilespmem:$0x36C0];
	[tilespmem:$0x38E0] =	vst v7;
	v7 =	vadd.s32 $0x3, v38  }
0x271: {  	[tilespmem:$0x38F0] =	vst v7;
	v7 =	vadd.s32 $0x4, v8;
	v8 =	vld [tilespmem:$0x36D0]  }
0x272: {  	v43 =	vld [tilespmem:$0x36E0];
	[tilespmem:$0x3900] =	vst v7;
	v7 =	vadd.s32 $0x4, v39  }
0x273: {  	v44 =	vld [tilespmem:$0x36F0];
	[tilespmem:$0x3910] =	vst v7;
	v7 =	vadd.s32 $0x4, v40  }
0x274: {  	v45 =	vld [tilespmem:$0x3680];
	[tilespmem:$0x3920] =	vst v7;
	v7 =	vadd.s32 $0x4, v41  }
0x275: {  	v46 =	vld [tilespmem:$0x3690];
	[tilespmem:$0x3930] =	vst v7;
	v7 =	vadd.s32 $0x4, v42  }
0x276: {  	[tilespmem:$0x3940] =	vst v7;
	v7 =	vadd.s32 $0x4, v8;
	v8 =	vld [tilespmem:$0x36A0]  }
0x277: {  	v47 =	vld [tilespmem:$0x36B0];
	[tilespmem:$0x3950] =	vst v7;
	v7 =	vadd.s32 $0x4, v43  }
0x278: {  	v48 =	vld [tilespmem:$0x36C0];
	[tilespmem:$0x3960] =	vst v7;
	v7 =	vadd.s32 $0x4, v44  }
0x279: {  	v49 =	vld [tilespmem:$0x36D0];
	[tilespmem:$0x3970] =	vst v7;
	v7 =	vadd.s32 $0x5, v45  }
0x27a: {  	v50 =	vld [tilespmem:$0x36E0];
	[tilespmem:$0x3980] =	vst v7;
	v7 =	vadd.s32 $0x5, v46  }
0x27b: {  	[tilespmem:$0x3990] =	vst v7;
	v7 =	vadd.s32 $0x5, v8;
	v8 =	vld [tilespmem:$0x36F0]  }
0x27c: {  	v51 =	vld [tilespmem:$0x3680];
	[tilespmem:$0x39A0] =	vst v7;
	v7 =	vadd.s32 $0x5, v47  }
0x27d: {  	v52 =	vld [tilespmem:$0x3690];
	[tilespmem:$0x39B0] =	vst v7;
	v7 =	vadd.s32 $0x5, v48  }
0x27e: {  	v53 =	vld [tilespmem:$0x36A0];
	[tilespmem:$0x39C0] =	vst v7;
	v7 =	vadd.s32 $0x5, v49  }
0x27f: {  	v54 =	vld [tilespmem:$0x36B0];
	[tilespmem:$0x39D0] =	vst v7;
	v7 =	vadd.s32 $0x5, v50  }
0x280: {  	[tilespmem:$0x39E0] =	vst v7;
	v7 =	vadd.s32 $0x5, v8;
	v8 =	vld [tilespmem:$0x36C0]  }
0x281: {  	v55 =	vld [tilespmem:$0x36D0];
	[tilespmem:$0x39F0] =	vst v7;
	v7 =	vadd.s32 $0x6, v51  }
0x282: {  	v56 =	vld [tilespmem:$0x36E0];
	[tilespmem:$0x3A00] =	vst v7;
	v7 =	vadd.s32 $0x6, v52  }
0x283: {  	v57 =	vld [tilespmem:$0x36F0];
	[tilespmem:$0x3A10] =	vst v7;
	v7 =	vadd.s32 $0x6, v53  }
0x284: {  	v58 =	vld [tilespmem:$0x3680];
	[tilespmem:$0x3A20] =	vst v7;
	v7 =	vadd.s32 $0x6, v54  }
0x285: {  	[tilespmem:$0x3A30] =	vst v7;
	v7 =	vadd.s32 $0x6, v8;
	v8 =	vld [tilespmem:$0x3690]  }
0x286: {  	v59 =	vld [tilespmem:$0x36A0];
	[tilespmem:$0x3A40] =	vst v7;
	v7 =	vadd.s32 $0x6, v55  }
0x287: {  	v60 =	vld [tilespmem:$0x36B0];
	[tilespmem:$0x3A50] =	vst v7;
	v7 =	vadd.s32 $0x6, v56  }
0x288: {  	v61 =	vld [tilespmem:$0x36C0];
	[tilespmem:$0x3A60] =	vst v7;
	v7 =	vadd.s32 $0x6, v57  }
0x289: {  	v62 =	vld [tilespmem:$0x36D0];
	[tilespmem:$0x3A70] =	vst v7;
	v7 =	vadd.s32 $0x7, v58  }
0x28a: {  	[tilespmem:$0x3A80] =	vst v7;
	v7 =	vadd.s32 $0x7, v8;
	v8 =	vld [tilespmem:$0x36E0]  }
0x28b: {  	v63 =	vld [tilespmem:$0x36F0];
	[tilespmem:$0x3A90] =	vst v7;
	v7 =	vadd.s32 $0x7, v59  }
0x28c: {  	[tilespmem:$0x3AA0] =	vst v7;
	v7 =	vadd.s32 $0x7, v60  }
0x28d: {  	[tilespmem:$0x3AB0] =	vst v7;
	v7 =	vadd.s32 $0x7, v61  }
0x28e: {  	[tilespmem:$0x3AC0] =	vst v7;
	v7 =	vadd.s32 $0x7, v62  }
0x28f: {  	[tilespmem:$0x3AD0] =	vst v7;
	v7 =	vadd.s32 $0x7, v8  }
0x290: {  	[tilespmem:$0x3AE0] =	vst v7;
	v7 =	vadd.s32 $0x7, v63  }
0x291: {  	s25 =	simm.s32 $0x3700;
	[tilespmem:$0x3AF0] =	vst v7  }
0x292: {  	[tilespmem:s0], [sflag:$0x1] =	stream.indirect.gather [hbm4b:s3+s26], $0x1, s25, s26, $0xb8;
	[tilespmem:$0x5820] =	vst v63  }
0x293: {  	s30 =	simm.s32 $0x3780;
	s25 =	simm.s32 $0x3B80  }
0x294: {  	[tilespmem:s25], [sflag:$0x1] =	stream.indirect.gather [hbm4b:s3+s26], $0x1, s30, s26, $0xb8;
	[tilespmem:$0x5820] =	vst v63  }
0x295: {  	s25 =	simm.s32 $0x3800;
	s30 =	simm.s32 $0x3C00  }
0x296: {  	[tilespmem:s30], [sflag:$0x1] =	stream.indirect.gather [hbm4b:s3+s26], $0x1, s25, s26, $0xb8;
	[tilespmem:$0x5820] =	vst v63  }
0x297: {  	s25 =	simm.s32 $0x3880;
	s30 =	simm.s32 $0x3C80  }
0x298: {  	[tilespmem:s30], [sflag:$0x1] =	stream.indirect.gather [hbm4b:s3+s26], $0x1, s25, s26, $0xb8;
	[tilespmem:$0x5820] =	vst v63  }
0x299: {  	s25 =	simm.s32 $0x3900;
	s30 =	simm.s32 $0x3D00  }
0x29a: {  	[tilespmem:s30], [sflag:$0x1] =	stream.indirect.gather [hbm4b:s3+s26], $0x1, s25, s26, $0xb8;
	[tilespmem:$0x5820] =	vst v63  }
0x29b: {  	s25 =	simm.s32 $0x3980;
	s30 =	simm.s32 $0x3D80  }
0x29c: {  	[tilespmem:s30], [sflag:$0x1] =	stream.indirect.gather [hbm4b:s3+s26], $0x1, s25, s26, $0xb8;
	[tilespmem:$0x5820] =	vst v63  }
0x29d: {  	s25 =	simm.s32 $0x3A00;
	s30 =	simm.s32 $0x3E00  }
0x29e: {  	[tilespmem:s30], [sflag:$0x1] =	stream.indirect.gather [hbm4b:s3+s26], $0x1, s25, s26, $0xb8;
	[tilespmem:$0x5820] =	vst v63  }
0x29f: {  	s25 =	simm.s32 $0x3A80;
	s30 =	simm.s32 $0x3E80  }
0x2a0: {  	[tilespmem:s30], [sflag:$0x1] =	stream.indirect.gather [hbm4b:s3+s26], $0x1, s25, s26, $0xb8;
	[tilespmem:$0x5820] =	vst v63  }
0x2a1: {  	_ =	swait.ge [sflag:s1], $0x80  }
0x2a2: {  	[sflag:s1] =	ssyncset.done $0x0  }
0x2a3: {  	[sflag:s1] =	ssyncadd.s32 $0xFFFFFF80  }
0x2a4: {  	_ =	swait.ge [sflag:s1], $0x80  }
0x2a5: {  	[sflag:s1] =	ssyncset.done $0x0  }
0x2a6: {  	[sflag:s1] =	ssyncadd.s32 $0xFFFFFF80  }
0x2a7: {  	_ =	swait.ge [sflag:s1], $0x80  }
0x2a8: {  	[sflag:s1] =	ssyncset.done $0x0  }
0x2a9: {  	[sflag:s1] =	ssyncadd.s32 $0xFFFFFF80  }
0x2aa: {  	_ =	swait.ge [sflag:s1], $0x80  }
0x2ab: {  	[sflag:s1] =	ssyncset.done $0x0  }
0x2ac: {  	[sflag:s1] =	ssyncadd.s32 $0xFFFFFF80  }
0x2ad: {  	_ =	swait.ge [sflag:s1], $0x80  }
0x2ae: {  	[sflag:s1] =	ssyncset.done $0x0  }
0x2af: {  	[sflag:s1] =	ssyncadd.s32 $0xFFFFFF80  }
0x2b0: {  	_ =	swait.ge [sflag:s1], $0x80  }
0x2b1: {  	[sflag:s1] =	ssyncset.done $0x0  }
0x2b2: {  	[sflag:s1] =	ssyncadd.s32 $0xFFFFFF80  }
0x2b3: {  	_ =	swait.ge [sflag:s1], $0x80  }
0x2b4: {  	[sflag:s1] =	ssyncset.done $0x0  }
0x2b5: {  	[sflag:s1] =	ssyncadd.s32 $0xFFFFFF80  }
0x2b6: {  	_ =	swait.ge [sflag:s1], $0x80  }
0x2b7: {  	[sflag:s1] =	ssyncset.done $0x0  }
0x2b8: {  	s30 =	simm.s32 $0x600;
	[sflag:s1] =	ssyncadd.s32 $0xFFFFFF80  }
0x2b9: {  	[hbm4b:s16+s26] =	stream.strided.scatter [tilespmem:s0], [sflag:$0x2], $0x400, s30, s26, $0x38;
	[tilespmem:$0x5820] =	vst v63  }
0x2ba: {  	_ =	swait.ge [sflag:s20], $0x400  }
0x2bb: {  	[sflag:s20] =	ssyncset.done $0x0  }
0x2bc: {  	[sflag:s20] =	ssyncadd.s32 $0xFFFFFC00  }
0x2bd: {  	s19 =	simm.s32 @!p0 $0x3F10;
	s25 =	rddreg [dreg:$0x5]  }
0x2be: {  	[tilespmem:s19], [sflag:$0x2] =	stream.linear.gather @!p0 [spmem:s25], $0x100, $0x38;
	[tilespmem:$0x5820] =	vst v63  }
0x2bf: {  	s19 =	simm.s32 @!p0 $0x2  }
0x2c0: {  	_ =	swait.ge @!p0 [sflag:s19], $0x100  }
0x2c1: {  	[sflag:s19] =	ssyncset.done @!p0 $0x0  }
0x2c2: {  	[sflag:s19] =	ssyncadd.s32 @!p0 $0xFFFFFF00  }
0x2c3: {  	v7 =	vld @!p0 [tilespmem:$0x3F10];
	_ =	sdelay $0x1  }
0x2c4: {  	v8 =	vld @!p0 [tilespmem:$0x3F20];
	_ =	sdelay $0x1  }
0x2c5: {  	v9 =	vld @!p0 [tilespmem:$0x3F30]  }
0x2c6: {  	v7 =	vadd.f32 @!p0 $0.0e+00, v7  }
0x2c7: {  	v10 =	vld @!p0 [tilespmem:$0x3F40]  }
0x2c8: {  	v7 =	vadd.f32 @!p0 v8, v7  }
0x2c9: {  	v8 =	vld @!p0 [tilespmem:$0x3F50]  }
0x2ca: {  	v7 =	vadd.f32 @!p0 v9, v7  }
0x2cb: {  	v9 =	vld @!p0 [tilespmem:$0x3F60]  }
0x2cc: {  	v7 =	vadd.f32 @!p0 v10, v7  }
0x2cd: {  	v10 =	vld @!p0 [tilespmem:$0x3F70]  }
0x2ce: {  	v7 =	vadd.f32 @!p0 v8, v7  }
0x2cf: {  	v8 =	vld @!p0 [tilespmem:$0x3F80]  }
0x2d0: {  	v7 =	vadd.f32 @!p0 v9, v7  }
0x2d1: {  	v9 =	vld @!p0 [tilespmem:$0x3F90]  }
0x2d2: {  	v7 =	vadd.f32 @!p0 v10, v7  }
0x2d3: {  	v10 =	vld @!p0 [tilespmem:$0x3FA0]  }
0x2d4: {  	v7 =	vadd.f32 @!p0 v8, v7  }
0x2d5: {  	v8 =	vld @!p0 [tilespmem:$0x3FB0]  }
0x2d6: {  	v7 =	vadd.f32 @!p0 v9, v7  }
0x2d7: {  	v9 =	vld @!p0 [tilespmem:$0x3FC0]  }
0x2d8: {  	v7 =	vadd.f32 @!p0 v10, v7  }
0x2d9: {  	v10 =	vld @!p0 [tilespmem:$0x3FD0]  }
0x2da: {  	v7 =	vadd.f32 @!p0 v8, v7  }
0x2db: {  	v8 =	vld @!p0 [tilespmem:$0x3FE0]  }
0x2dc: {  	v7 =	vadd.f32 @!p0 v9, v7  }
0x2dd: {  	v9 =	vld @!p0 [tilespmem:$0x3FF0]  }
0x2de: {  	v7 =	vadd.f32 @!p0 v10, v7  }
0x2df: {  	v10 =	vld @!p0 [tilespmem:$0x4000]  }
0x2e0: {  	v7 =	vadd.f32 @!p0 v8, v7;
	_ =	sdelay $0x1  }
0x2e1: {  	v7 =	vadd.f32 @!p0 v9, v7;
	_ =	sdelay $0x1  }
0x2e2: {  	v7 =	vadd.f32 @!p0 v10, v7;
	_ =	sdelay $0x1  }
.Ltmp5:
0x2e3: {  	s30 =	simm.s32 @!p0 $0x3F00;
	s25 =	simm.s32 @!p0 $0x0;
	[tilespmem:$0x3F00] =	vst @!p0 v7;
	(pc) =	sbr.rel .LBB2_7-.Ltmp5, $4  }
0x2e4: {  	[hbm4b:s17+s25] =	stream.linear.scatter @!p0 [tilespmem:s30], [sflag:$0x2], $0x10, $0x38;
	[tilespmem:$0x5820] =	vst v63  }
0x2e5: {  	_ =	swait.ge @!p0 [sflag:s19], $0x10  }
0x2e6: {  	[sflag:s19] =	ssyncset.done @!p0 $0x0  }
0x2e7: {  	[sflag:s19] =	ssyncadd.s32 @!p0 $0xFFFFFFF0  }
.LBB2_8:
0x2e8: {  	_ =	sfence.sel $0x180000  }
0x2e9: {  	[bflag:$0x0] =	sbarrier.arrive $0xFFFF  }
0x2ea: {  	_ =	strace $0x90000047  }
0x2eb: {  	[bflag:$0x2] =	sbarrier.arrive $0xFFFF  }
0x2ec: {  	s0 =	rddreg [dreg:$0x6]  }
0x2ed: {  	s0 =	sadd.s32 @!p0 $0x100000, s0  }
0x2ee: {  	[sflag:s0] =	ssyncadd.tile.s32 @!p0 $0x1;
	_ =	shalt  }
.Lfunc_end2:
_tile_overlayer_lowered:
.L_overlay_start_2:
0x2ef: {  	(tag) =	ssettag $0x2  }
0x2f0: {  	s0 =	rddreg [dreg:$0x0];
	s2 =	stileid.u32  }
0x2f1: {  	s1 =	rddreg [dreg:$0x1];
	p0 =	sne.s32 s2, $0x0  }
0x2f2: {  	s3 =	rddreg [dreg:$0x2];
	[bflag:$0x3] =	sbarrier.arrive $0xFFFF;
	s2 =	simm.s32 @!p0 $0x1C02  }
0x2f3: {  	[timem:s3], [sflag:s2] =	dma.local @!p0 [hbm:s0], s1  }
0x2f4: {  	s0 =	simm.s32 @!p0 $0x2  }
0x2f5: {  	_ =	swait.ge @!p0 [sflag:s0], s1  }
0x2f6: {  	s1 =	ssub.s32 @!p0 $0x0, s1;
	[sflag:s0] =	ssyncset.done @!p0 $0x0  }
0x2f7: {  	[sflag:s0] =	ssyncadd.s32 @!p0 s1  }
0x2f8: {  	[bflag:$0x3] =	sbarrier.arrive $0xFFFF  }
0x2f9: {  	_ =	shalt  }

</sc_bundles>
